<compile_context>
chip_gen: v7x
topology: tpu7x:2x2x1
jax: 0.10.2.dev20260603
libtpu: 0.0.44.dev20260713+nightly
codegen_flags: <defaults>
</compile_context>

<pallas_src>
import jax
import jax.numpy as jnp
from jax import lax
from jax.experimental import pallas as pl
from jax.experimental.pallas import tpu as pltpu
from jax.experimental.pallas import tpu_sc as plsc

_M = 2048
_B = 64
_HID = 32
_E = 65536
_FC1 = 512
_EPS = 1e-5
_BH = _B * _HID
_N = float(_M * _B)

_RB = 128


def _split(a):
    a_hi = a.astype(jnp.bfloat16)
    a_lo = (a - a_hi.astype(jnp.float32)).astype(jnp.bfloat16)
    return a_hi, a_lo


def _dot3p(a_hi, a_lo, b):
    f32 = jnp.float32
    b_hi, b_lo = _split(b)
    return (jnp.dot(a_hi, b_hi, preferred_element_type=f32)
            + jnp.dot(a_hi, b_lo, preferred_element_type=f32)
            + jnp.dot(a_lo, b_hi, preferred_element_type=f32))


def _lsplit_body(l_ref, hi_ref, lo_ref):
    hi, lo = _split(l_ref[...])
    hi_ref[...] = hi
    lo_ref[...] = lo


def _lsplit(L):
    return pl.pallas_call(
        _lsplit_body,
        grid=(16,),
        in_specs=[pl.BlockSpec((_M // 16, _M), lambda k: (k, 0))],
        out_specs=[pl.BlockSpec((_M // 16, _M), lambda k: (k, 0)),
                   pl.BlockSpec((_M // 16, _M), lambda k: (k, 0))],
        out_shape=[jax.ShapeDtypeStruct((_M, _M), jnp.bfloat16),
                   jax.ShapeDtypeStruct((_M, _M), jnp.bfloat16)],
    )(L)

_NC, _NS = 2, 16
_NW = _NC * _NS
_RP = 32
_PASSES = _M // (_NW * _RP)
_CH = 8192


_NCH = _E // _CH


def _l_build_body(dst_hbm, src_hbm, w_hbm, zeros_hbm, l_hbm,
                  lblk, d0, s0, w0, d1, s1, w1, sem0, sem1):
    wid = lax.axis_index("s") * _NC + lax.axis_index("c")
    bufs = [(d0, s0, w0, sem0), (d1, s1, w1, sem1)]

    def start(c, buf):
        dv, sv, wv, sem = buf
        base = c * _CH
        return (pltpu.async_copy(dst_hbm.at[pl.ds(base, _CH)], dv, sem),
                pltpu.async_copy(src_hbm.at[pl.ds(base, _CH)], sv, sem),
                pltpu.async_copy(w_hbm.at[pl.ds(base, _CH)], wv, sem))

    for p in range(_PASSES):
        rbase = (wid * _PASSES + p) * _RP
        pltpu.sync_copy(zeros_hbm, lblk)
        pend = start(0, bufs[0])
        for c in range(_NCH):
            nxt = start(c + 1, bufs[(c + 1) % 2]) if c + 1 < _NCH else None
            for cp in pend:
                cp.wait()
            dv, sv, wv, _ = bufs[c % 2]

            @plsc.parallel_loop(0, _CH // 16, unroll=16)
            def vec(i, rbase=rbase, dv=dv, sv=sv, wv=wv):
                off = i * 16
                d = dv[pl.ds(off, 16)]
                s = sv[pl.ds(off, 16)]
                w = wv[pl.ds(off, 16)]
                rel = d - rbase
                msk = plsc.bitcast(rel, jnp.uint32) < jnp.uint32(_RP)
                flat = rel * _M + s
                plsc.addupdate_scatter(lblk, [flat], w, mask=msk)

            pend = nxt
        pltpu.sync_copy(lblk, l_hbm.at[pl.ds(rbase * _M, _RP * _M)])


def _build_l(edge_dst, edge_src, edge_w, zeros):
    fn = pl.kernel(
        _l_build_body,
        out_type=jax.ShapeDtypeStruct((_M * _M,), jnp.float32),
        mesh=plsc.VectorSubcoreMesh(core_axis_name="c", subcore_axis_name="s"),
        compiler_params=pltpu.CompilerParams(needs_layout_passes=False),
        scratch_types=[
            pltpu.VMEM((_RP * _M,), jnp.float32),
            pltpu.VMEM((_CH,), jnp.int32),
            pltpu.VMEM((_CH,), jnp.int32),
            pltpu.VMEM((_CH,), jnp.float32),
            pltpu.VMEM((_CH,), jnp.int32),
            pltpu.VMEM((_CH,), jnp.int32),
            pltpu.VMEM((_CH,), jnp.float32),
            pltpu.SemaphoreType.DMA,
            pltpu.SemaphoreType.DMA,
        ],
    )
    return fn(edge_dst, edge_src, edge_w, zeros)


_GB = 8


def _wide1_body(lhi_ref, llo_ref, x_ref, w_ref, b_ref, out_ref, st_ref,
                acc_ref):
    k = pl.program_id(0)

    @pl.when(k == 0)
    def _():
        acc_ref[...] = jnp.zeros_like(acc_ref)

    parts = [_split(x_ref[i]) for i in range(_GB)]
    xh = jnp.concatenate([p[0] for p in parts], axis=1)
    xl = jnp.concatenate([p[1] for p in parts], axis=1)
    f32 = jnp.float32
    t = (jnp.dot(lhi_ref[...], xh, preferred_element_type=f32)
         + jnp.dot(lhi_ref[...], xl, preferred_element_type=f32)
         + jnp.dot(llo_ref[...], xh, preferred_element_type=f32))
    tq = t.astype(jnp.bfloat16)
    w_in = w_ref.shape[0]
    for i in range(_GB):
        h = jnp.dot(tq[:, i * w_in:(i + 1) * w_in], w_ref[...],
                    preferred_element_type=f32) + b_ref[...]
        out_ref[:, i * _HID:(i + 1) * _HID] = h
        acc_ref[0:1, :] += jnp.sum(h, axis=0, keepdims=True)
        acc_ref[1:2, :] += jnp.sum(h * h, axis=0, keepdims=True)

    @pl.when(k == pl.num_programs(0) - 1)
    def _():
        st_ref[...] = acc_ref[...]


def _wide1(lhi, llo, inputs, w1b, b1):
    w_in = w1b.shape[0]
    return pl.pallas_call(
        _wide1_body,
        grid=(_B // _GB,),
        in_specs=[
            pl.BlockSpec((_M, _M), lambda g: (0, 0)),
            pl.BlockSpec((_M, _M), lambda g: (0, 0)),
            pl.BlockSpec((_GB, _M, w_in), lambda g: (g, 0, 0)),
            pl.BlockSpec((w_in, _HID), lambda g: (0, 0)),
            pl.BlockSpec((1, _HID), lambda g: (0, 0)),
        ],
        out_specs=[
            pl.BlockSpec((_M, _GB * _HID), lambda g: (0, g)),
            pl.BlockSpec((2, _HID), lambda g: (0, 0)),
        ],
        out_shape=[
            jax.ShapeDtypeStruct((_M, _BH), jnp.float32),
            jax.ShapeDtypeStruct((2, _HID), jnp.float32),
        ],
        scratch_shapes=[pltpu.VMEM((2, _HID), jnp.float32)],
        compiler_params=pltpu.CompilerParams(vmem_limit_bytes=100 * 1024 * 1024),
    )(lhi, llo, inputs, w1b, b1)


def _sel_bcast(width):
    ch = lax.broadcasted_iota(jnp.int32, (_HID, width), 1) % _HID
    kk = lax.broadcasted_iota(jnp.int32, (_HID, width), 0)
    return (ch == kk).astype(jnp.float32)


def _scale_shift(ssum, ssq, gamma, beta):
    mean = ssum / _N
    var = ssq / _N - mean * mean
    scale = lax.rsqrt(var + _EPS) * gamma
    shift = beta - mean * scale
    return scale, shift


def _bn1_body(t_ref, st_ref, g_ref, be_ref, out_ref):
    scale, shift = _scale_shift(st_ref[0:1, :], st_ref[1:2, :],
                                g_ref[...], be_ref[...])
    selT = _sel_bcast(_BH)
    scale_f = jnp.dot(scale, selT, preferred_element_type=jnp.float32,
                      precision=lax.Precision.HIGHEST)
    shift_f = jnp.dot(shift, selT, preferred_element_type=jnp.float32,
                      precision=lax.Precision.HIGHEST)
    out_ref[...] = jnp.maximum(t_ref[...] * scale_f + shift_f, 0.0)


def _bn1(t1, stats, g1, be1):
    return pl.pallas_call(
        _bn1_body,
        grid=(_M // 256,),
        in_specs=[
            pl.BlockSpec((256, _BH), lambda k: (k, 0)),
            pl.BlockSpec((2, _HID), lambda k: (0, 0)),
            pl.BlockSpec((1, _HID), lambda k: (0, 0)),
            pl.BlockSpec((1, _HID), lambda k: (0, 0)),
        ],
        out_specs=pl.BlockSpec((256, _BH), lambda k: (k, 0)),
        out_shape=jax.ShapeDtypeStruct((_M, _BH), jnp.float32),
    )(t1, stats, g1, be1)


def _spmm2_body(lhi_ref, llo_ref, h_ref, w2_ref, b2_ref, out_ref, st_ref,
                acc_ref):
    k = pl.program_id(0)

    @pl.when(k == 0)
    def _():
        acc_ref[...] = jnp.zeros_like(acc_ref)

    g = _dot3p(lhi_ref[...], llo_ref[...], h_ref[...])
    gt = jnp.transpose(g.reshape(_RB, _B, _HID), (1, 0, 2))
    g2d = gt.reshape(_B * _RB, _HID).astype(jnp.bfloat16)
    t2 = jnp.dot(g2d, w2_ref[...],
                 preferred_element_type=jnp.float32) + b2_ref[...]
    acc_ref[0:1, :] += jnp.sum(t2, axis=0, keepdims=True)
    acc_ref[1:2, :] += jnp.sum(t2 * t2, axis=0, keepdims=True)
    out_ref[...] = t2.reshape(_B, _RB, _HID)

    @pl.when(k == pl.num_programs(0) - 1)
    def _():
        st_ref[...] = acc_ref[...]


def _spmm2(lhi, llo, h1, W2b, b2):
    return pl.pallas_call(
        _spmm2_body,
        grid=(_M // _RB,),
        in_specs=[
            pl.BlockSpec((_RB, _M), lambda k: (k, 0)),
            pl.BlockSpec((_RB, _M), lambda k: (k, 0)),
            pl.BlockSpec((_M, _BH), lambda k: (0, 0)),
            pl.BlockSpec((_HID, _HID), lambda k: (0, 0)),
            pl.BlockSpec((1, _HID), lambda k: (0, 0)),
        ],
        out_specs=[
            pl.BlockSpec((_B, _RB, _HID), lambda k: (0, k, 0)),
            pl.BlockSpec((2, _HID), lambda k: (0, 0)),
        ],
        out_shape=[
            jax.ShapeDtypeStruct((_B, _M, _HID), jnp.float32),
            jax.ShapeDtypeStruct((2, _HID), jnp.float32),
        ],
        scratch_shapes=[pltpu.VMEM((2, _HID), jnp.float32)],
        compiler_params=pltpu.CompilerParams(vmem_limit_bytes=100 * 1024 * 1024),
    )(lhi, llo, h1, W2b, b2)


_BK = 8192


def _fc_body(x_ref, st_ref, g_ref, be_ref, w_ref, ex_ref, wex_ref, b1_ref,
             w2_ref, b2_ref, out_ref, acc_ref, aff_ref):
    k = pl.program_id(0)

    @pl.when(k == 0)
    def _():
        acc_ref[...] = jnp.zeros_like(acc_ref)
        scale, shift = _scale_shift(st_ref[0:1, :], st_ref[1:2, :],
                                    g_ref[...], be_ref[...])
        selT = _sel_bcast(_BK)
        aff_ref[0:1, :] = jnp.dot(scale, selT,
                                  preferred_element_type=jnp.float32,
                                  precision=lax.Precision.HIGHEST)
        aff_ref[1:2, :] = jnp.dot(shift, selT,
                                  preferred_element_type=jnp.float32,
                                  precision=lax.Precision.HIGHEST)

    h2 = jnp.maximum(x_ref[...] * aff_ref[0:1, :] + aff_ref[1:2, :], 0.0)
    acc_ref[...] += jnp.dot(h2.astype(jnp.bfloat16), w_ref[...],
                            preferred_element_type=jnp.float32)

    @pl.when(k == pl.num_programs(0) - 1)
    def _():
        h = acc_ref[...] + jnp.dot(ex_ref[...].astype(jnp.bfloat16),
                                   wex_ref[...],
                                   preferred_element_type=jnp.float32) + b1_ref[...]
        h = jnp.maximum(h, 0.0)
        out_ref[...] = jnp.dot(h.astype(jnp.bfloat16), w2_ref[...],
                               preferred_element_type=jnp.float32) + b2_ref[...]


def _fc_head(t2, stats2, g2, be2, fc1_Wa, ex, fc1_Wb, fc1_b, fc2_W, fc2_b):
    nk = (_M * _HID) // _BK
    return pl.pallas_call(
        _fc_body,
        grid=(nk,),
        in_specs=[
            pl.BlockSpec((_B, _BK), lambda k: (0, k)),
            pl.BlockSpec((2, _HID), lambda k: (0, 0)),
            pl.BlockSpec((1, _HID), lambda k: (0, 0)),
            pl.BlockSpec((1, _HID), lambda k: (0, 0)),
            pl.BlockSpec((_BK, _FC1), lambda k: (k, 0)),
            pl.BlockSpec(ex.shape, lambda k: (0, 0)),
            pl.BlockSpec(fc1_Wb.shape, lambda k: (0, 0)),
            pl.BlockSpec((1, _FC1), lambda k: (0, 0)),
            pl.BlockSpec(fc2_W.shape, lambda k: (0, 0)),
            pl.BlockSpec(fc2_b.shape, lambda k: (0, 0)),
        ],
        out_specs=pl.BlockSpec((_B, 2), lambda k: (0, 0)),
        out_shape=jax.ShapeDtypeStruct((_B, 2), jnp.float32),
        scratch_shapes=[
            pltpu.VMEM((_B, _FC1), jnp.float32),
            pltpu.VMEM((2, _BK), jnp.float32),
        ],
        compiler_params=pltpu.CompilerParams(vmem_limit_bytes=100 * 1024 * 1024),
    )(t2, stats2, g2, be2, fc1_Wa, ex, fc1_Wb, fc1_b, fc2_W, fc2_b)


def kernel(inputs, ex_inputs, edge_index, edge_weight, W1, b1, W2, b2,
           g1, be1, g2, be2, fc1_W, fc1_b, fc2_W, fc2_b):
    ei = edge_index.astype(jnp.int32)
    edge_src = ei[0]
    edge_dst = ei[1]
    zeros = jnp.zeros((_RP * _M,), jnp.float32)
    L = _build_l(edge_dst, edge_src, edge_weight.astype(jnp.float32),
                 zeros).reshape(_M, _M)

    lhi, llo = _lsplit(L)
    t1, stats1 = _wide1(lhi, llo, inputs, W1.astype(jnp.bfloat16),
                        b1[None, :])
    h1 = _bn1(t1, stats1, g1[None, :], be1[None, :])
    t2, stats2 = _spmm2(lhi, llo, h1, W2.astype(jnp.bfloat16), b2[None, :])

    out = _fc_head(t2.reshape(_B, _M * _HID), stats2, g2[None, :],
                   be2[None, :], fc1_W[:_M * _HID].astype(jnp.bfloat16),
                   ex_inputs, fc1_W[_M * _HID:].astype(jnp.bfloat16),
                   fc1_b[None, :], fc2_W.astype(jnp.bfloat16),
                   fc2_b[None, :])
    return out

# --- scband reference (transcript-rebuilt; emitter-appended) ---
"""Pipeline reference for scband-model-80985903333894 (READ-ONLY COPY).

The authoritative reference and input builder live on the scoring server;
editing this copy changes nothing except your own understanding.
"""

import jax, jax.numpy as jnp
import numpy as np

M = 2048
W_IN = 128
HID = 32
B = 64
E = 65536
EXTRA = 64
FC1 = 512
EPS = 1e-5


def setup_inputs(seed: int = 0) -> dict:
    key = jax.random.key(seed)
    ks = [jax.random.fold_in(key, i) for i in range(20)]
    inp = {}
    inp['inputs'] = jax.random.normal(ks[0], (B, M, W_IN), dtype=jnp.float32)
    inp['ex_inputs'] = jax.random.normal(ks[1], (B, EXTRA), dtype=jnp.float32)
    inp['edge_index'] = jax.random.randint(ks[2], (2, E), 0, M, dtype=jnp.int64)
    inp['edge_weight'] = jax.random.uniform(ks[3], (E,), dtype=jnp.float32)
    # layer 0 linear: w -> 32
    inp['W1'] = jax.random.normal(ks[4], (W_IN, HID), dtype=jnp.float32) * (1.0 / np.sqrt(W_IN))
    inp['b1'] = jnp.zeros((HID,), dtype=jnp.float32)
    # layer 1 linear: 32 -> 32
    inp['W2'] = jax.random.normal(ks[5], (HID, HID), dtype=jnp.float32) * (1.0 / np.sqrt(HID))
    inp['b2'] = jnp.zeros((HID,), dtype=jnp.float32)
    # batchnorm affine params
    inp['g1'] = jnp.ones((HID,), dtype=jnp.float32)
    inp['be1'] = jnp.zeros((HID,), dtype=jnp.float32)
    inp['g2'] = jnp.ones((HID,), dtype=jnp.float32)
    inp['be2'] = jnp.zeros((HID,), dtype=jnp.float32)
    # fc layers
    fc1_in = HID * M + EXTRA
    inp['fc1_W'] = jax.random.normal(ks[6], (fc1_in, FC1), dtype=jnp.float32) * (1.0 / np.sqrt(fc1_in))
    inp['fc1_b'] = jnp.zeros((FC1,), dtype=jnp.float32)
    inp['fc2_W'] = jax.random.normal(ks[7], (FC1, 2), dtype=jnp.float32) * (1.0 / np.sqrt(FC1))
    inp['fc2_b'] = jnp.zeros((2,), dtype=jnp.float32)
    return inp


def _gcn_layer(x, edge_index, edge_weight, W, b, gamma, beta):
    # x: [B, m, f]; torch: permute(1,0,2) -> view(m, B*f) -> spmm(L, .)
    Bn, m, f = x.shape
    xp = jnp.transpose(x, (1, 0, 2)).reshape(m, Bn * f)
    # sparse L @ xp via gather + segment-sum (COO spmm)
    gathered = jnp.take(xp, edge_index[0], axis=0) * edge_weight[:, None]
    Lx = jax.ops.segment_sum(gathered, edge_index[1], num_segments=m)
    # view(batch*m, f), linear, view(m, B, -1), permute back
    Lx = Lx.reshape(Bn * m, f)
    h = Lx @ W + b
    h = h.reshape(m, Bn, -1)
    h = jnp.transpose(h, (1, 0, 2))  # [B, m, hid]
    # BatchNorm1d in torch is applied on [B, hid, m]: per-channel stats over (B, m)
    mean = jnp.mean(h, axis=(0, 1))
    var = jnp.var(h, axis=(0, 1))
    h = (h - mean) / jnp.sqrt(var + EPS) * gamma + beta
    return jax.nn.relu(h)


def reference(inputs, ex_inputs, edge_index, edge_weight, W1, b1, W2, b2, g1, be1, g2, be2, fc1_W, fc1_b, fc2_W, fc2_b):
    x = _gcn_layer(inputs, edge_index, edge_weight, W1, b1, g1, be1)
    x = _gcn_layer(x, edge_index, edge_weight, W2, b2, g2, be2)
    Bn = inputs.shape[0]
    x = x.reshape(Bn, M * HID)
    x = jnp.concatenate((x, ex_inputs), axis=1)
    x = jax.nn.relu(x @ fc1_W + fc1_b)
    # dropout is identity at inference
    x = x @ fc2_W + fc2_b
    return x

if __name__ == "__main__":
    import jax
    _d = setup_inputs()
    print(jax.jit(kernel)(*tuple(_d.values())))

</pallas_src>

<mosaic_0001>
#map = affine_map<(d0, d1) -> (0)>
module attributes {stable_mosaic.version = 14 : i64} {
  func.func @_l_build_body(%arg0: i32, %arg1: i32, %arg2: memref<65536xi32, #tpu.memory_space<hbm>>, %arg3: memref<65536xi32, #tpu.memory_space<hbm>>, %arg4: memref<65536xf32, #tpu.memory_space<hbm>>, %arg5: memref<65536xf32, #tpu.memory_space<hbm>>, %arg6: memref<4194304xf32, #tpu.memory_space<hbm>>, %arg7: memref<65536xf32, #tpu.memory_space<vmem>>, %arg8: memref<8192xi32, #tpu.memory_space<vmem>>, %arg9: memref<8192xi32, #tpu.memory_space<vmem>>, %arg10: memref<8192xf32, #tpu.memory_space<vmem>>, %arg11: memref<8192xi32, #tpu.memory_space<vmem>>, %arg12: memref<8192xi32, #tpu.memory_space<vmem>>, %arg13: memref<8192xf32, #tpu.memory_space<vmem>>, %arg14: memref<!tpu.dma_semaphore, #tpu.memory_space<semaphore_mem>>, %arg15: memref<!tpu.dma_semaphore, #tpu.memory_space<semaphore_mem>>) attributes {dimension_semantics = [#tpu.dimension_semantics<core_parallel>, #tpu.dimension_semantics<subcore_parallel>], iteration_bounds = array<i64: 2, 16>, scalar_prefetch = 0 : i64, scratch_operands = 9 : i64, tpu.core_type = #tpu.core_type<sc_vector_subcore>, window_params = [{transform_indices = #map}, {transform_indices = #map}, {transform_indices = #map}, {transform_indices = #map}, {transform_indices = #map}]} {
    %mul3A = arith.constant 2 : i32
    %mul3A_0 = arith.muli %arg1, %mul3A : i32
    %add3A = arith.addi %mul3A_0, %arg0 : i32
    %mul3A_1 = arith.constant 2 : i32
    %mul3A_2 = arith.muli %add3A, %mul3A_1 : i32
    %add3A_3 = arith.constant 0 : i32
    %add3A_4 = arith.addi %mul3A_2, %add3A_3 : i32
    %mul3A_5 = arith.constant 32 : i32
    %mul3A_6 = arith.muli %add3A_4, %mul3A_5 : i32
    "tpu.region"() ({
      %run_scoped3A = tpu.sem_alloc : memref<!tpu.dma_semaphore, #tpu.memory_space<semaphore_mem>>
      tpu.enqueue_dma source(%arg5 : memref<65536xf32, #tpu.memory_space<hbm>>) target(%arg7 : memref<65536xf32, #tpu.memory_space<vmem>>) target_semaphore(%run_scoped3A : memref<!tpu.dma_semaphore, #tpu.memory_space<semaphore_mem>>)
      tpu.wait_dma2 semaphore(%run_scoped3A : memref<!tpu.dma_semaphore, #tpu.memory_space<semaphore_mem>>) src(%arg5 : memref<65536xf32, #tpu.memory_space<hbm>>) dst(%arg7 : memref<65536xf32, #tpu.memory_space<vmem>>)
      tpu.yield
    }) : () -> ()
    %dma_start3A = arith.constant 0 : i32
    %dma_start3A_7 = tpu.memref_slice %arg2[%dma_start3A] : memref<65536xi32, #tpu.memory_space<hbm>> -> memref<8192xi32, #tpu.memory_space<hbm>>
    %dma_start3A_8 = arith.constant 0 : i32
    %dma_start3A_9 = tpu.memref_slice %arg2[%dma_start3A_8] : memref<65536xi32, #tpu.memory_space<hbm>> -> memref<8192xi32, #tpu.memory_space<hbm>>
    tpu.enqueue_dma source(%dma_start3A_9 : memref<8192xi32, #tpu.memory_space<hbm>>) target(%arg8 : memref<8192xi32, #tpu.memory_space<vmem>>) target_semaphore(%arg14 : memref<!tpu.dma_semaphore, #tpu.memory_space<semaphore_mem>>)
    %dma_start3A_10 = arith.constant 0 : i32
    %dma_start3A_11 = tpu.memref_slice %arg3[%dma_start3A_10] : memref<65536xi32, #tpu.memory_space<hbm>> -> memref<8192xi32, #tpu.memory_space<hbm>>
    %dma_start3A_12 = arith.constant 0 : i32
    %dma_start3A_13 = tpu.memref_slice %arg3[%dma_start3A_12] : memref<65536xi32, #tpu.memory_space<hbm>> -> memref<8192xi32, #tpu.memory_space<hbm>>
    tpu.enqueue_dma source(%dma_start3A_13 : memref<8192xi32, #tpu.memory_space<hbm>>) target(%arg9 : memref<8192xi32, #tpu.memory_space<vmem>>) target_semaphore(%arg14 : memref<!tpu.dma_semaphore, #tpu.memory_space<semaphore_mem>>)
    %dma_start3A_14 = arith.constant 0 : i32
    %dma_start3A_15 = tpu.memref_slice %arg4[%dma_start3A_14] : memref<65536xf32, #tpu.memory_space<hbm>> -> memref<8192xf32, #tpu.memory_space<hbm>>
    %dma_start3A_16 = arith.constant 0 : i32
    %dma_start3A_17 = tpu.memref_slice %arg4[%dma_start3A_16] : memref<65536xf32, #tpu.memory_space<hbm>> -> memref<8192xf32, #tpu.memory_space<hbm>>
    tpu.enqueue_dma source(%dma_start3A_17 : memref<8192xf32, #tpu.memory_space<hbm>>) target(%arg10 : memref<8192xf32, #tpu.memory_space<vmem>>) target_semaphore(%arg14 : memref<!tpu.dma_semaphore, #tpu.memory_space<semaphore_mem>>)
    %dma_start3A_18 = arith.constant 8192 : i32
    %dma_start3A_19 = tpu.memref_slice %arg2[%dma_start3A_18] : memref<65536xi32, #tpu.memory_space<hbm>> -> memref<8192xi32, #tpu.memory_space<hbm>>
    %dma_start3A_20 = arith.constant 8192 : i32
    %dma_start3A_21 = tpu.memref_slice %arg2[%dma_start3A_20] : memref<65536xi32, #tpu.memory_space<hbm>> -> memref<8192xi32, #tpu.memory_space<hbm>>
    tpu.enqueue_dma source(%dma_start3A_21 : memref<8192xi32, #tpu.memory_space<hbm>>) target(%arg11 : memref<8192xi32, #tpu.memory_space<vmem>>) target_semaphore(%arg15 : memref<!tpu.dma_semaphore, #tpu.memory_space<semaphore_mem>>)
    %dma_start3A_22 = arith.constant 8192 : i32
    %dma_start3A_23 = tpu.memref_slice %arg3[%dma_start3A_22] : memref<65536xi32, #tpu.memory_space<hbm>> -> memref<8192xi32, #tpu.memory_space<hbm>>
    %dma_start3A_24 = arith.constant 8192 : i32
    %dma_start3A_25 = tpu.memref_slice %arg3[%dma_start3A_24] : memref<65536xi32, #tpu.memory_space<hbm>> -> memref<8192xi32, #tpu.memory_space<hbm>>
    tpu.enqueue_dma source(%dma_start3A_25 : memref<8192xi32, #tpu.memory_space<hbm>>) target(%arg12 : memref<8192xi32, #tpu.memory_space<vmem>>) target_semaphore(%arg15 : memref<!tpu.dma_semaphore, #tpu.memory_space<semaphore_mem>>)
    %dma_start3A_26 = arith.constant 8192 : i32
    %dma_start3A_27 = tpu.memref_slice %arg4[%dma_start3A_26] : memref<65536xf32, #tpu.memory_space<hbm>> -> memref<8192xf32, #tpu.memory_space<hbm>>
    %dma_start3A_28 = arith.constant 8192 : i32
    %dma_start3A_29 = tpu.memref_slice %arg4[%dma_start3A_28] : memref<65536xf32, #tpu.memory_space<hbm>> -> memref<8192xf32, #tpu.memory_space<hbm>>
    tpu.enqueue_dma source(%dma_start3A_29 : memref<8192xf32, #tpu.memory_space<hbm>>) target(%arg13 : memref<8192xf32, #tpu.memory_space<vmem>>) target_semaphore(%arg15 : memref<!tpu.dma_semaphore, #tpu.memory_space<semaphore_mem>>)
    %dma_wait3A = arith.constant 0 : i32
    %dma_wait3A_30 = tpu.memref_slice %arg2[%dma_wait3A] : memref<65536xi32, #tpu.memory_space<hbm>> -> memref<8192xi32, #tpu.memory_space<hbm>>
    %dma_wait3A_31 = arith.constant 0 : i32
    %dma_wait3A_32 = tpu.memref_slice %arg2[%dma_wait3A_31] : memref<65536xi32, #tpu.memory_space<hbm>> -> memref<8192xi32, #tpu.memory_space<hbm>>
    tpu.wait_dma2 semaphore(%arg14 : memref<!tpu.dma_semaphore, #tpu.memory_space<semaphore_mem>>) src(%dma_wait3A_32 : memref<8192xi32, #tpu.memory_space<hbm>>) dst(%arg8 : memref<8192xi32, #tpu.memory_space<vmem>>)
    %dma_wait3A_33 = arith.constant 0 : i32
    %dma_wait3A_34 = tpu.memref_slice %arg3[%dma_wait3A_33] : memref<65536xi32, #tpu.memory_space<hbm>> -> memref<8192xi32, #tpu.memory_space<hbm>>
    %dma_wait3A_35 = arith.constant 0 : i32
    %dma_wait3A_36 = tpu.memref_slice %arg3[%dma_wait3A_35] : memref<65536xi32, #tpu.memory_space<hbm>> -> memref<8192xi32, #tpu.memory_space<hbm>>
    tpu.wait_dma2 semaphore(%arg14 : memref<!tpu.dma_semaphore, #tpu.memory_space<semaphore_mem>>) src(%dma_wait3A_36 : memref<8192xi32, #tpu.memory_space<hbm>>) dst(%arg9 : memref<8192xi32, #tpu.memory_space<vmem>>)
    %dma_wait3A_37 = arith.constant 0 : i32
    %dma_wait3A_38 = tpu.memref_slice %arg4[%dma_wait3A_37] : memref<65536xf32, #tpu.memory_space<hbm>> -> memref<8192xf32, #tpu.memory_space<hbm>>
    %dma_wait3A_39 = arith.constant 0 : i32
    %dma_wait3A_40 = tpu.memref_slice %arg4[%dma_wait3A_39] : memref<65536xf32, #tpu.memory_space<hbm>> -> memref<8192xf32, #tpu.memory_space<hbm>>
    tpu.wait_dma2 semaphore(%arg14 : memref<!tpu.dma_semaphore, #tpu.memory_space<semaphore_mem>>) src(%dma_wait3A_40 : memref<8192xf32, #tpu.memory_space<hbm>>) dst(%arg10 : memref<8192xf32, #tpu.memory_space<vmem>>)
    %parallel_loop3A = arith.constant 0 : i32
    %parallel_loop3A_41 = arith.constant 512 : i32
    %parallel_loop3A_42 = arith.constant 1 : i32
    scf.for %parallel_loop3A_446 = %parallel_loop3A to %parallel_loop3A_41 step %parallel_loop3A_42  : i32 {
      %parallel_loop3A_447 = arith.constant 16 : i32
      %parallel_loop3A_448 = arith.muli %parallel_loop3A_446, %parallel_loop3A_447 : i32
      %parallel_loop3A_449 = arith.index_cast %parallel_loop3A_448 : i32 to index
      %parallel_loop3A_450 = tpu.vector_load %arg8[%parallel_loop3A_449] {strides = array<i32>} : memref<8192xi32, #tpu.memory_space<vmem>>, vector<16xi32>,
      %parallel_loop3A_451 = arith.index_cast %parallel_loop3A_448 : i32 to index
      %parallel_loop3A_452 = tpu.vector_load %arg9[%parallel_loop3A_451] {strides = array<i32>} : memref<8192xi32, #tpu.memory_space<vmem>>, vector<16xi32>,
      %parallel_loop3A_453 = arith.index_cast %parallel_loop3A_448 : i32 to index
      %parallel_loop3A_454 = tpu.vector_load %arg10[%parallel_loop3A_453] {strides = array<i32>} : memref<8192xf32, #tpu.memory_space<vmem>>, vector<16xf32>,
      %parallel_loop3A_455 = vector.broadcast %mul3A_6 : i32 to vector<16xi32>
      %parallel_loop3A_456 = arith.subi %parallel_loop3A_450, %parallel_loop3A_455 : vector<16xi32>
      %parallel_loop3A_457 = vector.bitcast %parallel_loop3A_456 : vector<16xi32> to vector<16xi32>
      %parallel_loop3A_458 = arith.constant 32 : i32
      %parallel_loop3A_459 = vector.broadcast %parallel_loop3A_458 : i32 to vector<16xi32>
      %parallel_loop3A_460 = arith.cmpi ult, %parallel_loop3A_457, %parallel_loop3A_459 : vector<16xi32>
      %parallel_loop3A_461 = arith.constant 2048 : i32
      %parallel_loop3A_462 = vector.broadcast %parallel_loop3A_461 : i32 to vector<16xi32>
      %parallel_loop3A_463 = arith.muli %parallel_loop3A_456, %parallel_loop3A_462 : vector<16xi32>
      %parallel_loop3A_464 = arith.addi %parallel_loop3A_463, %parallel_loop3A_452 : vector<16xi32>
      tpu.vector_store_idx %arg7[%parallel_loop3A_464], %parallel_loop3A_454 masked %parallel_loop3A_460 {add = true} : memref<65536xf32, #tpu.memory_space<vmem>>[vector<16xi32>], vector<16xf32>, vector<16xi1>
    } {sc.loop_unroll_factor = 16 : i64, sc.parallel_access}
    %dma_start3A_43 = arith.constant 16384 : i32
    %dma_start3A_44 = tpu.memref_slice %arg2[%dma_start3A_43] : memref<65536xi32, #tpu.memory_space<hbm>> -> memref<8192xi32, #tpu.memory_space<hbm>>
    %dma_start3A_45 = arith.constant 16384 : i32
    %dma_start3A_46 = tpu.memref_slice %arg2[%dma_start3A_45] : memref<65536xi32, #tpu.memory_space<hbm>> -> memref<8192xi32, #tpu.memory_space<hbm>>
    tpu.enqueue_dma source(%dma_start3A_46 : memref<8192xi32, #tpu.memory_space<hbm>>) target(%arg8 : memref<8192xi32, #tpu.memory_space<vmem>>) target_semaphore(%arg14 : memref<!tpu.dma_semaphore, #tpu.memory_space<semaphore_mem>>)
    %dma_start3A_47 = arith.constant 16384 : i32
    %dma_start3A_48 = tpu.memref_slice %arg3[%dma_start3A_47] : memref<65536xi32, #tpu.memory_space<hbm>> -> memref<8192xi32, #tpu.memory_space<hbm>>
    %dma_start3A_49 = arith.constant 16384 : i32
    %dma_start3A_50 = tpu.memref_slice %arg3[%dma_start3A_49] : memref<65536xi32, #tpu.memory_space<hbm>> -> memref<8192xi32, #tpu.memory_space<hbm>>
    tpu.enqueue_dma source(%dma_start3A_50 : memref<8192xi32, #tpu.memory_space<hbm>>) target(%arg9 : memref<8192xi32, #tpu.memory_space<vmem>>) target_semaphore(%arg14 : memref<!tpu.dma_semaphore, #tpu.memory_space<semaphore_mem>>)
    %dma_start3A_51 = arith.constant 16384 : i32
    %dma_start3A_52 = tpu.memref_slice %arg4[%dma_start3A_51] : memref<65536xf32, #tpu.memory_space<hbm>> -> memref<8192xf32, #tpu.memory_space<hbm>>
    %dma_start3A_53 = arith.constant 16384 : i32
    %dma_start3A_54 = tpu.memref_slice %arg4[%dma_start3A_53] : memref<65536xf32, #tpu.memory_space<hbm>> -> memref<8192xf32, #tpu.memory_space<hbm>>
    tpu.enqueue_dma source(%dma_start3A_54 : memref<8192xf32, #tpu.memory_space<hbm>>) target(%arg10 : memref<8192xf32, #tpu.memory_space<vmem>>) target_semaphore(%arg14 : memref<!tpu.dma_semaphore, #tpu.memory_space<semaphore_mem>>)
    %dma_wait3A_55 = arith.constant 8192 : i32
    %dma_wait3A_56 = tpu.memref_slice %arg2[%dma_wait3A_55] : memref<65536xi32, #tpu.memory_space<hbm>> -> memref<8192xi32, #tpu.memory_space<hbm>>
    %dma_wait3A_57 = arith.constant 8192 : i32
    %dma_wait3A_58 = tpu.memref_slice %arg2[%dma_wait3A_57] : memref<65536xi32, #tpu.memory_space<hbm>> -> memref<8192xi32, #tpu.memory_space<hbm>>
    tpu.wait_dma2 semaphore(%arg15 : memref<!tpu.dma_semaphore, #tpu.memory_space<semaphore_mem>>) src(%dma_wait3A_58 : memref<8192xi32, #tpu.memory_space<hbm>>) dst(%arg11 : memref<8192xi32, #tpu.memory_space<vmem>>)
    %dma_wait3A_59 = arith.constant 8192 : i32
    %dma_wait3A_60 = tpu.memref_slice %arg3[%dma_wait3A_59] : memref<65536xi32, #tpu.memory_space<hbm>> -> memref<8192xi32, #tpu.memory_space<hbm>>
    %dma_wait3A_61 = arith.constant 8192 : i32
    %dma_wait3A_62 = tpu.memref_slice %arg3[%dma_wait3A_61] : memref<65536xi32, #tpu.memory_space<hbm>> -> memref<8192xi32, #tpu.memory_space<hbm>>
    tpu.wait_dma2 semaphore(%arg15 : memref<!tpu.dma_semaphore, #tpu.memory_space<semaphore_mem>>) src(%dma_wait3A_62 : memref<8192xi32, #tpu.memory_space<hbm>>) dst(%arg12 : memref<8192xi32, #tpu.memory_space<vmem>>)
    %dma_wait3A_63 = arith.constant 8192 : i32
    %dma_wait3A_64 = tpu.memref_slice %arg4[%dma_wait3A_63] : memref<65536xf32, #tpu.memory_space<hbm>> -> memref<8192xf32, #tpu.memory_space<hbm>>
    %dma_wait3A_65 = arith.constant 8192 : i32
    %dma_wait3A_66 = tpu.memref_slice %arg4[%dma_wait3A_65] : memref<65536xf32, #tpu.memory_space<hbm>> -> memref<8192xf32, #tpu.memory_space<hbm>>
    tpu.wait_dma2 semaphore(%arg15 : memref<!tpu.dma_semaphore, #tpu.memory_space<semaphore_mem>>) src(%dma_wait3A_66 : memref<8192xf32, #tpu.memory_space<hbm>>) dst(%arg13 : memref<8192xf32, #tpu.memory_space<vmem>>)
    %parallel_loop3A_67 = arith.constant 0 : i32
    %parallel_loop3A_68 = arith.constant 512 : i32
    %parallel_loop3A_69 = arith.constant 1 : i32
    scf.for %parallel_loop3A_446 = %parallel_loop3A_67 to %parallel_loop3A_68 step %parallel_loop3A_69  : i32 {
      %parallel_loop3A_447 = arith.constant 16 : i32
      %parallel_loop3A_448 = arith.muli %parallel_loop3A_446, %parallel_loop3A_447 : i32
      %parallel_loop3A_449 = arith.index_cast %parallel_loop3A_448 : i32 to index
      %parallel_loop3A_450 = tpu.vector_load %arg11[%parallel_loop3A_449] {strides = array<i32>} : memref<8192xi32, #tpu.memory_space<vmem>>, vector<16xi32>,
      %parallel_loop3A_451 = arith.index_cast %parallel_loop3A_448 : i32 to index
      %parallel_loop3A_452 = tpu.vector_load %arg12[%parallel_loop3A_451] {strides = array<i32>} : memref<8192xi32, #tpu.memory_space<vmem>>, vector<16xi32>,
      %parallel_loop3A_453 = arith.index_cast %parallel_loop3A_448 : i32 to index
      %parallel_loop3A_454 = tpu.vector_load %arg13[%parallel_loop3A_453] {strides = array<i32>} : memref<8192xf32, #tpu.memory_space<vmem>>, vector<16xf32>,
      %parallel_loop3A_455 = vector.broadcast %mul3A_6 : i32 to vector<16xi32>
      %parallel_loop3A_456 = arith.subi %parallel_loop3A_450, %parallel_loop3A_455 : vector<16xi32>
      %parallel_loop3A_457 = vector.bitcast %parallel_loop3A_456 : vector<16xi32> to vector<16xi32>
      %parallel_loop3A_458 = arith.constant 32 : i32
      %parallel_loop3A_459 = vector.broadcast %parallel_loop3A_458 : i32 to vector<16xi32>
      %parallel_loop3A_460 = arith.cmpi ult, %parallel_loop3A_457, %parallel_loop3A_459 : vector<16xi32>
      %parallel_loop3A_461 = arith.constant 2048 : i32
      %parallel_loop3A_462 = vector.broadcast %parallel_loop3A_461 : i32 to vector<16xi32>
      %parallel_loop3A_463 = arith.muli %parallel_loop3A_456, %parallel_loop3A_462 : vector<16xi32>
      %parallel_loop3A_464 = arith.addi %parallel_loop3A_463, %parallel_loop3A_452 : vector<16xi32>
      tpu.vector_store_idx %arg7[%parallel_loop3A_464], %parallel_loop3A_454 masked %parallel_loop3A_460 {add = true} : memref<65536xf32, #tpu.memory_space<vmem>>[vector<16xi32>], vector<16xf32>, vector<16xi1>
    } {sc.loop_unroll_factor = 16 : i64, sc.parallel_access}
    %dma_start3A_70 = arith.constant 24576 : i32
    %dma_start3A_71 = tpu.memref_slice %arg2[%dma_start3A_70] : memref<65536xi32, #tpu.memory_space<hbm>> -> memref<8192xi32, #tpu.memory_space<hbm>>
    %dma_start3A_72 = arith.constant 24576 : i32
    %dma_start3A_73 = tpu.memref_slice %arg2[%dma_start3A_72] : memref<65536xi32, #tpu.memory_space<hbm>> -> memref<8192xi32, #tpu.memory_space<hbm>>
    tpu.enqueue_dma source(%dma_start3A_73 : memref<8192xi32, #tpu.memory_space<hbm>>) target(%arg11 : memref<8192xi32, #tpu.memory_space<vmem>>) target_semaphore(%arg15 : memref<!tpu.dma_semaphore, #tpu.memory_space<semaphore_mem>>)
    %dma_start3A_74 = arith.constant 24576 : i32
    %dma_start3A_75 = tpu.memref_slice %arg3[%dma_start3A_74] : memref<65536xi32, #tpu.memory_space<hbm>> -> memref<8192xi32, #tpu.memory_space<hbm>>
    %dma_start3A_76 = arith.constant 24576 : i32
    %dma_start3A_77 = tpu.memref_slice %arg3[%dma_start3A_76] : memref<65536xi32, #tpu.memory_space<hbm>> -> memref<8192xi32, #tpu.memory_space<hbm>>
    tpu.enqueue_dma source(%dma_start3A_77 : memref<8192xi32, #tpu.memory_space<hbm>>) target(%arg12 : memref<8192xi32, #tpu.memory_space<vmem>>) target_semaphore(%arg15 : memref<!tpu.dma_semaphore, #tpu.memory_space<semaphore_mem>>)
    %dma_start3A_78 = arith.constant 24576 : i32
    %dma_start3A_79 = tpu.memref_slice %arg4[%dma_start3A_78] : memref<65536xf32, #tpu.memory_space<hbm>> -> memref<8192xf32, #tpu.memory_space<hbm>>
    %dma_start3A_80 = arith.constant 24576 : i32
    %dma_start3A_81 = tpu.memref_slice %arg4[%dma_start3A_80] : memref<65536xf32, #tpu.memory_space<hbm>> -> memref<8192xf32, #tpu.memory_space<hbm>>
    tpu.enqueue_dma source(%dma_start3A_81 : memref<8192xf32, #tpu.memory_space<hbm>>) target(%arg13 : memref<8192xf32, #tpu.memory_space<vmem>>) target_semaphore(%arg15 : memref<!tpu.dma_semaphore, #tpu.memory_space<semaphore_mem>>)
    %dma_wait3A_82 = arith.constant 16384 : i32
    %dma_wait3A_83 = tpu.memref_slice %arg2[%dma_wait3A_82] : memref<65536xi32, #tpu.memory_space<hbm>> -> memref<8192xi32, #tpu.memory_space<hbm>>
    %dma_wait3A_84 = arith.constant 16384 : i32
    %dma_wait3A_85 = tpu.memref_slice %arg2[%dma_wait3A_84] : memref<65536xi32, #tpu.memory_space<hbm>> -> memref<8192xi32, #tpu.memory_space<hbm>>
    tpu.wait_dma2 semaphore(%arg14 : memref<!tpu.dma_semaphore, #tpu.memory_space<semaphore_mem>>) src(%dma_wait3A_85 : memref<8192xi32, #tpu.memory_space<hbm>>) dst(%arg8 : memref<8192xi32, #tpu.memory_space<vmem>>)
    %dma_wait3A_86 = arith.constant 16384 : i32
    %dma_wait3A_87 = tpu.memref_slice %arg3[%dma_wait3A_86] : memref<65536xi32, #tpu.memory_space<hbm>> -> memref<8192xi32, #tpu.memory_space<hbm>>
    %dma_wait3A_88 = arith.constant 16384 : i32
    %dma_wait3A_89 = tpu.memref_slice %arg3[%dma_wait3A_88] : memref<65536xi32, #tpu.memory_space<hbm>> -> memref<8192xi32, #tpu.memory_space<hbm>>
    tpu.wait_dma2 semaphore(%arg14 : memref<!tpu.dma_semaphore, #tpu.memory_space<semaphore_mem>>) src(%dma_wait3A_89 : memref<8192xi32, #tpu.memory_space<hbm>>) dst(%arg9 : memref<8192xi32, #tpu.memory_space<vmem>>)
    %dma_wait3A_90 = arith.constant 16384 : i32
    %dma_wait3A_91 = tpu.memref_slice %arg4[%dma_wait3A_90] : memref<65536xf32, #tpu.memory_space<hbm>> -> memref<8192xf32, #tpu.memory_space<hbm>>
    %dma_wait3A_92 = arith.constant 16384 : i32
    %dma_wait3A_93 = tpu.memref_slice %arg4[%dma_wait3A_92] : memref<65536xf32, #tpu.memory_space<hbm>> -> memref<8192xf32, #tpu.memory_space<hbm>>
    tpu.wait_dma2 semaphore(%arg14 : memref<!tpu.dma_semaphore, #tpu.memory_space<semaphore_mem>>) src(%dma_wait3A_93 : memref<8192xf32, #tpu.memory_space<hbm>>) dst(%arg10 : memref<8192xf32, #tpu.memory_space<vmem>>)
    %parallel_loop3A_94 = arith.constant 0 : i32
    %parallel_loop3A_95 = arith.constant 512 : i32
    %parallel_loop3A_96 = arith.constant 1 : i32
    scf.for %parallel_loop3A_446 = %parallel_loop3A_94 to %parallel_loop3A_95 step %parallel_loop3A_96  : i32 {
      %parallel_loop3A_447 = arith.constant 16 : i32
      %parallel_loop3A_448 = arith.muli %parallel_loop3A_446, %parallel_loop3A_447 : i32
      %parallel_loop3A_449 = arith.index_cast %parallel_loop3A_448 : i32 to index
      %parallel_loop3A_450 = tpu.vector_load %arg8[%parallel_loop3A_449] {strides = array<i32>} : memref<8192xi32, #tpu.memory_space<vmem>>, vector<16xi32>,
      %parallel_loop3A_451 = arith.index_cast %parallel_loop3A_448 : i32 to index
      %parallel_loop3A_452 = tpu.vector_load %arg9[%parallel_loop3A_451] {strides = array<i32>} : memref<8192xi32, #tpu.memory_space<vmem>>, vector<16xi32>,
      %parallel_loop3A_453 = arith.index_cast %parallel_loop3A_448 : i32 to index
      %parallel_loop3A_454 = tpu.vector_load %arg10[%parallel_loop3A_453] {strides = array<i32>} : memref<8192xf32, #tpu.memory_space<vmem>>, vector<16xf32>,
      %parallel_loop3A_455 = vector.broadcast %mul3A_6 : i32 to vector<16xi32>
      %parallel_loop3A_456 = arith.subi %parallel_loop3A_450, %parallel_loop3A_455 : vector<16xi32>
      %parallel_loop3A_457 = vector.bitcast %parallel_loop3A_456 : vector<16xi32> to vector<16xi32>
      %parallel_loop3A_458 = arith.constant 32 : i32
      %parallel_loop3A_459 = vector.broadcast %parallel_loop3A_458 : i32 to vector<16xi32>
      %parallel_loop3A_460 = arith.cmpi ult, %parallel_loop3A_457, %parallel_loop3A_459 : vector<16xi32>
      %parallel_loop3A_461 = arith.constant 2048 : i32
      %parallel_loop3A_462 = vector.broadcast %parallel_loop3A_461 : i32 to vector<16xi32>
      %parallel_loop3A_463 = arith.muli %parallel_loop3A_456, %parallel_loop3A_462 : vector<16xi32>
      %parallel_loop3A_464 = arith.addi %parallel_loop3A_463, %parallel_loop3A_452 : vector<16xi32>
      tpu.vector_store_idx %arg7[%parallel_loop3A_464], %parallel_loop3A_454 masked %parallel_loop3A_460 {add = true} : memref<65536xf32, #tpu.memory_space<vmem>>[vector<16xi32>], vector<16xf32>, vector<16xi1>
    } {sc.loop_unroll_factor = 16 : i64, sc.parallel_access}
    %dma_start3A_97 = arith.constant 32768 : i32
    %dma_start3A_98 = tpu.memref_slice %arg2[%dma_start3A_97] : memref<65536xi32, #tpu.memory_space<hbm>> -> memref<8192xi32, #tpu.memory_space<hbm>>
    %dma_start3A_99 = arith.constant 32768 : i32
    %dma_start3A_100 = tpu.memref_slice %arg2[%dma_start3A_99] : memref<65536xi32, #tpu.memory_space<hbm>> -> memref<8192xi32, #tpu.memory_space<hbm>>
    tpu.enqueue_dma source(%dma_start3A_100 : memref<8192xi32, #tpu.memory_space<hbm>>) target(%arg8 : memref<8192xi32, #tpu.memory_space<vmem>>) target_semaphore(%arg14 : memref<!tpu.dma_semaphore, #tpu.memory_space<semaphore_mem>>)
    %dma_start3A_101 = arith.constant 32768 : i32
    %dma_start3A_102 = tpu.memref_slice %arg3[%dma_start3A_101] : memref<65536xi32, #tpu.memory_space<hbm>> -> memref<8192xi32, #tpu.memory_space<hbm>>
    %dma_start3A_103 = arith.constant 32768 : i32
    %dma_start3A_104 = tpu.memref_slice %arg3[%dma_start3A_103] : memref<65536xi32, #tpu.memory_space<hbm>> -> memref<8192xi32, #tpu.memory_space<hbm>>
    tpu.enqueue_dma source(%dma_start3A_104 : memref<8192xi32, #tpu.memory_space<hbm>>) target(%arg9 : memref<8192xi32, #tpu.memory_space<vmem>>) target_semaphore(%arg14 : memref<!tpu.dma_semaphore, #tpu.memory_space<semaphore_mem>>)
    %dma_start3A_105 = arith.constant 32768 : i32
    %dma_start3A_106 = tpu.memref_slice %arg4[%dma_start3A_105] : memref<65536xf32, #tpu.memory_space<hbm>> -> memref<8192xf32, #tpu.memory_space<hbm>>
    %dma_start3A_107 = arith.constant 32768 : i32
    %dma_start3A_108 = tpu.memref_slice %arg4[%dma_start3A_107] : memref<65536xf32, #tpu.memory_space<hbm>> -> memref<8192xf32, #tpu.memory_space<hbm>>
    tpu.enqueue_dma source(%dma_start3A_108 : memref<8192xf32, #tpu.memory_space<hbm>>) target(%arg10 : memref<8192xf32, #tpu.memory_space<vmem>>) target_semaphore(%arg14 : memref<!tpu.dma_semaphore, #tpu.memory_space<semaphore_mem>>)
    %dma_wait3A_109 = arith.constant 24576 : i32
    %dma_wait3A_110 = tpu.memref_slice %arg2[%dma_wait3A_109] : memref<65536xi32, #tpu.memory_space<hbm>> -> memref<8192xi32, #tpu.memory_space<hbm>>
    %dma_wait3A_111 = arith.constant 24576 : i32
    %dma_wait3A_112 = tpu.memref_slice %arg2[%dma_wait3A_111] : memref<65536xi32, #tpu.memory_space<hbm>> -> memref<8192xi32, #tpu.memory_space<hbm>>
    tpu.wait_dma2 semaphore(%arg15 : memref<!tpu.dma_semaphore, #tpu.memory_space<semaphore_mem>>) src(%dma_wait3A_112 : memref<8192xi32, #tpu.memory_space<hbm>>) dst(%arg11 : memref<8192xi32, #tpu.memory_space<vmem>>)
    %dma_wait3A_113 = arith.constant 24576 : i32
    %dma_wait3A_114 = tpu.memref_slice %arg3[%dma_wait3A_113] : memref<65536xi32, #tpu.memory_space<hbm>> -> memref<8192xi32, #tpu.memory_space<hbm>>
    %dma_wait3A_115 = arith.constant 24576 : i32
    %dma_wait3A_116 = tpu.memref_slice %arg3[%dma_wait3A_115] : memref<65536xi32, #tpu.memory_space<hbm>> -> memref<8192xi32, #tpu.memory_space<hbm>>
    tpu.wait_dma2 semaphore(%arg15 : memref<!tpu.dma_semaphore, #tpu.memory_space<semaphore_mem>>) src(%dma_wait3A_116 : memref<8192xi32, #tpu.memory_space<hbm>>) dst(%arg12 : memref<8192xi32, #tpu.memory_space<vmem>>)
    %dma_wait3A_117 = arith.constant 24576 : i32
    %dma_wait3A_118 = tpu.memref_slice %arg4[%dma_wait3A_117] : memref<65536xf32, #tpu.memory_space<hbm>> -> memref<8192xf32, #tpu.memory_space<hbm>>
    %dma_wait3A_119 = arith.constant 24576 : i32
    %dma_wait3A_120 = tpu.memref_slice %arg4[%dma_wait3A_119] : memref<65536xf32, #tpu.memory_space<hbm>> -> memref<8192xf32, #tpu.memory_space<hbm>>
    tpu.wait_dma2 semaphore(%arg15 : memref<!tpu.dma_semaphore, #tpu.memory_space<semaphore_mem>>) src(%dma_wait3A_120 : memref<8192xf32, #tpu.memory_space<hbm>>) dst(%arg13 : memref<8192xf32, #tpu.memory_space<vmem>>)
    %parallel_loop3A_121 = arith.constant 0 : i32
    %parallel_loop3A_122 = arith.constant 512 : i32
    %parallel_loop3A_123 = arith.constant 1 : i32
    scf.for %parallel_loop3A_446 = %parallel_loop3A_121 to %parallel_loop3A_122 step %parallel_loop3A_123  : i32 {
      %parallel_loop3A_447 = arith.constant 16 : i32
      %parallel_loop3A_448 = arith.muli %parallel_loop3A_446, %parallel_loop3A_447 : i32
      %parallel_loop3A_449 = arith.index_cast %parallel_loop3A_448 : i32 to index
      %parallel_loop3A_450 = tpu.vector_load %arg11[%parallel_loop3A_449] {strides = array<i32>} : memref<8192xi32, #tpu.memory_space<vmem>>, vector<16xi32>,
      %parallel_loop3A_451 = arith.index_cast %parallel_loop3A_448 : i32 to index
      %parallel_loop3A_452 = tpu.vector_load %arg12[%parallel_loop3A_451] {strides = array<i32>} : memref<8192xi32, #tpu.memory_space<vmem>>, vector<16xi32>,
      %parallel_loop3A_453 = arith.index_cast %parallel_loop3A_448 : i32 to index
      %parallel_loop3A_454 = tpu.vector_load %arg13[%parallel_loop3A_453] {strides = array<i32>} : memref<8192xf32, #tpu.memory_space<vmem>>, vector<16xf32>,
      %parallel_loop3A_455 = vector.broadcast %mul3A_6 : i32 to vector<16xi32>
      %parallel_loop3A_456 = arith.subi %parallel_loop3A_450, %parallel_loop3A_455 : vector<16xi32>
      %parallel_loop3A_457 = vector.bitcast %parallel_loop3A_456 : vector<16xi32> to vector<16xi32>
      %parallel_loop3A_458 = arith.constant 32 : i32
      %parallel_loop3A_459 = vector.broadcast %parallel_loop3A_458 : i32 to vector<16xi32>
      %parallel_loop3A_460 = arith.cmpi ult, %parallel_loop3A_457, %parallel_loop3A_459 : vector<16xi32>
      %parallel_loop3A_461 = arith.constant 2048 : i32
      %parallel_loop3A_462 = vector.broadcast %parallel_loop3A_461 : i32 to vector<16xi32>
      %parallel_loop3A_463 = arith.muli %parallel_loop3A_456, %parallel_loop3A_462 : vector<16xi32>
      %parallel_loop3A_464 = arith.addi %parallel_loop3A_463, %parallel_loop3A_452 : vector<16xi32>
      tpu.vector_store_idx %arg7[%parallel_loop3A_464], %parallel_loop3A_454 masked %parallel_loop3A_460 {add = true} : memref<65536xf32, #tpu.memory_space<vmem>>[vector<16xi32>], vector<16xf32>, vector<16xi1>
    } {sc.loop_unroll_factor = 16 : i64, sc.parallel_access}
    %dma_start3A_124 = arith.constant 40960 : i32
    %dma_start3A_125 = tpu.memref_slice %arg2[%dma_start3A_124] : memref<65536xi32, #tpu.memory_space<hbm>> -> memref<8192xi32, #tpu.memory_space<hbm>>
    %dma_start3A_126 = arith.constant 40960 : i32
    %dma_start3A_127 = tpu.memref_slice %arg2[%dma_start3A_126] : memref<65536xi32, #tpu.memory_space<hbm>> -> memref<8192xi32, #tpu.memory_space<hbm>>
    tpu.enqueue_dma source(%dma_start3A_127 : memref<8192xi32, #tpu.memory_space<hbm>>) target(%arg11 : memref<8192xi32, #tpu.memory_space<vmem>>) target_semaphore(%arg15 : memref<!tpu.dma_semaphore, #tpu.memory_space<semaphore_mem>>)
    %dma_start3A_128 = arith.constant 40960 : i32
    %dma_start3A_129 = tpu.memref_slice %arg3[%dma_start3A_128] : memref<65536xi32, #tpu.memory_space<hbm>> -> memref<8192xi32, #tpu.memory_space<hbm>>
    %dma_start3A_130 = arith.constant 40960 : i32
    %dma_start3A_131 = tpu.memref_slice %arg3[%dma_start3A_130] : memref<65536xi32, #tpu.memory_space<hbm>> -> memref<8192xi32, #tpu.memory_space<hbm>>
    tpu.enqueue_dma source(%dma_start3A_131 : memref<8192xi32, #tpu.memory_space<hbm>>) target(%arg12 : memref<8192xi32, #tpu.memory_space<vmem>>) target_semaphore(%arg15 : memref<!tpu.dma_semaphore, #tpu.memory_space<semaphore_mem>>)
    %dma_start3A_132 = arith.constant 40960 : i32
    %dma_start3A_133 = tpu.memref_slice %arg4[%dma_start3A_132] : memref<65536xf32, #tpu.memory_space<hbm>> -> memref<8192xf32, #tpu.memory_space<hbm>>
    %dma_start3A_134 = arith.constant 40960 : i32
    %dma_start3A_135 = tpu.memref_slice %arg4[%dma_start3A_134] : memref<65536xf32, #tpu.memory_space<hbm>> -> memref<8192xf32, #tpu.memory_space<hbm>>
    tpu.enqueue_dma source(%dma_start3A_135 : memref<8192xf32, #tpu.memory_space<hbm>>) target(%arg13 : memref<8192xf32, #tpu.memory_space<vmem>>) target_semaphore(%arg15 : memref<!tpu.dma_semaphore, #tpu.memory_space<semaphore_mem>>)
    %dma_wait3A_136 = arith.constant 32768 : i32
    %dma_wait3A_137 = tpu.memref_slice %arg2[%dma_wait3A_136] : memref<65536xi32, #tpu.memory_space<hbm>> -> memref<8192xi32, #tpu.memory_space<hbm>>
    %dma_wait3A_138 = arith.constant 32768 : i32
    %dma_wait3A_139 = tpu.memref_slice %arg2[%dma_wait3A_138] : memref<65536xi32, #tpu.memory_space<hbm>> -> memref<8192xi32, #tpu.memory_space<hbm>>
    tpu.wait_dma2 semaphore(%arg14 : memref<!tpu.dma_semaphore, #tpu.memory_space<semaphore_mem>>) src(%dma_wait3A_139 : memref<8192xi32, #tpu.memory_space<hbm>>) dst(%arg8 : memref<8192xi32, #tpu.memory_space<vmem>>)
    %dma_wait3A_140 = arith.constant 32768 : i32
    %dma_wait3A_141 = tpu.memref_slice %arg3[%dma_wait3A_140] : memref<65536xi32, #tpu.memory_space<hbm>> -> memref<8192xi32, #tpu.memory_space<hbm>>
    %dma_wait3A_142 = arith.constant 32768 : i32
    %dma_wait3A_143 = tpu.memref_slice %arg3[%dma_wait3A_142] : memref<65536xi32, #tpu.memory_space<hbm>> -> memref<8192xi32, #tpu.memory_space<hbm>>
    tpu.wait_dma2 semaphore(%arg14 : memref<!tpu.dma_semaphore, #tpu.memory_space<semaphore_mem>>) src(%dma_wait3A_143 : memref<8192xi32, #tpu.memory_space<hbm>>) dst(%arg9 : memref<8192xi32, #tpu.memory_space<vmem>>)
    %dma_wait3A_144 = arith.constant 32768 : i32
    %dma_wait3A_145 = tpu.memref_slice %arg4[%dma_wait3A_144] : memref<65536xf32, #tpu.memory_space<hbm>> -> memref<8192xf32, #tpu.memory_space<hbm>>
    %dma_wait3A_146 = arith.constant 32768 : i32
    %dma_wait3A_147 = tpu.memref_slice %arg4[%dma_wait3A_146] : memref<65536xf32, #tpu.memory_space<hbm>> -> memref<8192xf32, #tpu.memory_space<hbm>>
    tpu.wait_dma2 semaphore(%arg14 : memref<!tpu.dma_semaphore, #tpu.memory_space<semaphore_mem>>) src(%dma_wait3A_147 : memref<8192xf32, #tpu.memory_space<hbm>>) dst(%arg10 : memref<8192xf32, #tpu.memory_space<vmem>>)
    %parallel_loop3A_148 = arith.constant 0 : i32
    %parallel_loop3A_149 = arith.constant 512 : i32
    %parallel_loop3A_150 = arith.constant 1 : i32
    scf.for %parallel_loop3A_446 = %parallel_loop3A_148 to %parallel_loop3A_149 step %parallel_loop3A_150  : i32 {
      %parallel_loop3A_447 = arith.constant 16 : i32
      %parallel_loop3A_448 = arith.muli %parallel_loop3A_446, %parallel_loop3A_447 : i32
      %parallel_loop3A_449 = arith.index_cast %parallel_loop3A_448 : i32 to index
      %parallel_loop3A_450 = tpu.vector_load %arg8[%parallel_loop3A_449] {strides = array<i32>} : memref<8192xi32, #tpu.memory_space<vmem>>, vector<16xi32>,
      %parallel_loop3A_451 = arith.index_cast %parallel_loop3A_448 : i32 to index
      %parallel_loop3A_452 = tpu.vector_load %arg9[%parallel_loop3A_451] {strides = array<i32>} : memref<8192xi32, #tpu.memory_space<vmem>>, vector<16xi32>,
      %parallel_loop3A_453 = arith.index_cast %parallel_loop3A_448 : i32 to index
      %parallel_loop3A_454 = tpu.vector_load %arg10[%parallel_loop3A_453] {strides = array<i32>} : memref<8192xf32, #tpu.memory_space<vmem>>, vector<16xf32>,
      %parallel_loop3A_455 = vector.broadcast %mul3A_6 : i32 to vector<16xi32>
      %parallel_loop3A_456 = arith.subi %parallel_loop3A_450, %parallel_loop3A_455 : vector<16xi32>
      %parallel_loop3A_457 = vector.bitcast %parallel_loop3A_456 : vector<16xi32> to vector<16xi32>
      %parallel_loop3A_458 = arith.constant 32 : i32
      %parallel_loop3A_459 = vector.broadcast %parallel_loop3A_458 : i32 to vector<16xi32>
      %parallel_loop3A_460 = arith.cmpi ult, %parallel_loop3A_457, %parallel_loop3A_459 : vector<16xi32>
      %parallel_loop3A_461 = arith.constant 2048 : i32
      %parallel_loop3A_462 = vector.broadcast %parallel_loop3A_461 : i32 to vector<16xi32>
      %parallel_loop3A_463 = arith.muli %parallel_loop3A_456, %parallel_loop3A_462 : vector<16xi32>
      %parallel_loop3A_464 = arith.addi %parallel_loop3A_463, %parallel_loop3A_452 : vector<16xi32>
      tpu.vector_store_idx %arg7[%parallel_loop3A_464], %parallel_loop3A_454 masked %parallel_loop3A_460 {add = true} : memref<65536xf32, #tpu.memory_space<vmem>>[vector<16xi32>], vector<16xf32>, vector<16xi1>
    } {sc.loop_unroll_factor = 16 : i64, sc.parallel_access}
    %dma_start3A_151 = arith.constant 49152 : i32
    %dma_start3A_152 = tpu.memref_slice %arg2[%dma_start3A_151] : memref<65536xi32, #tpu.memory_space<hbm>> -> memref<8192xi32, #tpu.memory_space<hbm>>
    %dma_start3A_153 = arith.constant 49152 : i32
    %dma_start3A_154 = tpu.memref_slice %arg2[%dma_start3A_153] : memref<65536xi32, #tpu.memory_space<hbm>> -> memref<8192xi32, #tpu.memory_space<hbm>>
    tpu.enqueue_dma source(%dma_start3A_154 : memref<8192xi32, #tpu.memory_space<hbm>>) target(%arg8 : memref<8192xi32, #tpu.memory_space<vmem>>) target_semaphore(%arg14 : memref<!tpu.dma_semaphore, #tpu.memory_space<semaphore_mem>>)
    %dma_start3A_155 = arith.constant 49152 : i32
    %dma_start3A_156 = tpu.memref_slice %arg3[%dma_start3A_155] : memref<65536xi32, #tpu.memory_space<hbm>> -> memref<8192xi32, #tpu.memory_space<hbm>>
    %dma_start3A_157 = arith.constant 49152 : i32
    %dma_start3A_158 = tpu.memref_slice %arg3[%dma_start3A_157] : memref<65536xi32, #tpu.memory_space<hbm>> -> memref<8192xi32, #tpu.memory_space<hbm>>
    tpu.enqueue_dma source(%dma_start3A_158 : memref<8192xi32, #tpu.memory_space<hbm>>) target(%arg9 : memref<8192xi32, #tpu.memory_space<vmem>>) target_semaphore(%arg14 : memref<!tpu.dma_semaphore, #tpu.memory_space<semaphore_mem>>)
    %dma_start3A_159 = arith.constant 49152 : i32
    %dma_start3A_160 = tpu.memref_slice %arg4[%dma_start3A_159] : memref<65536xf32, #tpu.memory_space<hbm>> -> memref<8192xf32, #tpu.memory_space<hbm>>
    %dma_start3A_161 = arith.constant 49152 : i32
    %dma_start3A_162 = tpu.memref_slice %arg4[%dma_start3A_161] : memref<65536xf32, #tpu.memory_space<hbm>> -> memref<8192xf32, #tpu.memory_space<hbm>>
    tpu.enqueue_dma source(%dma_start3A_162 : memref<8192xf32, #tpu.memory_space<hbm>>) target(%arg10 : memref<8192xf32, #tpu.memory_space<vmem>>) target_semaphore(%arg14 : memref<!tpu.dma_semaphore, #tpu.memory_space<semaphore_mem>>)
    %dma_wait3A_163 = arith.constant 40960 : i32
    %dma_wait3A_164 = tpu.memref_slice %arg2[%dma_wait3A_163] : memref<65536xi32, #tpu.memory_space<hbm>> -> memref<8192xi32, #tpu.memory_space<hbm>>
    %dma_wait3A_165 = arith.constant 40960 : i32
    %dma_wait3A_166 = tpu.memref_slice %arg2[%dma_wait3A_165] : memref<65536xi32, #tpu.memory_space<hbm>> -> memref<8192xi32, #tpu.memory_space<hbm>>
    tpu.wait_dma2 semaphore(%arg15 : memref<!tpu.dma_semaphore, #tpu.memory_space<semaphore_mem>>) src(%dma_wait3A_166 : memref<8192xi32, #tpu.memory_space<hbm>>) dst(%arg11 : memref<8192xi32, #tpu.memory_space<vmem>>)
    %dma_wait3A_167 = arith.constant 40960 : i32
    %dma_wait3A_168 = tpu.memref_slice %arg3[%dma_wait3A_167] : memref<65536xi32, #tpu.memory_space<hbm>> -> memref<8192xi32, #tpu.memory_space<hbm>>
    %dma_wait3A_169 = arith.constant 40960 : i32
    %dma_wait3A_170 = tpu.memref_slice %arg3[%dma_wait3A_169] : memref<65536xi32, #tpu.memory_space<hbm>> -> memref<8192xi32, #tpu.memory_space<hbm>>
    tpu.wait_dma2 semaphore(%arg15 : memref<!tpu.dma_semaphore, #tpu.memory_space<semaphore_mem>>) src(%dma_wait3A_170 : memref<8192xi32, #tpu.memory_space<hbm>>) dst(%arg12 : memref<8192xi32, #tpu.memory_space<vmem>>)
    %dma_wait3A_171 = arith.constant 40960 : i32
    %dma_wait3A_172 = tpu.memref_slice %arg4[%dma_wait3A_171] : memref<65536xf32, #tpu.memory_space<hbm>> -> memref<8192xf32, #tpu.memory_space<hbm>>
    %dma_wait3A_173 = arith.constant 40960 : i32
    %dma_wait3A_174 = tpu.memref_slice %arg4[%dma_wait3A_173] : memref<65536xf32, #tpu.memory_space<hbm>> -> memref<8192xf32, #tpu.memory_space<hbm>>
    tpu.wait_dma2 semaphore(%arg15 : memref<!tpu.dma_semaphore, #tpu.memory_space<semaphore_mem>>) src(%dma_wait3A_174 : memref<8192xf32, #tpu.memory_space<hbm>>) dst(%arg13 : memref<8192xf32, #tpu.memory_space<vmem>>)
    %parallel_loop3A_175 = arith.constant 0 : i32
    %parallel_loop3A_176 = arith.constant 512 : i32
    %parallel_loop3A_177 = arith.constant 1 : i32
    scf.for %parallel_loop3A_446 = %parallel_loop3A_175 to %parallel_loop3A_176 step %parallel_loop3A_177  : i32 {
      %parallel_loop3A_447 = arith.constant 16 : i32
      %parallel_loop3A_448 = arith.muli %parallel_loop3A_446, %parallel_loop3A_447 : i32
      %parallel_loop3A_449 = arith.index_cast %parallel_loop3A_448 : i32 to index
      %parallel_loop3A_450 = tpu.vector_load %arg11[%parallel_loop3A_449] {strides = array<i32>} : memref<8192xi32, #tpu.memory_space<vmem>>, vector<16xi32>,
      %parallel_loop3A_451 = arith.index_cast %parallel_loop3A_448 : i32 to index
      %parallel_loop3A_452 = tpu.vector_load %arg12[%parallel_loop3A_451] {strides = array<i32>} : memref<8192xi32, #tpu.memory_space<vmem>>, vector<16xi32>,
      %parallel_loop3A_453 = arith.index_cast %parallel_loop3A_448 : i32 to index
      %parallel_loop3A_454 = tpu.vector_load %arg13[%parallel_loop3A_453] {strides = array<i32>} : memref<8192xf32, #tpu.memory_space<vmem>>, vector<16xf32>,
      %parallel_loop3A_455 = vector.broadcast %mul3A_6 : i32 to vector<16xi32>
      %parallel_loop3A_456 = arith.subi %parallel_loop3A_450, %parallel_loop3A_455 : vector<16xi32>
      %parallel_loop3A_457 = vector.bitcast %parallel_loop3A_456 : vector<16xi32> to vector<16xi32>
      %parallel_loop3A_458 = arith.constant 32 : i32
      %parallel_loop3A_459 = vector.broadcast %parallel_loop3A_458 : i32 to vector<16xi32>
      %parallel_loop3A_460 = arith.cmpi ult, %parallel_loop3A_457, %parallel_loop3A_459 : vector<16xi32>
      %parallel_loop3A_461 = arith.constant 2048 : i32
      %parallel_loop3A_462 = vector.broadcast %parallel_loop3A_461 : i32 to vector<16xi32>
      %parallel_loop3A_463 = arith.muli %parallel_loop3A_456, %parallel_loop3A_462 : vector<16xi32>
      %parallel_loop3A_464 = arith.addi %parallel_loop3A_463, %parallel_loop3A_452 : vector<16xi32>
      tpu.vector_store_idx %arg7[%parallel_loop3A_464], %parallel_loop3A_454 masked %parallel_loop3A_460 {add = true} : memref<65536xf32, #tpu.memory_space<vmem>>[vector<16xi32>], vector<16xf32>, vector<16xi1>
    } {sc.loop_unroll_factor = 16 : i64, sc.parallel_access}
    %dma_start3A_178 = arith.constant 57344 : i32
    %dma_start3A_179 = tpu.memref_slice %arg2[%dma_start3A_178] : memref<65536xi32, #tpu.memory_space<hbm>> -> memref<8192xi32, #tpu.memory_space<hbm>>
    %dma_start3A_180 = arith.constant 57344 : i32
    %dma_start3A_181 = tpu.memref_slice %arg2[%dma_start3A_180] : memref<65536xi32, #tpu.memory_space<hbm>> -> memref<8192xi32, #tpu.memory_space<hbm>>
    tpu.enqueue_dma source(%dma_start3A_181 : memref<8192xi32, #tpu.memory_space<hbm>>) target(%arg11 : memref<8192xi32, #tpu.memory_space<vmem>>) target_semaphore(%arg15 : memref<!tpu.dma_semaphore, #tpu.memory_space<semaphore_mem>>)
    %dma_start3A_182 = arith.constant 57344 : i32
    %dma_start3A_183 = tpu.memref_slice %arg3[%dma_start3A_182] : memref<65536xi32, #tpu.memory_space<hbm>> -> memref<8192xi32, #tpu.memory_space<hbm>>
    %dma_start3A_184 = arith.constant 57344 : i32
    %dma_start3A_185 = tpu.memref_slice %arg3[%dma_start3A_184] : memref<65536xi32, #tpu.memory_space<hbm>> -> memref<8192xi32, #tpu.memory_space<hbm>>
    tpu.enqueue_dma source(%dma_start3A_185 : memref<8192xi32, #tpu.memory_space<hbm>>) target(%arg12 : memref<8192xi32, #tpu.memory_space<vmem>>) target_semaphore(%arg15 : memref<!tpu.dma_semaphore, #tpu.memory_space<semaphore_mem>>)
    %dma_start3A_186 = arith.constant 57344 : i32
    %dma_start3A_187 = tpu.memref_slice %arg4[%dma_start3A_186] : memref<65536xf32, #tpu.memory_space<hbm>> -> memref<8192xf32, #tpu.memory_space<hbm>>
    %dma_start3A_188 = arith.constant 57344 : i32
    %dma_start3A_189 = tpu.memref_slice %arg4[%dma_start3A_188] : memref<65536xf32, #tpu.memory_space<hbm>> -> memref<8192xf32, #tpu.memory_space<hbm>>
    tpu.enqueue_dma source(%dma_start3A_189 : memref<8192xf32, #tpu.memory_space<hbm>>) target(%arg13 : memref<8192xf32, #tpu.memory_space<vmem>>) target_semaphore(%arg15 : memref<!tpu.dma_semaphore, #tpu.memory_space<semaphore_mem>>)
    %dma_wait3A_190 = arith.constant 49152 : i32
    %dma_wait3A_191 = tpu.memref_slice %arg2[%dma_wait3A_190] : memref<65536xi32, #tpu.memory_space<hbm>> -> memref<8192xi32, #tpu.memory_space<hbm>>
    %dma_wait3A_192 = arith.constant 49152 : i32
    %dma_wait3A_193 = tpu.memref_slice %arg2[%dma_wait3A_192] : memref<65536xi32, #tpu.memory_space<hbm>> -> memref<8192xi32, #tpu.memory_space<hbm>>
    tpu.wait_dma2 semaphore(%arg14 : memref<!tpu.dma_semaphore, #tpu.memory_space<semaphore_mem>>) src(%dma_wait3A_193 : memref<8192xi32, #tpu.memory_space<hbm>>) dst(%arg8 : memref<8192xi32, #tpu.memory_space<vmem>>)
    %dma_wait3A_194 = arith.constant 49152 : i32
    %dma_wait3A_195 = tpu.memref_slice %arg3[%dma_wait3A_194] : memref<65536xi32, #tpu.memory_space<hbm>> -> memref<8192xi32, #tpu.memory_space<hbm>>
    %dma_wait3A_196 = arith.constant 49152 : i32
    %dma_wait3A_197 = tpu.memref_slice %arg3[%dma_wait3A_196] : memref<65536xi32, #tpu.memory_space<hbm>> -> memref<8192xi32, #tpu.memory_space<hbm>>
    tpu.wait_dma2 semaphore(%arg14 : memref<!tpu.dma_semaphore, #tpu.memory_space<semaphore_mem>>) src(%dma_wait3A_197 : memref<8192xi32, #tpu.memory_space<hbm>>) dst(%arg9 : memref<8192xi32, #tpu.memory_space<vmem>>)
    %dma_wait3A_198 = arith.constant 49152 : i32
    %dma_wait3A_199 = tpu.memref_slice %arg4[%dma_wait3A_198] : memref<65536xf32, #tpu.memory_space<hbm>> -> memref<8192xf32, #tpu.memory_space<hbm>>
    %dma_wait3A_200 = arith.constant 49152 : i32
    %dma_wait3A_201 = tpu.memref_slice %arg4[%dma_wait3A_200] : memref<65536xf32, #tpu.memory_space<hbm>> -> memref<8192xf32, #tpu.memory_space<hbm>>
    tpu.wait_dma2 semaphore(%arg14 : memref<!tpu.dma_semaphore, #tpu.memory_space<semaphore_mem>>) src(%dma_wait3A_201 : memref<8192xf32, #tpu.memory_space<hbm>>) dst(%arg10 : memref<8192xf32, #tpu.memory_space<vmem>>)
    %parallel_loop3A_202 = arith.constant 0 : i32
    %parallel_loop3A_203 = arith.constant 512 : i32
    %parallel_loop3A_204 = arith.constant 1 : i32
    scf.for %parallel_loop3A_446 = %parallel_loop3A_202 to %parallel_loop3A_203 step %parallel_loop3A_204  : i32 {
      %parallel_loop3A_447 = arith.constant 16 : i32
      %parallel_loop3A_448 = arith.muli %parallel_loop3A_446, %parallel_loop3A_447 : i32
      %parallel_loop3A_449 = arith.index_cast %parallel_loop3A_448 : i32 to index
      %parallel_loop3A_450 = tpu.vector_load %arg8[%parallel_loop3A_449] {strides = array<i32>} : memref<8192xi32, #tpu.memory_space<vmem>>, vector<16xi32>,
      %parallel_loop3A_451 = arith.index_cast %parallel_loop3A_448 : i32 to index
      %parallel_loop3A_452 = tpu.vector_load %arg9[%parallel_loop3A_451] {strides = array<i32>} : memref<8192xi32, #tpu.memory_space<vmem>>, vector<16xi32>,
      %parallel_loop3A_453 = arith.index_cast %parallel_loop3A_448 : i32 to index
      %parallel_loop3A_454 = tpu.vector_load %arg10[%parallel_loop3A_453] {strides = array<i32>} : memref<8192xf32, #tpu.memory_space<vmem>>, vector<16xf32>,
      %parallel_loop3A_455 = vector.broadcast %mul3A_6 : i32 to vector<16xi32>
      %parallel_loop3A_456 = arith.subi %parallel_loop3A_450, %parallel_loop3A_455 : vector<16xi32>
      %parallel_loop3A_457 = vector.bitcast %parallel_loop3A_456 : vector<16xi32> to vector<16xi32>
      %parallel_loop3A_458 = arith.constant 32 : i32
      %parallel_loop3A_459 = vector.broadcast %parallel_loop3A_458 : i32 to vector<16xi32>
      %parallel_loop3A_460 = arith.cmpi ult, %parallel_loop3A_457, %parallel_loop3A_459 : vector<16xi32>
      %parallel_loop3A_461 = arith.constant 2048 : i32
      %parallel_loop3A_462 = vector.broadcast %parallel_loop3A_461 : i32 to vector<16xi32>
      %parallel_loop3A_463 = arith.muli %parallel_loop3A_456, %parallel_loop3A_462 : vector<16xi32>
      %parallel_loop3A_464 = arith.addi %parallel_loop3A_463, %parallel_loop3A_452 : vector<16xi32>
      tpu.vector_store_idx %arg7[%parallel_loop3A_464], %parallel_loop3A_454 masked %parallel_loop3A_460 {add = true} : memref<65536xf32, #tpu.memory_space<vmem>>[vector<16xi32>], vector<16xf32>, vector<16xi1>
    } {sc.loop_unroll_factor = 16 : i64, sc.parallel_access}
    %dma_wait3A_205 = arith.constant 57344 : i32
    %dma_wait3A_206 = tpu.memref_slice %arg2[%dma_wait3A_205] : memref<65536xi32, #tpu.memory_space<hbm>> -> memref<8192xi32, #tpu.memory_space<hbm>>
    %dma_wait3A_207 = arith.constant 57344 : i32
    %dma_wait3A_208 = tpu.memref_slice %arg2[%dma_wait3A_207] : memref<65536xi32, #tpu.memory_space<hbm>> -> memref<8192xi32, #tpu.memory_space<hbm>>
    tpu.wait_dma2 semaphore(%arg15 : memref<!tpu.dma_semaphore, #tpu.memory_space<semaphore_mem>>) src(%dma_wait3A_208 : memref<8192xi32, #tpu.memory_space<hbm>>) dst(%arg11 : memref<8192xi32, #tpu.memory_space<vmem>>)
    %dma_wait3A_209 = arith.constant 57344 : i32
    %dma_wait3A_210 = tpu.memref_slice %arg3[%dma_wait3A_209] : memref<65536xi32, #tpu.memory_space<hbm>> -> memref<8192xi32, #tpu.memory_space<hbm>>
    %dma_wait3A_211 = arith.constant 57344 : i32
    %dma_wait3A_212 = tpu.memref_slice %arg3[%dma_wait3A_211] : memref<65536xi32, #tpu.memory_space<hbm>> -> memref<8192xi32, #tpu.memory_space<hbm>>
    tpu.wait_dma2 semaphore(%arg15 : memref<!tpu.dma_semaphore, #tpu.memory_space<semaphore_mem>>) src(%dma_wait3A_212 : memref<8192xi32, #tpu.memory_space<hbm>>) dst(%arg12 : memref<8192xi32, #tpu.memory_space<vmem>>)
    %dma_wait3A_213 = arith.constant 57344 : i32
    %dma_wait3A_214 = tpu.memref_slice %arg4[%dma_wait3A_213] : memref<65536xf32, #tpu.memory_space<hbm>> -> memref<8192xf32, #tpu.memory_space<hbm>>
    %dma_wait3A_215 = arith.constant 57344 : i32
    %dma_wait3A_216 = tpu.memref_slice %arg4[%dma_wait3A_215] : memref<65536xf32, #tpu.memory_space<hbm>> -> memref<8192xf32, #tpu.memory_space<hbm>>
    tpu.wait_dma2 semaphore(%arg15 : memref<!tpu.dma_semaphore, #tpu.memory_space<semaphore_mem>>) src(%dma_wait3A_216 : memref<8192xf32, #tpu.memory_space<hbm>>) dst(%arg13 : memref<8192xf32, #tpu.memory_space<vmem>>)
    %parallel_loop3A_217 = arith.constant 0 : i32
    %parallel_loop3A_218 = arith.constant 512 : i32
    %parallel_loop3A_219 = arith.constant 1 : i32
    scf.for %parallel_loop3A_446 = %parallel_loop3A_217 to %parallel_loop3A_218 step %parallel_loop3A_219  : i32 {
      %parallel_loop3A_447 = arith.constant 16 : i32
      %parallel_loop3A_448 = arith.muli %parallel_loop3A_446, %parallel_loop3A_447 : i32
      %parallel_loop3A_449 = arith.index_cast %parallel_loop3A_448 : i32 to index
      %parallel_loop3A_450 = tpu.vector_load %arg11[%parallel_loop3A_449] {strides = array<i32>} : memref<8192xi32, #tpu.memory_space<vmem>>, vector<16xi32>,
      %parallel_loop3A_451 = arith.index_cast %parallel_loop3A_448 : i32 to index
      %parallel_loop3A_452 = tpu.vector_load %arg12[%parallel_loop3A_451] {strides = array<i32>} : memref<8192xi32, #tpu.memory_space<vmem>>, vector<16xi32>,
      %parallel_loop3A_453 = arith.index_cast %parallel_loop3A_448 : i32 to index
      %parallel_loop3A_454 = tpu.vector_load %arg13[%parallel_loop3A_453] {strides = array<i32>} : memref<8192xf32, #tpu.memory_space<vmem>>, vector<16xf32>,
      %parallel_loop3A_455 = vector.broadcast %mul3A_6 : i32 to vector<16xi32>
      %parallel_loop3A_456 = arith.subi %parallel_loop3A_450, %parallel_loop3A_455 : vector<16xi32>
      %parallel_loop3A_457 = vector.bitcast %parallel_loop3A_456 : vector<16xi32> to vector<16xi32>
      %parallel_loop3A_458 = arith.constant 32 : i32
      %parallel_loop3A_459 = vector.broadcast %parallel_loop3A_458 : i32 to vector<16xi32>
      %parallel_loop3A_460 = arith.cmpi ult, %parallel_loop3A_457, %parallel_loop3A_459 : vector<16xi32>
      %parallel_loop3A_461 = arith.constant 2048 : i32
      %parallel_loop3A_462 = vector.broadcast %parallel_loop3A_461 : i32 to vector<16xi32>
      %parallel_loop3A_463 = arith.muli %parallel_loop3A_456, %parallel_loop3A_462 : vector<16xi32>
      %parallel_loop3A_464 = arith.addi %parallel_loop3A_463, %parallel_loop3A_452 : vector<16xi32>
      tpu.vector_store_idx %arg7[%parallel_loop3A_464], %parallel_loop3A_454 masked %parallel_loop3A_460 {add = true} : memref<65536xf32, #tpu.memory_space<vmem>>[vector<16xi32>], vector<16xf32>, vector<16xi1>
    } {sc.loop_unroll_factor = 16 : i64, sc.parallel_access}
    %mul3A_220 = arith.constant 2048 : i32
    %mul3A_221 = arith.muli %mul3A_6, %mul3A_220 : i32
    "tpu.region"() ({
      %run_scoped3A = tpu.sem_alloc : memref<!tpu.dma_semaphore, #tpu.memory_space<semaphore_mem>>
      %dma_start3A_446 = tpu.memref_slice %arg6[%mul3A_221] : memref<4194304xf32, #tpu.memory_space<hbm>> -> memref<65536xf32, #tpu.memory_space<hbm>>
      %dma_start3A_447 = tpu.memref_slice %arg6[%mul3A_221] : memref<4194304xf32, #tpu.memory_space<hbm>> -> memref<65536xf32, #tpu.memory_space<hbm>>
      tpu.enqueue_dma source(%arg7 : memref<65536xf32, #tpu.memory_space<vmem>>) target(%dma_start3A_447 : memref<65536xf32, #tpu.memory_space<hbm>>) target_semaphore(%run_scoped3A : memref<!tpu.dma_semaphore, #tpu.memory_space<semaphore_mem>>)
      %dma_wait3A_448 = tpu.memref_slice %arg6[%mul3A_221] : memref<4194304xf32, #tpu.memory_space<hbm>> -> memref<65536xf32, #tpu.memory_space<hbm>>
      %dma_wait3A_449 = tpu.memref_slice %arg6[%mul3A_221] : memref<4194304xf32, #tpu.memory_space<hbm>> -> memref<65536xf32, #tpu.memory_space<hbm>>
      tpu.wait_dma2 semaphore(%run_scoped3A : memref<!tpu.dma_semaphore, #tpu.memory_space<semaphore_mem>>) src(%arg7 : memref<65536xf32, #tpu.memory_space<vmem>>) dst(%dma_wait3A_449 : memref<65536xf32, #tpu.memory_space<hbm>>)
      tpu.yield
    }) : () -> ()
    %mul3A_222 = arith.constant 2 : i32
    %mul3A_223 = arith.muli %add3A, %mul3A_222 : i32
    %add3A_224 = arith.constant 1 : i32
    %add3A_225 = arith.addi %mul3A_223, %add3A_224 : i32
    %mul3A_226 = arith.constant 32 : i32
    %mul3A_227 = arith.muli %add3A_225, %mul3A_226 : i32
    "tpu.region"() ({
      %run_scoped3A = tpu.sem_alloc : memref<!tpu.dma_semaphore, #tpu.memory_space<semaphore_mem>>
      tpu.enqueue_dma source(%arg5 : memref<65536xf32, #tpu.memory_space<hbm>>) target(%arg7 : memref<65536xf32, #tpu.memory_space<vmem>>) target_semaphore(%run_scoped3A : memref<!tpu.dma_semaphore, #tpu.memory_space<semaphore_mem>>)
      tpu.wait_dma2 semaphore(%run_scoped3A : memref<!tpu.dma_semaphore, #tpu.memory_space<semaphore_mem>>) src(%arg5 : memref<65536xf32, #tpu.memory_space<hbm>>) dst(%arg7 : memref<65536xf32, #tpu.memory_space<vmem>>)
      tpu.yield
    }) : () -> ()
    %dma_start3A_228 = arith.constant 0 : i32
    %dma_start3A_229 = tpu.memref_slice %arg2[%dma_start3A_228] : memref<65536xi32, #tpu.memory_space<hbm>> -> memref<8192xi32, #tpu.memory_space<hbm>>
    %dma_start3A_230 = arith.constant 0 : i32
    %dma_start3A_231 = tpu.memref_slice %arg2[%dma_start3A_230] : memref<65536xi32, #tpu.memory_space<hbm>> -> memref<8192xi32, #tpu.memory_space<hbm>>
    tpu.enqueue_dma source(%dma_start3A_231 : memref<8192xi32, #tpu.memory_space<hbm>>) target(%arg8 : memref<8192xi32, #tpu.memory_space<vmem>>) target_semaphore(%arg14 : memref<!tpu.dma_semaphore, #tpu.memory_space<semaphore_mem>>)
    %dma_start3A_232 = arith.constant 0 : i32
    %dma_start3A_233 = tpu.memref_slice %arg3[%dma_start3A_232] : memref<65536xi32, #tpu.memory_space<hbm>> -> memref<8192xi32, #tpu.memory_space<hbm>>
    %dma_start3A_234 = arith.constant 0 : i32
    %dma_start3A_235 = tpu.memref_slice %arg3[%dma_start3A_234] : memref<65536xi32, #tpu.memory_space<hbm>> -> memref<8192xi32, #tpu.memory_space<hbm>>
    tpu.enqueue_dma source(%dma_start3A_235 : memref<8192xi32, #tpu.memory_space<hbm>>) target(%arg9 : memref<8192xi32, #tpu.memory_space<vmem>>) target_semaphore(%arg14 : memref<!tpu.dma_semaphore, #tpu.memory_space<semaphore_mem>>)
    %dma_start3A_236 = arith.constant 0 : i32
    %dma_start3A_237 = tpu.memref_slice %arg4[%dma_start3A_236] : memref<65536xf32, #tpu.memory_space<hbm>> -> memref<8192xf32, #tpu.memory_space<hbm>>
    %dma_start3A_238 = arith.constant 0 : i32
    %dma_start3A_239 = tpu.memref_slice %arg4[%dma_start3A_238] : memref<65536xf32, #tpu.memory_space<hbm>> -> memref<8192xf32, #tpu.memory_space<hbm>>
    tpu.enqueue_dma source(%dma_start3A_239 : memref<8192xf32, #tpu.memory_space<hbm>>) target(%arg10 : memref<8192xf32, #tpu.memory_space<vmem>>) target_semaphore(%arg14 : memref<!tpu.dma_semaphore, #tpu.memory_space<semaphore_mem>>)
    %dma_start3A_240 = arith.constant 8192 : i32
    %dma_start3A_241 = tpu.memref_slice %arg2[%dma_start3A_240] : memref<65536xi32, #tpu.memory_space<hbm>> -> memref<8192xi32, #tpu.memory_space<hbm>>
    %dma_start3A_242 = arith.constant 8192 : i32
    %dma_start3A_243 = tpu.memref_slice %arg2[%dma_start3A_242] : memref<65536xi32, #tpu.memory_space<hbm>> -> memref<8192xi32, #tpu.memory_space<hbm>>
    tpu.enqueue_dma source(%dma_start3A_243 : memref<8192xi32, #tpu.memory_space<hbm>>) target(%arg11 : memref<8192xi32, #tpu.memory_space<vmem>>) target_semaphore(%arg15 : memref<!tpu.dma_semaphore, #tpu.memory_space<semaphore_mem>>)
    %dma_start3A_244 = arith.constant 8192 : i32
    %dma_start3A_245 = tpu.memref_slice %arg3[%dma_start3A_244] : memref<65536xi32, #tpu.memory_space<hbm>> -> memref<8192xi32, #tpu.memory_space<hbm>>
    %dma_start3A_246 = arith.constant 8192 : i32
    %dma_start3A_247 = tpu.memref_slice %arg3[%dma_start3A_246] : memref<65536xi32, #tpu.memory_space<hbm>> -> memref<8192xi32, #tpu.memory_space<hbm>>
    tpu.enqueue_dma source(%dma_start3A_247 : memref<8192xi32, #tpu.memory_space<hbm>>) target(%arg12 : memref<8192xi32, #tpu.memory_space<vmem>>) target_semaphore(%arg15 : memref<!tpu.dma_semaphore, #tpu.memory_space<semaphore_mem>>)
    %dma_start3A_248 = arith.constant 8192 : i32
    %dma_start3A_249 = tpu.memref_slice %arg4[%dma_start3A_248] : memref<65536xf32, #tpu.memory_space<hbm>> -> memref<8192xf32, #tpu.memory_space<hbm>>
    %dma_start3A_250 = arith.constant 8192 : i32
    %dma_start3A_251 = tpu.memref_slice %arg4[%dma_start3A_250] : memref<65536xf32, #tpu.memory_space<hbm>> -> memref<8192xf32, #tpu.memory_space<hbm>>
    tpu.enqueue_dma source(%dma_start3A_251 : memref<8192xf32, #tpu.memory_space<hbm>>) target(%arg13 : memref<8192xf32, #tpu.memory_space<vmem>>) target_semaphore(%arg15 : memref<!tpu.dma_semaphore, #tpu.memory_space<semaphore_mem>>)
    %dma_wait3A_252 = arith.constant 0 : i32
    %dma_wait3A_253 = tpu.memref_slice %arg2[%dma_wait3A_252] : memref<65536xi32, #tpu.memory_space<hbm>> -> memref<8192xi32, #tpu.memory_space<hbm>>
    %dma_wait3A_254 = arith.constant 0 : i32
    %dma_wait3A_255 = tpu.memref_slice %arg2[%dma_wait3A_254] : memref<65536xi32, #tpu.memory_space<hbm>> -> memref<8192xi32, #tpu.memory_space<hbm>>
    tpu.wait_dma2 semaphore(%arg14 : memref<!tpu.dma_semaphore, #tpu.memory_space<semaphore_mem>>) src(%dma_wait3A_255 : memref<8192xi32, #tpu.memory_space<hbm>>) dst(%arg8 : memref<8192xi32, #tpu.memory_space<vmem>>)
    %dma_wait3A_256 = arith.constant 0 : i32
    %dma_wait3A_257 = tpu.memref_slice %arg3[%dma_wait3A_256] : memref<65536xi32, #tpu.memory_space<hbm>> -> memref<8192xi32, #tpu.memory_space<hbm>>
    %dma_wait3A_258 = arith.constant 0 : i32
    %dma_wait3A_259 = tpu.memref_slice %arg3[%dma_wait3A_258] : memref<65536xi32, #tpu.memory_space<hbm>> -> memref<8192xi32, #tpu.memory_space<hbm>>
    tpu.wait_dma2 semaphore(%arg14 : memref<!tpu.dma_semaphore, #tpu.memory_space<semaphore_mem>>) src(%dma_wait3A_259 : memref<8192xi32, #tpu.memory_space<hbm>>) dst(%arg9 : memref<8192xi32, #tpu.memory_space<vmem>>)
    %dma_wait3A_260 = arith.constant 0 : i32
    %dma_wait3A_261 = tpu.memref_slice %arg4[%dma_wait3A_260] : memref<65536xf32, #tpu.memory_space<hbm>> -> memref<8192xf32, #tpu.memory_space<hbm>>
    %dma_wait3A_262 = arith.constant 0 : i32
    %dma_wait3A_263 = tpu.memref_slice %arg4[%dma_wait3A_262] : memref<65536xf32, #tpu.memory_space<hbm>> -> memref<8192xf32, #tpu.memory_space<hbm>>
    tpu.wait_dma2 semaphore(%arg14 : memref<!tpu.dma_semaphore, #tpu.memory_space<semaphore_mem>>) src(%dma_wait3A_263 : memref<8192xf32, #tpu.memory_space<hbm>>) dst(%arg10 : memref<8192xf32, #tpu.memory_space<vmem>>)
    %parallel_loop3A_264 = arith.constant 0 : i32
    %parallel_loop3A_265 = arith.constant 512 : i32
    %parallel_loop3A_266 = arith.constant 1 : i32
    scf.for %parallel_loop3A_446 = %parallel_loop3A_264 to %parallel_loop3A_265 step %parallel_loop3A_266  : i32 {
      %parallel_loop3A_447 = arith.constant 16 : i32
      %parallel_loop3A_448 = arith.muli %parallel_loop3A_446, %parallel_loop3A_447 : i32
      %parallel_loop3A_449 = arith.index_cast %parallel_loop3A_448 : i32 to index
      %parallel_loop3A_450 = tpu.vector_load %arg8[%parallel_loop3A_449] {strides = array<i32>} : memref<8192xi32, #tpu.memory_space<vmem>>, vector<16xi32>,
      %parallel_loop3A_451 = arith.index_cast %parallel_loop3A_448 : i32 to index
      %parallel_loop3A_452 = tpu.vector_load %arg9[%parallel_loop3A_451] {strides = array<i32>} : memref<8192xi32, #tpu.memory_space<vmem>>, vector<16xi32>,
      %parallel_loop3A_453 = arith.index_cast %parallel_loop3A_448 : i32 to index
      %parallel_loop3A_454 = tpu.vector_load %arg10[%parallel_loop3A_453] {strides = array<i32>} : memref<8192xf32, #tpu.memory_space<vmem>>, vector<16xf32>,
      %parallel_loop3A_455 = vector.broadcast %mul3A_227 : i32 to vector<16xi32>
      %parallel_loop3A_456 = arith.subi %parallel_loop3A_450, %parallel_loop3A_455 : vector<16xi32>
      %parallel_loop3A_457 = vector.bitcast %parallel_loop3A_456 : vector<16xi32> to vector<16xi32>
      %parallel_loop3A_458 = arith.constant 32 : i32
      %parallel_loop3A_459 = vector.broadcast %parallel_loop3A_458 : i32 to vector<16xi32>
      %parallel_loop3A_460 = arith.cmpi ult, %parallel_loop3A_457, %parallel_loop3A_459 : vector<16xi32>
      %parallel_loop3A_461 = arith.constant 2048 : i32
      %parallel_loop3A_462 = vector.broadcast %parallel_loop3A_461 : i32 to vector<16xi32>
      %parallel_loop3A_463 = arith.muli %parallel_loop3A_456, %parallel_loop3A_462 : vector<16xi32>
      %parallel_loop3A_464 = arith.addi %parallel_loop3A_463, %parallel_loop3A_452 : vector<16xi32>
      tpu.vector_store_idx %arg7[%parallel_loop3A_464], %parallel_loop3A_454 masked %parallel_loop3A_460 {add = true} : memref<65536xf32, #tpu.memory_space<vmem>>[vector<16xi32>], vector<16xf32>, vector<16xi1>
    } {sc.loop_unroll_factor = 16 : i64, sc.parallel_access}
    %dma_start3A_267 = arith.constant 16384 : i32
    %dma_start3A_268 = tpu.memref_slice %arg2[%dma_start3A_267] : memref<65536xi32, #tpu.memory_space<hbm>> -> memref<8192xi32, #tpu.memory_space<hbm>>
    %dma_start3A_269 = arith.constant 16384 : i32
    %dma_start3A_270 = tpu.memref_slice %arg2[%dma_start3A_269] : memref<65536xi32, #tpu.memory_space<hbm>> -> memref<8192xi32, #tpu.memory_space<hbm>>
    tpu.enqueue_dma source(%dma_start3A_270 : memref<8192xi32, #tpu.memory_space<hbm>>) target(%arg8 : memref<8192xi32, #tpu.memory_space<vmem>>) target_semaphore(%arg14 : memref<!tpu.dma_semaphore, #tpu.memory_space<semaphore_mem>>)
    %dma_start3A_271 = arith.constant 16384 : i32
    %dma_start3A_272 = tpu.memref_slice %arg3[%dma_start3A_271] : memref<65536xi32, #tpu.memory_space<hbm>> -> memref<8192xi32, #tpu.memory_space<hbm>>
    %dma_start3A_273 = arith.constant 16384 : i32
    %dma_start3A_274 = tpu.memref_slice %arg3[%dma_start3A_273] : memref<65536xi32, #tpu.memory_space<hbm>> -> memref<8192xi32, #tpu.memory_space<hbm>>
    tpu.enqueue_dma source(%dma_start3A_274 : memref<8192xi32, #tpu.memory_space<hbm>>) target(%arg9 : memref<8192xi32, #tpu.memory_space<vmem>>) target_semaphore(%arg14 : memref<!tpu.dma_semaphore, #tpu.memory_space<semaphore_mem>>)
    %dma_start3A_275 = arith.constant 16384 : i32
    %dma_start3A_276 = tpu.memref_slice %arg4[%dma_start3A_275] : memref<65536xf32, #tpu.memory_space<hbm>> -> memref<8192xf32, #tpu.memory_space<hbm>>
    %dma_start3A_277 = arith.constant 16384 : i32
    %dma_start3A_278 = tpu.memref_slice %arg4[%dma_start3A_277] : memref<65536xf32, #tpu.memory_space<hbm>> -> memref<8192xf32, #tpu.memory_space<hbm>>
    tpu.enqueue_dma source(%dma_start3A_278 : memref<8192xf32, #tpu.memory_space<hbm>>) target(%arg10 : memref<8192xf32, #tpu.memory_space<vmem>>) target_semaphore(%arg14 : memref<!tpu.dma_semaphore, #tpu.memory_space<semaphore_mem>>)
    %dma_wait3A_279 = arith.constant 8192 : i32
    %dma_wait3A_280 = tpu.memref_slice %arg2[%dma_wait3A_279] : memref<65536xi32, #tpu.memory_space<hbm>> -> memref<8192xi32, #tpu.memory_space<hbm>>
    %dma_wait3A_281 = arith.constant 8192 : i32
    %dma_wait3A_282 = tpu.memref_slice %arg2[%dma_wait3A_281] : memref<65536xi32, #tpu.memory_space<hbm>> -> memref<8192xi32, #tpu.memory_space<hbm>>
    tpu.wait_dma2 semaphore(%arg15 : memref<!tpu.dma_semaphore, #tpu.memory_space<semaphore_mem>>) src(%dma_wait3A_282 : memref<8192xi32, #tpu.memory_space<hbm>>) dst(%arg11 : memref<8192xi32, #tpu.memory_space<vmem>>)
    %dma_wait3A_283 = arith.constant 8192 : i32
    %dma_wait3A_284 = tpu.memref_slice %arg3[%dma_wait3A_283] : memref<65536xi32, #tpu.memory_space<hbm>> -> memref<8192xi32, #tpu.memory_space<hbm>>
    %dma_wait3A_285 = arith.constant 8192 : i32
    %dma_wait3A_286 = tpu.memref_slice %arg3[%dma_wait3A_285] : memref<65536xi32, #tpu.memory_space<hbm>> -> memref<8192xi32, #tpu.memory_space<hbm>>
    tpu.wait_dma2 semaphore(%arg15 : memref<!tpu.dma_semaphore, #tpu.memory_space<semaphore_mem>>) src(%dma_wait3A_286 : memref<8192xi32, #tpu.memory_space<hbm>>) dst(%arg12 : memref<8192xi32, #tpu.memory_space<vmem>>)
    %dma_wait3A_287 = arith.constant 8192 : i32
    %dma_wait3A_288 = tpu.memref_slice %arg4[%dma_wait3A_287] : memref<65536xf32, #tpu.memory_space<hbm>> -> memref<8192xf32, #tpu.memory_space<hbm>>
    %dma_wait3A_289 = arith.constant 8192 : i32
    %dma_wait3A_290 = tpu.memref_slice %arg4[%dma_wait3A_289] : memref<65536xf32, #tpu.memory_space<hbm>> -> memref<8192xf32, #tpu.memory_space<hbm>>
    tpu.wait_dma2 semaphore(%arg15 : memref<!tpu.dma_semaphore, #tpu.memory_space<semaphore_mem>>) src(%dma_wait3A_290 : memref<8192xf32, #tpu.memory_space<hbm>>) dst(%arg13 : memref<8192xf32, #tpu.memory_space<vmem>>)
    %parallel_loop3A_291 = arith.constant 0 : i32
    %parallel_loop3A_292 = arith.constant 512 : i32
    %parallel_loop3A_293 = arith.constant 1 : i32
    scf.for %parallel_loop3A_446 = %parallel_loop3A_291 to %parallel_loop3A_292 step %parallel_loop3A_293  : i32 {
      %parallel_loop3A_447 = arith.constant 16 : i32
      %parallel_loop3A_448 = arith.muli %parallel_loop3A_446, %parallel_loop3A_447 : i32
      %parallel_loop3A_449 = arith.index_cast %parallel_loop3A_448 : i32 to index
      %parallel_loop3A_450 = tpu.vector_load %arg11[%parallel_loop3A_449] {strides = array<i32>} : memref<8192xi32, #tpu.memory_space<vmem>>, vector<16xi32>,
      %parallel_loop3A_451 = arith.index_cast %parallel_loop3A_448 : i32 to index
      %parallel_loop3A_452 = tpu.vector_load %arg12[%parallel_loop3A_451] {strides = array<i32>} : memref<8192xi32, #tpu.memory_space<vmem>>, vector<16xi32>,
      %parallel_loop3A_453 = arith.index_cast %parallel_loop3A_448 : i32 to index
      %parallel_loop3A_454 = tpu.vector_load %arg13[%parallel_loop3A_453] {strides = array<i32>} : memref<8192xf32, #tpu.memory_space<vmem>>, vector<16xf32>,
      %parallel_loop3A_455 = vector.broadcast %mul3A_227 : i32 to vector<16xi32>
      %parallel_loop3A_456 = arith.subi %parallel_loop3A_450, %parallel_loop3A_455 : vector<16xi32>
      %parallel_loop3A_457 = vector.bitcast %parallel_loop3A_456 : vector<16xi32> to vector<16xi32>
      %parallel_loop3A_458 = arith.constant 32 : i32
      %parallel_loop3A_459 = vector.broadcast %parallel_loop3A_458 : i32 to vector<16xi32>
      %parallel_loop3A_460 = arith.cmpi ult, %parallel_loop3A_457, %parallel_loop3A_459 : vector<16xi32>
      %parallel_loop3A_461 = arith.constant 2048 : i32
      %parallel_loop3A_462 = vector.broadcast %parallel_loop3A_461 : i32 to vector<16xi32>
      %parallel_loop3A_463 = arith.muli %parallel_loop3A_456, %parallel_loop3A_462 : vector<16xi32>
      %parallel_loop3A_464 = arith.addi %parallel_loop3A_463, %parallel_loop3A_452 : vector<16xi32>
      tpu.vector_store_idx %arg7[%parallel_loop3A_464], %parallel_loop3A_454 masked %parallel_loop3A_460 {add = true} : memref<65536xf32, #tpu.memory_space<vmem>>[vector<16xi32>], vector<16xf32>, vector<16xi1>
    } {sc.loop_unroll_factor = 16 : i64, sc.parallel_access}
    %dma_start3A_294 = arith.constant 24576 : i32
    %dma_start3A_295 = tpu.memref_slice %arg2[%dma_start3A_294] : memref<65536xi32, #tpu.memory_space<hbm>> -> memref<8192xi32, #tpu.memory_space<hbm>>
    %dma_start3A_296 = arith.constant 24576 : i32
    %dma_start3A_297 = tpu.memref_slice %arg2[%dma_start3A_296] : memref<65536xi32, #tpu.memory_space<hbm>> -> memref<8192xi32, #tpu.memory_space<hbm>>
    tpu.enqueue_dma source(%dma_start3A_297 : memref<8192xi32, #tpu.memory_space<hbm>>) target(%arg11 : memref<8192xi32, #tpu.memory_space<vmem>>) target_semaphore(%arg15 : memref<!tpu.dma_semaphore, #tpu.memory_space<semaphore_mem>>)
    %dma_start3A_298 = arith.constant 24576 : i32
    %dma_start3A_299 = tpu.memref_slice %arg3[%dma_start3A_298] : memref<65536xi32, #tpu.memory_space<hbm>> -> memref<8192xi32, #tpu.memory_space<hbm>>
    %dma_start3A_300 = arith.constant 24576 : i32
    %dma_start3A_301 = tpu.memref_slice %arg3[%dma_start3A_300] : memref<65536xi32, #tpu.memory_space<hbm>> -> memref<8192xi32, #tpu.memory_space<hbm>>
    tpu.enqueue_dma source(%dma_start3A_301 : memref<8192xi32, #tpu.memory_space<hbm>>) target(%arg12 : memref<8192xi32, #tpu.memory_space<vmem>>) target_semaphore(%arg15 : memref<!tpu.dma_semaphore, #tpu.memory_space<semaphore_mem>>)
    %dma_start3A_302 = arith.constant 24576 : i32
    %dma_start3A_303 = tpu.memref_slice %arg4[%dma_start3A_302] : memref<65536xf32, #tpu.memory_space<hbm>> -> memref<8192xf32, #tpu.memory_space<hbm>>
    %dma_start3A_304 = arith.constant 24576 : i32
    %dma_start3A_305 = tpu.memref_slice %arg4[%dma_start3A_304] : memref<65536xf32, #tpu.memory_space<hbm>> -> memref<8192xf32, #tpu.memory_space<hbm>>
    tpu.enqueue_dma source(%dma_start3A_305 : memref<8192xf32, #tpu.memory_space<hbm>>) target(%arg13 : memref<8192xf32, #tpu.memory_space<vmem>>) target_semaphore(%arg15 : memref<!tpu.dma_semaphore, #tpu.memory_space<semaphore_mem>>)
    %dma_wait3A_306 = arith.constant 16384 : i32
    %dma_wait3A_307 = tpu.memref_slice %arg2[%dma_wait3A_306] : memref<65536xi32, #tpu.memory_space<hbm>> -> memref<8192xi32, #tpu.memory_space<hbm>>
    %dma_wait3A_308 = arith.constant 16384 : i32
    %dma_wait3A_309 = tpu.memref_slice %arg2[%dma_wait3A_308] : memref<65536xi32, #tpu.memory_space<hbm>> -> memref<8192xi32, #tpu.memory_space<hbm>>
    tpu.wait_dma2 semaphore(%arg14 : memref<!tpu.dma_semaphore, #tpu.memory_space<semaphore_mem>>) src(%dma_wait3A_309 : memref<8192xi32, #tpu.memory_space<hbm>>) dst(%arg8 : memref<8192xi32, #tpu.memory_space<vmem>>)
    %dma_wait3A_310 = arith.constant 16384 : i32
    %dma_wait3A_311 = tpu.memref_slice %arg3[%dma_wait3A_310] : memref<65536xi32, #tpu.memory_space<hbm>> -> memref<8192xi32, #tpu.memory_space<hbm>>
    %dma_wait3A_312 = arith.constant 16384 : i32
    %dma_wait3A_313 = tpu.memref_slice %arg3[%dma_wait3A_312] : memref<65536xi32, #tpu.memory_space<hbm>> -> memref<8192xi32, #tpu.memory_space<hbm>>
    tpu.wait_dma2 semaphore(%arg14 : memref<!tpu.dma_semaphore, #tpu.memory_space<semaphore_mem>>) src(%dma_wait3A_313 : memref<8192xi32, #tpu.memory_space<hbm>>) dst(%arg9 : memref<8192xi32, #tpu.memory_space<vmem>>)
    %dma_wait3A_314 = arith.constant 16384 : i32
    %dma_wait3A_315 = tpu.memref_slice %arg4[%dma_wait3A_314] : memref<65536xf32, #tpu.memory_space<hbm>> -> memref<8192xf32, #tpu.memory_space<hbm>>
    %dma_wait3A_316 = arith.constant 16384 : i32
    %dma_wait3A_317 = tpu.memref_slice %arg4[%dma_wait3A_316] : memref<65536xf32, #tpu.memory_space<hbm>> -> memref<8192xf32, #tpu.memory_space<hbm>>
    tpu.wait_dma2 semaphore(%arg14 : memref<!tpu.dma_semaphore, #tpu.memory_space<semaphore_mem>>) src(%dma_wait3A_317 : memref<8192xf32, #tpu.memory_space<hbm>>) dst(%arg10 : memref<8192xf32, #tpu.memory_space<vmem>>)
    %parallel_loop3A_318 = arith.constant 0 : i32
    %parallel_loop3A_319 = arith.constant 512 : i32
    %parallel_loop3A_320 = arith.constant 1 : i32
    scf.for %parallel_loop3A_446 = %parallel_loop3A_318 to %parallel_loop3A_319 step %parallel_loop3A_320  : i32 {
      %parallel_loop3A_447 = arith.constant 16 : i32
      %parallel_loop3A_448 = arith.muli %parallel_loop3A_446, %parallel_loop3A_447 : i32
      %parallel_loop3A_449 = arith.index_cast %parallel_loop3A_448 : i32 to index
      %parallel_loop3A_450 = tpu.vector_load %arg8[%parallel_loop3A_449] {strides = array<i32>} : memref<8192xi32, #tpu.memory_space<vmem>>, vector<16xi32>,
      %parallel_loop3A_451 = arith.index_cast %parallel_loop3A_448 : i32 to index
      %parallel_loop3A_452 = tpu.vector_load %arg9[%parallel_loop3A_451] {strides = array<i32>} : memref<8192xi32, #tpu.memory_space<vmem>>, vector<16xi32>,
      %parallel_loop3A_453 = arith.index_cast %parallel_loop3A_448 : i32 to index
      %parallel_loop3A_454 = tpu.vector_load %arg10[%parallel_loop3A_453] {strides = array<i32>} : memref<8192xf32, #tpu.memory_space<vmem>>, vector<16xf32>,
      %parallel_loop3A_455 = vector.broadcast %mul3A_227 : i32 to vector<16xi32>
      %parallel_loop3A_456 = arith.subi %parallel_loop3A_450, %parallel_loop3A_455 : vector<16xi32>
      %parallel_loop3A_457 = vector.bitcast %parallel_loop3A_456 : vector<16xi32> to vector<16xi32>
      %parallel_loop3A_458 = arith.constant 32 : i32
      %parallel_loop3A_459 = vector.broadcast %parallel_loop3A_458 : i32 to vector<16xi32>
      %parallel_loop3A_460 = arith.cmpi ult, %parallel_loop3A_457, %parallel_loop3A_459 : vector<16xi32>
      %parallel_loop3A_461 = arith.constant 2048 : i32
      %parallel_loop3A_462 = vector.broadcast %parallel_loop3A_461 : i32 to vector<16xi32>
      %parallel_loop3A_463 = arith.muli %parallel_loop3A_456, %parallel_loop3A_462 : vector<16xi32>
      %parallel_loop3A_464 = arith.addi %parallel_loop3A_463, %parallel_loop3A_452 : vector<16xi32>
      tpu.vector_store_idx %arg7[%parallel_loop3A_464], %parallel_loop3A_454 masked %parallel_loop3A_460 {add = true} : memref<65536xf32, #tpu.memory_space<vmem>>[vector<16xi32>], vector<16xf32>, vector<16xi1>
    } {sc.loop_unroll_factor = 16 : i64, sc.parallel_access}
    %dma_start3A_321 = arith.constant 32768 : i32
    %dma_start3A_322 = tpu.memref_slice %arg2[%dma_start3A_321] : memref<65536xi32, #tpu.memory_space<hbm>> -> memref<8192xi32, #tpu.memory_space<hbm>>
    %dma_start3A_323 = arith.constant 32768 : i32
    %dma_start3A_324 = tpu.memref_slice %arg2[%dma_start3A_323] : memref<65536xi32, #tpu.memory_space<hbm>> -> memref<8192xi32, #tpu.memory_space<hbm>>
    tpu.enqueue_dma source(%dma_start3A_324 : memref<8192xi32, #tpu.memory_space<hbm>>) target(%arg8 : memref<8192xi32, #tpu.memory_space<vmem>>) target_semaphore(%arg14 : memref<!tpu.dma_semaphore, #tpu.memory_space<semaphore_mem>>)
    %dma_start3A_325 = arith.constant 32768 : i32
    %dma_start3A_326 = tpu.memref_slice %arg3[%dma_start3A_325] : memref<65536xi32, #tpu.memory_space<hbm>> -> memref<8192xi32, #tpu.memory_space<hbm>>
    %dma_start3A_327 = arith.constant 32768 : i32
    %dma_start3A_328 = tpu.memref_slice %arg3[%dma_start3A_327] : memref<65536xi32, #tpu.memory_space<hbm>> -> memref<8192xi32, #tpu.memory_space<hbm>>
    tpu.enqueue_dma source(%dma_start3A_328 : memref<8192xi32, #tpu.memory_space<hbm>>) target(%arg9 : memref<8192xi32, #tpu.memory_space<vmem>>) target_semaphore(%arg14 : memref<!tpu.dma_semaphore, #tpu.memory_space<semaphore_mem>>)
    %dma_start3A_329 = arith.constant 32768 : i32
    %dma_start3A_330 = tpu.memref_slice %arg4[%dma_start3A_329] : memref<65536xf32, #tpu.memory_space<hbm>> -> memref<8192xf32, #tpu.memory_space<hbm>>
    %dma_start3A_331 = arith.constant 32768 : i32
    %dma_start3A_332 = tpu.memref_slice %arg4[%dma_start3A_331] : memref<65536xf32, #tpu.memory_space<hbm>> -> memref<8192xf32, #tpu.memory_space<hbm>>
    tpu.enqueue_dma source(%dma_start3A_332 : memref<8192xf32, #tpu.memory_space<hbm>>) target(%arg10 : memref<8192xf32, #tpu.memory_space<vmem>>) target_semaphore(%arg14 : memref<!tpu.dma_semaphore, #tpu.memory_space<semaphore_mem>>)
    %dma_wait3A_333 = arith.constant 24576 : i32
    %dma_wait3A_334 = tpu.memref_slice %arg2[%dma_wait3A_333] : memref<65536xi32, #tpu.memory_space<hbm>> -> memref<8192xi32, #tpu.memory_space<hbm>>
    %dma_wait3A_335 = arith.constant 24576 : i32
    %dma_wait3A_336 = tpu.memref_slice %arg2[%dma_wait3A_335] : memref<65536xi32, #tpu.memory_space<hbm>> -> memref<8192xi32, #tpu.memory_space<hbm>>
    tpu.wait_dma2 semaphore(%arg15 : memref<!tpu.dma_semaphore, #tpu.memory_space<semaphore_mem>>) src(%dma_wait3A_336 : memref<8192xi32, #tpu.memory_space<hbm>>) dst(%arg11 : memref<8192xi32, #tpu.memory_space<vmem>>)
    %dma_wait3A_337 = arith.constant 24576 : i32
    %dma_wait3A_338 = tpu.memref_slice %arg3[%dma_wait3A_337] : memref<65536xi32, #tpu.memory_space<hbm>> -> memref<8192xi32, #tpu.memory_space<hbm>>
    %dma_wait3A_339 = arith.constant 24576 : i32
    %dma_wait3A_340 = tpu.memref_slice %arg3[%dma_wait3A_339] : memref<65536xi32, #tpu.memory_space<hbm>> -> memref<8192xi32, #tpu.memory_space<hbm>>
    tpu.wait_dma2 semaphore(%arg15 : memref<!tpu.dma_semaphore, #tpu.memory_space<semaphore_mem>>) src(%dma_wait3A_340 : memref<8192xi32, #tpu.memory_space<hbm>>) dst(%arg12 : memref<8192xi32, #tpu.memory_space<vmem>>)
    %dma_wait3A_341 = arith.constant 24576 : i32
    %dma_wait3A_342 = tpu.memref_slice %arg4[%dma_wait3A_341] : memref<65536xf32, #tpu.memory_space<hbm>> -> memref<8192xf32, #tpu.memory_space<hbm>>
    %dma_wait3A_343 = arith.constant 24576 : i32
    %dma_wait3A_344 = tpu.memref_slice %arg4[%dma_wait3A_343] : memref<65536xf32, #tpu.memory_space<hbm>> -> memref<8192xf32, #tpu.memory_space<hbm>>
    tpu.wait_dma2 semaphore(%arg15 : memref<!tpu.dma_semaphore, #tpu.memory_space<semaphore_mem>>) src(%dma_wait3A_344 : memref<8192xf32, #tpu.memory_space<hbm>>) dst(%arg13 : memref<8192xf32, #tpu.memory_space<vmem>>)
    %parallel_loop3A_345 = arith.constant 0 : i32
    %parallel_loop3A_346 = arith.constant 512 : i32
    %parallel_loop3A_347 = arith.constant 1 : i32
    scf.for %parallel_loop3A_446 = %parallel_loop3A_345 to %parallel_loop3A_346 step %parallel_loop3A_347  : i32 {
      %parallel_loop3A_447 = arith.constant 16 : i32
      %parallel_loop3A_448 = arith.muli %parallel_loop3A_446, %parallel_loop3A_447 : i32
      %parallel_loop3A_449 = arith.index_cast %parallel_loop3A_448 : i32 to index
      %parallel_loop3A_450 = tpu.vector_load %arg11[%parallel_loop3A_449] {strides = array<i32>} : memref<8192xi32, #tpu.memory_space<vmem>>, vector<16xi32>,
      %parallel_loop3A_451 = arith.index_cast %parallel_loop3A_448 : i32 to index
      %parallel_loop3A_452 = tpu.vector_load %arg12[%parallel_loop3A_451] {strides = array<i32>} : memref<8192xi32, #tpu.memory_space<vmem>>, vector<16xi32>,
      %parallel_loop3A_453 = arith.index_cast %parallel_loop3A_448 : i32 to index
      %parallel_loop3A_454 = tpu.vector_load %arg13[%parallel_loop3A_453] {strides = array<i32>} : memref<8192xf32, #tpu.memory_space<vmem>>, vector<16xf32>,
      %parallel_loop3A_455 = vector.broadcast %mul3A_227 : i32 to vector<16xi32>
      %parallel_loop3A_456 = arith.subi %parallel_loop3A_450, %parallel_loop3A_455 : vector<16xi32>
      %parallel_loop3A_457 = vector.bitcast %parallel_loop3A_456 : vector<16xi32> to vector<16xi32>
      %parallel_loop3A_458 = arith.constant 32 : i32
      %parallel_loop3A_459 = vector.broadcast %parallel_loop3A_458 : i32 to vector<16xi32>
      %parallel_loop3A_460 = arith.cmpi ult, %parallel_loop3A_457, %parallel_loop3A_459 : vector<16xi32>
      %parallel_loop3A_461 = arith.constant 2048 : i32
      %parallel_loop3A_462 = vector.broadcast %parallel_loop3A_461 : i32 to vector<16xi32>
      %parallel_loop3A_463 = arith.muli %parallel_loop3A_456, %parallel_loop3A_462 : vector<16xi32>
      %parallel_loop3A_464 = arith.addi %parallel_loop3A_463, %parallel_loop3A_452 : vector<16xi32>
      tpu.vector_store_idx %arg7[%parallel_loop3A_464], %parallel_loop3A_454 masked %parallel_loop3A_460 {add = true} : memref<65536xf32, #tpu.memory_space<vmem>>[vector<16xi32>], vector<16xf32>, vector<16xi1>
    } {sc.loop_unroll_factor = 16 : i64, sc.parallel_access}
    %dma_start3A_348 = arith.constant 40960 : i32
    %dma_start3A_349 = tpu.memref_slice %arg2[%dma_start3A_348] : memref<65536xi32, #tpu.memory_space<hbm>> -> memref<8192xi32, #tpu.memory_space<hbm>>
    %dma_start3A_350 = arith.constant 40960 : i32
    %dma_start3A_351 = tpu.memref_slice %arg2[%dma_start3A_350] : memref<65536xi32, #tpu.memory_space<hbm>> -> memref<8192xi32, #tpu.memory_space<hbm>>
    tpu.enqueue_dma source(%dma_start3A_351 : memref<8192xi32, #tpu.memory_space<hbm>>) target(%arg11 : memref<8192xi32, #tpu.memory_space<vmem>>) target_semaphore(%arg15 : memref<!tpu.dma_semaphore, #tpu.memory_space<semaphore_mem>>)
    %dma_start3A_352 = arith.constant 40960 : i32
    %dma_start3A_353 = tpu.memref_slice %arg3[%dma_start3A_352] : memref<65536xi32, #tpu.memory_space<hbm>> -> memref<8192xi32, #tpu.memory_space<hbm>>
    %dma_start3A_354 = arith.constant 40960 : i32
    %dma_start3A_355 = tpu.memref_slice %arg3[%dma_start3A_354] : memref<65536xi32, #tpu.memory_space<hbm>> -> memref<8192xi32, #tpu.memory_space<hbm>>
    tpu.enqueue_dma source(%dma_start3A_355 : memref<8192xi32, #tpu.memory_space<hbm>>) target(%arg12 : memref<8192xi32, #tpu.memory_space<vmem>>) target_semaphore(%arg15 : memref<!tpu.dma_semaphore, #tpu.memory_space<semaphore_mem>>)
    %dma_start3A_356 = arith.constant 40960 : i32
    %dma_start3A_357 = tpu.memref_slice %arg4[%dma_start3A_356] : memref<65536xf32, #tpu.memory_space<hbm>> -> memref<8192xf32, #tpu.memory_space<hbm>>
    %dma_start3A_358 = arith.constant 40960 : i32
    %dma_start3A_359 = tpu.memref_slice %arg4[%dma_start3A_358] : memref<65536xf32, #tpu.memory_space<hbm>> -> memref<8192xf32, #tpu.memory_space<hbm>>
    tpu.enqueue_dma source(%dma_start3A_359 : memref<8192xf32, #tpu.memory_space<hbm>>) target(%arg13 : memref<8192xf32, #tpu.memory_space<vmem>>) target_semaphore(%arg15 : memref<!tpu.dma_semaphore, #tpu.memory_space<semaphore_mem>>)
    %dma_wait3A_360 = arith.constant 32768 : i32
    %dma_wait3A_361 = tpu.memref_slice %arg2[%dma_wait3A_360] : memref<65536xi32, #tpu.memory_space<hbm>> -> memref<8192xi32, #tpu.memory_space<hbm>>
    %dma_wait3A_362 = arith.constant 32768 : i32
    %dma_wait3A_363 = tpu.memref_slice %arg2[%dma_wait3A_362] : memref<65536xi32, #tpu.memory_space<hbm>> -> memref<8192xi32, #tpu.memory_space<hbm>>
    tpu.wait_dma2 semaphore(%arg14 : memref<!tpu.dma_semaphore, #tpu.memory_space<semaphore_mem>>) src(%dma_wait3A_363 : memref<8192xi32, #tpu.memory_space<hbm>>) dst(%arg8 : memref<8192xi32, #tpu.memory_space<vmem>>)
    %dma_wait3A_364 = arith.constant 32768 : i32
    %dma_wait3A_365 = tpu.memref_slice %arg3[%dma_wait3A_364] : memref<65536xi32, #tpu.memory_space<hbm>> -> memref<8192xi32, #tpu.memory_space<hbm>>
    %dma_wait3A_366 = arith.constant 32768 : i32
    %dma_wait3A_367 = tpu.memref_slice %arg3[%dma_wait3A_366] : memref<65536xi32, #tpu.memory_space<hbm>> -> memref<8192xi32, #tpu.memory_space<hbm>>
    tpu.wait_dma2 semaphore(%arg14 : memref<!tpu.dma_semaphore, #tpu.memory_space<semaphore_mem>>) src(%dma_wait3A_367 : memref<8192xi32, #tpu.memory_space<hbm>>) dst(%arg9 : memref<8192xi32, #tpu.memory_space<vmem>>)
    %dma_wait3A_368 = arith.constant 32768 : i32
    %dma_wait3A_369 = tpu.memref_slice %arg4[%dma_wait3A_368] : memref<65536xf32, #tpu.memory_space<hbm>> -> memref<8192xf32, #tpu.memory_space<hbm>>
    %dma_wait3A_370 = arith.constant 32768 : i32
    %dma_wait3A_371 = tpu.memref_slice %arg4[%dma_wait3A_370] : memref<65536xf32, #tpu.memory_space<hbm>> -> memref<8192xf32, #tpu.memory_space<hbm>>
    tpu.wait_dma2 semaphore(%arg14 : memref<!tpu.dma_semaphore, #tpu.memory_space<semaphore_mem>>) src(%dma_wait3A_371 : memref<8192xf32, #tpu.memory_space<hbm>>) dst(%arg10 : memref<8192xf32, #tpu.memory_space<vmem>>)
    %parallel_loop3A_372 = arith.constant 0 : i32
    %parallel_loop3A_373 = arith.constant 512 : i32
    %parallel_loop3A_374 = arith.constant 1 : i32
    scf.for %parallel_loop3A_446 = %parallel_loop3A_372 to %parallel_loop3A_373 step %parallel_loop3A_374  : i32 {
      %parallel_loop3A_447 = arith.constant 16 : i32
      %parallel_loop3A_448 = arith.muli %parallel_loop3A_446, %parallel_loop3A_447 : i32
      %parallel_loop3A_449 = arith.index_cast %parallel_loop3A_448 : i32 to index
      %parallel_loop3A_450 = tpu.vector_load %arg8[%parallel_loop3A_449] {strides = array<i32>} : memref<8192xi32, #tpu.memory_space<vmem>>, vector<16xi32>,
      %parallel_loop3A_451 = arith.index_cast %parallel_loop3A_448 : i32 to index
      %parallel_loop3A_452 = tpu.vector_load %arg9[%parallel_loop3A_451] {strides = array<i32>} : memref<8192xi32, #tpu.memory_space<vmem>>, vector<16xi32>,
      %parallel_loop3A_453 = arith.index_cast %parallel_loop3A_448 : i32 to index
      %parallel_loop3A_454 = tpu.vector_load %arg10[%parallel_loop3A_453] {strides = array<i32>} : memref<8192xf32, #tpu.memory_space<vmem>>, vector<16xf32>,
      %parallel_loop3A_455 = vector.broadcast %mul3A_227 : i32 to vector<16xi32>
      %parallel_loop3A_456 = arith.subi %parallel_loop3A_450, %parallel_loop3A_455 : vector<16xi32>
      %parallel_loop3A_457 = vector.bitcast %parallel_loop3A_456 : vector<16xi32> to vector<16xi32>
      %parallel_loop3A_458 = arith.constant 32 : i32
      %parallel_loop3A_459 = vector.broadcast %parallel_loop3A_458 : i32 to vector<16xi32>
      %parallel_loop3A_460 = arith.cmpi ult, %parallel_loop3A_457, %parallel_loop3A_459 : vector<16xi32>
      %parallel_loop3A_461 = arith.constant 2048 : i32
      %parallel_loop3A_462 = vector.broadcast %parallel_loop3A_461 : i32 to vector<16xi32>
      %parallel_loop3A_463 = arith.muli %parallel_loop3A_456, %parallel_loop3A_462 : vector<16xi32>
      %parallel_loop3A_464 = arith.addi %parallel_loop3A_463, %parallel_loop3A_452 : vector<16xi32>
      tpu.vector_store_idx %arg7[%parallel_loop3A_464], %parallel_loop3A_454 masked %parallel_loop3A_460 {add = true} : memref<65536xf32, #tpu.memory_space<vmem>>[vector<16xi32>], vector<16xf32>, vector<16xi1>
    } {sc.loop_unroll_factor = 16 : i64, sc.parallel_access}
    %dma_start3A_375 = arith.constant 49152 : i32
    %dma_start3A_376 = tpu.memref_slice %arg2[%dma_start3A_375] : memref<65536xi32, #tpu.memory_space<hbm>> -> memref<8192xi32, #tpu.memory_space<hbm>>
    %dma_start3A_377 = arith.constant 49152 : i32
    %dma_start3A_378 = tpu.memref_slice %arg2[%dma_start3A_377] : memref<65536xi32, #tpu.memory_space<hbm>> -> memref<8192xi32, #tpu.memory_space<hbm>>
    tpu.enqueue_dma source(%dma_start3A_378 : memref<8192xi32, #tpu.memory_space<hbm>>) target(%arg8 : memref<8192xi32, #tpu.memory_space<vmem>>) target_semaphore(%arg14 : memref<!tpu.dma_semaphore, #tpu.memory_space<semaphore_mem>>)
    %dma_start3A_379 = arith.constant 49152 : i32
    %dma_start3A_380 = tpu.memref_slice %arg3[%dma_start3A_379] : memref<65536xi32, #tpu.memory_space<hbm>> -> memref<8192xi32, #tpu.memory_space<hbm>>
    %dma_start3A_381 = arith.constant 49152 : i32
    %dma_start3A_382 = tpu.memref_slice %arg3[%dma_start3A_381] : memref<65536xi32, #tpu.memory_space<hbm>> -> memref<8192xi32, #tpu.memory_space<hbm>>
    tpu.enqueue_dma source(%dma_start3A_382 : memref<8192xi32, #tpu.memory_space<hbm>>) target(%arg9 : memref<8192xi32, #tpu.memory_space<vmem>>) target_semaphore(%arg14 : memref<!tpu.dma_semaphore, #tpu.memory_space<semaphore_mem>>)
    %dma_start3A_383 = arith.constant 49152 : i32
    %dma_start3A_384 = tpu.memref_slice %arg4[%dma_start3A_383] : memref<65536xf32, #tpu.memory_space<hbm>> -> memref<8192xf32, #tpu.memory_space<hbm>>
    %dma_start3A_385 = arith.constant 49152 : i32
    %dma_start3A_386 = tpu.memref_slice %arg4[%dma_start3A_385] : memref<65536xf32, #tpu.memory_space<hbm>> -> memref<8192xf32, #tpu.memory_space<hbm>>
    tpu.enqueue_dma source(%dma_start3A_386 : memref<8192xf32, #tpu.memory_space<hbm>>) target(%arg10 : memref<8192xf32, #tpu.memory_space<vmem>>) target_semaphore(%arg14 : memref<!tpu.dma_semaphore, #tpu.memory_space<semaphore_mem>>)
    %dma_wait3A_387 = arith.constant 40960 : i32
    %dma_wait3A_388 = tpu.memref_slice %arg2[%dma_wait3A_387] : memref<65536xi32, #tpu.memory_space<hbm>> -> memref<8192xi32, #tpu.memory_space<hbm>>
    %dma_wait3A_389 = arith.constant 40960 : i32
    %dma_wait3A_390 = tpu.memref_slice %arg2[%dma_wait3A_389] : memref<65536xi32, #tpu.memory_space<hbm>> -> memref<8192xi32, #tpu.memory_space<hbm>>
    tpu.wait_dma2 semaphore(%arg15 : memref<!tpu.dma_semaphore, #tpu.memory_space<semaphore_mem>>) src(%dma_wait3A_390 : memref<8192xi32, #tpu.memory_space<hbm>>) dst(%arg11 : memref<8192xi32, #tpu.memory_space<vmem>>)
    %dma_wait3A_391 = arith.constant 40960 : i32
    %dma_wait3A_392 = tpu.memref_slice %arg3[%dma_wait3A_391] : memref<65536xi32, #tpu.memory_space<hbm>> -> memref<8192xi32, #tpu.memory_space<hbm>>
    %dma_wait3A_393 = arith.constant 40960 : i32
    %dma_wait3A_394 = tpu.memref_slice %arg3[%dma_wait3A_393] : memref<65536xi32, #tpu.memory_space<hbm>> -> memref<8192xi32, #tpu.memory_space<hbm>>
    tpu.wait_dma2 semaphore(%arg15 : memref<!tpu.dma_semaphore, #tpu.memory_space<semaphore_mem>>) src(%dma_wait3A_394 : memref<8192xi32, #tpu.memory_space<hbm>>) dst(%arg12 : memref<8192xi32, #tpu.memory_space<vmem>>)
    %dma_wait3A_395 = arith.constant 40960 : i32
    %dma_wait3A_396 = tpu.memref_slice %arg4[%dma_wait3A_395] : memref<65536xf32, #tpu.memory_space<hbm>> -> memref<8192xf32, #tpu.memory_space<hbm>>
    %dma_wait3A_397 = arith.constant 40960 : i32
    %dma_wait3A_398 = tpu.memref_slice %arg4[%dma_wait3A_397] : memref<65536xf32, #tpu.memory_space<hbm>> -> memref<8192xf32, #tpu.memory_space<hbm>>
    tpu.wait_dma2 semaphore(%arg15 : memref<!tpu.dma_semaphore, #tpu.memory_space<semaphore_mem>>) src(%dma_wait3A_398 : memref<8192xf32, #tpu.memory_space<hbm>>) dst(%arg13 : memref<8192xf32, #tpu.memory_space<vmem>>)
    %parallel_loop3A_399 = arith.constant 0 : i32
    %parallel_loop3A_400 = arith.constant 512 : i32
    %parallel_loop3A_401 = arith.constant 1 : i32
    scf.for %parallel_loop3A_446 = %parallel_loop3A_399 to %parallel_loop3A_400 step %parallel_loop3A_401  : i32 {
      %parallel_loop3A_447 = arith.constant 16 : i32
      %parallel_loop3A_448 = arith.muli %parallel_loop3A_446, %parallel_loop3A_447 : i32
      %parallel_loop3A_449 = arith.index_cast %parallel_loop3A_448 : i32 to index
      %parallel_loop3A_450 = tpu.vector_load %arg11[%parallel_loop3A_449] {strides = array<i32>} : memref<8192xi32, #tpu.memory_space<vmem>>, vector<16xi32>,
      %parallel_loop3A_451 = arith.index_cast %parallel_loop3A_448 : i32 to index
      %parallel_loop3A_452 = tpu.vector_load %arg12[%parallel_loop3A_451] {strides = array<i32>} : memref<8192xi32, #tpu.memory_space<vmem>>, vector<16xi32>,
      %parallel_loop3A_453 = arith.index_cast %parallel_loop3A_448 : i32 to index
      %parallel_loop3A_454 = tpu.vector_load %arg13[%parallel_loop3A_453] {strides = array<i32>} : memref<8192xf32, #tpu.memory_space<vmem>>, vector<16xf32>,
      %parallel_loop3A_455 = vector.broadcast %mul3A_227 : i32 to vector<16xi32>
      %parallel_loop3A_456 = arith.subi %parallel_loop3A_450, %parallel_loop3A_455 : vector<16xi32>
      %parallel_loop3A_457 = vector.bitcast %parallel_loop3A_456 : vector<16xi32> to vector<16xi32>
      %parallel_loop3A_458 = arith.constant 32 : i32
      %parallel_loop3A_459 = vector.broadcast %parallel_loop3A_458 : i32 to vector<16xi32>
      %parallel_loop3A_460 = arith.cmpi ult, %parallel_loop3A_457, %parallel_loop3A_459 : vector<16xi32>
      %parallel_loop3A_461 = arith.constant 2048 : i32
      %parallel_loop3A_462 = vector.broadcast %parallel_loop3A_461 : i32 to vector<16xi32>
      %parallel_loop3A_463 = arith.muli %parallel_loop3A_456, %parallel_loop3A_462 : vector<16xi32>
      %parallel_loop3A_464 = arith.addi %parallel_loop3A_463, %parallel_loop3A_452 : vector<16xi32>
      tpu.vector_store_idx %arg7[%parallel_loop3A_464], %parallel_loop3A_454 masked %parallel_loop3A_460 {add = true} : memref<65536xf32, #tpu.memory_space<vmem>>[vector<16xi32>], vector<16xf32>, vector<16xi1>
    } {sc.loop_unroll_factor = 16 : i64, sc.parallel_access}
    %dma_start3A_402 = arith.constant 57344 : i32
    %dma_start3A_403 = tpu.memref_slice %arg2[%dma_start3A_402] : memref<65536xi32, #tpu.memory_space<hbm>> -> memref<8192xi32, #tpu.memory_space<hbm>>
    %dma_start3A_404 = arith.constant 57344 : i32
    %dma_start3A_405 = tpu.memref_slice %arg2[%dma_start3A_404] : memref<65536xi32, #tpu.memory_space<hbm>> -> memref<8192xi32, #tpu.memory_space<hbm>>
    tpu.enqueue_dma source(%dma_start3A_405 : memref<8192xi32, #tpu.memory_space<hbm>>) target(%arg11 : memref<8192xi32, #tpu.memory_space<vmem>>) target_semaphore(%arg15 : memref<!tpu.dma_semaphore, #tpu.memory_space<semaphore_mem>>)
    %dma_start3A_406 = arith.constant 57344 : i32
    %dma_start3A_407 = tpu.memref_slice %arg3[%dma_start3A_406] : memref<65536xi32, #tpu.memory_space<hbm>> -> memref<8192xi32, #tpu.memory_space<hbm>>
    %dma_start3A_408 = arith.constant 57344 : i32
    %dma_start3A_409 = tpu.memref_slice %arg3[%dma_start3A_408] : memref<65536xi32, #tpu.memory_space<hbm>> -> memref<8192xi32, #tpu.memory_space<hbm>>
    tpu.enqueue_dma source(%dma_start3A_409 : memref<8192xi32, #tpu.memory_space<hbm>>) target(%arg12 : memref<8192xi32, #tpu.memory_space<vmem>>) target_semaphore(%arg15 : memref<!tpu.dma_semaphore, #tpu.memory_space<semaphore_mem>>)
    %dma_start3A_410 = arith.constant 57344 : i32
    %dma_start3A_411 = tpu.memref_slice %arg4[%dma_start3A_410] : memref<65536xf32, #tpu.memory_space<hbm>> -> memref<8192xf32, #tpu.memory_space<hbm>>
    %dma_start3A_412 = arith.constant 57344 : i32
    %dma_start3A_413 = tpu.memref_slice %arg4[%dma_start3A_412] : memref<65536xf32, #tpu.memory_space<hbm>> -> memref<8192xf32, #tpu.memory_space<hbm>>
    tpu.enqueue_dma source(%dma_start3A_413 : memref<8192xf32, #tpu.memory_space<hbm>>) target(%arg13 : memref<8192xf32, #tpu.memory_space<vmem>>) target_semaphore(%arg15 : memref<!tpu.dma_semaphore, #tpu.memory_space<semaphore_mem>>)
    %dma_wait3A_414 = arith.constant 49152 : i32
    %dma_wait3A_415 = tpu.memref_slice %arg2[%dma_wait3A_414] : memref<65536xi32, #tpu.memory_space<hbm>> -> memref<8192xi32, #tpu.memory_space<hbm>>
    %dma_wait3A_416 = arith.constant 49152 : i32
    %dma_wait3A_417 = tpu.memref_slice %arg2[%dma_wait3A_416] : memref<65536xi32, #tpu.memory_space<hbm>> -> memref<8192xi32, #tpu.memory_space<hbm>>
    tpu.wait_dma2 semaphore(%arg14 : memref<!tpu.dma_semaphore, #tpu.memory_space<semaphore_mem>>) src(%dma_wait3A_417 : memref<8192xi32, #tpu.memory_space<hbm>>) dst(%arg8 : memref<8192xi32, #tpu.memory_space<vmem>>)
    %dma_wait3A_418 = arith.constant 49152 : i32
    %dma_wait3A_419 = tpu.memref_slice %arg3[%dma_wait3A_418] : memref<65536xi32, #tpu.memory_space<hbm>> -> memref<8192xi32, #tpu.memory_space<hbm>>
    %dma_wait3A_420 = arith.constant 49152 : i32
    %dma_wait3A_421 = tpu.memref_slice %arg3[%dma_wait3A_420] : memref<65536xi32, #tpu.memory_space<hbm>> -> memref<8192xi32, #tpu.memory_space<hbm>>
    tpu.wait_dma2 semaphore(%arg14 : memref<!tpu.dma_semaphore, #tpu.memory_space<semaphore_mem>>) src(%dma_wait3A_421 : memref<8192xi32, #tpu.memory_space<hbm>>) dst(%arg9 : memref<8192xi32, #tpu.memory_space<vmem>>)
    %dma_wait3A_422 = arith.constant 49152 : i32
    %dma_wait3A_423 = tpu.memref_slice %arg4[%dma_wait3A_422] : memref<65536xf32, #tpu.memory_space<hbm>> -> memref<8192xf32, #tpu.memory_space<hbm>>
    %dma_wait3A_424 = arith.constant 49152 : i32
    %dma_wait3A_425 = tpu.memref_slice %arg4[%dma_wait3A_424] : memref<65536xf32, #tpu.memory_space<hbm>> -> memref<8192xf32, #tpu.memory_space<hbm>>
    tpu.wait_dma2 semaphore(%arg14 : memref<!tpu.dma_semaphore, #tpu.memory_space<semaphore_mem>>) src(%dma_wait3A_425 : memref<8192xf32, #tpu.memory_space<hbm>>) dst(%arg10 : memref<8192xf32, #tpu.memory_space<vmem>>)
    %parallel_loop3A_426 = arith.constant 0 : i32
    %parallel_loop3A_427 = arith.constant 512 : i32
    %parallel_loop3A_428 = arith.constant 1 : i32
    scf.for %parallel_loop3A_446 = %parallel_loop3A_426 to %parallel_loop3A_427 step %parallel_loop3A_428  : i32 {
      %parallel_loop3A_447 = arith.constant 16 : i32
      %parallel_loop3A_448 = arith.muli %parallel_loop3A_446, %parallel_loop3A_447 : i32
      %parallel_loop3A_449 = arith.index_cast %parallel_loop3A_448 : i32 to index
      %parallel_loop3A_450 = tpu.vector_load %arg8[%parallel_loop3A_449] {strides = array<i32>} : memref<8192xi32, #tpu.memory_space<vmem>>, vector<16xi32>,
      %parallel_loop3A_451 = arith.index_cast %parallel_loop3A_448 : i32 to index
      %parallel_loop3A_452 = tpu.vector_load %arg9[%parallel_loop3A_451] {strides = array<i32>} : memref<8192xi32, #tpu.memory_space<vmem>>, vector<16xi32>,
      %parallel_loop3A_453 = arith.index_cast %parallel_loop3A_448 : i32 to index
      %parallel_loop3A_454 = tpu.vector_load %arg10[%parallel_loop3A_453] {strides = array<i32>} : memref<8192xf32, #tpu.memory_space<vmem>>, vector<16xf32>,
      %parallel_loop3A_455 = vector.broadcast %mul3A_227 : i32 to vector<16xi32>
      %parallel_loop3A_456 = arith.subi %parallel_loop3A_450, %parallel_loop3A_455 : vector<16xi32>
      %parallel_loop3A_457 = vector.bitcast %parallel_loop3A_456 : vector<16xi32> to vector<16xi32>
      %parallel_loop3A_458 = arith.constant 32 : i32
      %parallel_loop3A_459 = vector.broadcast %parallel_loop3A_458 : i32 to vector<16xi32>
      %parallel_loop3A_460 = arith.cmpi ult, %parallel_loop3A_457, %parallel_loop3A_459 : vector<16xi32>
      %parallel_loop3A_461 = arith.constant 2048 : i32
      %parallel_loop3A_462 = vector.broadcast %parallel_loop3A_461 : i32 to vector<16xi32>
      %parallel_loop3A_463 = arith.muli %parallel_loop3A_456, %parallel_loop3A_462 : vector<16xi32>
      %parallel_loop3A_464 = arith.addi %parallel_loop3A_463, %parallel_loop3A_452 : vector<16xi32>
      tpu.vector_store_idx %arg7[%parallel_loop3A_464], %parallel_loop3A_454 masked %parallel_loop3A_460 {add = true} : memref<65536xf32, #tpu.memory_space<vmem>>[vector<16xi32>], vector<16xf32>, vector<16xi1>
    } {sc.loop_unroll_factor = 16 : i64, sc.parallel_access}
    %dma_wait3A_429 = arith.constant 57344 : i32
    %dma_wait3A_430 = tpu.memref_slice %arg2[%dma_wait3A_429] : memref<65536xi32, #tpu.memory_space<hbm>> -> memref<8192xi32, #tpu.memory_space<hbm>>
    %dma_wait3A_431 = arith.constant 57344 : i32
    %dma_wait3A_432 = tpu.memref_slice %arg2[%dma_wait3A_431] : memref<65536xi32, #tpu.memory_space<hbm>> -> memref<8192xi32, #tpu.memory_space<hbm>>
    tpu.wait_dma2 semaphore(%arg15 : memref<!tpu.dma_semaphore, #tpu.memory_space<semaphore_mem>>) src(%dma_wait3A_432 : memref<8192xi32, #tpu.memory_space<hbm>>) dst(%arg11 : memref<8192xi32, #tpu.memory_space<vmem>>)
    %dma_wait3A_433 = arith.constant 57344 : i32
    %dma_wait3A_434 = tpu.memref_slice %arg3[%dma_wait3A_433] : memref<65536xi32, #tpu.memory_space<hbm>> -> memref<8192xi32, #tpu.memory_space<hbm>>
    %dma_wait3A_435 = arith.constant 57344 : i32
    %dma_wait3A_436 = tpu.memref_slice %arg3[%dma_wait3A_435] : memref<65536xi32, #tpu.memory_space<hbm>> -> memref<8192xi32, #tpu.memory_space<hbm>>
    tpu.wait_dma2 semaphore(%arg15 : memref<!tpu.dma_semaphore, #tpu.memory_space<semaphore_mem>>) src(%dma_wait3A_436 : memref<8192xi32, #tpu.memory_space<hbm>>) dst(%arg12 : memref<8192xi32, #tpu.memory_space<vmem>>)
    %dma_wait3A_437 = arith.constant 57344 : i32
    %dma_wait3A_438 = tpu.memref_slice %arg4[%dma_wait3A_437] : memref<65536xf32, #tpu.memory_space<hbm>> -> memref<8192xf32, #tpu.memory_space<hbm>>
    %dma_wait3A_439 = arith.constant 57344 : i32
    %dma_wait3A_440 = tpu.memref_slice %arg4[%dma_wait3A_439] : memref<65536xf32, #tpu.memory_space<hbm>> -> memref<8192xf32, #tpu.memory_space<hbm>>
    tpu.wait_dma2 semaphore(%arg15 : memref<!tpu.dma_semaphore, #tpu.memory_space<semaphore_mem>>) src(%dma_wait3A_440 : memref<8192xf32, #tpu.memory_space<hbm>>) dst(%arg13 : memref<8192xf32, #tpu.memory_space<vmem>>)
    %parallel_loop3A_441 = arith.constant 0 : i32
    %parallel_loop3A_442 = arith.constant 512 : i32
    %parallel_loop3A_443 = arith.constant 1 : i32
    scf.for %parallel_loop3A_446 = %parallel_loop3A_441 to %parallel_loop3A_442 step %parallel_loop3A_443  : i32 {
      %parallel_loop3A_447 = arith.constant 16 : i32
      %parallel_loop3A_448 = arith.muli %parallel_loop3A_446, %parallel_loop3A_447 : i32
      %parallel_loop3A_449 = arith.index_cast %parallel_loop3A_448 : i32 to index
      %parallel_loop3A_450 = tpu.vector_load %arg11[%parallel_loop3A_449] {strides = array<i32>} : memref<8192xi32, #tpu.memory_space<vmem>>, vector<16xi32>,
      %parallel_loop3A_451 = arith.index_cast %parallel_loop3A_448 : i32 to index
      %parallel_loop3A_452 = tpu.vector_load %arg12[%parallel_loop3A_451] {strides = array<i32>} : memref<8192xi32, #tpu.memory_space<vmem>>, vector<16xi32>,
      %parallel_loop3A_453 = arith.index_cast %parallel_loop3A_448 : i32 to index
      %parallel_loop3A_454 = tpu.vector_load %arg13[%parallel_loop3A_453] {strides = array<i32>} : memref<8192xf32, #tpu.memory_space<vmem>>, vector<16xf32>,
      %parallel_loop3A_455 = vector.broadcast %mul3A_227 : i32 to vector<16xi32>
      %parallel_loop3A_456 = arith.subi %parallel_loop3A_450, %parallel_loop3A_455 : vector<16xi32>
      %parallel_loop3A_457 = vector.bitcast %parallel_loop3A_456 : vector<16xi32> to vector<16xi32>
      %parallel_loop3A_458 = arith.constant 32 : i32
      %parallel_loop3A_459 = vector.broadcast %parallel_loop3A_458 : i32 to vector<16xi32>
      %parallel_loop3A_460 = arith.cmpi ult, %parallel_loop3A_457, %parallel_loop3A_459 : vector<16xi32>
      %parallel_loop3A_461 = arith.constant 2048 : i32
      %parallel_loop3A_462 = vector.broadcast %parallel_loop3A_461 : i32 to vector<16xi32>
      %parallel_loop3A_463 = arith.muli %parallel_loop3A_456, %parallel_loop3A_462 : vector<16xi32>
      %parallel_loop3A_464 = arith.addi %parallel_loop3A_463, %parallel_loop3A_452 : vector<16xi32>
      tpu.vector_store_idx %arg7[%parallel_loop3A_464], %parallel_loop3A_454 masked %parallel_loop3A_460 {add = true} : memref<65536xf32, #tpu.memory_space<vmem>>[vector<16xi32>], vector<16xf32>, vector<16xi1>
    } {sc.loop_unroll_factor = 16 : i64, sc.parallel_access}
    %mul3A_444 = arith.constant 2048 : i32
    %mul3A_445 = arith.muli %mul3A_227, %mul3A_444 : i32
    "tpu.region"() ({
      %run_scoped3A = tpu.sem_alloc : memref<!tpu.dma_semaphore, #tpu.memory_space<semaphore_mem>>
      %dma_start3A_446 = tpu.memref_slice %arg6[%mul3A_445] : memref<4194304xf32, #tpu.memory_space<hbm>> -> memref<65536xf32, #tpu.memory_space<hbm>>
      %dma_start3A_447 = tpu.memref_slice %arg6[%mul3A_445] : memref<4194304xf32, #tpu.memory_space<hbm>> -> memref<65536xf32, #tpu.memory_space<hbm>>
      tpu.enqueue_dma source(%arg7 : memref<65536xf32, #tpu.memory_space<vmem>>) target(%dma_start3A_447 : memref<65536xf32, #tpu.memory_space<hbm>>) target_semaphore(%run_scoped3A : memref<!tpu.dma_semaphore, #tpu.memory_space<semaphore_mem>>)
      %dma_wait3A_448 = tpu.memref_slice %arg6[%mul3A_445] : memref<4194304xf32, #tpu.memory_space<hbm>> -> memref<65536xf32, #tpu.memory_space<hbm>>
      %dma_wait3A_449 = tpu.memref_slice %arg6[%mul3A_445] : memref<4194304xf32, #tpu.memory_space<hbm>> -> memref<65536xf32, #tpu.memory_space<hbm>>
      tpu.wait_dma2 semaphore(%run_scoped3A : memref<!tpu.dma_semaphore, #tpu.memory_space<semaphore_mem>>) src(%arg7 : memref<65536xf32, #tpu.memory_space<vmem>>) dst(%dma_wait3A_449 : memref<65536xf32, #tpu.memory_space<hbm>>)
      tpu.yield
    }) : () -> ()
    return
  }
}

module attributes {stable_mosaic.version = 14 : i64} {
  func.func @_lsplit_body(%arg0: i32, %arg1: memref<128x2048xf32, #tpu.memory_space<vmem>>, %arg2: memref<128x2048xbf16, #tpu.memory_space<vmem>>, %arg3: memref<128x2048xbf16, #tpu.memory_space<vmem>>) attributes {dimension_semantics = [#tpu.dimension_semantics<arbitrary>], iteration_bounds = array<i64: 16>, scalar_prefetch = 0 : i64, scratch_operands = 0 : i64, tpu.core_type = #tpu.core_type<tc>, window_params = [{transform_indices = @transform_0, window_bounds = array<i64: 128, 2048>}, {transform_indices = @transform_1, window_bounds = array<i64: 128, 2048>}, {transform_indices = @transform_2, window_bounds = array<i64: 128, 2048>}]} {
    %get3A = arith.constant 0 : index
    %get3A_0 = arith.constant 0 : index
    %get3A_1 = vector.load %arg1[%get3A, %get3A_0] : memref<128x2048xf32, #tpu.memory_space<vmem>>, vector<128x2048xf32>
    %convert_element_type3A = arith.truncf %get3A_1 : vector<128x2048xf32> to vector<128x2048xbf16>
    %convert_element_type3A_2 = arith.extf %convert_element_type3A : vector<128x2048xbf16> to vector<128x2048xf32>
    %sub3A = arith.subf %get3A_1, %convert_element_type3A_2 : vector<128x2048xf32>
    %convert_element_type3A_3 = arith.truncf %sub3A : vector<128x2048xf32> to vector<128x2048xbf16>
    %swap3A = arith.constant 0 : index
    %swap3A_4 = arith.constant 0 : index
    %swap3A_5 = vector.load %arg2[%swap3A, %swap3A_4] : memref<128x2048xbf16, #tpu.memory_space<vmem>>, vector<128x2048xbf16>
    tpu.vector_store %arg2[%swap3A, %swap3A_4], %convert_element_type3A {strides = array<i32>} : memref<128x2048xbf16, #tpu.memory_space<vmem>>, vector<128x2048xbf16>,
    %swap3A_6 = arith.constant 0 : index
    %swap3A_7 = arith.constant 0 : index
    %swap3A_8 = vector.load %arg3[%swap3A_6, %swap3A_7] : memref<128x2048xbf16, #tpu.memory_space<vmem>>, vector<128x2048xbf16>
    tpu.vector_store %arg3[%swap3A_6, %swap3A_7], %convert_element_type3A_3 {strides = array<i32>} : memref<128x2048xbf16, #tpu.memory_space<vmem>>, vector<128x2048xbf16>,
    return
  }
  func.func @transform_0(%arg0: i32) -> (i32, i32) {
    %c0_i32 = arith.constant 0 : i32
    %c0_i32_0 = arith.constant 0 : i32
    return %arg0, %c0_i32 : i32, i32
  }
  func.func @transform_1(%arg0: i32) -> (i32, i32) {
    %c0_i32 = arith.constant 0 : i32
    %c0_i32_0 = arith.constant 0 : i32
    return %arg0, %c0_i32 : i32, i32
  }
  func.func @transform_2(%arg0: i32) -> (i32, i32) {
    %c0_i32 = arith.constant 0 : i32
    %c0_i32_0 = arith.constant 0 : i32
    return %arg0, %c0_i32 : i32, i32
  }
}

module attributes {stable_mosaic.version = 14 : i64} {
  func.func @_wide1_body(%arg0: i32, %arg1: memref<2048x2048xbf16, #tpu.memory_space<vmem>>, %arg2: memref<2048x2048xbf16, #tpu.memory_space<vmem>>, %arg3: memref<8x2048x128xf32, #tpu.memory_space<vmem>>, %arg4: memref<128x32xbf16, #tpu.memory_space<vmem>>, %arg5: memref<1x32xf32, #tpu.memory_space<vmem>>, %arg6: memref<2048x256xf32, #tpu.memory_space<vmem>>, %arg7: memref<2x32xf32, #tpu.memory_space<vmem>>, %arg8: memref<2x32xf32, #tpu.memory_space<vmem>>) attributes {dimension_semantics = [#tpu.dimension_semantics<arbitrary>], iteration_bounds = array<i64: 8>, scalar_prefetch = 0 : i64, scratch_operands = 1 : i64, tpu.core_type = #tpu.core_type<tc>, window_params = [{pipeline_mode = #tpu.pipeline_mode<synchronous>, transform_indices = @transform_0, window_bounds = array<i64: 2048, 2048>}, {pipeline_mode = #tpu.pipeline_mode<synchronous>, transform_indices = @transform_1, window_bounds = array<i64: 2048, 2048>}, {transform_indices = @transform_2, window_bounds = array<i64: 8, 2048, 128>}, {pipeline_mode = #tpu.pipeline_mode<synchronous>, transform_indices = @transform_3, window_bounds = array<i64: 128, 32>}, {pipeline_mode = #tpu.pipeline_mode<synchronous>, transform_indices = @transform_4, window_bounds = array<i64: 1, 32>}, {transform_indices = @transform_5, window_bounds = array<i64: 2048, 256>}, {pipeline_mode = #tpu.pipeline_mode<synchronous>, transform_indices = @transform_6, window_bounds = array<i64: 2, 32>}]} {
    %eq3A = arith.constant 0 : i32
    %eq3A_0 = arith.cmpi eq, %arg0, %eq3A : i32
    %convert_element_type3A = arith.extui %eq3A_0 : i1 to i32
    %cond3A = arith.constant 0 : i32
    %cond3A_1 = arith.cmpi ne, %convert_element_type3A, %cond3A : i32
    scf.if %cond3A_1 {
      %broadcast_in_dim3A_369 = arith.constant 0.000000e+00 : f32
      %broadcast_in_dim3A_370 = vector.broadcast %broadcast_in_dim3A_369 : f32 to vector<2x32xf32>
      %swap3A_371 = arith.constant 0 : index
      %swap3A_372 = arith.constant 0 : index
      %swap3A_373 = vector.load %arg8[%swap3A_371, %swap3A_372] : memref<2x32xf32, #tpu.memory_space<vmem>>, vector<2x32xf32>
      tpu.vector_store %arg8[%swap3A_371, %swap3A_372], %broadcast_in_dim3A_370 {strides = array<i32>} : memref<2x32xf32, #tpu.memory_space<vmem>>, vector<2x32xf32>,
    } else {
    }
    %get3A = arith.constant 0 : index
    %get3A_2 = arith.constant 0 : index
    %get3A_3 = arith.constant 0 : index
    %get3A_4 = vector.load %arg3[%get3A, %get3A_2, %get3A_3] : memref<8x2048x128xf32, #tpu.memory_space<vmem>>, vector<1x2048x128xf32>
    %get3A_5 = vector.shape_cast %get3A_4 : vector<1x2048x128xf32> to vector<2048x128xf32>
    %convert_element_type3A_6 = arith.truncf %get3A_5 : vector<2048x128xf32> to vector<2048x128xbf16>
    %convert_element_type3A_7 = arith.extf %convert_element_type3A_6 : vector<2048x128xbf16> to vector<2048x128xf32>
    %sub3A = arith.subf %get3A_5, %convert_element_type3A_7 : vector<2048x128xf32>
    %convert_element_type3A_8 = arith.truncf %sub3A : vector<2048x128xf32> to vector<2048x128xbf16>
    %get3A_9 = arith.constant 1 : index
    %get3A_10 = arith.constant 0 : index
    %get3A_11 = arith.constant 0 : index
    %get3A_12 = vector.load %arg3[%get3A_9, %get3A_10, %get3A_11] : memref<8x2048x128xf32, #tpu.memory_space<vmem>>, vector<1x2048x128xf32>
    %get3A_13 = vector.shape_cast %get3A_12 : vector<1x2048x128xf32> to vector<2048x128xf32>
    %convert_element_type3A_14 = arith.truncf %get3A_13 : vector<2048x128xf32> to vector<2048x128xbf16>
    %convert_element_type3A_15 = arith.extf %convert_element_type3A_14 : vector<2048x128xbf16> to vector<2048x128xf32>
    %sub3A_16 = arith.subf %get3A_13, %convert_element_type3A_15 : vector<2048x128xf32>
    %convert_element_type3A_17 = arith.truncf %sub3A_16 : vector<2048x128xf32> to vector<2048x128xbf16>
    %get3A_18 = arith.constant 2 : index
    %get3A_19 = arith.constant 0 : index
    %get3A_20 = arith.constant 0 : index
    %get3A_21 = vector.load %arg3[%get3A_18, %get3A_19, %get3A_20] : memref<8x2048x128xf32, #tpu.memory_space<vmem>>, vector<1x2048x128xf32>
    %get3A_22 = vector.shape_cast %get3A_21 : vector<1x2048x128xf32> to vector<2048x128xf32>
    %convert_element_type3A_23 = arith.truncf %get3A_22 : vector<2048x128xf32> to vector<2048x128xbf16>
    %convert_element_type3A_24 = arith.extf %convert_element_type3A_23 : vector<2048x128xbf16> to vector<2048x128xf32>
    %sub3A_25 = arith.subf %get3A_22, %convert_element_type3A_24 : vector<2048x128xf32>
    %convert_element_type3A_26 = arith.truncf %sub3A_25 : vector<2048x128xf32> to vector<2048x128xbf16>
    %get3A_27 = arith.constant 3 : index
    %get3A_28 = arith.constant 0 : index
    %get3A_29 = arith.constant 0 : index
    %get3A_30 = vector.load %arg3[%get3A_27, %get3A_28, %get3A_29] : memref<8x2048x128xf32, #tpu.memory_space<vmem>>, vector<1x2048x128xf32>
    %get3A_31 = vector.shape_cast %get3A_30 : vector<1x2048x128xf32> to vector<2048x128xf32>
    %convert_element_type3A_32 = arith.truncf %get3A_31 : vector<2048x128xf32> to vector<2048x128xbf16>
    %convert_element_type3A_33 = arith.extf %convert_element_type3A_32 : vector<2048x128xbf16> to vector<2048x128xf32>
    %sub3A_34 = arith.subf %get3A_31, %convert_element_type3A_33 : vector<2048x128xf32>
    %convert_element_type3A_35 = arith.truncf %sub3A_34 : vector<2048x128xf32> to vector<2048x128xbf16>
    %get3A_36 = arith.constant 4 : index
    %get3A_37 = arith.constant 0 : index
    %get3A_38 = arith.constant 0 : index
    %get3A_39 = vector.load %arg3[%get3A_36, %get3A_37, %get3A_38] : memref<8x2048x128xf32, #tpu.memory_space<vmem>>, vector<1x2048x128xf32>
    %get3A_40 = vector.shape_cast %get3A_39 : vector<1x2048x128xf32> to vector<2048x128xf32>
    %convert_element_type3A_41 = arith.truncf %get3A_40 : vector<2048x128xf32> to vector<2048x128xbf16>
    %convert_element_type3A_42 = arith.extf %convert_element_type3A_41 : vector<2048x128xbf16> to vector<2048x128xf32>
    %sub3A_43 = arith.subf %get3A_40, %convert_element_type3A_42 : vector<2048x128xf32>
    %convert_element_type3A_44 = arith.truncf %sub3A_43 : vector<2048x128xf32> to vector<2048x128xbf16>
    %get3A_45 = arith.constant 5 : index
    %get3A_46 = arith.constant 0 : index
    %get3A_47 = arith.constant 0 : index
    %get3A_48 = vector.load %arg3[%get3A_45, %get3A_46, %get3A_47] : memref<8x2048x128xf32, #tpu.memory_space<vmem>>, vector<1x2048x128xf32>
    %get3A_49 = vector.shape_cast %get3A_48 : vector<1x2048x128xf32> to vector<2048x128xf32>
    %convert_element_type3A_50 = arith.truncf %get3A_49 : vector<2048x128xf32> to vector<2048x128xbf16>
    %convert_element_type3A_51 = arith.extf %convert_element_type3A_50 : vector<2048x128xbf16> to vector<2048x128xf32>
    %sub3A_52 = arith.subf %get3A_49, %convert_element_type3A_51 : vector<2048x128xf32>
    %convert_element_type3A_53 = arith.truncf %sub3A_52 : vector<2048x128xf32> to vector<2048x128xbf16>
    %get3A_54 = arith.constant 6 : index
    %get3A_55 = arith.constant 0 : index
    %get3A_56 = arith.constant 0 : index
    %get3A_57 = vector.load %arg3[%get3A_54, %get3A_55, %get3A_56] : memref<8x2048x128xf32, #tpu.memory_space<vmem>>, vector<1x2048x128xf32>
    %get3A_58 = vector.shape_cast %get3A_57 : vector<1x2048x128xf32> to vector<2048x128xf32>
    %convert_element_type3A_59 = arith.truncf %get3A_58 : vector<2048x128xf32> to vector<2048x128xbf16>
    %convert_element_type3A_60 = arith.extf %convert_element_type3A_59 : vector<2048x128xbf16> to vector<2048x128xf32>
    %sub3A_61 = arith.subf %get3A_58, %convert_element_type3A_60 : vector<2048x128xf32>
    %convert_element_type3A_62 = arith.truncf %sub3A_61 : vector<2048x128xf32> to vector<2048x128xbf16>
    %get3A_63 = arith.constant 7 : index
    %get3A_64 = arith.constant 0 : index
    %get3A_65 = arith.constant 0 : index
    %get3A_66 = vector.load %arg3[%get3A_63, %get3A_64, %get3A_65] : memref<8x2048x128xf32, #tpu.memory_space<vmem>>, vector<1x2048x128xf32>
    %get3A_67 = vector.shape_cast %get3A_66 : vector<1x2048x128xf32> to vector<2048x128xf32>
    %convert_element_type3A_68 = arith.truncf %get3A_67 : vector<2048x128xf32> to vector<2048x128xbf16>
    %convert_element_type3A_69 = arith.extf %convert_element_type3A_68 : vector<2048x128xbf16> to vector<2048x128xf32>
    %sub3A_70 = arith.subf %get3A_67, %convert_element_type3A_69 : vector<2048x128xf32>
    %convert_element_type3A_71 = arith.truncf %sub3A_70 : vector<2048x128xf32> to vector<2048x128xbf16>
    %concatenate3A = tpu.concatenate %convert_element_type3A_6, %convert_element_type3A_14, %convert_element_type3A_23, %convert_element_type3A_32, %convert_element_type3A_41, %convert_element_type3A_50, %convert_element_type3A_59, %convert_element_type3A_68 in 1 : vector<2048x128xbf16>, vector<2048x128xbf16>, vector<2048x128xbf16>, vector<2048x128xbf16>, vector<2048x128xbf16>, vector<2048x128xbf16>, vector<2048x128xbf16>, vector<2048x128xbf16> -> vector<2048x1024xbf16>
    %concatenate3A_72 = tpu.concatenate %convert_element_type3A_8, %convert_element_type3A_17, %convert_element_type3A_26, %convert_element_type3A_35, %convert_element_type3A_44, %convert_element_type3A_53, %convert_element_type3A_62, %convert_element_type3A_71 in 1 : vector<2048x128xbf16>, vector<2048x128xbf16>, vector<2048x128xbf16>, vector<2048x128xbf16>, vector<2048x128xbf16>, vector<2048x128xbf16>, vector<2048x128xbf16>, vector<2048x128xbf16> -> vector<2048x1024xbf16>
    %get3A_73 = arith.constant 0 : index
    %get3A_74 = arith.constant 0 : index
    %get3A_75 = vector.load %arg1[%get3A_73, %get3A_74] : memref<2048x2048xbf16, #tpu.memory_space<vmem>>, vector<2048x2048xbf16>
    %dot_general3A = arith.constant dense<0.000000e+00> : vector<2048x1024xf32>
    %dot_general3A_76 = tpu.matmul %get3A_75, %concatenate3A, %dot_general3A {dimension_numbers = #tpu.dot_dimension_numbers<[1], [0], [0], [1], [0, 0, 1, 1], [], []>, transpose_lhs_hint = false} : vector<2048x2048xbf16>, vector<2048x1024xbf16>, vector<2048x1024xf32> -> vector<2048x1024xf32>
    %get3A_77 = arith.constant 0 : index
    %get3A_78 = arith.constant 0 : index
    %get3A_79 = vector.load %arg1[%get3A_77, %get3A_78] : memref<2048x2048xbf16, #tpu.memory_space<vmem>>, vector<2048x2048xbf16>
    %dot_general3A_80 = arith.constant dense<0.000000e+00> : vector<2048x1024xf32>
    %dot_general3A_81 = tpu.matmul %get3A_79, %concatenate3A_72, %dot_general3A_80 {dimension_numbers = #tpu.dot_dimension_numbers<[1], [0], [0], [1], [0, 0, 1, 1], [], []>, transpose_lhs_hint = false} : vector<2048x2048xbf16>, vector<2048x1024xbf16>, vector<2048x1024xf32> -> vector<2048x1024xf32>
    %add3A = arith.addf %dot_general3A_76, %dot_general3A_81 : vector<2048x1024xf32>
    %get3A_82 = arith.constant 0 : index
    %get3A_83 = arith.constant 0 : index
    %get3A_84 = vector.load %arg2[%get3A_82, %get3A_83] : memref<2048x2048xbf16, #tpu.memory_space<vmem>>, vector<2048x2048xbf16>
    %dot_general3A_85 = arith.constant dense<0.000000e+00> : vector<2048x1024xf32>
    %dot_general3A_86 = tpu.matmul %get3A_84, %concatenate3A, %dot_general3A_85 {dimension_numbers = #tpu.dot_dimension_numbers<[1], [0], [0], [1], [0, 0, 1, 1], [], []>, transpose_lhs_hint = false} : vector<2048x2048xbf16>, vector<2048x1024xbf16>, vector<2048x1024xf32> -> vector<2048x1024xf32>
    %add3A_87 = arith.addf %add3A, %dot_general3A_86 : vector<2048x1024xf32>
    %convert_element_type3A_88 = arith.truncf %add3A_87 : vector<2048x1024xf32> to vector<2048x1024xbf16>
    %slice3A = vector.extract_strided_slice %convert_element_type3A_88 {offsets = [0, 0], sizes = [2048, 128], strides = [1, 1]} : vector<2048x1024xbf16> to vector<2048x128xbf16>
    %get3A_89 = arith.constant 0 : index
    %get3A_90 = arith.constant 0 : index
    %get3A_91 = vector.load %arg4[%get3A_89, %get3A_90] : memref<128x32xbf16, #tpu.memory_space<vmem>>, vector<128x32xbf16>
    %dot_general3A_92 = arith.constant dense<0.000000e+00> : vector<2048x32xf32>
    %dot_general3A_93 = tpu.matmul %slice3A, %get3A_91, %dot_general3A_92 {dimension_numbers = #tpu.dot_dimension_numbers<[1], [0], [0], [1], [0, 0, 1, 1], [], []>, transpose_lhs_hint = false} : vector<2048x128xbf16>, vector<128x32xbf16>, vector<2048x32xf32> -> vector<2048x32xf32>
    %get3A_94 = arith.constant 0 : index
    %get3A_95 = arith.constant 0 : index
    %get3A_96 = vector.load %arg5[%get3A_94, %get3A_95] : memref<1x32xf32, #tpu.memory_space<vmem>>, vector<1x32xf32>
    %add3A_97 = vector.broadcast %get3A_96 : vector<1x32xf32> to vector<2048x32xf32>
    %add3A_98 = arith.addf %dot_general3A_93, %add3A_97 : vector<2048x32xf32>
    %swap3A = arith.constant 0 : index
    %swap3A_99 = arith.constant 0 : index
    %swap3A_100 = vector.load %arg6[%swap3A, %swap3A_99] : memref<2048x256xf32, #tpu.memory_space<vmem>>, vector<2048x32xf32>
    tpu.vector_store %arg6[%swap3A, %swap3A_99], %add3A_98 {strides = array<i32>} : memref<2048x256xf32, #tpu.memory_space<vmem>>, vector<2048x32xf32>,
    %get3A_101 = arith.constant 0 : index
    %get3A_102 = arith.constant 0 : index
    %get3A_103 = vector.load %arg8[%get3A_101, %get3A_102] : memref<2x32xf32, #tpu.memory_space<vmem>>, vector<1x32xf32>
    %reduce_sum3A = arith.constant dense<0.000000e+00> : vector<32xf32>
    %reduce_sum3A_104 = vector.multi_reduction <add>, %add3A_98, %reduce_sum3A [0] : vector<2048x32xf32> to vector<32xf32>
    %broadcast_in_dim3A = vector.shape_cast %reduce_sum3A_104 : vector<32xf32> to vector<1x32xf32>
    %add3A_105 = arith.addf %get3A_103, %broadcast_in_dim3A : vector<1x32xf32>
    %swap3A_106 = arith.constant 0 : index
    %swap3A_107 = arith.constant 0 : index
    %swap3A_108 = vector.load %arg8[%swap3A_106, %swap3A_107] : memref<2x32xf32, #tpu.memory_space<vmem>>, vector<1x32xf32>
    tpu.vector_store %arg8[%swap3A_106, %swap3A_107], %add3A_105 {strides = array<i32>} : memref<2x32xf32, #tpu.memory_space<vmem>>, vector<1x32xf32>,
    %get3A_109 = arith.constant 1 : index
    %get3A_110 = arith.constant 0 : index
    %get3A_111 = vector.load %arg8[%get3A_109, %get3A_110] : memref<2x32xf32, #tpu.memory_space<vmem>>, vector<1x32xf32>
    %mul3A = arith.mulf %add3A_98, %add3A_98 : vector<2048x32xf32>
    %reduce_sum3A_112 = arith.constant dense<0.000000e+00> : vector<32xf32>
    %reduce_sum3A_113 = vector.multi_reduction <add>, %mul3A, %reduce_sum3A_112 [0] : vector<2048x32xf32> to vector<32xf32>
    %broadcast_in_dim3A_114 = vector.shape_cast %reduce_sum3A_113 : vector<32xf32> to vector<1x32xf32>
    %add3A_115 = arith.addf %get3A_111, %broadcast_in_dim3A_114 : vector<1x32xf32>
    %swap3A_116 = arith.constant 1 : index
    %swap3A_117 = arith.constant 0 : index
    %swap3A_118 = vector.load %arg8[%swap3A_116, %swap3A_117] : memref<2x32xf32, #tpu.memory_space<vmem>>, vector<1x32xf32>
    tpu.vector_store %arg8[%swap3A_116, %swap3A_117], %add3A_115 {strides = array<i32>} : memref<2x32xf32, #tpu.memory_space<vmem>>, vector<1x32xf32>,
    %slice3A_119 = vector.extract_strided_slice %convert_element_type3A_88 {offsets = [0, 128], sizes = [2048, 128], strides = [1, 1]} : vector<2048x1024xbf16> to vector<2048x128xbf16>
    %get3A_120 = arith.constant 0 : index
    %get3A_121 = arith.constant 0 : index
    %get3A_122 = vector.load %arg4[%get3A_120, %get3A_121] : memref<128x32xbf16, #tpu.memory_space<vmem>>, vector<128x32xbf16>
    %dot_general3A_123 = arith.constant dense<0.000000e+00> : vector<2048x32xf32>
    %dot_general3A_124 = tpu.matmul %slice3A_119, %get3A_122, %dot_general3A_123 {dimension_numbers = #tpu.dot_dimension_numbers<[1], [0], [0], [1], [0, 0, 1, 1], [], []>, transpose_lhs_hint = false} : vector<2048x128xbf16>, vector<128x32xbf16>, vector<2048x32xf32> -> vector<2048x32xf32>
    %get3A_125 = arith.constant 0 : index
    %get3A_126 = arith.constant 0 : index
    %get3A_127 = vector.load %arg5[%get3A_125, %get3A_126] : memref<1x32xf32, #tpu.memory_space<vmem>>, vector<1x32xf32>
    %add3A_128 = vector.broadcast %get3A_127 : vector<1x32xf32> to vector<2048x32xf32>
    %add3A_129 = arith.addf %dot_general3A_124, %add3A_128 : vector<2048x32xf32>
    %swap3A_130 = arith.constant 0 : index
    %swap3A_131 = arith.constant 32 : index
    %swap3A_132 = vector.load %arg6[%swap3A_130, %swap3A_131] : memref<2048x256xf32, #tpu.memory_space<vmem>>, vector<2048x32xf32>
    tpu.vector_store %arg6[%swap3A_130, %swap3A_131], %add3A_129 {strides = array<i32>} : memref<2048x256xf32, #tpu.memory_space<vmem>>, vector<2048x32xf32>,
    %get3A_133 = arith.constant 0 : index
    %get3A_134 = arith.constant 0 : index
    %get3A_135 = vector.load %arg8[%get3A_133, %get3A_134] : memref<2x32xf32, #tpu.memory_space<vmem>>, vector<1x32xf32>
    %reduce_sum3A_136 = arith.constant dense<0.000000e+00> : vector<32xf32>
    %reduce_sum3A_137 = vector.multi_reduction <add>, %add3A_129, %reduce_sum3A_136 [0] : vector<2048x32xf32> to vector<32xf32>
    %broadcast_in_dim3A_138 = vector.shape_cast %reduce_sum3A_137 : vector<32xf32> to vector<1x32xf32>
    %add3A_139 = arith.addf %get3A_135, %broadcast_in_dim3A_138 : vector<1x32xf32>
    %swap3A_140 = arith.constant 0 : index
    %swap3A_141 = arith.constant 0 : index
    %swap3A_142 = vector.load %arg8[%swap3A_140, %swap3A_141] : memref<2x32xf32, #tpu.memory_space<vmem>>, vector<1x32xf32>
    tpu.vector_store %arg8[%swap3A_140, %swap3A_141], %add3A_139 {strides = array<i32>} : memref<2x32xf32, #tpu.memory_space<vmem>>, vector<1x32xf32>,
    %get3A_143 = arith.constant 1 : index
    %get3A_144 = arith.constant 0 : index
    %get3A_145 = vector.load %arg8[%get3A_143, %get3A_144] : memref<2x32xf32, #tpu.memory_space<vmem>>, vector<1x32xf32>
    %mul3A_146 = arith.mulf %add3A_129, %add3A_129 : vector<2048x32xf32>
    %reduce_sum3A_147 = arith.constant dense<0.000000e+00> : vector<32xf32>
    %reduce_sum3A_148 = vector.multi_reduction <add>, %mul3A_146, %reduce_sum3A_147 [0] : vector<2048x32xf32> to vector<32xf32>
    %broadcast_in_dim3A_149 = vector.shape_cast %reduce_sum3A_148 : vector<32xf32> to vector<1x32xf32>
    %add3A_150 = arith.addf %get3A_145, %broadcast_in_dim3A_149 : vector<1x32xf32>
    %swap3A_151 = arith.constant 1 : index
    %swap3A_152 = arith.constant 0 : index
    %swap3A_153 = vector.load %arg8[%swap3A_151, %swap3A_152] : memref<2x32xf32, #tpu.memory_space<vmem>>, vector<1x32xf32>
    tpu.vector_store %arg8[%swap3A_151, %swap3A_152], %add3A_150 {strides = array<i32>} : memref<2x32xf32, #tpu.memory_space<vmem>>, vector<1x32xf32>,
    %slice3A_154 = vector.extract_strided_slice %convert_element_type3A_88 {offsets = [0, 256], sizes = [2048, 128], strides = [1, 1]} : vector<2048x1024xbf16> to vector<2048x128xbf16>
    %get3A_155 = arith.constant 0 : index
    %get3A_156 = arith.constant 0 : index
    %get3A_157 = vector.load %arg4[%get3A_155, %get3A_156] : memref<128x32xbf16, #tpu.memory_space<vmem>>, vector<128x32xbf16>
    %dot_general3A_158 = arith.constant dense<0.000000e+00> : vector<2048x32xf32>
    %dot_general3A_159 = tpu.matmul %slice3A_154, %get3A_157, %dot_general3A_158 {dimension_numbers = #tpu.dot_dimension_numbers<[1], [0], [0], [1], [0, 0, 1, 1], [], []>, transpose_lhs_hint = false} : vector<2048x128xbf16>, vector<128x32xbf16>, vector<2048x32xf32> -> vector<2048x32xf32>
    %get3A_160 = arith.constant 0 : index
    %get3A_161 = arith.constant 0 : index
    %get3A_162 = vector.load %arg5[%get3A_160, %get3A_161] : memref<1x32xf32, #tpu.memory_space<vmem>>, vector<1x32xf32>
    %add3A_163 = vector.broadcast %get3A_162 : vector<1x32xf32> to vector<2048x32xf32>
    %add3A_164 = arith.addf %dot_general3A_159, %add3A_163 : vector<2048x32xf32>
    %swap3A_165 = arith.constant 0 : index
    %swap3A_166 = arith.constant 64 : index
    %swap3A_167 = vector.load %arg6[%swap3A_165, %swap3A_166] : memref<2048x256xf32, #tpu.memory_space<vmem>>, vector<2048x32xf32>
    tpu.vector_store %arg6[%swap3A_165, %swap3A_166], %add3A_164 {strides = array<i32>} : memref<2048x256xf32, #tpu.memory_space<vmem>>, vector<2048x32xf32>,
    %get3A_168 = arith.constant 0 : index
    %get3A_169 = arith.constant 0 : index
    %get3A_170 = vector.load %arg8[%get3A_168, %get3A_169] : memref<2x32xf32, #tpu.memory_space<vmem>>, vector<1x32xf32>
    %reduce_sum3A_171 = arith.constant dense<0.000000e+00> : vector<32xf32>
    %reduce_sum3A_172 = vector.multi_reduction <add>, %add3A_164, %reduce_sum3A_171 [0] : vector<2048x32xf32> to vector<32xf32>
    %broadcast_in_dim3A_173 = vector.shape_cast %reduce_sum3A_172 : vector<32xf32> to vector<1x32xf32>
    %add3A_174 = arith.addf %get3A_170, %broadcast_in_dim3A_173 : vector<1x32xf32>
    %swap3A_175 = arith.constant 0 : index
    %swap3A_176 = arith.constant 0 : index
    %swap3A_177 = vector.load %arg8[%swap3A_175, %swap3A_176] : memref<2x32xf32, #tpu.memory_space<vmem>>, vector<1x32xf32>
    tpu.vector_store %arg8[%swap3A_175, %swap3A_176], %add3A_174 {strides = array<i32>} : memref<2x32xf32, #tpu.memory_space<vmem>>, vector<1x32xf32>,
    %get3A_178 = arith.constant 1 : index
    %get3A_179 = arith.constant 0 : index
    %get3A_180 = vector.load %arg8[%get3A_178, %get3A_179] : memref<2x32xf32, #tpu.memory_space<vmem>>, vector<1x32xf32>
    %mul3A_181 = arith.mulf %add3A_164, %add3A_164 : vector<2048x32xf32>
    %reduce_sum3A_182 = arith.constant dense<0.000000e+00> : vector<32xf32>
    %reduce_sum3A_183 = vector.multi_reduction <add>, %mul3A_181, %reduce_sum3A_182 [0] : vector<2048x32xf32> to vector<32xf32>
    %broadcast_in_dim3A_184 = vector.shape_cast %reduce_sum3A_183 : vector<32xf32> to vector<1x32xf32>
    %add3A_185 = arith.addf %get3A_180, %broadcast_in_dim3A_184 : vector<1x32xf32>
    %swap3A_186 = arith.constant 1 : index
    %swap3A_187 = arith.constant 0 : index
    %swap3A_188 = vector.load %arg8[%swap3A_186, %swap3A_187] : memref<2x32xf32, #tpu.memory_space<vmem>>, vector<1x32xf32>
    tpu.vector_store %arg8[%swap3A_186, %swap3A_187], %add3A_185 {strides = array<i32>} : memref<2x32xf32, #tpu.memory_space<vmem>>, vector<1x32xf32>,
    %slice3A_189 = vector.extract_strided_slice %convert_element_type3A_88 {offsets = [0, 384], sizes = [2048, 128], strides = [1, 1]} : vector<2048x1024xbf16> to vector<2048x128xbf16>
    %get3A_190 = arith.constant 0 : index
    %get3A_191 = arith.constant 0 : index
    %get3A_192 = vector.load %arg4[%get3A_190, %get3A_191] : memref<128x32xbf16, #tpu.memory_space<vmem>>, vector<128x32xbf16>
    %dot_general3A_193 = arith.constant dense<0.000000e+00> : vector<2048x32xf32>
    %dot_general3A_194 = tpu.matmul %slice3A_189, %get3A_192, %dot_general3A_193 {dimension_numbers = #tpu.dot_dimension_numbers<[1], [0], [0], [1], [0, 0, 1, 1], [], []>, transpose_lhs_hint = false} : vector<2048x128xbf16>, vector<128x32xbf16>, vector<2048x32xf32> -> vector<2048x32xf32>
    %get3A_195 = arith.constant 0 : index
    %get3A_196 = arith.constant 0 : index
    %get3A_197 = vector.load %arg5[%get3A_195, %get3A_196] : memref<1x32xf32, #tpu.memory_space<vmem>>, vector<1x32xf32>
    %add3A_198 = vector.broadcast %get3A_197 : vector<1x32xf32> to vector<2048x32xf32>
    %add3A_199 = arith.addf %dot_general3A_194, %add3A_198 : vector<2048x32xf32>
    %swap3A_200 = arith.constant 0 : index
    %swap3A_201 = arith.constant 96 : index
    %swap3A_202 = vector.load %arg6[%swap3A_200, %swap3A_201] : memref<2048x256xf32, #tpu.memory_space<vmem>>, vector<2048x32xf32>
    tpu.vector_store %arg6[%swap3A_200, %swap3A_201], %add3A_199 {strides = array<i32>} : memref<2048x256xf32, #tpu.memory_space<vmem>>, vector<2048x32xf32>,
    %get3A_203 = arith.constant 0 : index
    %get3A_204 = arith.constant 0 : index
    %get3A_205 = vector.load %arg8[%get3A_203, %get3A_204] : memref<2x32xf32, #tpu.memory_space<vmem>>, vector<1x32xf32>
    %reduce_sum3A_206 = arith.constant dense<0.000000e+00> : vector<32xf32>
    %reduce_sum3A_207 = vector.multi_reduction <add>, %add3A_199, %reduce_sum3A_206 [0] : vector<2048x32xf32> to vector<32xf32>
    %broadcast_in_dim3A_208 = vector.shape_cast %reduce_sum3A_207 : vector<32xf32> to vector<1x32xf32>
    %add3A_209 = arith.addf %get3A_205, %broadcast_in_dim3A_208 : vector<1x32xf32>
    %swap3A_210 = arith.constant 0 : index
    %swap3A_211 = arith.constant 0 : index
    %swap3A_212 = vector.load %arg8[%swap3A_210, %swap3A_211] : memref<2x32xf32, #tpu.memory_space<vmem>>, vector<1x32xf32>
    tpu.vector_store %arg8[%swap3A_210, %swap3A_211], %add3A_209 {strides = array<i32>} : memref<2x32xf32, #tpu.memory_space<vmem>>, vector<1x32xf32>,
    %get3A_213 = arith.constant 1 : index
    %get3A_214 = arith.constant 0 : index
    %get3A_215 = vector.load %arg8[%get3A_213, %get3A_214] : memref<2x32xf32, #tpu.memory_space<vmem>>, vector<1x32xf32>
    %mul3A_216 = arith.mulf %add3A_199, %add3A_199 : vector<2048x32xf32>
    %reduce_sum3A_217 = arith.constant dense<0.000000e+00> : vector<32xf32>
    %reduce_sum3A_218 = vector.multi_reduction <add>, %mul3A_216, %reduce_sum3A_217 [0] : vector<2048x32xf32> to vector<32xf32>
    %broadcast_in_dim3A_219 = vector.shape_cast %reduce_sum3A_218 : vector<32xf32> to vector<1x32xf32>
    %add3A_220 = arith.addf %get3A_215, %broadcast_in_dim3A_219 : vector<1x32xf32>
    %swap3A_221 = arith.constant 1 : index
    %swap3A_222 = arith.constant 0 : index
    %swap3A_223 = vector.load %arg8[%swap3A_221, %swap3A_222] : memref<2x32xf32, #tpu.memory_space<vmem>>, vector<1x32xf32>
    tpu.vector_store %arg8[%swap3A_221, %swap3A_222], %add3A_220 {strides = array<i32>} : memref<2x32xf32, #tpu.memory_space<vmem>>, vector<1x32xf32>,
    %slice3A_224 = vector.extract_strided_slice %convert_element_type3A_88 {offsets = [0, 512], sizes = [2048, 128], strides = [1, 1]} : vector<2048x1024xbf16> to vector<2048x128xbf16>
    %get3A_225 = arith.constant 0 : index
    %get3A_226 = arith.constant 0 : index
    %get3A_227 = vector.load %arg4[%get3A_225, %get3A_226] : memref<128x32xbf16, #tpu.memory_space<vmem>>, vector<128x32xbf16>
    %dot_general3A_228 = arith.constant dense<0.000000e+00> : vector<2048x32xf32>
    %dot_general3A_229 = tpu.matmul %slice3A_224, %get3A_227, %dot_general3A_228 {dimension_numbers = #tpu.dot_dimension_numbers<[1], [0], [0], [1], [0, 0, 1, 1], [], []>, transpose_lhs_hint = false} : vector<2048x128xbf16>, vector<128x32xbf16>, vector<2048x32xf32> -> vector<2048x32xf32>
    %get3A_230 = arith.constant 0 : index
    %get3A_231 = arith.constant 0 : index
    %get3A_232 = vector.load %arg5[%get3A_230, %get3A_231] : memref<1x32xf32, #tpu.memory_space<vmem>>, vector<1x32xf32>
    %add3A_233 = vector.broadcast %get3A_232 : vector<1x32xf32> to vector<2048x32xf32>
    %add3A_234 = arith.addf %dot_general3A_229, %add3A_233 : vector<2048x32xf32>
    %swap3A_235 = arith.constant 0 : index
    %swap3A_236 = arith.constant 128 : index
    %swap3A_237 = vector.load %arg6[%swap3A_235, %swap3A_236] : memref<2048x256xf32, #tpu.memory_space<vmem>>, vector<2048x32xf32>
    tpu.vector_store %arg6[%swap3A_235, %swap3A_236], %add3A_234 {strides = array<i32>} : memref<2048x256xf32, #tpu.memory_space<vmem>>, vector<2048x32xf32>,
    %get3A_238 = arith.constant 0 : index
    %get3A_239 = arith.constant 0 : index
    %get3A_240 = vector.load %arg8[%get3A_238, %get3A_239] : memref<2x32xf32, #tpu.memory_space<vmem>>, vector<1x32xf32>
    %reduce_sum3A_241 = arith.constant dense<0.000000e+00> : vector<32xf32>
    %reduce_sum3A_242 = vector.multi_reduction <add>, %add3A_234, %reduce_sum3A_241 [0] : vector<2048x32xf32> to vector<32xf32>
    %broadcast_in_dim3A_243 = vector.shape_cast %reduce_sum3A_242 : vector<32xf32> to vector<1x32xf32>
    %add3A_244 = arith.addf %get3A_240, %broadcast_in_dim3A_243 : vector<1x32xf32>
    %swap3A_245 = arith.constant 0 : index
    %swap3A_246 = arith.constant 0 : index
    %swap3A_247 = vector.load %arg8[%swap3A_245, %swap3A_246] : memref<2x32xf32, #tpu.memory_space<vmem>>, vector<1x32xf32>
    tpu.vector_store %arg8[%swap3A_245, %swap3A_246], %add3A_244 {strides = array<i32>} : memref<2x32xf32, #tpu.memory_space<vmem>>, vector<1x32xf32>,
    %get3A_248 = arith.constant 1 : index
    %get3A_249 = arith.constant 0 : index
    %get3A_250 = vector.load %arg8[%get3A_248, %get3A_249] : memref<2x32xf32, #tpu.memory_space<vmem>>, vector<1x32xf32>
    %mul3A_251 = arith.mulf %add3A_234, %add3A_234 : vector<2048x32xf32>
    %reduce_sum3A_252 = arith.constant dense<0.000000e+00> : vector<32xf32>
    %reduce_sum3A_253 = vector.multi_reduction <add>, %mul3A_251, %reduce_sum3A_252 [0] : vector<2048x32xf32> to vector<32xf32>
    %broadcast_in_dim3A_254 = vector.shape_cast %reduce_sum3A_253 : vector<32xf32> to vector<1x32xf32>
    %add3A_255 = arith.addf %get3A_250, %broadcast_in_dim3A_254 : vector<1x32xf32>
    %swap3A_256 = arith.constant 1 : index
    %swap3A_257 = arith.constant 0 : index
    %swap3A_258 = vector.load %arg8[%swap3A_256, %swap3A_257] : memref<2x32xf32, #tpu.memory_space<vmem>>, vector<1x32xf32>
    tpu.vector_store %arg8[%swap3A_256, %swap3A_257], %add3A_255 {strides = array<i32>} : memref<2x32xf32, #tpu.memory_space<vmem>>, vector<1x32xf32>,
    %slice3A_259 = vector.extract_strided_slice %convert_element_type3A_88 {offsets = [0, 640], sizes = [2048, 128], strides = [1, 1]} : vector<2048x1024xbf16> to vector<2048x128xbf16>
    %get3A_260 = arith.constant 0 : index
    %get3A_261 = arith.constant 0 : index
    %get3A_262 = vector.load %arg4[%get3A_260, %get3A_261] : memref<128x32xbf16, #tpu.memory_space<vmem>>, vector<128x32xbf16>
    %dot_general3A_263 = arith.constant dense<0.000000e+00> : vector<2048x32xf32>
    %dot_general3A_264 = tpu.matmul %slice3A_259, %get3A_262, %dot_general3A_263 {dimension_numbers = #tpu.dot_dimension_numbers<[1], [0], [0], [1], [0, 0, 1, 1], [], []>, transpose_lhs_hint = false} : vector<2048x128xbf16>, vector<128x32xbf16>, vector<2048x32xf32> -> vector<2048x32xf32>
    %get3A_265 = arith.constant 0 : index
    %get3A_266 = arith.constant 0 : index
    %get3A_267 = vector.load %arg5[%get3A_265, %get3A_266] : memref<1x32xf32, #tpu.memory_space<vmem>>, vector<1x32xf32>
    %add3A_268 = vector.broadcast %get3A_267 : vector<1x32xf32> to vector<2048x32xf32>
    %add3A_269 = arith.addf %dot_general3A_264, %add3A_268 : vector<2048x32xf32>
    %swap3A_270 = arith.constant 0 : index
    %swap3A_271 = arith.constant 160 : index
    %swap3A_272 = vector.load %arg6[%swap3A_270, %swap3A_271] : memref<2048x256xf32, #tpu.memory_space<vmem>>, vector<2048x32xf32>
    tpu.vector_store %arg6[%swap3A_270, %swap3A_271], %add3A_269 {strides = array<i32>} : memref<2048x256xf32, #tpu.memory_space<vmem>>, vector<2048x32xf32>,
    %get3A_273 = arith.constant 0 : index
    %get3A_274 = arith.constant 0 : index
    %get3A_275 = vector.load %arg8[%get3A_273, %get3A_274] : memref<2x32xf32, #tpu.memory_space<vmem>>, vector<1x32xf32>
    %reduce_sum3A_276 = arith.constant dense<0.000000e+00> : vector<32xf32>
    %reduce_sum3A_277 = vector.multi_reduction <add>, %add3A_269, %reduce_sum3A_276 [0] : vector<2048x32xf32> to vector<32xf32>
    %broadcast_in_dim3A_278 = vector.shape_cast %reduce_sum3A_277 : vector<32xf32> to vector<1x32xf32>
    %add3A_279 = arith.addf %get3A_275, %broadcast_in_dim3A_278 : vector<1x32xf32>
    %swap3A_280 = arith.constant 0 : index
    %swap3A_281 = arith.constant 0 : index
    %swap3A_282 = vector.load %arg8[%swap3A_280, %swap3A_281] : memref<2x32xf32, #tpu.memory_space<vmem>>, vector<1x32xf32>
    tpu.vector_store %arg8[%swap3A_280, %swap3A_281], %add3A_279 {strides = array<i32>} : memref<2x32xf32, #tpu.memory_space<vmem>>, vector<1x32xf32>,
    %get3A_283 = arith.constant 1 : index
    %get3A_284 = arith.constant 0 : index
    %get3A_285 = vector.load %arg8[%get3A_283, %get3A_284] : memref<2x32xf32, #tpu.memory_space<vmem>>, vector<1x32xf32>
    %mul3A_286 = arith.mulf %add3A_269, %add3A_269 : vector<2048x32xf32>
    %reduce_sum3A_287 = arith.constant dense<0.000000e+00> : vector<32xf32>
    %reduce_sum3A_288 = vector.multi_reduction <add>, %mul3A_286, %reduce_sum3A_287 [0] : vector<2048x32xf32> to vector<32xf32>
    %broadcast_in_dim3A_289 = vector.shape_cast %reduce_sum3A_288 : vector<32xf32> to vector<1x32xf32>
    %add3A_290 = arith.addf %get3A_285, %broadcast_in_dim3A_289 : vector<1x32xf32>
    %swap3A_291 = arith.constant 1 : index
    %swap3A_292 = arith.constant 0 : index
    %swap3A_293 = vector.load %arg8[%swap3A_291, %swap3A_292] : memref<2x32xf32, #tpu.memory_space<vmem>>, vector<1x32xf32>
    tpu.vector_store %arg8[%swap3A_291, %swap3A_292], %add3A_290 {strides = array<i32>} : memref<2x32xf32, #tpu.memory_space<vmem>>, vector<1x32xf32>,
    %slice3A_294 = vector.extract_strided_slice %convert_element_type3A_88 {offsets = [0, 768], sizes = [2048, 128], strides = [1, 1]} : vector<2048x1024xbf16> to vector<2048x128xbf16>
    %get3A_295 = arith.constant 0 : index
    %get3A_296 = arith.constant 0 : index
    %get3A_297 = vector.load %arg4[%get3A_295, %get3A_296] : memref<128x32xbf16, #tpu.memory_space<vmem>>, vector<128x32xbf16>
    %dot_general3A_298 = arith.constant dense<0.000000e+00> : vector<2048x32xf32>
    %dot_general3A_299 = tpu.matmul %slice3A_294, %get3A_297, %dot_general3A_298 {dimension_numbers = #tpu.dot_dimension_numbers<[1], [0], [0], [1], [0, 0, 1, 1], [], []>, transpose_lhs_hint = false} : vector<2048x128xbf16>, vector<128x32xbf16>, vector<2048x32xf32> -> vector<2048x32xf32>
    %get3A_300 = arith.constant 0 : index
    %get3A_301 = arith.constant 0 : index
    %get3A_302 = vector.load %arg5[%get3A_300, %get3A_301] : memref<1x32xf32, #tpu.memory_space<vmem>>, vector<1x32xf32>
    %add3A_303 = vector.broadcast %get3A_302 : vector<1x32xf32> to vector<2048x32xf32>
    %add3A_304 = arith.addf %dot_general3A_299, %add3A_303 : vector<2048x32xf32>
    %swap3A_305 = arith.constant 0 : index
    %swap3A_306 = arith.constant 192 : index
    %swap3A_307 = vector.load %arg6[%swap3A_305, %swap3A_306] : memref<2048x256xf32, #tpu.memory_space<vmem>>, vector<2048x32xf32>
    tpu.vector_store %arg6[%swap3A_305, %swap3A_306], %add3A_304 {strides = array<i32>} : memref<2048x256xf32, #tpu.memory_space<vmem>>, vector<2048x32xf32>,
    %get3A_308 = arith.constant 0 : index
    %get3A_309 = arith.constant 0 : index
    %get3A_310 = vector.load %arg8[%get3A_308, %get3A_309] : memref<2x32xf32, #tpu.memory_space<vmem>>, vector<1x32xf32>
    %reduce_sum3A_311 = arith.constant dense<0.000000e+00> : vector<32xf32>
    %reduce_sum3A_312 = vector.multi_reduction <add>, %add3A_304, %reduce_sum3A_311 [0] : vector<2048x32xf32> to vector<32xf32>
    %broadcast_in_dim3A_313 = vector.shape_cast %reduce_sum3A_312 : vector<32xf32> to vector<1x32xf32>
    %add3A_314 = arith.addf %get3A_310, %broadcast_in_dim3A_313 : vector<1x32xf32>
    %swap3A_315 = arith.constant 0 : index
    %swap3A_316 = arith.constant 0 : index
    %swap3A_317 = vector.load %arg8[%swap3A_315, %swap3A_316] : memref<2x32xf32, #tpu.memory_space<vmem>>, vector<1x32xf32>
    tpu.vector_store %arg8[%swap3A_315, %swap3A_316], %add3A_314 {strides = array<i32>} : memref<2x32xf32, #tpu.memory_space<vmem>>, vector<1x32xf32>,
    %get3A_318 = arith.constant 1 : index
    %get3A_319 = arith.constant 0 : index
    %get3A_320 = vector.load %arg8[%get3A_318, %get3A_319] : memref<2x32xf32, #tpu.memory_space<vmem>>, vector<1x32xf32>
    %mul3A_321 = arith.mulf %add3A_304, %add3A_304 : vector<2048x32xf32>
    %reduce_sum3A_322 = arith.constant dense<0.000000e+00> : vector<32xf32>
    %reduce_sum3A_323 = vector.multi_reduction <add>, %mul3A_321, %reduce_sum3A_322 [0] : vector<2048x32xf32> to vector<32xf32>
    %broadcast_in_dim3A_324 = vector.shape_cast %reduce_sum3A_323 : vector<32xf32> to vector<1x32xf32>
    %add3A_325 = arith.addf %get3A_320, %broadcast_in_dim3A_324 : vector<1x32xf32>
    %swap3A_326 = arith.constant 1 : index
    %swap3A_327 = arith.constant 0 : index
    %swap3A_328 = vector.load %arg8[%swap3A_326, %swap3A_327] : memref<2x32xf32, #tpu.memory_space<vmem>>, vector<1x32xf32>
    tpu.vector_store %arg8[%swap3A_326, %swap3A_327], %add3A_325 {strides = array<i32>} : memref<2x32xf32, #tpu.memory_space<vmem>>, vector<1x32xf32>,
    %slice3A_329 = vector.extract_strided_slice %convert_element_type3A_88 {offsets = [0, 896], sizes = [2048, 128], strides = [1, 1]} : vector<2048x1024xbf16> to vector<2048x128xbf16>
    %get3A_330 = arith.constant 0 : index
    %get3A_331 = arith.constant 0 : index
    %get3A_332 = vector.load %arg4[%get3A_330, %get3A_331] : memref<128x32xbf16, #tpu.memory_space<vmem>>, vector<128x32xbf16>
    %dot_general3A_333 = arith.constant dense<0.000000e+00> : vector<2048x32xf32>
    %dot_general3A_334 = tpu.matmul %slice3A_329, %get3A_332, %dot_general3A_333 {dimension_numbers = #tpu.dot_dimension_numbers<[1], [0], [0], [1], [0, 0, 1, 1], [], []>, transpose_lhs_hint = false} : vector<2048x128xbf16>, vector<128x32xbf16>, vector<2048x32xf32> -> vector<2048x32xf32>
    %get3A_335 = arith.constant 0 : index
    %get3A_336 = arith.constant 0 : index
    %get3A_337 = vector.load %arg5[%get3A_335, %get3A_336] : memref<1x32xf32, #tpu.memory_space<vmem>>, vector<1x32xf32>
    %add3A_338 = vector.broadcast %get3A_337 : vector<1x32xf32> to vector<2048x32xf32>
    %add3A_339 = arith.addf %dot_general3A_334, %add3A_338 : vector<2048x32xf32>
    %swap3A_340 = arith.constant 0 : index
    %swap3A_341 = arith.constant 224 : index
    %swap3A_342 = vector.load %arg6[%swap3A_340, %swap3A_341] : memref<2048x256xf32, #tpu.memory_space<vmem>>, vector<2048x32xf32>
    tpu.vector_store %arg6[%swap3A_340, %swap3A_341], %add3A_339 {strides = array<i32>} : memref<2048x256xf32, #tpu.memory_space<vmem>>, vector<2048x32xf32>,
    %get3A_343 = arith.constant 0 : index
    %get3A_344 = arith.constant 0 : index
    %get3A_345 = vector.load %arg8[%get3A_343, %get3A_344] : memref<2x32xf32, #tpu.memory_space<vmem>>, vector<1x32xf32>
    %reduce_sum3A_346 = arith.constant dense<0.000000e+00> : vector<32xf32>
    %reduce_sum3A_347 = vector.multi_reduction <add>, %add3A_339, %reduce_sum3A_346 [0] : vector<2048x32xf32> to vector<32xf32>
    %broadcast_in_dim3A_348 = vector.shape_cast %reduce_sum3A_347 : vector<32xf32> to vector<1x32xf32>
    %add3A_349 = arith.addf %get3A_345, %broadcast_in_dim3A_348 : vector<1x32xf32>
    %swap3A_350 = arith.constant 0 : index
    %swap3A_351 = arith.constant 0 : index
    %swap3A_352 = vector.load %arg8[%swap3A_350, %swap3A_351] : memref<2x32xf32, #tpu.memory_space<vmem>>, vector<1x32xf32>
    tpu.vector_store %arg8[%swap3A_350, %swap3A_351], %add3A_349 {strides = array<i32>} : memref<2x32xf32, #tpu.memory_space<vmem>>, vector<1x32xf32>,
    %get3A_353 = arith.constant 1 : index
    %get3A_354 = arith.constant 0 : index
    %get3A_355 = vector.load %arg8[%get3A_353, %get3A_354] : memref<2x32xf32, #tpu.memory_space<vmem>>, vector<1x32xf32>
    %mul3A_356 = arith.mulf %add3A_339, %add3A_339 : vector<2048x32xf32>
    %reduce_sum3A_357 = arith.constant dense<0.000000e+00> : vector<32xf32>
    %reduce_sum3A_358 = vector.multi_reduction <add>, %mul3A_356, %reduce_sum3A_357 [0] : vector<2048x32xf32> to vector<32xf32>
    %broadcast_in_dim3A_359 = vector.shape_cast %reduce_sum3A_358 : vector<32xf32> to vector<1x32xf32>
    %add3A_360 = arith.addf %get3A_355, %broadcast_in_dim3A_359 : vector<1x32xf32>
    %swap3A_361 = arith.constant 1 : index
    %swap3A_362 = arith.constant 0 : index
    %swap3A_363 = vector.load %arg8[%swap3A_361, %swap3A_362] : memref<2x32xf32, #tpu.memory_space<vmem>>, vector<1x32xf32>
    tpu.vector_store %arg8[%swap3A_361, %swap3A_362], %add3A_360 {strides = array<i32>} : memref<2x32xf32, #tpu.memory_space<vmem>>, vector<1x32xf32>,
    %eq3A_364 = arith.constant 7 : i32
    %eq3A_365 = arith.cmpi eq, %arg0, %eq3A_364 : i32
    %convert_element_type3A_366 = arith.extui %eq3A_365 : i1 to i32
    %cond3A_367 = arith.constant 0 : i32
    %cond3A_368 = arith.cmpi ne, %convert_element_type3A_366, %cond3A_367 : i32
    scf.if %cond3A_368 {
      %get3A_369 = arith.constant 0 : index
      %get3A_370 = arith.constant 0 : index
      %get3A_371 = vector.load %arg8[%get3A_369, %get3A_370] : memref<2x32xf32, #tpu.memory_space<vmem>>, vector<2x32xf32>
      %swap3A_372 = arith.constant 0 : index
      %swap3A_373 = arith.constant 0 : index
      %swap3A_374 = vector.load %arg7[%swap3A_372, %swap3A_373] : memref<2x32xf32, #tpu.memory_space<vmem>>, vector<2x32xf32>
      tpu.vector_store %arg7[%swap3A_372, %swap3A_373], %get3A_371 {strides = array<i32>} : memref<2x32xf32, #tpu.memory_space<vmem>>, vector<2x32xf32>,
    } else {
    }
    return
  }
  func.func @transform_0(%arg0: i32) -> (i32, i32) {
    %c0_i32 = arith.constant 0 : i32
    %c0_i32_0 = arith.constant 0 : i32
    %c0_i32_1 = arith.constant 0 : i32
    return %c0_i32, %c0_i32_0 : i32, i32
  }
  func.func @transform_1(%arg0: i32) -> (i32, i32) {
    %c0_i32 = arith.constant 0 : i32
    %c0_i32_0 = arith.constant 0 : i32
    %c0_i32_1 = arith.constant 0 : i32
    return %c0_i32, %c0_i32_0 : i32, i32
  }
  func.func @transform_2(%arg0: i32) -> (i32, i32, i32) {
    %c0_i32 = arith.constant 0 : i32
    %c0_i32_0 = arith.constant 0 : i32
    %c0_i32_1 = arith.constant 0 : i32
    return %arg0, %c0_i32, %c0_i32_0 : i32, i32, i32
  }
  func.func @transform_3(%arg0: i32) -> (i32, i32) {
    %c0_i32 = arith.constant 0 : i32
    %c0_i32_0 = arith.constant 0 : i32
    %c0_i32_1 = arith.constant 0 : i32
    return %c0_i32, %c0_i32_0 : i32, i32
  }
  func.func @transform_4(%arg0: i32) -> (i32, i32) {
    %c0_i32 = arith.constant 0 : i32
    %c0_i32_0 = arith.constant 0 : i32
    %c0_i32_1 = arith.constant 0 : i32
    return %c0_i32, %c0_i32_0 : i32, i32
  }
  func.func @transform_5(%arg0: i32) -> (i32, i32) {
    %c0_i32 = arith.constant 0 : i32
    %c0_i32_0 = arith.constant 0 : i32
    return %c0_i32, %arg0 : i32, i32
  }
  func.func @transform_6(%arg0: i32) -> (i32, i32) {
    %c0_i32 = arith.constant 0 : i32
    %c0_i32_0 = arith.constant 0 : i32
    %c0_i32_1 = arith.constant 0 : i32
    return %c0_i32, %c0_i32_0 : i32, i32
  }
}

module attributes {stable_mosaic.version = 14 : i64} {
  func.func @_bn1_body(%arg0: i32, %arg1: memref<256x2048xf32, #tpu.memory_space<vmem>>, %arg2: memref<2x32xf32, #tpu.memory_space<vmem>>, %arg3: memref<1x32xf32, #tpu.memory_space<vmem>>, %arg4: memref<1x32xf32, #tpu.memory_space<vmem>>, %arg5: memref<256x2048xf32, #tpu.memory_space<vmem>>) attributes {dimension_semantics = [#tpu.dimension_semantics<arbitrary>], iteration_bounds = array<i64: 8>, scalar_prefetch = 0 : i64, scratch_operands = 0 : i64, tpu.core_type = #tpu.core_type<tc>, window_params = [{transform_indices = @transform_0, window_bounds = array<i64: 256, 2048>}, {pipeline_mode = #tpu.pipeline_mode<synchronous>, transform_indices = @transform_1, window_bounds = array<i64: 2, 32>}, {pipeline_mode = #tpu.pipeline_mode<synchronous>, transform_indices = @transform_2, window_bounds = array<i64: 1, 32>}, {pipeline_mode = #tpu.pipeline_mode<synchronous>, transform_indices = @transform_3, window_bounds = array<i64: 1, 32>}, {transform_indices = @transform_4, window_bounds = array<i64: 256, 2048>}]} {
    %get3A = arith.constant 0 : index
    %get3A_0 = arith.constant 0 : index
    %get3A_1 = vector.load %arg2[%get3A, %get3A_0] : memref<2x32xf32, #tpu.memory_space<vmem>>, vector<1x32xf32>
    %get3A_2 = arith.constant 1 : index
    %get3A_3 = arith.constant 0 : index
    %get3A_4 = vector.load %arg2[%get3A_2, %get3A_3] : memref<2x32xf32, #tpu.memory_space<vmem>>, vector<1x32xf32>
    %get3A_5 = arith.constant 0 : index
    %get3A_6 = arith.constant 0 : index
    %get3A_7 = vector.load %arg3[%get3A_5, %get3A_6] : memref<1x32xf32, #tpu.memory_space<vmem>>, vector<1x32xf32>
    %get3A_8 = arith.constant 0 : index
    %get3A_9 = arith.constant 0 : index
    %get3A_10 = vector.load %arg4[%get3A_8, %get3A_9] : memref<1x32xf32, #tpu.memory_space<vmem>>, vector<1x32xf32>
    %div3A = arith.constant 1.310720e+05 : f32
    %div3A_11 = vector.broadcast %div3A : f32 to vector<1x32xf32>
    %div3A_12 = arith.divf %get3A_1, %div3A_11 : vector<1x32xf32>
    %div3A_13 = arith.constant 1.310720e+05 : f32
    %div3A_14 = vector.broadcast %div3A_13 : f32 to vector<1x32xf32>
    %div3A_15 = arith.divf %get3A_4, %div3A_14 : vector<1x32xf32>
    %mul3A = arith.mulf %div3A_12, %div3A_12 : vector<1x32xf32>
    %sub3A = arith.subf %div3A_15, %mul3A : vector<1x32xf32>
    %add3A = arith.constant 9.99999974E-6 : f32
    %add3A_16 = vector.broadcast %add3A : f32 to vector<1x32xf32>
    %add3A_17 = arith.addf %sub3A, %add3A_16 : vector<1x32xf32>
    %rsqrt3A = math.rsqrt %add3A_17 : vector<1x32xf32>
    %mul3A_18 = arith.mulf %rsqrt3A, %get3A_7 : vector<1x32xf32>
    %mul3A_19 = arith.mulf %div3A_12, %mul3A_18 : vector<1x32xf32>
    %sub3A_20 = arith.subf %get3A_10, %mul3A_19 : vector<1x32xf32>
    %iota3A = tpu.iota {dimensions = array<i32: 1>} : vector<32x2048xi32>
    %jit3A = arith.constant 32 : i32
    %eq3A = arith.constant 0 : i32
    %eq3A_21 = arith.cmpi eq, %jit3A, %eq3A : i32
    %jit3A_22 = arith.constant 1 : i32
    %select_n3A = arith.select %eq3A_21, %jit3A_22, %jit3A : i32
    %rem3A = vector.broadcast %select_n3A : i32 to vector<32x2048xi32>
    %rem3A_23 = arith.remsi %iota3A, %rem3A : vector<32x2048xi32>
    %ne3A = arith.constant 0 : i32
    %ne3A_24 = vector.broadcast %ne3A : i32 to vector<32x2048xi32>
    %ne3A_25 = arith.cmpi ne, %rem3A_23, %ne3A_24 : vector<32x2048xi32>
    %lt3A = arith.constant 0 : i32
    %lt3A_26 = vector.broadcast %lt3A : i32 to vector<32x2048xi32>
    %lt3A_27 = arith.cmpi slt, %rem3A_23, %lt3A_26 : vector<32x2048xi32>
    %lt3A_28 = arith.constant 0 : i32
    %lt3A_29 = arith.cmpi slt, %select_n3A, %lt3A_28 : i32
    %ne3A_30 = vector.broadcast %lt3A_29 : i1 to vector<32x2048xi1>
    %ne3A_31 = vector.broadcast %ne3A_30 : vector<32x2048xi1> to vector<32x2048xi1>
    %ne3A_32 = arith.xori %lt3A_27, %ne3A_31 : vector<32x2048xi1>
    %and3A = arith.andi %ne3A_32, %ne3A_25 : vector<32x2048xi1>
    %add3A_33 = vector.broadcast %select_n3A : i32 to vector<32x2048xi32>
    %add3A_34 = arith.addi %rem3A_23, %add3A_33 : vector<32x2048xi32>
    %select_n3A_35 = arith.select %and3A, %add3A_34, %rem3A_23 : vector<32x2048xi1>, vector<32x2048xi32>
    %iota3A_36 = tpu.iota {dimensions = array<i32: 0>} : vector<32x2048xi32>
    %eq3A_37 = arith.cmpi eq, %select_n3A_35, %iota3A_36 : vector<32x2048xi32>
    %convert_element_type3A = arith.extui %eq3A_37 : vector<32x2048xi1> to vector<32x2048xi32>
    %convert_element_type3A_38 = arith.sitofp %convert_element_type3A : vector<32x2048xi32> to vector<32x2048xf32>
    %dot_general3A = arith.constant dense<0.000000e+00> : vector<1x2048xf32>
    %dot_general3A_39 = tpu.matmul %mul3A_18, %convert_element_type3A_38, %dot_general3A {dimension_numbers = #tpu.dot_dimension_numbers<[1], [0], [0], [1], [0, 0, 1, 1], [], []>, precision = #tpu.contract_precision<fp32>, transpose_lhs_hint = false} : vector<1x32xf32>, vector<32x2048xf32>, vector<1x2048xf32> -> vector<1x2048xf32>
    %dot_general3A_40 = arith.constant dense<0.000000e+00> : vector<1x2048xf32>
    %dot_general3A_41 = tpu.matmul %sub3A_20, %convert_element_type3A_38, %dot_general3A_40 {dimension_numbers = #tpu.dot_dimension_numbers<[1], [0], [0], [1], [0, 0, 1, 1], [], []>, precision = #tpu.contract_precision<fp32>, transpose_lhs_hint = false} : vector<1x32xf32>, vector<32x2048xf32>, vector<1x2048xf32> -> vector<1x2048xf32>
    %get3A_42 = arith.constant 0 : index
    %get3A_43 = arith.constant 0 : index
    %get3A_44 = vector.load %arg1[%get3A_42, %get3A_43] : memref<256x2048xf32, #tpu.memory_space<vmem>>, vector<256x2048xf32>
    %mul3A_45 = vector.broadcast %dot_general3A_39 : vector<1x2048xf32> to vector<256x2048xf32>
    %mul3A_46 = arith.mulf %get3A_44, %mul3A_45 : vector<256x2048xf32>
    %add3A_47 = vector.broadcast %dot_general3A_41 : vector<1x2048xf32> to vector<256x2048xf32>
    %add3A_48 = arith.addf %mul3A_46, %add3A_47 : vector<256x2048xf32>
    %max3A = arith.constant 0.000000e+00 : f32
    %max3A_49 = vector.broadcast %max3A : f32 to vector<256x2048xf32>
    %max3A_50 = arith.maximumf %add3A_48, %max3A_49 : vector<256x2048xf32>
    %swap3A = arith.constant 0 : index
    %swap3A_51 = arith.constant 0 : index
    %swap3A_52 = vector.load %arg5[%swap3A, %swap3A_51] : memref<256x2048xf32, #tpu.memory_space<vmem>>, vector<256x2048xf32>
    tpu.vector_store %arg5[%swap3A, %swap3A_51], %max3A_50 {strides = array<i32>} : memref<256x2048xf32, #tpu.memory_space<vmem>>, vector<256x2048xf32>,
    return
  }
  func.func @transform_0(%arg0: i32) -> (i32, i32) {
    %c0_i32 = arith.constant 0 : i32
    %c0_i32_0 = arith.constant 0 : i32
    return %arg0, %c0_i32 : i32, i32
  }
  func.func @transform_1(%arg0: i32) -> (i32, i32) {
    %c0_i32 = arith.constant 0 : i32
    %c0_i32_0 = arith.constant 0 : i32
    %c0_i32_1 = arith.constant 0 : i32
    return %c0_i32, %c0_i32_0 : i32, i32
  }
  func.func @transform_2(%arg0: i32) -> (i32, i32) {
    %c0_i32 = arith.constant 0 : i32
    %c0_i32_0 = arith.constant 0 : i32
    %c0_i32_1 = arith.constant 0 : i32
    return %c0_i32, %c0_i32_0 : i32, i32
  }
  func.func @transform_3(%arg0: i32) -> (i32, i32) {
    %c0_i32 = arith.constant 0 : i32
    %c0_i32_0 = arith.constant 0 : i32
    %c0_i32_1 = arith.constant 0 : i32
    return %c0_i32, %c0_i32_0 : i32, i32
  }
  func.func @transform_4(%arg0: i32) -> (i32, i32) {
    %c0_i32 = arith.constant 0 : i32
    %c0_i32_0 = arith.constant 0 : i32
    return %arg0, %c0_i32 : i32, i32
  }
}

module attributes {stable_mosaic.version = 14 : i64} {
  func.func @_spmm2_body(%arg0: i32, %arg1: memref<128x2048xbf16, #tpu.memory_space<vmem>>, %arg2: memref<128x2048xbf16, #tpu.memory_space<vmem>>, %arg3: memref<2048x2048xf32, #tpu.memory_space<vmem>>, %arg4: memref<32x32xbf16, #tpu.memory_space<vmem>>, %arg5: memref<1x32xf32, #tpu.memory_space<vmem>>, %arg6: memref<64x128x32xf32, #tpu.memory_space<vmem>>, %arg7: memref<2x32xf32, #tpu.memory_space<vmem>>, %arg8: memref<2x32xf32, #tpu.memory_space<vmem>>) attributes {dimension_semantics = [#tpu.dimension_semantics<arbitrary>], iteration_bounds = array<i64: 16>, scalar_prefetch = 0 : i64, scratch_operands = 1 : i64, tpu.core_type = #tpu.core_type<tc>, window_params = [{transform_indices = @transform_0, window_bounds = array<i64: 128, 2048>}, {transform_indices = @transform_1, window_bounds = array<i64: 128, 2048>}, {pipeline_mode = #tpu.pipeline_mode<synchronous>, transform_indices = @transform_2, window_bounds = array<i64: 2048, 2048>}, {pipeline_mode = #tpu.pipeline_mode<synchronous>, transform_indices = @transform_3, window_bounds = array<i64: 32, 32>}, {pipeline_mode = #tpu.pipeline_mode<synchronous>, transform_indices = @transform_4, window_bounds = array<i64: 1, 32>}, {transform_indices = @transform_5, window_bounds = array<i64: 64, 128, 32>}, {pipeline_mode = #tpu.pipeline_mode<synchronous>, transform_indices = @transform_6, window_bounds = array<i64: 2, 32>}]} {
    %eq3A = arith.constant 0 : i32
    %eq3A_0 = arith.cmpi eq, %arg0, %eq3A : i32
    %convert_element_type3A = arith.extui %eq3A_0 : i1 to i32
    %cond3A = arith.constant 0 : i32
    %cond3A_1 = arith.cmpi ne, %convert_element_type3A, %cond3A : i32
    scf.if %cond3A_1 {
      %broadcast_in_dim3A_58 = arith.constant 0.000000e+00 : f32
      %broadcast_in_dim3A_59 = vector.broadcast %broadcast_in_dim3A_58 : f32 to vector<2x32xf32>
      %swap3A_60 = arith.constant 0 : index
      %swap3A_61 = arith.constant 0 : index
      %swap3A_62 = vector.load %arg8[%swap3A_60, %swap3A_61] : memref<2x32xf32, #tpu.memory_space<vmem>>, vector<2x32xf32>
      tpu.vector_store %arg8[%swap3A_60, %swap3A_61], %broadcast_in_dim3A_59 {strides = array<i32>} : memref<2x32xf32, #tpu.memory_space<vmem>>, vector<2x32xf32>,
    } else {
    }
    %get3A = arith.constant 0 : index
    %get3A_2 = arith.constant 0 : index
    %get3A_3 = vector.load %arg1[%get3A, %get3A_2] : memref<128x2048xbf16, #tpu.memory_space<vmem>>, vector<128x2048xbf16>
    %get3A_4 = arith.constant 0 : index
    %get3A_5 = arith.constant 0 : index
    %get3A_6 = vector.load %arg2[%get3A_4, %get3A_5] : memref<128x2048xbf16, #tpu.memory_space<vmem>>, vector<128x2048xbf16>
    %get3A_7 = arith.constant 0 : index
    %get3A_8 = arith.constant 0 : index
    %get3A_9 = vector.load %arg3[%get3A_7, %get3A_8] : memref<2048x2048xf32, #tpu.memory_space<vmem>>, vector<2048x2048xf32>
    %convert_element_type3A_10 = arith.truncf %get3A_9 : vector<2048x2048xf32> to vector<2048x2048xbf16>
    %convert_element_type3A_11 = arith.extf %convert_element_type3A_10 : vector<2048x2048xbf16> to vector<2048x2048xf32>
    %sub3A = arith.subf %get3A_9, %convert_element_type3A_11 : vector<2048x2048xf32>
    %convert_element_type3A_12 = arith.truncf %sub3A : vector<2048x2048xf32> to vector<2048x2048xbf16>
    %dot_general3A = arith.constant dense<0.000000e+00> : vector<128x2048xf32>
    %dot_general3A_13 = tpu.matmul %get3A_3, %convert_element_type3A_10, %dot_general3A {dimension_numbers = #tpu.dot_dimension_numbers<[1], [0], [0], [1], [0, 0, 1, 1], [], []>, transpose_lhs_hint = false} : vector<128x2048xbf16>, vector<2048x2048xbf16>, vector<128x2048xf32> -> vector<128x2048xf32>
    %dot_general3A_14 = arith.constant dense<0.000000e+00> : vector<128x2048xf32>
    %dot_general3A_15 = tpu.matmul %get3A_3, %convert_element_type3A_12, %dot_general3A_14 {dimension_numbers = #tpu.dot_dimension_numbers<[1], [0], [0], [1], [0, 0, 1, 1], [], []>, transpose_lhs_hint = false} : vector<128x2048xbf16>, vector<2048x2048xbf16>, vector<128x2048xf32> -> vector<128x2048xf32>
    %add3A = arith.addf %dot_general3A_13, %dot_general3A_15 : vector<128x2048xf32>
    %dot_general3A_16 = arith.constant dense<0.000000e+00> : vector<128x2048xf32>
    %dot_general3A_17 = tpu.matmul %get3A_6, %convert_element_type3A_10, %dot_general3A_16 {dimension_numbers = #tpu.dot_dimension_numbers<[1], [0], [0], [1], [0, 0, 1, 1], [], []>, transpose_lhs_hint = false} : vector<128x2048xbf16>, vector<2048x2048xbf16>, vector<128x2048xf32> -> vector<128x2048xf32>
    %add3A_18 = arith.addf %add3A, %dot_general3A_17 : vector<128x2048xf32>
    %reshape3A = vector.shape_cast %add3A_18 : vector<128x2048xf32> to vector<128x64x32xf32>
    %transpose3A = tpu.transpose %reshape3A, [1, 0, 2] : vector<128x64x32xf32> -> vector<64x128x32xf32>
    %reshape3A_19 = vector.shape_cast %transpose3A : vector<64x128x32xf32> to vector<8192x32xf32>
    %convert_element_type3A_20 = arith.truncf %reshape3A_19 : vector<8192x32xf32> to vector<8192x32xbf16>
    %get3A_21 = arith.constant 0 : index
    %get3A_22 = arith.constant 0 : index
    %get3A_23 = vector.load %arg4[%get3A_21, %get3A_22] : memref<32x32xbf16, #tpu.memory_space<vmem>>, vector<32x32xbf16>
    %dot_general3A_24 = arith.constant dense<0.000000e+00> : vector<8192x32xf32>
    %dot_general3A_25 = tpu.matmul %convert_element_type3A_20, %get3A_23, %dot_general3A_24 {dimension_numbers = #tpu.dot_dimension_numbers<[1], [0], [0], [1], [0, 0, 1, 1], [], []>, transpose_lhs_hint = false} : vector<8192x32xbf16>, vector<32x32xbf16>, vector<8192x32xf32> -> vector<8192x32xf32>
    %get3A_26 = arith.constant 0 : index
    %get3A_27 = arith.constant 0 : index
    %get3A_28 = vector.load %arg5[%get3A_26, %get3A_27] : memref<1x32xf32, #tpu.memory_space<vmem>>, vector<1x32xf32>
    %add3A_29 = vector.broadcast %get3A_28 : vector<1x32xf32> to vector<8192x32xf32>
    %add3A_30 = arith.addf %dot_general3A_25, %add3A_29 : vector<8192x32xf32>
    %get3A_31 = arith.constant 0 : index
    %get3A_32 = arith.constant 0 : index
    %get3A_33 = vector.load %arg8[%get3A_31, %get3A_32] : memref<2x32xf32, #tpu.memory_space<vmem>>, vector<1x32xf32>
    %reduce_sum3A = arith.constant dense<0.000000e+00> : vector<32xf32>
    %reduce_sum3A_34 = vector.multi_reduction <add>, %add3A_30, %reduce_sum3A [0] : vector<8192x32xf32> to vector<32xf32>
    %broadcast_in_dim3A = vector.shape_cast %reduce_sum3A_34 : vector<32xf32> to vector<1x32xf32>
    %add3A_35 = arith.addf %get3A_33, %broadcast_in_dim3A : vector<1x32xf32>
    %swap3A = arith.constant 0 : index
    %swap3A_36 = arith.constant 0 : index
    %swap3A_37 = vector.load %arg8[%swap3A, %swap3A_36] : memref<2x32xf32, #tpu.memory_space<vmem>>, vector<1x32xf32>
    tpu.vector_store %arg8[%swap3A, %swap3A_36], %add3A_35 {strides = array<i32>} : memref<2x32xf32, #tpu.memory_space<vmem>>, vector<1x32xf32>,
    %get3A_38 = arith.constant 1 : index
    %get3A_39 = arith.constant 0 : index
    %get3A_40 = vector.load %arg8[%get3A_38, %get3A_39] : memref<2x32xf32, #tpu.memory_space<vmem>>, vector<1x32xf32>
    %mul3A = arith.mulf %add3A_30, %add3A_30 : vector<8192x32xf32>
    %reduce_sum3A_41 = arith.constant dense<0.000000e+00> : vector<32xf32>
    %reduce_sum3A_42 = vector.multi_reduction <add>, %mul3A, %reduce_sum3A_41 [0] : vector<8192x32xf32> to vector<32xf32>
    %broadcast_in_dim3A_43 = vector.shape_cast %reduce_sum3A_42 : vector<32xf32> to vector<1x32xf32>
    %add3A_44 = arith.addf %get3A_40, %broadcast_in_dim3A_43 : vector<1x32xf32>
    %swap3A_45 = arith.constant 1 : index
    %swap3A_46 = arith.constant 0 : index
    %swap3A_47 = vector.load %arg8[%swap3A_45, %swap3A_46] : memref<2x32xf32, #tpu.memory_space<vmem>>, vector<1x32xf32>
    tpu.vector_store %arg8[%swap3A_45, %swap3A_46], %add3A_44 {strides = array<i32>} : memref<2x32xf32, #tpu.memory_space<vmem>>, vector<1x32xf32>,
    %reshape3A_48 = vector.shape_cast %add3A_30 : vector<8192x32xf32> to vector<64x128x32xf32>
    %swap3A_49 = arith.constant 0 : index
    %swap3A_50 = arith.constant 0 : index
    %swap3A_51 = arith.constant 0 : index
    %swap3A_52 = vector.load %arg6[%swap3A_49, %swap3A_50, %swap3A_51] : memref<64x128x32xf32, #tpu.memory_space<vmem>>, vector<64x128x32xf32>
    tpu.vector_store %arg6[%swap3A_49, %swap3A_50, %swap3A_51], %reshape3A_48 {strides = array<i32>} : memref<64x128x32xf32, #tpu.memory_space<vmem>>, vector<64x128x32xf32>,
    %eq3A_53 = arith.constant 15 : i32
    %eq3A_54 = arith.cmpi eq, %arg0, %eq3A_53 : i32
    %convert_element_type3A_55 = arith.extui %eq3A_54 : i1 to i32
    %cond3A_56 = arith.constant 0 : i32
    %cond3A_57 = arith.cmpi ne, %convert_element_type3A_55, %cond3A_56 : i32
    scf.if %cond3A_57 {
      %get3A_58 = arith.constant 0 : index
      %get3A_59 = arith.constant 0 : index
      %get3A_60 = vector.load %arg8[%get3A_58, %get3A_59] : memref<2x32xf32, #tpu.memory_space<vmem>>, vector<2x32xf32>
      %swap3A_61 = arith.constant 0 : index
      %swap3A_62 = arith.constant 0 : index
      %swap3A_63 = vector.load %arg7[%swap3A_61, %swap3A_62] : memref<2x32xf32, #tpu.memory_space<vmem>>, vector<2x32xf32>
      tpu.vector_store %arg7[%swap3A_61, %swap3A_62], %get3A_60 {strides = array<i32>} : memref<2x32xf32, #tpu.memory_space<vmem>>, vector<2x32xf32>,
    } else {
    }
    return
  }
  func.func @transform_0(%arg0: i32) -> (i32, i32) {
    %c0_i32 = arith.constant 0 : i32
    %c0_i32_0 = arith.constant 0 : i32
    return %arg0, %c0_i32 : i32, i32
  }
  func.func @transform_1(%arg0: i32) -> (i32, i32) {
    %c0_i32 = arith.constant 0 : i32
    %c0_i32_0 = arith.constant 0 : i32
    return %arg0, %c0_i32 : i32, i32
  }
  func.func @transform_2(%arg0: i32) -> (i32, i32) {
    %c0_i32 = arith.constant 0 : i32
    %c0_i32_0 = arith.constant 0 : i32
    %c0_i32_1 = arith.constant 0 : i32
    return %c0_i32, %c0_i32_0 : i32, i32
  }
  func.func @transform_3(%arg0: i32) -> (i32, i32) {
    %c0_i32 = arith.constant 0 : i32
    %c0_i32_0 = arith.constant 0 : i32
    %c0_i32_1 = arith.constant 0 : i32
    return %c0_i32, %c0_i32_0 : i32, i32
  }
  func.func @transform_4(%arg0: i32) -> (i32, i32) {
    %c0_i32 = arith.constant 0 : i32
    %c0_i32_0 = arith.constant 0 : i32
    %c0_i32_1 = arith.constant 0 : i32
    return %c0_i32, %c0_i32_0 : i32, i32
  }
  func.func @transform_5(%arg0: i32) -> (i32, i32, i32) {
    %c0_i32 = arith.constant 0 : i32
    %c0_i32_0 = arith.constant 0 : i32
    %c0_i32_1 = arith.constant 0 : i32
    return %c0_i32, %arg0, %c0_i32_0 : i32, i32, i32
  }
  func.func @transform_6(%arg0: i32) -> (i32, i32) {
    %c0_i32 = arith.constant 0 : i32
    %c0_i32_0 = arith.constant 0 : i32
    %c0_i32_1 = arith.constant 0 : i32
    return %c0_i32, %c0_i32_0 : i32, i32
  }
}

module attributes {stable_mosaic.version = 14 : i64} {
  func.func @_fc_body(%arg0: i32, %arg1: memref<64x8192xf32, #tpu.memory_space<vmem>>, %arg2: memref<2x32xf32, #tpu.memory_space<vmem>>, %arg3: memref<1x32xf32, #tpu.memory_space<vmem>>, %arg4: memref<1x32xf32, #tpu.memory_space<vmem>>, %arg5: memref<8192x512xbf16, #tpu.memory_space<vmem>>, %arg6: memref<64x64xf32, #tpu.memory_space<vmem>>, %arg7: memref<64x512xbf16, #tpu.memory_space<vmem>>, %arg8: memref<1x512xf32, #tpu.memory_space<vmem>>, %arg9: memref<512x2xbf16, #tpu.memory_space<vmem>>, %arg10: memref<1x2xf32, #tpu.memory_space<vmem>>, %arg11: memref<64x2xf32, #tpu.memory_space<vmem>>, %arg12: memref<64x512xf32, #tpu.memory_space<vmem>>, %arg13: memref<2x8192xf32, #tpu.memory_space<vmem>>) attributes {dimension_semantics = [#tpu.dimension_semantics<arbitrary>], iteration_bounds = array<i64: 8>, scalar_prefetch = 0 : i64, scratch_operands = 2 : i64, tpu.core_type = #tpu.core_type<tc>, window_params = [{transform_indices = @transform_0, window_bounds = array<i64: 64, 8192>}, {pipeline_mode = #tpu.pipeline_mode<synchronous>, transform_indices = @transform_1, window_bounds = array<i64: 2, 32>}, {pipeline_mode = #tpu.pipeline_mode<synchronous>, transform_indices = @transform_2, window_bounds = array<i64: 1, 32>}, {pipeline_mode = #tpu.pipeline_mode<synchronous>, transform_indices = @transform_3, window_bounds = array<i64: 1, 32>}, {transform_indices = @transform_4, window_bounds = array<i64: 8192, 512>}, {pipeline_mode = #tpu.pipeline_mode<synchronous>, transform_indices = @transform_5, window_bounds = array<i64: 64, 64>}, {pipeline_mode = #tpu.pipeline_mode<synchronous>, transform_indices = @transform_6, window_bounds = array<i64: 64, 512>}, {pipeline_mode = #tpu.pipeline_mode<synchronous>, transform_indices = @transform_7, window_bounds = array<i64: 1, 512>}, {pipeline_mode = #tpu.pipeline_mode<synchronous>, transform_indices = @transform_8, window_bounds = array<i64: 512, 2>}, {pipeline_mode = #tpu.pipeline_mode<synchronous>, transform_indices = @transform_9, window_bounds = array<i64: 1, 2>}, {pipeline_mode = #tpu.pipeline_mode<synchronous>, transform_indices = @transform_10, window_bounds = array<i64: 64, 2>}]} {
    %eq3A = arith.constant 0 : i32
    %eq3A_0 = arith.cmpi eq, %arg0, %eq3A : i32
    %convert_element_type3A = arith.extui %eq3A_0 : i1 to i32
    %cond3A = arith.constant 0 : i32
    %cond3A_1 = arith.cmpi ne, %convert_element_type3A, %cond3A : i32
    scf.if %cond3A_1 {
      %broadcast_in_dim3A = arith.constant 0.000000e+00 : f32
      %broadcast_in_dim3A_30 = vector.broadcast %broadcast_in_dim3A : f32 to vector<64x512xf32>
      %swap3A_31 = arith.constant 0 : index
      %swap3A_32 = arith.constant 0 : index
      %swap3A_33 = vector.load %arg12[%swap3A_31, %swap3A_32] : memref<64x512xf32, #tpu.memory_space<vmem>>, vector<64x512xf32>
      tpu.vector_store %arg12[%swap3A_31, %swap3A_32], %broadcast_in_dim3A_30 {strides = array<i32>} : memref<64x512xf32, #tpu.memory_space<vmem>>, vector<64x512xf32>,
      %get3A_34 = arith.constant 0 : index
      %get3A_35 = arith.constant 0 : index
      %get3A_36 = vector.load %arg2[%get3A_34, %get3A_35] : memref<2x32xf32, #tpu.memory_space<vmem>>, vector<1x32xf32>
      %get3A_37 = arith.constant 1 : index
      %get3A_38 = arith.constant 0 : index
      %get3A_39 = vector.load %arg2[%get3A_37, %get3A_38] : memref<2x32xf32, #tpu.memory_space<vmem>>, vector<1x32xf32>
      %get3A_40 = arith.constant 0 : index
      %get3A_41 = arith.constant 0 : index
      %get3A_42 = vector.load %arg3[%get3A_40, %get3A_41] : memref<1x32xf32, #tpu.memory_space<vmem>>, vector<1x32xf32>
      %get3A_43 = arith.constant 0 : index
      %get3A_44 = arith.constant 0 : index
      %get3A_45 = vector.load %arg4[%get3A_43, %get3A_44] : memref<1x32xf32, #tpu.memory_space<vmem>>, vector<1x32xf32>
      %div3A = arith.constant 1.310720e+05 : f32
      %div3A_46 = vector.broadcast %div3A : f32 to vector<1x32xf32>
      %div3A_47 = arith.divf %get3A_36, %div3A_46 : vector<1x32xf32>
      %div3A_48 = arith.constant 1.310720e+05 : f32
      %div3A_49 = vector.broadcast %div3A_48 : f32 to vector<1x32xf32>
      %div3A_50 = arith.divf %get3A_39, %div3A_49 : vector<1x32xf32>
      %mul3A_51 = arith.mulf %div3A_47, %div3A_47 : vector<1x32xf32>
      %sub3A = arith.subf %div3A_50, %mul3A_51 : vector<1x32xf32>
      %add3A_52 = arith.constant 9.99999974E-6 : f32
      %add3A_53 = vector.broadcast %add3A_52 : f32 to vector<1x32xf32>
      %add3A_54 = arith.addf %sub3A, %add3A_53 : vector<1x32xf32>
      %rsqrt3A = math.rsqrt %add3A_54 : vector<1x32xf32>
      %mul3A_55 = arith.mulf %rsqrt3A, %get3A_42 : vector<1x32xf32>
      %mul3A_56 = arith.mulf %div3A_47, %mul3A_55 : vector<1x32xf32>
      %sub3A_57 = arith.subf %get3A_45, %mul3A_56 : vector<1x32xf32>
      %iota3A = tpu.iota {dimensions = array<i32: 1>} : vector<32x8192xi32>
      %jit3A = arith.constant 32 : i32
      %eq3A_58 = arith.constant 0 : i32
      %eq3A_59 = arith.cmpi eq, %jit3A, %eq3A_58 : i32
      %jit3A_60 = arith.constant 1 : i32
      %select_n3A = arith.select %eq3A_59, %jit3A_60, %jit3A : i32
      %rem3A = vector.broadcast %select_n3A : i32 to vector<32x8192xi32>
      %rem3A_61 = arith.remsi %iota3A, %rem3A : vector<32x8192xi32>
      %ne3A = arith.constant 0 : i32
      %ne3A_62 = vector.broadcast %ne3A : i32 to vector<32x8192xi32>
      %ne3A_63 = arith.cmpi ne, %rem3A_61, %ne3A_62 : vector<32x8192xi32>
      %lt3A = arith.constant 0 : i32
      %lt3A_64 = vector.broadcast %lt3A : i32 to vector<32x8192xi32>
      %lt3A_65 = arith.cmpi slt, %rem3A_61, %lt3A_64 : vector<32x8192xi32>
      %lt3A_66 = arith.constant 0 : i32
      %lt3A_67 = arith.cmpi slt, %select_n3A, %lt3A_66 : i32
      %ne3A_68 = vector.broadcast %lt3A_67 : i1 to vector<32x8192xi1>
      %ne3A_69 = vector.broadcast %ne3A_68 : vector<32x8192xi1> to vector<32x8192xi1>
      %ne3A_70 = arith.xori %lt3A_65, %ne3A_69 : vector<32x8192xi1>
      %and3A = arith.andi %ne3A_70, %ne3A_63 : vector<32x8192xi1>
      %add3A_71 = vector.broadcast %select_n3A : i32 to vector<32x8192xi32>
      %add3A_72 = arith.addi %rem3A_61, %add3A_71 : vector<32x8192xi32>
      %select_n3A_73 = arith.select %and3A, %add3A_72, %rem3A_61 : vector<32x8192xi1>, vector<32x8192xi32>
      %iota3A_74 = tpu.iota {dimensions = array<i32: 0>} : vector<32x8192xi32>
      %eq3A_75 = arith.cmpi eq, %select_n3A_73, %iota3A_74 : vector<32x8192xi32>
      %convert_element_type3A_76 = arith.extui %eq3A_75 : vector<32x8192xi1> to vector<32x8192xi32>
      %convert_element_type3A_77 = arith.sitofp %convert_element_type3A_76 : vector<32x8192xi32> to vector<32x8192xf32>
      %dot_general3A_78 = arith.constant dense<0.000000e+00> : vector<1x8192xf32>
      %dot_general3A_79 = tpu.matmul %mul3A_55, %convert_element_type3A_77, %dot_general3A_78 {dimension_numbers = #tpu.dot_dimension_numbers<[1], [0], [0], [1], [0, 0, 1, 1], [], []>, precision = #tpu.contract_precision<fp32>, transpose_lhs_hint = false} : vector<1x32xf32>, vector<32x8192xf32>, vector<1x8192xf32> -> vector<1x8192xf32>
      %swap3A_80 = arith.constant 0 : index
      %swap3A_81 = arith.constant 0 : index
      %swap3A_82 = vector.load %arg13[%swap3A_80, %swap3A_81] : memref<2x8192xf32, #tpu.memory_space<vmem>>, vector<1x8192xf32>
      tpu.vector_store %arg13[%swap3A_80, %swap3A_81], %dot_general3A_79 {strides = array<i32>} : memref<2x8192xf32, #tpu.memory_space<vmem>>, vector<1x8192xf32>,
      %dot_general3A_83 = arith.constant dense<0.000000e+00> : vector<1x8192xf32>
      %dot_general3A_84 = tpu.matmul %sub3A_57, %convert_element_type3A_77, %dot_general3A_83 {dimension_numbers = #tpu.dot_dimension_numbers<[1], [0], [0], [1], [0, 0, 1, 1], [], []>, precision = #tpu.contract_precision<fp32>, transpose_lhs_hint = false} : vector<1x32xf32>, vector<32x8192xf32>, vector<1x8192xf32> -> vector<1x8192xf32>
      %swap3A_85 = arith.constant 1 : index
      %swap3A_86 = arith.constant 0 : index
      %swap3A_87 = vector.load %arg13[%swap3A_85, %swap3A_86] : memref<2x8192xf32, #tpu.memory_space<vmem>>, vector<1x8192xf32>
      tpu.vector_store %arg13[%swap3A_85, %swap3A_86], %dot_general3A_84 {strides = array<i32>} : memref<2x8192xf32, #tpu.memory_space<vmem>>, vector<1x8192xf32>,
    } else {
    }
    %get3A = arith.constant 0 : index
    %get3A_2 = arith.constant 0 : index
    %get3A_3 = vector.load %arg1[%get3A, %get3A_2] : memref<64x8192xf32, #tpu.memory_space<vmem>>, vector<64x8192xf32>
    %get3A_4 = arith.constant 0 : index
    %get3A_5 = arith.constant 0 : index
    %get3A_6 = vector.load %arg13[%get3A_4, %get3A_5] : memref<2x8192xf32, #tpu.memory_space<vmem>>, vector<1x8192xf32>
    %mul3A = vector.broadcast %get3A_6 : vector<1x8192xf32> to vector<64x8192xf32>
    %mul3A_7 = arith.mulf %get3A_3, %mul3A : vector<64x8192xf32>
    %get3A_8 = arith.constant 1 : index
    %get3A_9 = arith.constant 0 : index
    %get3A_10 = vector.load %arg13[%get3A_8, %get3A_9] : memref<2x8192xf32, #tpu.memory_space<vmem>>, vector<1x8192xf32>
    %add3A = vector.broadcast %get3A_10 : vector<1x8192xf32> to vector<64x8192xf32>
    %add3A_11 = arith.addf %mul3A_7, %add3A : vector<64x8192xf32>
    %max3A = arith.constant 0.000000e+00 : f32
    %max3A_12 = vector.broadcast %max3A : f32 to vector<64x8192xf32>
    %max3A_13 = arith.maximumf %add3A_11, %max3A_12 : vector<64x8192xf32>
    %get3A_14 = arith.constant 0 : index
    %get3A_15 = arith.constant 0 : index
    %get3A_16 = vector.load %arg12[%get3A_14, %get3A_15] : memref<64x512xf32, #tpu.memory_space<vmem>>, vector<64x512xf32>
    %convert_element_type3A_17 = arith.truncf %max3A_13 : vector<64x8192xf32> to vector<64x8192xbf16>
    %get3A_18 = arith.constant 0 : index
    %get3A_19 = arith.constant 0 : index
    %get3A_20 = vector.load %arg5[%get3A_18, %get3A_19] : memref<8192x512xbf16, #tpu.memory_space<vmem>>, vector<8192x512xbf16>
    %dot_general3A = arith.constant dense<0.000000e+00> : vector<64x512xf32>
    %dot_general3A_21 = tpu.matmul %convert_element_type3A_17, %get3A_20, %dot_general3A {dimension_numbers = #tpu.dot_dimension_numbers<[1], [0], [0], [1], [0, 0, 1, 1], [], []>, transpose_lhs_hint = false} : vector<64x8192xbf16>, vector<8192x512xbf16>, vector<64x512xf32> -> vector<64x512xf32>
    %add3A_22 = arith.addf %get3A_16, %dot_general3A_21 : vector<64x512xf32>
    %swap3A = arith.constant 0 : index
    %swap3A_23 = arith.constant 0 : index
    %swap3A_24 = vector.load %arg12[%swap3A, %swap3A_23] : memref<64x512xf32, #tpu.memory_space<vmem>>, vector<64x512xf32>
    tpu.vector_store %arg12[%swap3A, %swap3A_23], %add3A_22 {strides = array<i32>} : memref<64x512xf32, #tpu.memory_space<vmem>>, vector<64x512xf32>,
    %eq3A_25 = arith.constant 7 : i32
    %eq3A_26 = arith.cmpi eq, %arg0, %eq3A_25 : i32
    %convert_element_type3A_27 = arith.extui %eq3A_26 : i1 to i32
    %cond3A_28 = arith.constant 0 : i32
    %cond3A_29 = arith.cmpi ne, %convert_element_type3A_27, %cond3A_28 : i32
    scf.if %cond3A_29 {
      %get3A_30 = arith.constant 0 : index
      %get3A_31 = arith.constant 0 : index
      %get3A_32 = vector.load %arg12[%get3A_30, %get3A_31] : memref<64x512xf32, #tpu.memory_space<vmem>>, vector<64x512xf32>
      %get3A_33 = arith.constant 0 : index
      %get3A_34 = arith.constant 0 : index
      %get3A_35 = vector.load %arg6[%get3A_33, %get3A_34] : memref<64x64xf32, #tpu.memory_space<vmem>>, vector<64x64xf32>
      %convert_element_type3A_36 = arith.truncf %get3A_35 : vector<64x64xf32> to vector<64x64xbf16>
      %get3A_37 = arith.constant 0 : index
      %get3A_38 = arith.constant 0 : index
      %get3A_39 = vector.load %arg7[%get3A_37, %get3A_38] : memref<64x512xbf16, #tpu.memory_space<vmem>>, vector<64x512xbf16>
      %dot_general3A_40 = arith.constant dense<0.000000e+00> : vector<64x512xf32>
      %dot_general3A_41 = tpu.matmul %convert_element_type3A_36, %get3A_39, %dot_general3A_40 {dimension_numbers = #tpu.dot_dimension_numbers<[1], [0], [0], [1], [0, 0, 1, 1], [], []>, transpose_lhs_hint = false} : vector<64x64xbf16>, vector<64x512xbf16>, vector<64x512xf32> -> vector<64x512xf32>
      %add3A_42 = arith.addf %get3A_32, %dot_general3A_41 : vector<64x512xf32>
      %get3A_43 = arith.constant 0 : index
      %get3A_44 = arith.constant 0 : index
      %get3A_45 = vector.load %arg8[%get3A_43, %get3A_44] : memref<1x512xf32, #tpu.memory_space<vmem>>, vector<1x512xf32>
      %add3A_46 = vector.broadcast %get3A_45 : vector<1x512xf32> to vector<64x512xf32>
      %add3A_47 = arith.addf %add3A_42, %add3A_46 : vector<64x512xf32>
      %max3A_48 = arith.constant 0.000000e+00 : f32
      %max3A_49 = vector.broadcast %max3A_48 : f32 to vector<64x512xf32>
      %max3A_50 = arith.maximumf %add3A_47, %max3A_49 : vector<64x512xf32>
      %convert_element_type3A_51 = arith.truncf %max3A_50 : vector<64x512xf32> to vector<64x512xbf16>
      %get3A_52 = arith.constant 0 : index
      %get3A_53 = arith.constant 0 : index
      %get3A_54 = vector.load %arg9[%get3A_52, %get3A_53] : memref<512x2xbf16, #tpu.memory_space<vmem>>, vector<512x2xbf16>
      %dot_general3A_55 = arith.constant dense<0.000000e+00> : vector<64x2xf32>
      %dot_general3A_56 = tpu.matmul %convert_element_type3A_51, %get3A_54, %dot_general3A_55 {dimension_numbers = #tpu.dot_dimension_numbers<[1], [0], [0], [1], [0, 0, 1, 1], [], []>, transpose_lhs_hint = false} : vector<64x512xbf16>, vector<512x2xbf16>, vector<64x2xf32> -> vector<64x2xf32>
      %get3A_57 = arith.constant 0 : index
      %get3A_58 = arith.constant 0 : index
      %get3A_59 = vector.load %arg10[%get3A_57, %get3A_58] : memref<1x2xf32, #tpu.memory_space<vmem>>, vector<1x2xf32>
      %add3A_60 = vector.broadcast %get3A_59 : vector<1x2xf32> to vector<64x2xf32>
      %add3A_61 = arith.addf %dot_general3A_56, %add3A_60 : vector<64x2xf32>
      %swap3A_62 = arith.constant 0 : index
      %swap3A_63 = arith.constant 0 : index
      %swap3A_64 = vector.load %arg11[%swap3A_62, %swap3A_63] : memref<64x2xf32, #tpu.memory_space<vmem>>, vector<64x2xf32>
      tpu.vector_store %arg11[%swap3A_62, %swap3A_63], %add3A_61 {strides = array<i32>} : memref<64x2xf32, #tpu.memory_space<vmem>>, vector<64x2xf32>,
    } else {
    }
    return
  }
  func.func @transform_0(%arg0: i32) -> (i32, i32) {
    %c0_i32 = arith.constant 0 : i32
    %c0_i32_0 = arith.constant 0 : i32
    return %c0_i32, %arg0 : i32, i32
  }
  func.func @transform_1(%arg0: i32) -> (i32, i32) {
    %c0_i32 = arith.constant 0 : i32
    %c0_i32_0 = arith.constant 0 : i32
    %c0_i32_1 = arith.constant 0 : i32
    return %c0_i32, %c0_i32_0 : i32, i32
  }
  func.func @transform_2(%arg0: i32) -> (i32, i32) {
    %c0_i32 = arith.constant 0 : i32
    %c0_i32_0 = arith.constant 0 : i32
    %c0_i32_1 = arith.constant 0 : i32
    return %c0_i32, %c0_i32_0 : i32, i32
  }
  func.func @transform_3(%arg0: i32) -> (i32, i32) {
    %c0_i32 = arith.constant 0 : i32
    %c0_i32_0 = arith.constant 0 : i32
    %c0_i32_1 = arith.constant 0 : i32
    return %c0_i32, %c0_i32_0 : i32, i32
  }
  func.func @transform_4(%arg0: i32) -> (i32, i32) {
    %c0_i32 = arith.constant 0 : i32
    %c0_i32_0 = arith.constant 0 : i32
    return %arg0, %c0_i32 : i32, i32
  }
  func.func @transform_5(%arg0: i32) -> (i32, i32) {
    %c0_i32 = arith.constant 0 : i32
    %c0_i32_0 = arith.constant 0 : i32
    %c0_i32_1 = arith.constant 0 : i32
    return %c0_i32, %c0_i32_0 : i32, i32
  }
  func.func @transform_6(%arg0: i32) -> (i32, i32) {
    %c0_i32 = arith.constant 0 : i32
    %c0_i32_0 = arith.constant 0 : i32
    %c0_i32_1 = arith.constant 0 : i32
    return %c0_i32, %c0_i32_0 : i32, i32
  }
  func.func @transform_7(%arg0: i32) -> (i32, i32) {
    %c0_i32 = arith.constant 0 : i32
    %c0_i32_0 = arith.constant 0 : i32
    %c0_i32_1 = arith.constant 0 : i32
    return %c0_i32, %c0_i32_0 : i32, i32
  }
  func.func @transform_8(%arg0: i32) -> (i32, i32) {
    %c0_i32 = arith.constant 0 : i32
    %c0_i32_0 = arith.constant 0 : i32
    %c0_i32_1 = arith.constant 0 : i32
    return %c0_i32, %c0_i32_0 : i32, i32
  }
  func.func @transform_9(%arg0: i32) -> (i32, i32) {
    %c0_i32 = arith.constant 0 : i32
    %c0_i32_0 = arith.constant 0 : i32
    %c0_i32_1 = arith.constant 0 : i32
    return %c0_i32, %c0_i32_0 : i32, i32
  }
  func.func @transform_10(%arg0: i32) -> (i32, i32) {
    %c0_i32 = arith.constant 0 : i32
    %c0_i32_0 = arith.constant 0 : i32
    %c0_i32_1 = arith.constant 0 : i32
    return %c0_i32, %c0_i32_0 : i32, i32
  }
}

</mosaic_0001>

<sc_bundles>
// kernel: kernel.8.cloned.1.call-start
scs
__scs_entry_jumppad:
0x0: {  	(pc) =	sbr.rel $0x88, $3  }
0x1: {  	(tag) =	ssettag $0x0;
	lr =	simm.s32 $0x1  }
0x2: {  	[smem:$0x3F91] =	sst lr;
	_ =	strace $0xD0000000  }
0x3: {  	_ = 	snop  }
0x4: {  	_ = 	snop  }
0x5: {  	_ = 	snop  }
0x6: {  	_ = 	snop  }
0x7: {  	_ = 	snop  }
__scs_overlays_trampoline_lowered:
0x8: {  	[smem:$0x3FA0] =	sst s0  }
0x9: {  	[smem:$0x3FA1] =	sst s1  }
0xa: {  	[smem:$0x3FA2] =	sst s2  }
0xb: {  	[smem:$0x3FA3] =	sst s3  }
0xc: {  	[smem:$0x3FA4] =	sst s4  }
0xd: {  	[smem:$0x3FA5] =	sst s5  }
0xe: {  	[smem:$0x3FA6] =	sst s6  }
0xf: {  	[smem:$0x3FA7] =	sst s7  }
0x10: {  	[smem:$0x3FA8] =	sst s8  }
0x11: {  	[smem:$0x3FA9] =	sst s9;
	s0 =	simm.s32 @!p0 $0x0  }
0x12: {  	s1 =	sld [smem:$0x3F8F];
	s0 =	simm.s32 @p0 $0x1  }
0x13: {  	[smem:$0x3FAA] =	sst s0;
	s0 =	simm.s32 @!p1 $0x0  }
0x14: {  	s2 =	sld [smem:$0x3F8E];
	s0 =	simm.s32 @p1 $0x1  }
0x15: {  	[smem:$0x3FAB] =	sst s0;
	s0 =	simm.s32 @!p2 $0x0  }
0x16: {  	s3 =	sld [smem:$0x3FDB];
	s0 =	simm.s32 @p2 $0x1  }
0x17: {  	s4 =	simm.s32 $0x1BF5;
	[smem:$0x3FAD] =	sst s0  }
0x18: {  	s0 =	sld [smem:$0x3F90];
	_ =	swait.ge [sflag:s4], $0x0  }
0x19: {  	s7 =	sld [smem:$0x3F91]  }
0x1a: {  	s8 =	sadd.s32 $0xFFFFE003, lr  }
0x1b: {  	s9 =	sadd.s32 $0xFFFFFEF7, lr;
	s5 =	simm.s32 $0xFFFFFFFF;
	p2 =	slt.u32 s8, $0xFFFFF086  }
0x1c: {  	p1 =	slt.u32 s9, $0xF7A;
	s5 =	simm.s32 @!p2 $0x0  }
0x1d: {  	s5 =	simm.s32 @p1 $0x1;
	p0 =	seq.s32 s7, s2  }
0x1e: {  	s7 =	smul.u32 @!p0 $0xF7A, s2;
	p2 =	seq.s32 @!p0 s5, $0x0  }
0x1f: {  	s9 =	smul.u32 $0xF7A, s1;
	s8 =	simm.s32 @!p0 $0x1BF5;
	p2 =	por !p2, p0  }
0x20: {  	[sflag:s8] =	ssyncset.s32 @!p0 $0xFFFFF086;
	s6 =	sadd.s32 @!p0 s3, s7;
	s7 =	simm.s32 @!p0 $0x108  }
0x21: {  	s3 =	sadd.s32 s3, s9;
	s6 =	sadd.s32 @!p0 $0x88, s6;
	s7 =	simm.s32 @p2 $0x1082  }
0x22: {  	[simem:s7], [sflag:s8] =	dma.local @!p0 [hbm:s6], $0xF7A  }
0x23: {  	s9 =	sor.u32 $0xD0000000, s2;
	s6 =	simm.s32 $0x108;
	_ =	swait.ge @!p0 [sflag:s8], $0x0  }
0x24: {  	s3 =	sadd.s32 $0x88, s3;
	s6 =	simm.s32 @!p1 $0x1082;
	[sflag:s4] =	ssyncset.s32 $0xFFFFF086  }
0x25: {  	[simem:s6], [sflag:s4] =	dma.local [hbm:s3], $0xF7A  }
0x26: {  	[smem:$0x3F91] =	sst s1;
	(tag) =	ssettag s2;
	_ =	strace s9  }
0x27: {  	s1 =	sld [smem:$0x3FA1]  }
0x28: {  	s2 =	sld [smem:$0x3FA2]  }
0x29: {  	s4 =	sld [smem:$0x3FA4]  }
0x2a: {  	p0 =	seq.s32 s5, $0x0;
	s5 =	sld [smem:$0x3FA5]  }
0x2b: {  	s6 =	sld [smem:$0x3FA6]  }
0x2c: {  	s7 =	sld [smem:$0x3FA7]  }
0x2d: {  	s3 =	simm.s32 $0x108;
	s8 =	sld [smem:$0x3FA8]  }
0x2e: {  	s3 =	simm.s32 @!p0 $0x1082;
	s9 =	sld [smem:$0x3FA9]  }
0x2f: {  	lr =	sadd.s32 s0, s3;
	s0 =	sld [smem:$0x3FA0]  }
0x30: {  	s3 =	sld [smem:$0x3FA3]  }
0x31: {  	[smem:$0x3FAC] =	sst s10  }
0x32: {  	s10 =	sld [smem:$0x3FAA];
	_ =	sdelay $0x3  }
0x33: {  	p0 =	seq.s32 s10, $0x1;
	s10 =	sld [smem:$0x3FAC];
	_ =	sdelay $0x3  }
0x34: {  	[smem:$0x3FAC] =	sst s10  }
0x35: {  	s10 =	sld [smem:$0x3FAB];
	_ =	sdelay $0x3  }
0x36: {  	p1 =	seq.s32 s10, $0x1;
	s10 =	sld [smem:$0x3FAC];
	_ =	sdelay $0x3  }
0x37: {  	[smem:$0x3FAC] =	sst s10  }
0x38: {  	s10 =	sld [smem:$0x3FAD]  }
0x39: {  	_ = 	snop;
	(pc) =	sbr.ind lr, $3  }
0x3a: {  	_ = 	snop  }
0x3b: {  	_ = 	snop  }
0x3c: {  	p2 =	seq.s32 s10, $0x1;
	s10 =	sld [smem:$0x3FAC]  }
0x3d: {  	_ =	shalt  }
0x3e: {  	_ =	shalt  }
0x3f: {  	_ =	shalt  }
0x40: {  	_ =	shalt  }
0x41: {  	_ =	shalt  }
0x42: {  	_ =	shalt  }
0x43: {  	_ =	shalt  }
0x44: {  	_ =	shalt  }
0x45: {  	_ =	shalt  }
0x46: {  	_ =	shalt  }
0x47: {  	_ =	shalt  }
0x48: {  	_ =	shalt  }
0x49: {  	_ =	shalt  }
0x4a: {  	_ =	shalt  }
0x4b: {  	_ =	shalt  }
0x4c: {  	_ =	shalt  }
0x4d: {  	_ =	shalt  }
0x4e: {  	_ =	shalt  }
0x4f: {  	_ =	shalt  }
0x50: {  	_ =	shalt  }
0x51: {  	_ =	shalt  }
0x52: {  	_ =	shalt  }
0x53: {  	_ =	shalt  }
0x54: {  	_ =	shalt  }
0x55: {  	_ =	shalt  }
0x56: {  	_ =	shalt  }
0x57: {  	_ =	shalt  }
0x58: {  	_ =	shalt  }
0x59: {  	_ =	shalt  }
0x5a: {  	_ =	shalt  }
0x5b: {  	_ =	shalt  }
0x5c: {  	_ =	shalt  }
0x5d: {  	_ =	shalt  }
0x5e: {  	_ =	shalt  }
0x5f: {  	_ =	shalt  }
0x60: {  	_ =	shalt  }
0x61: {  	_ =	shalt  }
0x62: {  	_ =	shalt  }
0x63: {  	_ =	shalt  }
0x64: {  	_ =	shalt  }
0x65: {  	_ =	shalt  }
0x66: {  	_ =	shalt  }
0x67: {  	_ =	shalt  }
0x68: {  	_ =	shalt  }
0x69: {  	_ =	shalt  }
0x6a: {  	_ =	shalt  }
0x6b: {  	_ =	shalt  }
0x6c: {  	_ =	shalt  }
0x6d: {  	_ =	shalt  }
0x6e: {  	_ =	shalt  }
0x6f: {  	_ =	shalt  }
0x70: {  	_ =	shalt  }
0x71: {  	_ =	shalt  }
0x72: {  	_ =	shalt  }
0x73: {  	_ =	shalt  }
0x74: {  	_ =	shalt  }
0x75: {  	_ =	shalt  }
0x76: {  	_ =	shalt  }
0x77: {  	_ =	shalt  }
0x78: {  	_ =	shalt  }
0x79: {  	_ =	shalt  }
0x7a: {  	_ =	shalt  }
0x7b: {  	_ =	shalt  }
0x7c: {  	_ =	shalt  }
0x7d: {  	_ =	shalt  }
0x7e: {  	_ =	shalt  }
0x7f: {  	_ =	shalt  }
0x80: {  	_ =	shalt  }
0x81: {  	_ =	shalt  }
0x82: {  	_ =	shalt  }
0x83: {  	_ =	shalt  }
0x84: {  	_ =	shalt  }
0x85: {  	_ =	shalt  }
0x86: {  	_ =	shalt  }
0x87: {  	_ =	shalt  }
.Lfunc_end0:
.L_simem_size_0:
called_computation_lowered:
.L_overlay_start_0:
0x88: {  	s2 =	sld [smem:$0x3FD9]  }
0x89: {  	s3 =	sld [smem:$0x3FFE];
	_ =	sdelay $0x1  }
0x8a: {  	s1 =	srdreg.scid  }
0x8b: {  	s0 =	sand.u32 $0x1, s1  }
0x8c: {  	s17 =	sshll.u32 s0, $0xA;
	s2 =	sadd.s32 s3, s2  }
0x8d: {  	s2 =	sadd.s32 s2, s17  }
0x8e: {  	[smem:$0x3FB8] =	sst s2  }
0x8f: {  	_ = 	snop  }
0x90: {  	s2 =	sld [smem:$0x3FC6];
	(tm) =	ssettm $0x1  }
0x91: {  	s18 =	sld [smem:$0x3FFB];
	_ =	sdelay $0x3  }
0x92: {  	_ =	strace s18  }
0x93: {  	s3 =	sld [smem:$0x3FFC];
	_ =	sdelay $0x3  }
0x94: {  	_ =	strace s3  }
0x95: {  	s3 =	sld [smem:$0x3FFD];
	_ =	sdelay $0x3  }
0x96: {  	_ =	strace s3  }
0x97: {  	_ =	strace $0x8FFFFFFF  }
0x98: {  	s19 =	sld [smem:$0x3FDB];
	_ =	sdelay $0x1  }
0x99: {  	s4 =	simm.s32 $_scs_section_size  }
0x9a: {  	s5 =	simm.s32 $_size__tile_overlayer_lowered;
	s6 =	simm.s32 $_tile_overlayer_lowered  }
0x9b: {  	s22 =	simm.s32 $0x1BFF;
	s21 =	sshll.u32 s6, $0x1;
	s3 =	sadd.s32 s4, s19  }
0x9c: {  	s7 =	simm.s32 $0x0;
	s20 =	sshll.u32 s5, $0x1;
	s5 =	sadd.s32 s21, s3  }
0x9d: {  	[timem:s7], [sflag:s22] =	dma.local [hbm:s5], s20  }
0x9e: {  	_ =	swait.ge [sflag:s22], s20  }
0x9f: {  	s4 =	ssub.s32 $0x0, s20;
	[sflag:s22] =	ssyncset.done $0x0  }
0xa0: {  	[sflag:s22] =	ssyncadd.s32 s4;
	_ =	sdelay $0x1  }
0xa1: {  	s23 =	simm.s32 $0x1B8B  }
0xa2: {  	_ =	swait.ge [sflag:s23], $0x1  }
0xa3: {  	[sflag:s23] =	ssyncset.done $0x0  }
0xa4: {  	s25 =	simm.s32 $0x1B8E;
	s24 =	sld [smem:$0x3FFE];
	[sflag:s23] =	ssyncadd.s32 $0xFFFFFFFF  }
0xa5: {  	s26 =	simm.s32 $execute0_lowered;
	[smem:$0x3FD2] =	sst s25  }
0xa6: {  	s5 =	sshll.u32 s26, $0x1;
	_ =	strace $0x80000046;
	[dreg:$0x1] =	wrdreg $0xFFFFFFFF  }
0xa7: {  	s28 =	simm.s32 $_size_execute0_lowered;
	s3 =	sadd.s32 s3, s5;
	[dreg:$0x0] =	wrdreg $0x0  }
0xa8: {  	s5 =	sshll.u32 s28, $0x1;
	[dreg:$0x2] =	wrdreg s3  }
0xa9: {  	[dreg:$0x3] =	wrdreg s5  }
0xaa: {  	[dreg:$0x4] =	wrdreg $0xC0  }
0xab: {  	_ =	task [dreg:s7], $0x5FFFF  }
0xac: {  	[dreg:$0x1] =	wrdreg $0xFFFFFFFF  }
0xad: {  	[dreg:$0x0] =	wrdreg $0x60  }
0xae: {  	[dreg:$0x2] =	wrdreg s24  }
0xaf: {  	[dreg:$0x3] =	wrdreg s2  }
0xb0: {  	[dreg:$0x4] =	wrdreg $0x9  }
0xb1: {  	_ =	task.clear_ibuf [dreg:s7], $0x5FFFF;
	_ =	strace $0x90000046  }
0xb2: {  	s29 =	simm.s32 $0x9;
	_ =	strace $0x80000048  }
0xb3: {  	_ =	swait.ge [sflag:s29], $0x1  }
0xb4: {  	[sflag:s29] =	ssyncadd.s32 $0xFFFFFFFF  }
0xb5: {  	_ =	strace $0x90000048  }
0xb6: {  	_ =	sfence  }
0xb7: {  	s30 =	sld [smem:$0x0];
	_ =	sdelay $0x2  }
0xb8: {  	s31 =	sshll.u32 s1, $0xD;
	s1 =	sshrl.u32 s1, $0x2  }
0xb9: {  	s3 =	sand.u32 $0x4000, s31;
	s1 =	sadd.s32 s1, s30  }
0xba: {  	s0 =	sor.u32 s3, s0;
	s1 =	sshll.u32 s1, $0x11  }
0xbb: {  	s0 =	sor.u32 s1, s0  }
0xbc: {  	s0 =	sadd.s32 $0x8F2B, s0  }
0xbd: {  	[sflag:s0] =	ssyncadd.remote.s32 $0x1  }
0xbe: {  	_ =	sfence.sel $0xFFFF  }
0xbf: {  	[dreg:$0x0] =	wrdreg $0xFFFFFFFF;
	(pc) =	sbr.abs _section_cstart, $3  }
0xc0: {  	[dreg:$0x1] =	wrdreg $0xFFFFFFFF  }
0xc1: {  	_ =	task.clear_ibuf [dreg:s7], $0x2FFFF;
	_ =	strace $0x9FFFFFFF  }
0xc2: {  	(tm) =	ssettm $0x7FFFFFFF  }
0xc3: {  	_ =	shalt  }
tec
execute0_lowered:
.L_overlay_start_1:
0x0: {  	(tag) =	ssettag $0x1  }
0x1: {  	s0 =	rddreg [dreg:$0x0]  }
0x2: {  	s8 =	rddreg [dreg:$0x1];
	s2 =	simm.s32 $0x0;
	s1 =	srdreg.scid  }
0x3: {  	s5 =	stileid.u32;
	s19 =	simm.s32 $0x12000;
	[smem:$0x7FF] =	sst s2  }
0x4: {  	s3 =	sadd.s32 $0x3E00, s0;
	s1 =	sand.u32 $0x1, s1;
	s20 =	sadd.s32 $0x1E00, s0  }
0x5: {  	s4 =	sadd.s32 $0x5E00, s0;
	s5 =	sshll.u32 s5, $0x1;
	s6 =	sadd.s32 $0x7E00, s0  }
0x6: {  	s23 =	sadd.s32 $0x4200, s0;
	s24 =	sadd.s32 $0x2200, s0;
	s25 =	sadd.s32 $0x4600, s0  }
0x7: {  	s26 =	sadd.s32 $0x2600, s0;
	_ =	strace $0x80000047;
	[dreg:$0x3] =	wrdreg s3  }
0x8: {  	s7 =	sadd.s32 $0x4A00, s0;
	s12 =	sadd.s32 $0x2A00, s0;
	[dreg:$0x4] =	wrdreg s20  }
0x9: {  	s13 =	sadd.s32 $0x4E00, s0;
	s14 =	sadd.s32 $0x2E00, s0;
	[dreg:$0x5] =	wrdreg s4  }
0xa: {  	s15 =	sadd.s32 $0x5200, s0;
	s16 =	sadd.s32 $0x3200, s0;
	[dreg:$0x6] =	wrdreg s23  }
0xb: {  	s17 =	sadd.s32 $0x5600, s0;
	s18 =	sadd.s32 $0x3600, s0;
	[dreg:$0x7] =	wrdreg s24  }
0xc: {  	s28 =	sadd.s32 $0x1000, s8;
	s29 =	sadd.s32 $0x1400, s8;
	[dreg:$0x8] =	wrdreg s25  }
0xd: {  	s30 =	sadd.s32 $0x1800, s8;
	s31 =	sadd.s32 $0x1C00, s8;
	[dreg:$0x9] =	wrdreg s26  }
0xe: {  	s21 =	ssub.s32 $0x2, s1;
	s1 =	sor.u32 s1, s5;
	[dreg:$0xa] =	wrdreg s7  }
0xf: {  	s24 =	sadd.s32 $0x400, s8;
	s25 =	sadd.s32 $0x800, s8;
	s20 =	simm.s32 $0x14000  }
0x10: {  	s23 =	simm.s32 $0x16000;
	s4 =	simm.s32 $0x1A000;
	s22 =	sshrl.u32 s21, $0x1  }
0x11: {  	s5 =	sshll.u32 s1, $0x6;
	s9 =	sshllo.u32 s1, $0x1;
	s1 =	sshll.u32 s1, $0xE  }
0x12: {  	s3 =	ssub.s32 s21, s22;
	s7 =	sshll.u32 s9, $0xD;
	s1 =	sadd.s32 s6, s1  }
0x13: {  	s21 =	sadd.s32 $0x5A00, s0;
	s22 =	sadd.s32 $0x3A00, s0;
	s11 =	sshll.u32 s9, $0x5  }
0x14: {  	s0 =	simm.s32 $0x3;
	v0 =	vmov s5;
	s5 =	simm.s32 $0x1;
	[dreg:$0xb] =	wrdreg s1  }
0x15: {  	s10 =	sadd.s32 s6, s7;
	s26 =	smax.u32 s3, $0x1;
	s3 =	simm.s32 $0x10000  }
0x16: {  	s1 =	simm.s32 $0x18000;
	s6 =	simm.s32 $0x2;
	[dreg:$0xc] =	wrdreg s10  }
0x17: {  	v1 =	vmov s11;
	s7 =	simm.s32 $0x0;
	[dreg:$0xd] =	wrdreg s26;
	s26 =	sadd.s32 $0xC00, s8  }
.LBB2_1:
0x18: {  	s8 =	rddreg [dreg:$0x5]  }
0x19: {  	[tilespmem:s2], [sflag:$0x3] =	stream.linear.gather [hbm4b:s8+s2], $0x10000, $0x38;
	[tilespmem:$0x1C000] =	vst v63  }
0x1a: {  	_ =	swait.ge [sflag:s0], $0x10000  }
0x1b: {  	[sflag:s0] =	ssyncset.done $0x0  }
0x1c: {  	s10 =	rddreg [dreg:$0x3];
	[sflag:s0] =	ssyncadd.s32 $0xFFFF0000  }
0x1d: {  	[tilespmem:s3], [sflag:$0x1] =	stream.linear.gather [hbm4b:s10+s2], $0x2000, $0x38;
	[tilespmem:$0x1C000] =	vst v63  }
0x1e: {  	s11 =	rddreg [dreg:$0x4]  }
0x1f: {  	[tilespmem:s19], [sflag:$0x1] =	stream.linear.gather [hbm4b:s11+s2], $0x2000, $0x38;
	[tilespmem:$0x1C000] =	vst v63  }
0x20: {  	s9 =	rddreg [dreg:$0x1]  }
0x21: {  	[tilespmem:s20], [sflag:$0x1] =	stream.linear.gather [hbm4b:s9+s2], $0x2000, $0x38;
	[tilespmem:$0x1C000] =	vst v63  }
0x22: {  	s10 =	rddreg [dreg:$0x6]  }
0x23: {  	[tilespmem:s23], [sflag:$0x2] =	stream.linear.gather [hbm4b:s10+s2], $0x2000, $0x38;
	[tilespmem:$0x1C000] =	vst v63  }
0x24: {  	s11 =	rddreg [dreg:$0x7]  }
0x25: {  	[tilespmem:s1], [sflag:$0x2] =	stream.linear.gather [hbm4b:s11+s2], $0x2000, $0x38;
	[tilespmem:$0x1C000] =	vst v63  }
0x26: {  	_ = 	snop  }
0x27: {  	[tilespmem:s4], [sflag:$0x2] =	stream.linear.gather [hbm4b:s24+s2], $0x2000, $0x38;
	[tilespmem:$0x1C000] =	vst v63  }
0x28: {  	_ =	swait.ge [sflag:s5], $0x2000  }
0x29: {  	[sflag:s5] =	ssyncset.done $0x0  }
0x2a: {  	[sflag:s5] =	ssyncadd.s32 $0xFFFFE000  }
0x2b: {  	_ =	swait.ge [sflag:s5], $0x2000  }
0x2c: {  	[sflag:s5] =	ssyncset.done $0x0  }
0x2d: {  	[sflag:s5] =	ssyncadd.s32 $0xFFFFE000  }
0x2e: {  	_ =	swait.ge [sflag:s5], $0x2000  }
0x2f: {  	[sflag:s5] =	ssyncset.done $0x0  }
0x30: {  	s10 =	simm.s32 $0x10080;
	[sflag:s5] =	ssyncadd.s32 $0xFFFFE000  }
0x31: {  	v2 =	vld [tilespmem:s10+$0x70]  }
0x32: {  	s8 =	simm.s32 $0x12080;
	v3 =	vld [tilespmem:s10+$0xFFFFFF90]  }
0x33: {  	v4 =	vld [tilespmem:s8+$0x70]  }
0x34: {  	v5 =	vld [tilespmem:s10+$0xFFFFFFA0]  }
0x35: {  	v6 =	vld [tilespmem:s10+$0xFFFFFFB0]  }
0x36: {  	v7 =	vld [tilespmem:s10+$0xFFFFFFC0]  }
0x37: {  	s9 =	simm.s32 $0x14080;
	v8 =	vld [tilespmem:s10+$0xFFFFFFD0]  }
0x38: {  	v9 =	vld [tilespmem:s9+$0x70]  }
0x39: {  	v41 =	vld [tilespmem:s10+$0xFFFFFFE0]  }
0x3a: {  	v10 =	vld [tilespmem:s10+$0xFFFFFFF0]  }
0x3b: {  	v11 =	vld [tilespmem:s10+$0x0]  }
0x3c: {  	v12 =	vld [tilespmem:s10+$0x10]  }
0x3d: {  	v42 =	vld [tilespmem:s10+$0x30]  }
0x3e: {  	v13 =	vld [tilespmem:s10+$0x40]  }
0x3f: {  	v14 =	vld [tilespmem:s10+$0x50]  }
0x40: {  	v15 =	vld [tilespmem:s10+$0x60]  }
0x41: {  	v16 =	vld [tilespmem:s10+$0xFFFFFF80]  }
0x42: {  	v17 =	vld [tilespmem:s8+$0xFFFFFF80]  }
0x43: {  	v18 =	vld [tilespmem:s8+$0xFFFFFF90]  }
0x44: {  	v19 =	vld [tilespmem:s8+$0xFFFFFFA0]  }
0x45: {  	v20 =	vld [tilespmem:s8+$0xFFFFFFB0]  }
0x46: {  	v21 =	vld [tilespmem:s8+$0xFFFFFFC0]  }
0x47: {  	v22 =	vld [tilespmem:s8+$0xFFFFFFD0]  }
0x48: {  	v23 =	vld [tilespmem:s8+$0xFFFFFFE0]  }
0x49: {  	v24 =	vld [tilespmem:s8+$0xFFFFFFF0]  }
0x4a: {  	v25 =	vld [tilespmem:s8+$0x0]  }
0x4b: {  	v26 =	vld [tilespmem:s8+$0x10]  }
0x4c: {  	v27 =	vld [tilespmem:s8+$0x20]  }
0x4d: {  	v28 =	vld [tilespmem:s8+$0x30]  }
0x4e: {  	v43 =	vld [tilespmem:s9+$0xFFFFFF80]  }
0x4f: {  	v29 =	vld [tilespmem:s8+$0x40]  }
0x50: {  	v30 =	vld [tilespmem:s8+$0x50]  }
0x51: {  	v31 =	vld [tilespmem:s8+$0x60]  }
0x52: {  	v44 =	vld [tilespmem:s9+$0xFFFFFF90]  }
0x53: {  	v45 =	vld [tilespmem:s9+$0xFFFFFFA0]  }
0x54: {  	v46 =	vld [tilespmem:s9+$0xFFFFFFB0]  }
0x55: {  	v47 =	vld [tilespmem:s9+$0xFFFFFFC0]  }
0x56: {  	v48 =	vld [tilespmem:s9+$0xFFFFFFE0];
	v2 =	vsub.s32 v2, v0;
	v16 =	vsub.s32 v16, v0;
	v3 =	vsub.s32 v3, v0  }
0x57: {  	v51 =	vld [tilespmem:s9+$0xFFFFFFF0];
	v5 =	vsub.s32 v5, v0;
	v6 =	vsub.s32 v6, v0;
	v7 =	vsub.s32 v7, v0  }
0x58: {  	v52 =	vld [tilespmem:s9+$0x0];
	v50 =	vsub.s32 v8, v0;
	v10 =	vsub.s32 v10, v0;
	v11 =	vsub.s32 v11, v0  }
0x59: {  	v53 =	vld [tilespmem:s9+$0x10];
	v12 =	vsub.s32 v12, v0;
	vm0 =	vlt.u32 v2, $0x20;
	v2 =	vshll.u32 v2, $0xB  }
0x5a: {  	v54 =	vld [tilespmem:s9+$0x20];
	v60 =	vsub.s32 v13, v0;
	v61 =	vsub.s32 v14, v0;
	v2 =	vadd.s32 v4, v2  }
0x5b: {  	v55 =	vld [tilespmem:s9+$0x30];
	v63 =	vsub.s32 v15, v0;
	vm1 =	vlt.u32 v3, $0x20;
	v3 =	vshll.u32 v3, $0xB  }
0x5c: {  	v56 =	vld [tilespmem:s9+$0x40];
	vm13 =	vlt.u32 v16, $0x20;
	v16 =	vshll.u32 v16, $0xB;
	v3 =	vadd.s32 v18, v3  }
0x5d: {  	v57 =	vld [tilespmem:s9+$0x50];
	vm3 =	vlt.u32 v5, $0x20;
	v5 =	vshll.u32 v5, $0xB;
	vm2 =	vlt.u32 v6, $0x20  }
0x5e: {  	v58 =	vld [tilespmem:s9+$0x60];
	v6 =	vshll.u32 v6, $0xB;
	vm14 =	vlt.u32 v7, $0x20;
	v5 =	vadd.s32 v19, v5  }
0x5f: {  	v49 =	vshll.u32 v7, $0xB;
	v16 =	vadd.s32 v17, v16;
	v4 =	vsub.s32 v41, v0;
	[tilespmem:v2+s2+$0x0] =	vst.idx.add.f32.msk vm0, v9  }
0x60: {  	v6 =	vadd.s32 v20, v6;
	vm12 =	vlt.u32 v4, $0x20;
	v4 =	vshll.u32 v4, $0xB;
	v2 =	vld [tilespmem:s10+$0x20]  }
0x61: {  	vm15 =	vlt.u32 v50, $0x20;
	v7 =	vshll.u32 v50, $0xB;
	v4 =	vadd.s32 v23, v4;
	[tilespmem:v3+s2+$0x0] =	vst.idx.add.f32.msk vm1, v44  }
0x62: {  	vm4 =	vlt.u32 v10, $0x20;
	v10 =	vshll.u32 v10, $0xB;
	v7 =	vadd.s32 v22, v7;
	v3 =	vld [tilespmem:s9+$0xFFFFFFD0]  }
0x63: {  	vm5 =	vlt.u32 v11, $0x20;
	v11 =	vshll.u32 v11, $0xB;
	[tilespmem:v5+s2+$0x0] =	vst.idx.add.f32.msk vm3, v45;
	v5 =	vadd.s32 v21, v49  }
0x64: {  	vm6 =	vlt.u32 v12, $0x20;
	v12 =	vshll.u32 v12, $0xB;
	v10 =	vadd.s32 v24, v10;
	[tilespmem:v16+s2+$0x0] =	vst.idx.add.f32.msk vm13, v43  }
0x65: {  	v62 =	vshll.u32 v61, $0xB;
	v11 =	vadd.s32 v25, v11;
	v9 =	vsub.s32 v42, v0;
	[tilespmem:v6+s2+$0x0] =	vst.idx.add.f32.msk vm2, v46  }
0x66: {  	v12 =	vadd.s32 v26, v12;
	vm8 =	vlt.u32 v9, $0x20;
	v59 =	vshll.u32 v9, $0xB;
	[tilespmem:v4+s2+$0x0] =	vst.idx.add.f32.msk vm12, v48  }
0x67: {  	vm13 =	vlt.u32 v60, $0x20;
	v6 =	vadd.s32 v28, v59;
	[tilespmem:v7+s2+$0x0] =	vst.idx.add.f32.msk vm15, v3;
	v3 =	vshll.u32 v60, $0xB  }
0x68: {  	v4 =	vadd.s32 v30, v62;
	[tilespmem:v5+s2+$0x0] =	vst.idx.add.f32.msk vm14, v47;
	vm14 =	vlt.u32 v61, $0x20;
	v3 =	vadd.s32 v29, v3  }
0x69: {  	[tilespmem:v10+s2+$0x0] =	vst.idx.add.f32.msk vm4, v51;
	v2 =	vsub.s32 v2, v0;
	vm15 =	vlt.u32 v63, $0x20;
	v5 =	vshll.u32 v63, $0xB  }
0x6a: {  	[tilespmem:v11+s2+$0x0] =	vst.idx.add.f32.msk vm5, v52;
	vm7 =	vlt.u32 v2, $0x20;
	v2 =	vshll.u32 v2, $0xB;
	v5 =	vadd.s32 v31, v5  }
0x6b: {  	[tilespmem:v12+s2+$0x0] =	vst.idx.add.f32.msk vm6, v53;
	v2 =	vadd.s32 v27, v2  }
0x6c: {  	[tilespmem:v6+s2+$0x0] =	vst.idx.add.f32.msk vm8, v55  }
0x6d: {  	[tilespmem:v3+s2+$0x0] =	vst.idx.add.f32.msk vm13, v56  }
0x6e: {  	[tilespmem:v4+s2+$0x0] =	vst.idx.add.f32.msk vm14, v57  }
0x6f: {  	[tilespmem:v5+s2+$0x0] =	vst.idx.add.f32.msk vm15, v58  }
0x70: {  	s11 =	simm.s32 $0x10180;
	s10 =	simm.s32 $0x0;
	[tilespmem:v2+s2+$0x0] =	vst.idx.add.f32.msk vm7, v54  }
.LBB2_2:
0x71: {  	v2 =	vld [tilespmem:s11+$0x70];
	s10 =	sadd.s32 $0x10, s10  }
0x72: {  	s8 =	sadd.s32 $0x100, s8;
	v3 =	vld [tilespmem:s11+$0xFFFFFF90];
	p0 =	slt.u32 s10, $0x1F0  }
0x73: {  	v4 =	vld [tilespmem:s8+$0x70]  }
0x74: {  	v5 =	vld [tilespmem:s11+$0xFFFFFFA0]  }
0x75: {  	v6 =	vld [tilespmem:s11+$0xFFFFFFB0]  }
0x76: {  	v7 =	vld [tilespmem:s11+$0xFFFFFFC0];
	v2 =	vsub.s32 v2, v0  }
0x77: {  	s9 =	sadd.s32 $0x100, s9;
	v3 =	vsub.s32 v3, v0;
	v8 =	vld [tilespmem:s11+$0xFFFFFFD0];
	vm5 =	vlt.u32 v2, $0x20;
	v2 =	vshll.u32 v2, $0xB  }
0x78: {  	vm0 =	vlt.u32 v3, $0x20;
	v3 =	vshll.u32 v3, $0xB;
	v9 =	vld [tilespmem:s9+$0x70];
	v2 =	vadd.s32 v4, v2  }
0x79: {  	v4 =	vsub.s32 v5, v0;
	v5 =	vld [tilespmem:s11+$0xFFFFFFE0]  }
0x7a: {  	vm1 =	vlt.u32 v4, $0x20;
	v4 =	vshll.u32 v4, $0xB;
	v6 =	vsub.s32 v6, v0;
	v10 =	vld [tilespmem:s11+$0xFFFFFFF0]  }
0x7b: {  	vm2 =	vlt.u32 v6, $0x20;
	v6 =	vshll.u32 v6, $0xB;
	v7 =	vsub.s32 v7, v0;
	v11 =	vld [tilespmem:s11+$0x0]  }
0x7c: {  	vm3 =	vlt.u32 v7, $0x20;
	v7 =	vshll.u32 v7, $0xB;
	v8 =	vsub.s32 v8, v0;
	v12 =	vld [tilespmem:s11+$0x10]  }
0x7d: {  	vm4 =	vlt.u32 v8, $0x20;
	v8 =	vshll.u32 v8, $0xB;
	[tilespmem:v2+s2+$0x0] =	vst.idx.add.f32.msk vm5, v9  }
0x7e: {  	v2 =	vsub.s32 v5, v0;
	v5 =	vld [tilespmem:s11+$0x20]  }
0x7f: {  	vm5 =	vlt.u32 v2, $0x20;
	v2 =	vshll.u32 v2, $0xB;
	v9 =	vsub.s32 v10, v0;
	v10 =	vld [tilespmem:s11+$0x30]  }
0x80: {  	vm6 =	vlt.u32 v9, $0x20;
	v9 =	vshll.u32 v9, $0xB;
	v11 =	vsub.s32 v11, v0;
	v13 =	vld [tilespmem:s11+$0x40]  }
0x81: {  	vm7 =	vlt.u32 v11, $0x20;
	v11 =	vshll.u32 v11, $0xB;
	v12 =	vsub.s32 v12, v0;
	v14 =	vld [tilespmem:s11+$0x50]  }
0x82: {  	vm8 =	vlt.u32 v12, $0x20;
	v12 =	vshll.u32 v12, $0xB;
	v15 =	vld [tilespmem:s11+$0x60]  }
0x83: {  	v16 =	vld [tilespmem:s11+$0xFFFFFF80];
	v5 =	vsub.s32 v5, v0  }
0x84: {  	v17 =	vld [tilespmem:s8+$0xFFFFFF80];
	vm9 =	vlt.u32 v5, $0x20;
	v5 =	vshll.u32 v5, $0xB;
	v10 =	vsub.s32 v10, v0  }
0x85: {  	v18 =	vld [tilespmem:s8+$0xFFFFFF90];
	vm10 =	vlt.u32 v10, $0x20;
	v10 =	vshll.u32 v10, $0xB;
	v13 =	vsub.s32 v13, v0  }
0x86: {  	v19 =	vld [tilespmem:s8+$0xFFFFFFA0];
	vm11 =	vlt.u32 v13, $0x20;
	v13 =	vshll.u32 v13, $0xB;
	v14 =	vsub.s32 v14, v0  }
0x87: {  	v20 =	vld [tilespmem:s8+$0xFFFFFFB0];
	vm12 =	vlt.u32 v14, $0x20;
	v14 =	vshll.u32 v14, $0xB;
	v15 =	vsub.s32 v15, v0  }
0x88: {  	v16 =	vsub.s32 v16, v0;
	v21 =	vld [tilespmem:s8+$0xFFFFFFC0];
	vm13 =	vlt.u32 v15, $0x20;
	v15 =	vshll.u32 v15, $0xB  }
0x89: {  	vm14 =	vlt.u32 v16, $0x20;
	v16 =	vshll.u32 v16, $0xB;
	v22 =	vld [tilespmem:s8+$0xFFFFFFD0]  }
0x8a: {  	v16 =	vadd.s32 v17, v16;
	v3 =	vadd.s32 v18, v3;
	v17 =	vld [tilespmem:s8+$0xFFFFFFE0]  }
0x8b: {  	v4 =	vadd.s32 v19, v4;
	v18 =	vld [tilespmem:s8+$0xFFFFFFF0]  }
0x8c: {  	v6 =	vadd.s32 v20, v6;
	v19 =	vld [tilespmem:s8+$0x0]  }
0x8d: {  	v7 =	vadd.s32 v21, v7;
	v20 =	vld [tilespmem:s8+$0x10]  }
0x8e: {  	v8 =	vadd.s32 v22, v8;
	v21 =	vld [tilespmem:s8+$0x20]  }
0x8f: {  	v2 =	vadd.s32 v17, v2;
	v17 =	vld [tilespmem:s8+$0x30]  }
0x90: {  	v9 =	vadd.s32 v18, v9;
	v18 =	vld [tilespmem:s8+$0x40]  }
0x91: {  	v11 =	vadd.s32 v19, v11;
	v19 =	vld [tilespmem:s8+$0x50]  }
0x92: {  	v12 =	vadd.s32 v20, v12;
	v20 =	vld [tilespmem:s8+$0x60]  }
0x93: {  	v22 =	vld [tilespmem:s9+$0xFFFFFF80];
	v5 =	vadd.s32 v21, v5  }
0x94: {  	v21 =	vld [tilespmem:s9+$0xFFFFFF90];
	v10 =	vadd.s32 v17, v10  }
0x95: {  	v17 =	vld [tilespmem:s9+$0xFFFFFFA0];
	v13 =	vadd.s32 v18, v13  }
0x96: {  	v18 =	vld [tilespmem:s9+$0xFFFFFFB0];
	v14 =	vadd.s32 v19, v14  }
0x97: {  	v19 =	vld [tilespmem:s9+$0xFFFFFFC0];
	v15 =	vadd.s32 v20, v15  }
0x98: {  	v20 =	vld [tilespmem:s9+$0xFFFFFFD0]  }
0x99: {  	v23 =	vld [tilespmem:s9+$0xFFFFFFE0]  }
0x9a: {  	v24 =	vld [tilespmem:s9+$0xFFFFFFF0]  }
0x9b: {  	v25 =	vld [tilespmem:s9+$0x0]  }
0x9c: {  	v26 =	vld [tilespmem:s9+$0x10]  }
0x9d: {  	v27 =	vld [tilespmem:s9+$0x20]  }
0x9e: {  	v28 =	vld [tilespmem:s9+$0x30]  }
0x9f: {  	v29 =	vld [tilespmem:s9+$0x40]  }
0xa0: {  	v30 =	vld [tilespmem:s9+$0x50]  }
0xa1: {  	v31 =	vld [tilespmem:s9+$0x60]  }
0xa2: {  	[tilespmem:v16+s2+$0x0] =	vst.idx.add.f32.msk vm14, v22  }
0xa3: {  	[tilespmem:v3+s2+$0x0] =	vst.idx.add.f32.msk vm0, v21  }
0xa4: {  	[tilespmem:v4+s2+$0x0] =	vst.idx.add.f32.msk vm1, v17  }
0xa5: {  	[tilespmem:v6+s2+$0x0] =	vst.idx.add.f32.msk vm2, v18  }
0xa6: {  	[tilespmem:v7+s2+$0x0] =	vst.idx.add.f32.msk vm3, v19  }
0xa7: {  	[tilespmem:v8+s2+$0x0] =	vst.idx.add.f32.msk vm4, v20  }
0xa8: {  	[tilespmem:v2+s2+$0x0] =	vst.idx.add.f32.msk vm5, v23  }
0xa9: {  	[tilespmem:v9+s2+$0x0] =	vst.idx.add.f32.msk vm6, v24  }
0xaa: {  	[tilespmem:v11+s2+$0x0] =	vst.idx.add.f32.msk vm7, v25  }
0xab: {  	[tilespmem:v12+s2+$0x0] =	vst.idx.add.f32.msk vm8, v26  }
.Ltmp0:
0xac: {  	[tilespmem:v5+s2+$0x0] =	vst.idx.add.f32.msk vm9, v27;
	(pc) =	sbr.rel @p0 .LBB2_2-.Ltmp0, $4  }
0xad: {  	[tilespmem:v10+s2+$0x0] =	vst.idx.add.f32.msk vm10, v28  }
0xae: {  	[tilespmem:v13+s2+$0x0] =	vst.idx.add.f32.msk vm11, v29  }
0xaf: {  	[tilespmem:v14+s2+$0x0] =	vst.idx.add.f32.msk vm12, v30  }
0xb0: {  	s11 =	sadd.s32 $0x100, s11;
	[tilespmem:v15+s2+$0x0] =	vst.idx.add.f32.msk vm13, v31  }
0xb1: {  	s8 =	rddreg [dreg:$0x8]  }
0xb2: {  	[tilespmem:s3], [sflag:$0x1] =	stream.linear.gather [hbm4b:s8+s2], $0x2000, $0x38;
	[tilespmem:$0x1C000] =	vst v63  }
0xb3: {  	s11 =	rddreg [dreg:$0x9]  }
0xb4: {  	[tilespmem:s19], [sflag:$0x1] =	stream.linear.gather [hbm4b:s11+s2], $0x2000, $0x38;
	[tilespmem:$0x1C000] =	vst v63  }
0xb5: {  	_ = 	snop  }
0xb6: {  	[tilespmem:s20], [sflag:$0x1] =	stream.linear.gather [hbm4b:s25+s2], $0x2000, $0x38;
	[tilespmem:$0x1C000] =	vst v63  }
0xb7: {  	_ =	swait.ge [sflag:s6], $0x2000  }
0xb8: {  	[sflag:s6] =	ssyncset.done $0x0  }
0xb9: {  	[sflag:s6] =	ssyncadd.s32 $0xFFFFE000  }
0xba: {  	_ =	swait.ge [sflag:s6], $0x2000  }
0xbb: {  	[sflag:s6] =	ssyncset.done $0x0  }
0xbc: {  	[sflag:s6] =	ssyncadd.s32 $0xFFFFE000  }
0xbd: {  	_ =	swait.ge [sflag:s6], $0x2000  }
0xbe: {  	[sflag:s6] =	ssyncset.done $0x0  }
0xbf: {  	s10 =	simm.s32 $0x16080;
	[sflag:s6] =	ssyncadd.s32 $0xFFFFE000  }
0xc0: {  	v2 =	vld [tilespmem:s10+$0x70]  }
0xc1: {  	s8 =	simm.s32 $0x18080;
	v3 =	vld [tilespmem:s10+$0xFFFFFF90]  }
0xc2: {  	v4 =	vld [tilespmem:s8+$0x70]  }
0xc3: {  	v5 =	vld [tilespmem:s10+$0xFFFFFFA0]  }
0xc4: {  	v6 =	vld [tilespmem:s10+$0xFFFFFFB0]  }
0xc5: {  	v7 =	vld [tilespmem:s10+$0xFFFFFFC0]  }
0xc6: {  	s9 =	simm.s32 $0x1A080;
	v8 =	vld [tilespmem:s10+$0xFFFFFFD0]  }
0xc7: {  	v9 =	vld [tilespmem:s9+$0x70]  }
0xc8: {  	v41 =	vld [tilespmem:s10+$0xFFFFFFE0]  }
0xc9: {  	v10 =	vld [tilespmem:s10+$0xFFFFFFF0]  }
0xca: {  	v11 =	vld [tilespmem:s10+$0x0]  }
0xcb: {  	v12 =	vld [tilespmem:s10+$0x10]  }
0xcc: {  	v42 =	vld [tilespmem:s10+$0x30]  }
0xcd: {  	v13 =	vld [tilespmem:s10+$0x40]  }
0xce: {  	v14 =	vld [tilespmem:s10+$0x50]  }
0xcf: {  	v15 =	vld [tilespmem:s10+$0x60]  }
0xd0: {  	v16 =	vld [tilespmem:s10+$0xFFFFFF80]  }
0xd1: {  	v17 =	vld [tilespmem:s8+$0xFFFFFF80]  }
0xd2: {  	v18 =	vld [tilespmem:s8+$0xFFFFFF90]  }
0xd3: {  	v19 =	vld [tilespmem:s8+$0xFFFFFFA0]  }
0xd4: {  	v20 =	vld [tilespmem:s8+$0xFFFFFFB0]  }
0xd5: {  	v21 =	vld [tilespmem:s8+$0xFFFFFFC0]  }
0xd6: {  	v22 =	vld [tilespmem:s8+$0xFFFFFFD0]  }
0xd7: {  	v23 =	vld [tilespmem:s8+$0xFFFFFFE0]  }
0xd8: {  	v24 =	vld [tilespmem:s8+$0xFFFFFFF0]  }
0xd9: {  	v25 =	vld [tilespmem:s8+$0x0]  }
0xda: {  	v26 =	vld [tilespmem:s8+$0x10]  }
0xdb: {  	v27 =	vld [tilespmem:s8+$0x20]  }
0xdc: {  	v28 =	vld [tilespmem:s8+$0x30]  }
0xdd: {  	v43 =	vld [tilespmem:s9+$0xFFFFFF80]  }
0xde: {  	v29 =	vld [tilespmem:s8+$0x40]  }
0xdf: {  	v30 =	vld [tilespmem:s8+$0x50]  }
0xe0: {  	v31 =	vld [tilespmem:s8+$0x60]  }
0xe1: {  	v44 =	vld [tilespmem:s9+$0xFFFFFF90]  }
0xe2: {  	v45 =	vld [tilespmem:s9+$0xFFFFFFA0]  }
0xe3: {  	v46 =	vld [tilespmem:s9+$0xFFFFFFB0]  }
0xe4: {  	v47 =	vld [tilespmem:s9+$0xFFFFFFC0]  }
0xe5: {  	v48 =	vld [tilespmem:s9+$0xFFFFFFE0];
	v2 =	vsub.s32 v2, v0;
	v16 =	vsub.s32 v16, v0;
	v3 =	vsub.s32 v3, v0  }
0xe6: {  	v51 =	vld [tilespmem:s9+$0xFFFFFFF0];
	v5 =	vsub.s32 v5, v0;
	v6 =	vsub.s32 v6, v0;
	v7 =	vsub.s32 v7, v0  }
0xe7: {  	v52 =	vld [tilespmem:s9+$0x0];
	v50 =	vsub.s32 v8, v0;
	v10 =	vsub.s32 v10, v0;
	v11 =	vsub.s32 v11, v0  }
0xe8: {  	v53 =	vld [tilespmem:s9+$0x10];
	v12 =	vsub.s32 v12, v0;
	vm0 =	vlt.u32 v2, $0x20;
	v2 =	vshll.u32 v2, $0xB  }
0xe9: {  	v54 =	vld [tilespmem:s9+$0x20];
	v60 =	vsub.s32 v13, v0;
	v61 =	vsub.s32 v14, v0;
	v2 =	vadd.s32 v4, v2  }
0xea: {  	v55 =	vld [tilespmem:s9+$0x30];
	v63 =	vsub.s32 v15, v0;
	vm1 =	vlt.u32 v3, $0x20;
	v3 =	vshll.u32 v3, $0xB  }
0xeb: {  	v56 =	vld [tilespmem:s9+$0x40];
	vm13 =	vlt.u32 v16, $0x20;
	v16 =	vshll.u32 v16, $0xB;
	v3 =	vadd.s32 v18, v3  }
0xec: {  	v57 =	vld [tilespmem:s9+$0x50];
	vm3 =	vlt.u32 v5, $0x20;
	v5 =	vshll.u32 v5, $0xB;
	vm2 =	vlt.u32 v6, $0x20  }
0xed: {  	v58 =	vld [tilespmem:s9+$0x60];
	v6 =	vshll.u32 v6, $0xB;
	vm14 =	vlt.u32 v7, $0x20;
	v5 =	vadd.s32 v19, v5  }
0xee: {  	v49 =	vshll.u32 v7, $0xB;
	v16 =	vadd.s32 v17, v16;
	v4 =	vsub.s32 v41, v0;
	[tilespmem:v2+s2+$0x0] =	vst.idx.add.f32.msk vm0, v9  }
0xef: {  	v6 =	vadd.s32 v20, v6;
	vm12 =	vlt.u32 v4, $0x20;
	v4 =	vshll.u32 v4, $0xB;
	v2 =	vld [tilespmem:s10+$0x20]  }
0xf0: {  	vm15 =	vlt.u32 v50, $0x20;
	v7 =	vshll.u32 v50, $0xB;
	v4 =	vadd.s32 v23, v4;
	[tilespmem:v3+s2+$0x0] =	vst.idx.add.f32.msk vm1, v44  }
0xf1: {  	vm4 =	vlt.u32 v10, $0x20;
	v10 =	vshll.u32 v10, $0xB;
	v7 =	vadd.s32 v22, v7;
	v3 =	vld [tilespmem:s9+$0xFFFFFFD0]  }
0xf2: {  	vm5 =	vlt.u32 v11, $0x20;
	v11 =	vshll.u32 v11, $0xB;
	[tilespmem:v5+s2+$0x0] =	vst.idx.add.f32.msk vm3, v45;
	v5 =	vadd.s32 v21, v49  }
0xf3: {  	vm6 =	vlt.u32 v12, $0x20;
	v12 =	vshll.u32 v12, $0xB;
	v10 =	vadd.s32 v24, v10;
	[tilespmem:v16+s2+$0x0] =	vst.idx.add.f32.msk vm13, v43  }
0xf4: {  	v62 =	vshll.u32 v61, $0xB;
	v11 =	vadd.s32 v25, v11;
	v9 =	vsub.s32 v42, v0;
	[tilespmem:v6+s2+$0x0] =	vst.idx.add.f32.msk vm2, v46  }
0xf5: {  	v12 =	vadd.s32 v26, v12;
	vm8 =	vlt.u32 v9, $0x20;
	v59 =	vshll.u32 v9, $0xB;
	[tilespmem:v4+s2+$0x0] =	vst.idx.add.f32.msk vm12, v48  }
0xf6: {  	vm13 =	vlt.u32 v60, $0x20;
	v6 =	vadd.s32 v28, v59;
	[tilespmem:v7+s2+$0x0] =	vst.idx.add.f32.msk vm15, v3;
	v3 =	vshll.u32 v60, $0xB  }
0xf7: {  	v4 =	vadd.s32 v30, v62;
	[tilespmem:v5+s2+$0x0] =	vst.idx.add.f32.msk vm14, v47;
	vm14 =	vlt.u32 v61, $0x20;
	v3 =	vadd.s32 v29, v3  }
0xf8: {  	[tilespmem:v10+s2+$0x0] =	vst.idx.add.f32.msk vm4, v51;
	v2 =	vsub.s32 v2, v0;
	vm15 =	vlt.u32 v63, $0x20;
	v5 =	vshll.u32 v63, $0xB  }
0xf9: {  	[tilespmem:v11+s2+$0x0] =	vst.idx.add.f32.msk vm5, v52;
	vm7 =	vlt.u32 v2, $0x20;
	v2 =	vshll.u32 v2, $0xB;
	v5 =	vadd.s32 v31, v5  }
0xfa: {  	[tilespmem:v12+s2+$0x0] =	vst.idx.add.f32.msk vm6, v53;
	v2 =	vadd.s32 v27, v2  }
0xfb: {  	[tilespmem:v6+s2+$0x0] =	vst.idx.add.f32.msk vm8, v55  }
0xfc: {  	[tilespmem:v3+s2+$0x0] =	vst.idx.add.f32.msk vm13, v56  }
0xfd: {  	[tilespmem:v4+s2+$0x0] =	vst.idx.add.f32.msk vm14, v57  }
0xfe: {  	[tilespmem:v5+s2+$0x0] =	vst.idx.add.f32.msk vm15, v58  }
0xff: {  	s11 =	simm.s32 $0x16180;
	s10 =	simm.s32 $0x0;
	[tilespmem:v2+s2+$0x0] =	vst.idx.add.f32.msk vm7, v54  }
.LBB2_4:
0x100: {  	v2 =	vld [tilespmem:s11+$0x70];
	s10 =	sadd.s32 $0x10, s10  }
0x101: {  	s8 =	sadd.s32 $0x100, s8;
	v3 =	vld [tilespmem:s11+$0xFFFFFF90];
	p0 =	slt.u32 s10, $0x1F0  }
0x102: {  	v4 =	vld [tilespmem:s8+$0x70]  }
0x103: {  	v5 =	vld [tilespmem:s11+$0xFFFFFFA0]  }
0x104: {  	v6 =	vld [tilespmem:s11+$0xFFFFFFB0]  }
0x105: {  	v7 =	vld [tilespmem:s11+$0xFFFFFFC0];
	v2 =	vsub.s32 v2, v0  }
0x106: {  	s9 =	sadd.s32 $0x100, s9;
	v3 =	vsub.s32 v3, v0;
	v8 =	vld [tilespmem:s11+$0xFFFFFFD0];
	vm5 =	vlt.u32 v2, $0x20;
	v2 =	vshll.u32 v2, $0xB  }
0x107: {  	vm0 =	vlt.u32 v3, $0x20;
	v3 =	vshll.u32 v3, $0xB;
	v9 =	vld [tilespmem:s9+$0x70];
	v2 =	vadd.s32 v4, v2  }
0x108: {  	v4 =	vsub.s32 v5, v0;
	v5 =	vld [tilespmem:s11+$0xFFFFFFE0]  }
0x109: {  	vm1 =	vlt.u32 v4, $0x20;
	v4 =	vshll.u32 v4, $0xB;
	v6 =	vsub.s32 v6, v0;
	v10 =	vld [tilespmem:s11+$0xFFFFFFF0]  }
0x10a: {  	vm2 =	vlt.u32 v6, $0x20;
	v6 =	vshll.u32 v6, $0xB;
	v7 =	vsub.s32 v7, v0;
	v11 =	vld [tilespmem:s11+$0x0]  }
0x10b: {  	vm3 =	vlt.u32 v7, $0x20;
	v7 =	vshll.u32 v7, $0xB;
	v8 =	vsub.s32 v8, v0;
	v12 =	vld [tilespmem:s11+$0x10]  }
0x10c: {  	vm4 =	vlt.u32 v8, $0x20;
	v8 =	vshll.u32 v8, $0xB;
	[tilespmem:v2+s2+$0x0] =	vst.idx.add.f32.msk vm5, v9  }
0x10d: {  	v2 =	vsub.s32 v5, v0;
	v5 =	vld [tilespmem:s11+$0x20]  }
0x10e: {  	vm5 =	vlt.u32 v2, $0x20;
	v2 =	vshll.u32 v2, $0xB;
	v9 =	vsub.s32 v10, v0;
	v10 =	vld [tilespmem:s11+$0x30]  }
0x10f: {  	vm6 =	vlt.u32 v9, $0x20;
	v9 =	vshll.u32 v9, $0xB;
	v11 =	vsub.s32 v11, v0;
	v13 =	vld [tilespmem:s11+$0x40]  }
0x110: {  	vm7 =	vlt.u32 v11, $0x20;
	v11 =	vshll.u32 v11, $0xB;
	v12 =	vsub.s32 v12, v0;
	v14 =	vld [tilespmem:s11+$0x50]  }
0x111: {  	vm8 =	vlt.u32 v12, $0x20;
	v12 =	vshll.u32 v12, $0xB;
	v15 =	vld [tilespmem:s11+$0x60]  }
0x112: {  	v16 =	vld [tilespmem:s11+$0xFFFFFF80];
	v5 =	vsub.s32 v5, v0  }
0x113: {  	v17 =	vld [tilespmem:s8+$0xFFFFFF80];
	vm9 =	vlt.u32 v5, $0x20;
	v5 =	vshll.u32 v5, $0xB;
	v10 =	vsub.s32 v10, v0  }
0x114: {  	v18 =	vld [tilespmem:s8+$0xFFFFFF90];
	vm10 =	vlt.u32 v10, $0x20;
	v10 =	vshll.u32 v10, $0xB;
	v13 =	vsub.s32 v13, v0  }
0x115: {  	v19 =	vld [tilespmem:s8+$0xFFFFFFA0];
	vm11 =	vlt.u32 v13, $0x20;
	v13 =	vshll.u32 v13, $0xB;
	v14 =	vsub.s32 v14, v0  }
0x116: {  	v20 =	vld [tilespmem:s8+$0xFFFFFFB0];
	vm12 =	vlt.u32 v14, $0x20;
	v14 =	vshll.u32 v14, $0xB;
	v15 =	vsub.s32 v15, v0  }
0x117: {  	v16 =	vsub.s32 v16, v0;
	v21 =	vld [tilespmem:s8+$0xFFFFFFC0];
	vm13 =	vlt.u32 v15, $0x20;
	v15 =	vshll.u32 v15, $0xB  }
0x118: {  	vm14 =	vlt.u32 v16, $0x20;
	v16 =	vshll.u32 v16, $0xB;
	v22 =	vld [tilespmem:s8+$0xFFFFFFD0]  }
0x119: {  	v16 =	vadd.s32 v17, v16;
	v3 =	vadd.s32 v18, v3;
	v17 =	vld [tilespmem:s8+$0xFFFFFFE0]  }
0x11a: {  	v4 =	vadd.s32 v19, v4;
	v18 =	vld [tilespmem:s8+$0xFFFFFFF0]  }
0x11b: {  	v6 =	vadd.s32 v20, v6;
	v19 =	vld [tilespmem:s8+$0x0]  }
0x11c: {  	v7 =	vadd.s32 v21, v7;
	v20 =	vld [tilespmem:s8+$0x10]  }
0x11d: {  	v8 =	vadd.s32 v22, v8;
	v21 =	vld [tilespmem:s8+$0x20]  }
0x11e: {  	v2 =	vadd.s32 v17, v2;
	v17 =	vld [tilespmem:s8+$0x30]  }
0x11f: {  	v9 =	vadd.s32 v18, v9;
	v18 =	vld [tilespmem:s8+$0x40]  }
0x120: {  	v11 =	vadd.s32 v19, v11;
	v19 =	vld [tilespmem:s8+$0x50]  }
0x121: {  	v12 =	vadd.s32 v20, v12;
	v20 =	vld [tilespmem:s8+$0x60]  }
0x122: {  	v22 =	vld [tilespmem:s9+$0xFFFFFF80];
	v5 =	vadd.s32 v21, v5  }
0x123: {  	v21 =	vld [tilespmem:s9+$0xFFFFFF90];
	v10 =	vadd.s32 v17, v10  }
0x124: {  	v17 =	vld [tilespmem:s9+$0xFFFFFFA0];
	v13 =	vadd.s32 v18, v13  }
0x125: {  	v18 =	vld [tilespmem:s9+$0xFFFFFFB0];
	v14 =	vadd.s32 v19, v14  }
0x126: {  	v19 =	vld [tilespmem:s9+$0xFFFFFFC0];
	v15 =	vadd.s32 v20, v15  }
0x127: {  	v20 =	vld [tilespmem:s9+$0xFFFFFFD0]  }
0x128: {  	v23 =	vld [tilespmem:s9+$0xFFFFFFE0]  }
0x129: {  	v24 =	vld [tilespmem:s9+$0xFFFFFFF0]  }
0x12a: {  	v25 =	vld [tilespmem:s9+$0x0]  }
0x12b: {  	v26 =	vld [tilespmem:s9+$0x10]  }
0x12c: {  	v27 =	vld [tilespmem:s9+$0x20]  }
0x12d: {  	v28 =	vld [tilespmem:s9+$0x30]  }
0x12e: {  	v29 =	vld [tilespmem:s9+$0x40]  }
0x12f: {  	v30 =	vld [tilespmem:s9+$0x50]  }
0x130: {  	v31 =	vld [tilespmem:s9+$0x60]  }
0x131: {  	[tilespmem:v16+s2+$0x0] =	vst.idx.add.f32.msk vm14, v22  }
0x132: {  	[tilespmem:v3+s2+$0x0] =	vst.idx.add.f32.msk vm0, v21  }
0x133: {  	[tilespmem:v4+s2+$0x0] =	vst.idx.add.f32.msk vm1, v17  }
0x134: {  	[tilespmem:v6+s2+$0x0] =	vst.idx.add.f32.msk vm2, v18  }
0x135: {  	[tilespmem:v7+s2+$0x0] =	vst.idx.add.f32.msk vm3, v19  }
0x136: {  	[tilespmem:v8+s2+$0x0] =	vst.idx.add.f32.msk vm4, v20  }
0x137: {  	[tilespmem:v2+s2+$0x0] =	vst.idx.add.f32.msk vm5, v23  }
0x138: {  	[tilespmem:v9+s2+$0x0] =	vst.idx.add.f32.msk vm6, v24  }
0x139: {  	[tilespmem:v11+s2+$0x0] =	vst.idx.add.f32.msk vm7, v25  }
0x13a: {  	[tilespmem:v12+s2+$0x0] =	vst.idx.add.f32.msk vm8, v26  }
.Ltmp1:
0x13b: {  	[tilespmem:v5+s2+$0x0] =	vst.idx.add.f32.msk vm9, v27;
	(pc) =	sbr.rel @p0 .LBB2_4-.Ltmp1, $4  }
0x13c: {  	[tilespmem:v10+s2+$0x0] =	vst.idx.add.f32.msk vm10, v28  }
0x13d: {  	[tilespmem:v13+s2+$0x0] =	vst.idx.add.f32.msk vm11, v29  }
0x13e: {  	[tilespmem:v14+s2+$0x0] =	vst.idx.add.f32.msk vm12, v30  }
0x13f: {  	s11 =	sadd.s32 $0x100, s11;
	[tilespmem:v15+s2+$0x0] =	vst.idx.add.f32.msk vm13, v31  }
0x140: {  	s8 =	rddreg [dreg:$0xa]  }
0x141: {  	[tilespmem:s23], [sflag:$0x2] =	stream.linear.gather [hbm4b:s8+s2], $0x2000, $0x38;
	[tilespmem:$0x1C000] =	vst v63  }
0x142: {  	_ = 	snop  }
0x143: {  	[tilespmem:s1], [sflag:$0x2] =	stream.linear.gather [hbm4b:s12+s2], $0x2000, $0x38;
	[tilespmem:$0x1C000] =	vst v63  }
0x144: {  	_ = 	snop  }
0x145: {  	[tilespmem:s4], [sflag:$0x2] =	stream.linear.gather [hbm4b:s26+s2], $0x2000, $0x38;
	[tilespmem:$0x1C000] =	vst v63  }
0x146: {  	_ =	swait.ge [sflag:s5], $0x2000  }
0x147: {  	[sflag:s5] =	ssyncset.done $0x0  }
0x148: {  	[sflag:s5] =	ssyncadd.s32 $0xFFFFE000  }
0x149: {  	_ =	swait.ge [sflag:s5], $0x2000  }
0x14a: {  	[sflag:s5] =	ssyncset.done $0x0  }
0x14b: {  	[sflag:s5] =	ssyncadd.s32 $0xFFFFE000  }
0x14c: {  	_ =	swait.ge [sflag:s5], $0x2000  }
0x14d: {  	[sflag:s5] =	ssyncset.done $0x0  }
0x14e: {  	s10 =	simm.s32 $0x10080;
	[sflag:s5] =	ssyncadd.s32 $0xFFFFE000  }
0x14f: {  	v2 =	vld [tilespmem:s10+$0x70]  }
0x150: {  	s8 =	simm.s32 $0x12080;
	v3 =	vld [tilespmem:s10+$0xFFFFFF90]  }
0x151: {  	v4 =	vld [tilespmem:s8+$0x70]  }
0x152: {  	v5 =	vld [tilespmem:s10+$0xFFFFFFA0]  }
0x153: {  	v6 =	vld [tilespmem:s10+$0xFFFFFFB0]  }
0x154: {  	v7 =	vld [tilespmem:s10+$0xFFFFFFC0]  }
0x155: {  	s9 =	simm.s32 $0x14080;
	v8 =	vld [tilespmem:s10+$0xFFFFFFD0]  }
0x156: {  	v9 =	vld [tilespmem:s9+$0x70]  }
0x157: {  	v41 =	vld [tilespmem:s10+$0xFFFFFFE0]  }
0x158: {  	v10 =	vld [tilespmem:s10+$0xFFFFFFF0]  }
0x159: {  	v11 =	vld [tilespmem:s10+$0x0]  }
0x15a: {  	v12 =	vld [tilespmem:s10+$0x10]  }
0x15b: {  	v42 =	vld [tilespmem:s10+$0x30]  }
0x15c: {  	v13 =	vld [tilespmem:s10+$0x40]  }
0x15d: {  	v14 =	vld [tilespmem:s10+$0x50]  }
0x15e: {  	v15 =	vld [tilespmem:s10+$0x60]  }
0x15f: {  	v16 =	vld [tilespmem:s10+$0xFFFFFF80]  }
0x160: {  	v17 =	vld [tilespmem:s8+$0xFFFFFF80]  }
0x161: {  	v18 =	vld [tilespmem:s8+$0xFFFFFF90]  }
0x162: {  	v19 =	vld [tilespmem:s8+$0xFFFFFFA0]  }
0x163: {  	v20 =	vld [tilespmem:s8+$0xFFFFFFB0]  }
0x164: {  	v21 =	vld [tilespmem:s8+$0xFFFFFFC0]  }
0x165: {  	v22 =	vld [tilespmem:s8+$0xFFFFFFD0]  }
0x166: {  	v23 =	vld [tilespmem:s8+$0xFFFFFFE0]  }
0x167: {  	v24 =	vld [tilespmem:s8+$0xFFFFFFF0]  }
0x168: {  	v25 =	vld [tilespmem:s8+$0x0]  }
0x169: {  	v26 =	vld [tilespmem:s8+$0x10]  }
0x16a: {  	v27 =	vld [tilespmem:s8+$0x20]  }
0x16b: {  	v28 =	vld [tilespmem:s8+$0x30]  }
0x16c: {  	v43 =	vld [tilespmem:s9+$0xFFFFFF80]  }
0x16d: {  	v29 =	vld [tilespmem:s8+$0x40]  }
0x16e: {  	v30 =	vld [tilespmem:s8+$0x50]  }
0x16f: {  	v31 =	vld [tilespmem:s8+$0x60]  }
0x170: {  	v44 =	vld [tilespmem:s9+$0xFFFFFF90]  }
0x171: {  	v45 =	vld [tilespmem:s9+$0xFFFFFFA0]  }
0x172: {  	v46 =	vld [tilespmem:s9+$0xFFFFFFB0]  }
0x173: {  	v47 =	vld [tilespmem:s9+$0xFFFFFFC0]  }
0x174: {  	v48 =	vld [tilespmem:s9+$0xFFFFFFE0];
	v2 =	vsub.s32 v2, v0;
	v16 =	vsub.s32 v16, v0;
	v3 =	vsub.s32 v3, v0  }
0x175: {  	v51 =	vld [tilespmem:s9+$0xFFFFFFF0];
	v5 =	vsub.s32 v5, v0;
	v6 =	vsub.s32 v6, v0;
	v7 =	vsub.s32 v7, v0  }
0x176: {  	v52 =	vld [tilespmem:s9+$0x0];
	v50 =	vsub.s32 v8, v0;
	v10 =	vsub.s32 v10, v0;
	v11 =	vsub.s32 v11, v0  }
0x177: {  	v53 =	vld [tilespmem:s9+$0x10];
	v12 =	vsub.s32 v12, v0;
	vm0 =	vlt.u32 v2, $0x20;
	v2 =	vshll.u32 v2, $0xB  }
0x178: {  	v54 =	vld [tilespmem:s9+$0x20];
	v60 =	vsub.s32 v13, v0;
	v61 =	vsub.s32 v14, v0;
	v2 =	vadd.s32 v4, v2  }
0x179: {  	v55 =	vld [tilespmem:s9+$0x30];
	v63 =	vsub.s32 v15, v0;
	vm1 =	vlt.u32 v3, $0x20;
	v3 =	vshll.u32 v3, $0xB  }
0x17a: {  	v56 =	vld [tilespmem:s9+$0x40];
	vm13 =	vlt.u32 v16, $0x20;
	v16 =	vshll.u32 v16, $0xB;
	v3 =	vadd.s32 v18, v3  }
0x17b: {  	v57 =	vld [tilespmem:s9+$0x50];
	vm3 =	vlt.u32 v5, $0x20;
	v5 =	vshll.u32 v5, $0xB;
	vm2 =	vlt.u32 v6, $0x20  }
0x17c: {  	v58 =	vld [tilespmem:s9+$0x60];
	v6 =	vshll.u32 v6, $0xB;
	vm14 =	vlt.u32 v7, $0x20;
	v5 =	vadd.s32 v19, v5  }
0x17d: {  	v49 =	vshll.u32 v7, $0xB;
	v16 =	vadd.s32 v17, v16;
	v4 =	vsub.s32 v41, v0;
	[tilespmem:v2+s2+$0x0] =	vst.idx.add.f32.msk vm0, v9  }
0x17e: {  	v6 =	vadd.s32 v20, v6;
	vm12 =	vlt.u32 v4, $0x20;
	v4 =	vshll.u32 v4, $0xB;
	v2 =	vld [tilespmem:s10+$0x20]  }
0x17f: {  	vm15 =	vlt.u32 v50, $0x20;
	v7 =	vshll.u32 v50, $0xB;
	v4 =	vadd.s32 v23, v4;
	[tilespmem:v3+s2+$0x0] =	vst.idx.add.f32.msk vm1, v44  }
0x180: {  	vm4 =	vlt.u32 v10, $0x20;
	v10 =	vshll.u32 v10, $0xB;
	v7 =	vadd.s32 v22, v7;
	v3 =	vld [tilespmem:s9+$0xFFFFFFD0]  }
0x181: {  	vm5 =	vlt.u32 v11, $0x20;
	v11 =	vshll.u32 v11, $0xB;
	[tilespmem:v5+s2+$0x0] =	vst.idx.add.f32.msk vm3, v45;
	v5 =	vadd.s32 v21, v49  }
0x182: {  	vm6 =	vlt.u32 v12, $0x20;
	v12 =	vshll.u32 v12, $0xB;
	v10 =	vadd.s32 v24, v10;
	[tilespmem:v16+s2+$0x0] =	vst.idx.add.f32.msk vm13, v43  }
0x183: {  	v62 =	vshll.u32 v61, $0xB;
	v11 =	vadd.s32 v25, v11;
	v9 =	vsub.s32 v42, v0;
	[tilespmem:v6+s2+$0x0] =	vst.idx.add.f32.msk vm2, v46  }
0x184: {  	v12 =	vadd.s32 v26, v12;
	vm8 =	vlt.u32 v9, $0x20;
	v59 =	vshll.u32 v9, $0xB;
	[tilespmem:v4+s2+$0x0] =	vst.idx.add.f32.msk vm12, v48  }
0x185: {  	vm13 =	vlt.u32 v60, $0x20;
	v6 =	vadd.s32 v28, v59;
	[tilespmem:v7+s2+$0x0] =	vst.idx.add.f32.msk vm15, v3;
	v3 =	vshll.u32 v60, $0xB  }
0x186: {  	v4 =	vadd.s32 v30, v62;
	[tilespmem:v5+s2+$0x0] =	vst.idx.add.f32.msk vm14, v47;
	vm14 =	vlt.u32 v61, $0x20;
	v3 =	vadd.s32 v29, v3  }
0x187: {  	[tilespmem:v10+s2+$0x0] =	vst.idx.add.f32.msk vm4, v51;
	v2 =	vsub.s32 v2, v0;
	vm15 =	vlt.u32 v63, $0x20;
	v5 =	vshll.u32 v63, $0xB  }
0x188: {  	[tilespmem:v11+s2+$0x0] =	vst.idx.add.f32.msk vm5, v52;
	vm7 =	vlt.u32 v2, $0x20;
	v2 =	vshll.u32 v2, $0xB;
	v5 =	vadd.s32 v31, v5  }
0x189: {  	[tilespmem:v12+s2+$0x0] =	vst.idx.add.f32.msk vm6, v53;
	v2 =	vadd.s32 v27, v2  }
0x18a: {  	[tilespmem:v6+s2+$0x0] =	vst.idx.add.f32.msk vm8, v55  }
0x18b: {  	[tilespmem:v3+s2+$0x0] =	vst.idx.add.f32.msk vm13, v56  }
0x18c: {  	[tilespmem:v4+s2+$0x0] =	vst.idx.add.f32.msk vm14, v57  }
0x18d: {  	[tilespmem:v5+s2+$0x0] =	vst.idx.add.f32.msk vm15, v58  }
0x18e: {  	s11 =	simm.s32 $0x10180;
	s10 =	simm.s32 $0x0;
	[tilespmem:v2+s2+$0x0] =	vst.idx.add.f32.msk vm7, v54  }
.LBB2_6:
0x18f: {  	v2 =	vld [tilespmem:s11+$0x70];
	s10 =	sadd.s32 $0x10, s10  }
0x190: {  	s8 =	sadd.s32 $0x100, s8;
	v3 =	vld [tilespmem:s11+$0xFFFFFF90];
	p0 =	slt.u32 s10, $0x1F0  }
0x191: {  	v4 =	vld [tilespmem:s8+$0x70]  }
0x192: {  	v5 =	vld [tilespmem:s11+$0xFFFFFFA0]  }
0x193: {  	v6 =	vld [tilespmem:s11+$0xFFFFFFB0]  }
0x194: {  	v7 =	vld [tilespmem:s11+$0xFFFFFFC0];
	v2 =	vsub.s32 v2, v0  }
0x195: {  	s9 =	sadd.s32 $0x100, s9;
	v3 =	vsub.s32 v3, v0;
	v8 =	vld [tilespmem:s11+$0xFFFFFFD0];
	vm5 =	vlt.u32 v2, $0x20;
	v2 =	vshll.u32 v2, $0xB  }
0x196: {  	vm0 =	vlt.u32 v3, $0x20;
	v3 =	vshll.u32 v3, $0xB;
	v9 =	vld [tilespmem:s9+$0x70];
	v2 =	vadd.s32 v4, v2  }
0x197: {  	v4 =	vsub.s32 v5, v0;
	v5 =	vld [tilespmem:s11+$0xFFFFFFE0]  }
0x198: {  	vm1 =	vlt.u32 v4, $0x20;
	v4 =	vshll.u32 v4, $0xB;
	v6 =	vsub.s32 v6, v0;
	v10 =	vld [tilespmem:s11+$0xFFFFFFF0]  }
0x199: {  	vm2 =	vlt.u32 v6, $0x20;
	v6 =	vshll.u32 v6, $0xB;
	v7 =	vsub.s32 v7, v0;
	v11 =	vld [tilespmem:s11+$0x0]  }
0x19a: {  	vm3 =	vlt.u32 v7, $0x20;
	v7 =	vshll.u32 v7, $0xB;
	v8 =	vsub.s32 v8, v0;
	v12 =	vld [tilespmem:s11+$0x10]  }
0x19b: {  	vm4 =	vlt.u32 v8, $0x20;
	v8 =	vshll.u32 v8, $0xB;
	[tilespmem:v2+s2+$0x0] =	vst.idx.add.f32.msk vm5, v9  }
0x19c: {  	v2 =	vsub.s32 v5, v0;
	v5 =	vld [tilespmem:s11+$0x20]  }
0x19d: {  	vm5 =	vlt.u32 v2, $0x20;
	v2 =	vshll.u32 v2, $0xB;
	v9 =	vsub.s32 v10, v0;
	v10 =	vld [tilespmem:s11+$0x30]  }
0x19e: {  	vm6 =	vlt.u32 v9, $0x20;
	v9 =	vshll.u32 v9, $0xB;
	v11 =	vsub.s32 v11, v0;
	v13 =	vld [tilespmem:s11+$0x40]  }
0x19f: {  	vm7 =	vlt.u32 v11, $0x20;
	v11 =	vshll.u32 v11, $0xB;
	v12 =	vsub.s32 v12, v0;
	v14 =	vld [tilespmem:s11+$0x50]  }
0x1a0: {  	vm8 =	vlt.u32 v12, $0x20;
	v12 =	vshll.u32 v12, $0xB;
	v15 =	vld [tilespmem:s11+$0x60]  }
0x1a1: {  	v16 =	vld [tilespmem:s11+$0xFFFFFF80];
	v5 =	vsub.s32 v5, v0  }
0x1a2: {  	v17 =	vld [tilespmem:s8+$0xFFFFFF80];
	vm9 =	vlt.u32 v5, $0x20;
	v5 =	vshll.u32 v5, $0xB;
	v10 =	vsub.s32 v10, v0  }
0x1a3: {  	v18 =	vld [tilespmem:s8+$0xFFFFFF90];
	vm10 =	vlt.u32 v10, $0x20;
	v10 =	vshll.u32 v10, $0xB;
	v13 =	vsub.s32 v13, v0  }
0x1a4: {  	v19 =	vld [tilespmem:s8+$0xFFFFFFA0];
	vm11 =	vlt.u32 v13, $0x20;
	v13 =	vshll.u32 v13, $0xB;
	v14 =	vsub.s32 v14, v0  }
0x1a5: {  	v20 =	vld [tilespmem:s8+$0xFFFFFFB0];
	vm12 =	vlt.u32 v14, $0x20;
	v14 =	vshll.u32 v14, $0xB;
	v15 =	vsub.s32 v15, v0  }
0x1a6: {  	v16 =	vsub.s32 v16, v0;
	v21 =	vld [tilespmem:s8+$0xFFFFFFC0];
	vm13 =	vlt.u32 v15, $0x20;
	v15 =	vshll.u32 v15, $0xB  }
0x1a7: {  	vm14 =	vlt.u32 v16, $0x20;
	v16 =	vshll.u32 v16, $0xB;
	v22 =	vld [tilespmem:s8+$0xFFFFFFD0]  }
0x1a8: {  	v16 =	vadd.s32 v17, v16;
	v3 =	vadd.s32 v18, v3;
	v17 =	vld [tilespmem:s8+$0xFFFFFFE0]  }
0x1a9: {  	v4 =	vadd.s32 v19, v4;
	v18 =	vld [tilespmem:s8+$0xFFFFFFF0]  }
0x1aa: {  	v6 =	vadd.s32 v20, v6;
	v19 =	vld [tilespmem:s8+$0x0]  }
0x1ab: {  	v7 =	vadd.s32 v21, v7;
	v20 =	vld [tilespmem:s8+$0x10]  }
0x1ac: {  	v8 =	vadd.s32 v22, v8;
	v21 =	vld [tilespmem:s8+$0x20]  }
0x1ad: {  	v2 =	vadd.s32 v17, v2;
	v17 =	vld [tilespmem:s8+$0x30]  }
0x1ae: {  	v9 =	vadd.s32 v18, v9;
	v18 =	vld [tilespmem:s8+$0x40]  }
0x1af: {  	v11 =	vadd.s32 v19, v11;
	v19 =	vld [tilespmem:s8+$0x50]  }
0x1b0: {  	v12 =	vadd.s32 v20, v12;
	v20 =	vld [tilespmem:s8+$0x60]  }
0x1b1: {  	v22 =	vld [tilespmem:s9+$0xFFFFFF80];
	v5 =	vadd.s32 v21, v5  }
0x1b2: {  	v21 =	vld [tilespmem:s9+$0xFFFFFF90];
	v10 =	vadd.s32 v17, v10  }
0x1b3: {  	v17 =	vld [tilespmem:s9+$0xFFFFFFA0];
	v13 =	vadd.s32 v18, v13  }
0x1b4: {  	v18 =	vld [tilespmem:s9+$0xFFFFFFB0];
	v14 =	vadd.s32 v19, v14  }
0x1b5: {  	v19 =	vld [tilespmem:s9+$0xFFFFFFC0];
	v15 =	vadd.s32 v20, v15  }
0x1b6: {  	v20 =	vld [tilespmem:s9+$0xFFFFFFD0]  }
0x1b7: {  	v23 =	vld [tilespmem:s9+$0xFFFFFFE0]  }
0x1b8: {  	v24 =	vld [tilespmem:s9+$0xFFFFFFF0]  }
0x1b9: {  	v25 =	vld [tilespmem:s9+$0x0]  }
0x1ba: {  	v26 =	vld [tilespmem:s9+$0x10]  }
0x1bb: {  	v27 =	vld [tilespmem:s9+$0x20]  }
0x1bc: {  	v28 =	vld [tilespmem:s9+$0x30]  }
0x1bd: {  	v29 =	vld [tilespmem:s9+$0x40]  }
0x1be: {  	v30 =	vld [tilespmem:s9+$0x50]  }
0x1bf: {  	v31 =	vld [tilespmem:s9+$0x60]  }
0x1c0: {  	[tilespmem:v16+s2+$0x0] =	vst.idx.add.f32.msk vm14, v22  }
0x1c1: {  	[tilespmem:v3+s2+$0x0] =	vst.idx.add.f32.msk vm0, v21  }
0x1c2: {  	[tilespmem:v4+s2+$0x0] =	vst.idx.add.f32.msk vm1, v17  }
0x1c3: {  	[tilespmem:v6+s2+$0x0] =	vst.idx.add.f32.msk vm2, v18  }
0x1c4: {  	[tilespmem:v7+s2+$0x0] =	vst.idx.add.f32.msk vm3, v19  }
0x1c5: {  	[tilespmem:v8+s2+$0x0] =	vst.idx.add.f32.msk vm4, v20  }
0x1c6: {  	[tilespmem:v2+s2+$0x0] =	vst.idx.add.f32.msk vm5, v23  }
0x1c7: {  	[tilespmem:v9+s2+$0x0] =	vst.idx.add.f32.msk vm6, v24  }
0x1c8: {  	[tilespmem:v11+s2+$0x0] =	vst.idx.add.f32.msk vm7, v25  }
0x1c9: {  	[tilespmem:v12+s2+$0x0] =	vst.idx.add.f32.msk vm8, v26  }
.Ltmp2:
0x1ca: {  	[tilespmem:v5+s2+$0x0] =	vst.idx.add.f32.msk vm9, v27;
	(pc) =	sbr.rel @p0 .LBB2_6-.Ltmp2, $4  }
0x1cb: {  	[tilespmem:v10+s2+$0x0] =	vst.idx.add.f32.msk vm10, v28  }
0x1cc: {  	[tilespmem:v13+s2+$0x0] =	vst.idx.add.f32.msk vm11, v29  }
0x1cd: {  	[tilespmem:v14+s2+$0x0] =	vst.idx.add.f32.msk vm12, v30  }
0x1ce: {  	s11 =	sadd.s32 $0x100, s11;
	[tilespmem:v15+s2+$0x0] =	vst.idx.add.f32.msk vm13, v31  }
0x1cf: {  	[tilespmem:s3], [sflag:$0x1] =	stream.linear.gather [hbm4b:s13+s2], $0x2000, $0x38;
	[tilespmem:$0x1C000] =	vst v63  }
0x1d0: {  	_ = 	snop  }
0x1d1: {  	[tilespmem:s19], [sflag:$0x1] =	stream.linear.gather [hbm4b:s14+s2], $0x2000, $0x38;
	[tilespmem:$0x1C000] =	vst v63  }
0x1d2: {  	_ = 	snop  }
0x1d3: {  	[tilespmem:s20], [sflag:$0x1] =	stream.linear.gather [hbm4b:s28+s2], $0x2000, $0x38;
	[tilespmem:$0x1C000] =	vst v63  }
0x1d4: {  	_ =	swait.ge [sflag:s6], $0x2000  }
0x1d5: {  	[sflag:s6] =	ssyncset.done $0x0  }
0x1d6: {  	[sflag:s6] =	ssyncadd.s32 $0xFFFFE000  }
0x1d7: {  	_ =	swait.ge [sflag:s6], $0x2000  }
0x1d8: {  	[sflag:s6] =	ssyncset.done $0x0  }
0x1d9: {  	[sflag:s6] =	ssyncadd.s32 $0xFFFFE000  }
0x1da: {  	_ =	swait.ge [sflag:s6], $0x2000  }
0x1db: {  	[sflag:s6] =	ssyncset.done $0x0  }
0x1dc: {  	s10 =	simm.s32 $0x16080;
	[sflag:s6] =	ssyncadd.s32 $0xFFFFE000  }
0x1dd: {  	v2 =	vld [tilespmem:s10+$0x70]  }
0x1de: {  	s8 =	simm.s32 $0x18080;
	v3 =	vld [tilespmem:s10+$0xFFFFFF90]  }
0x1df: {  	v4 =	vld [tilespmem:s8+$0x70]  }
0x1e0: {  	v5 =	vld [tilespmem:s10+$0xFFFFFFA0]  }
0x1e1: {  	v6 =	vld [tilespmem:s10+$0xFFFFFFB0]  }
0x1e2: {  	v7 =	vld [tilespmem:s10+$0xFFFFFFC0]  }
0x1e3: {  	s9 =	simm.s32 $0x1A080;
	v8 =	vld [tilespmem:s10+$0xFFFFFFD0]  }
0x1e4: {  	v9 =	vld [tilespmem:s9+$0x70]  }
0x1e5: {  	v41 =	vld [tilespmem:s10+$0xFFFFFFE0]  }
0x1e6: {  	v10 =	vld [tilespmem:s10+$0xFFFFFFF0]  }
0x1e7: {  	v11 =	vld [tilespmem:s10+$0x0]  }
0x1e8: {  	v12 =	vld [tilespmem:s10+$0x10]  }
0x1e9: {  	v42 =	vld [tilespmem:s10+$0x30]  }
0x1ea: {  	v13 =	vld [tilespmem:s10+$0x40]  }
0x1eb: {  	v14 =	vld [tilespmem:s10+$0x50]  }
0x1ec: {  	v15 =	vld [tilespmem:s10+$0x60]  }
0x1ed: {  	v16 =	vld [tilespmem:s10+$0xFFFFFF80]  }
0x1ee: {  	v17 =	vld [tilespmem:s8+$0xFFFFFF80]  }
0x1ef: {  	v18 =	vld [tilespmem:s8+$0xFFFFFF90]  }
0x1f0: {  	v19 =	vld [tilespmem:s8+$0xFFFFFFA0]  }
0x1f1: {  	v20 =	vld [tilespmem:s8+$0xFFFFFFB0]  }
0x1f2: {  	v21 =	vld [tilespmem:s8+$0xFFFFFFC0]  }
0x1f3: {  	v22 =	vld [tilespmem:s8+$0xFFFFFFD0]  }
0x1f4: {  	v23 =	vld [tilespmem:s8+$0xFFFFFFE0]  }
0x1f5: {  	v24 =	vld [tilespmem:s8+$0xFFFFFFF0]  }
0x1f6: {  	v25 =	vld [tilespmem:s8+$0x0]  }
0x1f7: {  	v26 =	vld [tilespmem:s8+$0x10]  }
0x1f8: {  	v27 =	vld [tilespmem:s8+$0x20]  }
0x1f9: {  	v28 =	vld [tilespmem:s8+$0x30]  }
0x1fa: {  	v43 =	vld [tilespmem:s9+$0xFFFFFF80]  }
0x1fb: {  	v29 =	vld [tilespmem:s8+$0x40]  }
0x1fc: {  	v30 =	vld [tilespmem:s8+$0x50]  }
0x1fd: {  	v31 =	vld [tilespmem:s8+$0x60]  }
0x1fe: {  	v44 =	vld [tilespmem:s9+$0xFFFFFF90]  }
0x1ff: {  	v45 =	vld [tilespmem:s9+$0xFFFFFFA0]  }
0x200: {  	v46 =	vld [tilespmem:s9+$0xFFFFFFB0]  }
0x201: {  	v47 =	vld [tilespmem:s9+$0xFFFFFFC0]  }
0x202: {  	v48 =	vld [tilespmem:s9+$0xFFFFFFE0];
	v2 =	vsub.s32 v2, v0;
	v16 =	vsub.s32 v16, v0;
	v3 =	vsub.s32 v3, v0  }
0x203: {  	v51 =	vld [tilespmem:s9+$0xFFFFFFF0];
	v5 =	vsub.s32 v5, v0;
	v6 =	vsub.s32 v6, v0;
	v7 =	vsub.s32 v7, v0  }
0x204: {  	v52 =	vld [tilespmem:s9+$0x0];
	v50 =	vsub.s32 v8, v0;
	v10 =	vsub.s32 v10, v0;
	v11 =	vsub.s32 v11, v0  }
0x205: {  	v53 =	vld [tilespmem:s9+$0x10];
	v12 =	vsub.s32 v12, v0;
	vm0 =	vlt.u32 v2, $0x20;
	v2 =	vshll.u32 v2, $0xB  }
0x206: {  	v54 =	vld [tilespmem:s9+$0x20];
	v60 =	vsub.s32 v13, v0;
	v61 =	vsub.s32 v14, v0;
	v2 =	vadd.s32 v4, v2  }
0x207: {  	v55 =	vld [tilespmem:s9+$0x30];
	v63 =	vsub.s32 v15, v0;
	vm1 =	vlt.u32 v3, $0x20;
	v3 =	vshll.u32 v3, $0xB  }
0x208: {  	v56 =	vld [tilespmem:s9+$0x40];
	vm13 =	vlt.u32 v16, $0x20;
	v16 =	vshll.u32 v16, $0xB;
	v3 =	vadd.s32 v18, v3  }
0x209: {  	v57 =	vld [tilespmem:s9+$0x50];
	vm3 =	vlt.u32 v5, $0x20;
	v5 =	vshll.u32 v5, $0xB;
	vm2 =	vlt.u32 v6, $0x20  }
0x20a: {  	v58 =	vld [tilespmem:s9+$0x60];
	v6 =	vshll.u32 v6, $0xB;
	vm14 =	vlt.u32 v7, $0x20;
	v5 =	vadd.s32 v19, v5  }
0x20b: {  	v49 =	vshll.u32 v7, $0xB;
	v16 =	vadd.s32 v17, v16;
	v4 =	vsub.s32 v41, v0;
	[tilespmem:v2+s2+$0x0] =	vst.idx.add.f32.msk vm0, v9  }
0x20c: {  	v6 =	vadd.s32 v20, v6;
	vm12 =	vlt.u32 v4, $0x20;
	v4 =	vshll.u32 v4, $0xB;
	v2 =	vld [tilespmem:s10+$0x20]  }
0x20d: {  	vm15 =	vlt.u32 v50, $0x20;
	v7 =	vshll.u32 v50, $0xB;
	v4 =	vadd.s32 v23, v4;
	[tilespmem:v3+s2+$0x0] =	vst.idx.add.f32.msk vm1, v44  }
0x20e: {  	vm4 =	vlt.u32 v10, $0x20;
	v10 =	vshll.u32 v10, $0xB;
	v7 =	vadd.s32 v22, v7;
	v3 =	vld [tilespmem:s9+$0xFFFFFFD0]  }
0x20f: {  	vm5 =	vlt.u32 v11, $0x20;
	v11 =	vshll.u32 v11, $0xB;
	[tilespmem:v5+s2+$0x0] =	vst.idx.add.f32.msk vm3, v45;
	v5 =	vadd.s32 v21, v49  }
0x210: {  	vm6 =	vlt.u32 v12, $0x20;
	v12 =	vshll.u32 v12, $0xB;
	v10 =	vadd.s32 v24, v10;
	[tilespmem:v16+s2+$0x0] =	vst.idx.add.f32.msk vm13, v43  }
0x211: {  	v62 =	vshll.u32 v61, $0xB;
	v11 =	vadd.s32 v25, v11;
	v9 =	vsub.s32 v42, v0;
	[tilespmem:v6+s2+$0x0] =	vst.idx.add.f32.msk vm2, v46  }
0x212: {  	v12 =	vadd.s32 v26, v12;
	vm8 =	vlt.u32 v9, $0x20;
	v59 =	vshll.u32 v9, $0xB;
	[tilespmem:v4+s2+$0x0] =	vst.idx.add.f32.msk vm12, v48  }
0x213: {  	vm13 =	vlt.u32 v60, $0x20;
	v6 =	vadd.s32 v28, v59;
	[tilespmem:v7+s2+$0x0] =	vst.idx.add.f32.msk vm15, v3;
	v3 =	vshll.u32 v60, $0xB  }
0x214: {  	v4 =	vadd.s32 v30, v62;
	[tilespmem:v5+s2+$0x0] =	vst.idx.add.f32.msk vm14, v47;
	vm14 =	vlt.u32 v61, $0x20;
	v3 =	vadd.s32 v29, v3  }
0x215: {  	[tilespmem:v10+s2+$0x0] =	vst.idx.add.f32.msk vm4, v51;
	v2 =	vsub.s32 v2, v0;
	vm15 =	vlt.u32 v63, $0x20;
	v5 =	vshll.u32 v63, $0xB  }
0x216: {  	[tilespmem:v11+s2+$0x0] =	vst.idx.add.f32.msk vm5, v52;
	vm7 =	vlt.u32 v2, $0x20;
	v2 =	vshll.u32 v2, $0xB;
	v5 =	vadd.s32 v31, v5  }
0x217: {  	[tilespmem:v12+s2+$0x0] =	vst.idx.add.f32.msk vm6, v53;
	v2 =	vadd.s32 v27, v2  }
0x218: {  	[tilespmem:v6+s2+$0x0] =	vst.idx.add.f32.msk vm8, v55  }
0x219: {  	[tilespmem:v3+s2+$0x0] =	vst.idx.add.f32.msk vm13, v56  }
0x21a: {  	[tilespmem:v4+s2+$0x0] =	vst.idx.add.f32.msk vm14, v57  }
0x21b: {  	[tilespmem:v5+s2+$0x0] =	vst.idx.add.f32.msk vm15, v58  }
0x21c: {  	s11 =	simm.s32 $0x16180;
	s10 =	simm.s32 $0x0;
	[tilespmem:v2+s2+$0x0] =	vst.idx.add.f32.msk vm7, v54  }
.LBB2_8:
0x21d: {  	v2 =	vld [tilespmem:s11+$0x70];
	s10 =	sadd.s32 $0x10, s10  }
0x21e: {  	s8 =	sadd.s32 $0x100, s8;
	v3 =	vld [tilespmem:s11+$0xFFFFFF90];
	p0 =	slt.u32 s10, $0x1F0  }
0x21f: {  	v4 =	vld [tilespmem:s8+$0x70]  }
0x220: {  	v5 =	vld [tilespmem:s11+$0xFFFFFFA0]  }
0x221: {  	v6 =	vld [tilespmem:s11+$0xFFFFFFB0]  }
0x222: {  	v7 =	vld [tilespmem:s11+$0xFFFFFFC0];
	v2 =	vsub.s32 v2, v0  }
0x223: {  	s9 =	sadd.s32 $0x100, s9;
	v3 =	vsub.s32 v3, v0;
	v8 =	vld [tilespmem:s11+$0xFFFFFFD0];
	vm5 =	vlt.u32 v2, $0x20;
	v2 =	vshll.u32 v2, $0xB  }
0x224: {  	vm0 =	vlt.u32 v3, $0x20;
	v3 =	vshll.u32 v3, $0xB;
	v9 =	vld [tilespmem:s9+$0x70];
	v2 =	vadd.s32 v4, v2  }
0x225: {  	v4 =	vsub.s32 v5, v0;
	v5 =	vld [tilespmem:s11+$0xFFFFFFE0]  }
0x226: {  	vm1 =	vlt.u32 v4, $0x20;
	v4 =	vshll.u32 v4, $0xB;
	v6 =	vsub.s32 v6, v0;
	v10 =	vld [tilespmem:s11+$0xFFFFFFF0]  }
0x227: {  	vm2 =	vlt.u32 v6, $0x20;
	v6 =	vshll.u32 v6, $0xB;
	v7 =	vsub.s32 v7, v0;
	v11 =	vld [tilespmem:s11+$0x0]  }
0x228: {  	vm3 =	vlt.u32 v7, $0x20;
	v7 =	vshll.u32 v7, $0xB;
	v8 =	vsub.s32 v8, v0;
	v12 =	vld [tilespmem:s11+$0x10]  }
0x229: {  	vm4 =	vlt.u32 v8, $0x20;
	v8 =	vshll.u32 v8, $0xB;
	[tilespmem:v2+s2+$0x0] =	vst.idx.add.f32.msk vm5, v9  }
0x22a: {  	v2 =	vsub.s32 v5, v0;
	v5 =	vld [tilespmem:s11+$0x20]  }
0x22b: {  	vm5 =	vlt.u32 v2, $0x20;
	v2 =	vshll.u32 v2, $0xB;
	v9 =	vsub.s32 v10, v0;
	v10 =	vld [tilespmem:s11+$0x30]  }
0x22c: {  	vm6 =	vlt.u32 v9, $0x20;
	v9 =	vshll.u32 v9, $0xB;
	v11 =	vsub.s32 v11, v0;
	v13 =	vld [tilespmem:s11+$0x40]  }
0x22d: {  	vm7 =	vlt.u32 v11, $0x20;
	v11 =	vshll.u32 v11, $0xB;
	v12 =	vsub.s32 v12, v0;
	v14 =	vld [tilespmem:s11+$0x50]  }
0x22e: {  	vm8 =	vlt.u32 v12, $0x20;
	v12 =	vshll.u32 v12, $0xB;
	v15 =	vld [tilespmem:s11+$0x60]  }
0x22f: {  	v16 =	vld [tilespmem:s11+$0xFFFFFF80];
	v5 =	vsub.s32 v5, v0  }
0x230: {  	v17 =	vld [tilespmem:s8+$0xFFFFFF80];
	vm9 =	vlt.u32 v5, $0x20;
	v5 =	vshll.u32 v5, $0xB;
	v10 =	vsub.s32 v10, v0  }
0x231: {  	v18 =	vld [tilespmem:s8+$0xFFFFFF90];
	vm10 =	vlt.u32 v10, $0x20;
	v10 =	vshll.u32 v10, $0xB;
	v13 =	vsub.s32 v13, v0  }
0x232: {  	v19 =	vld [tilespmem:s8+$0xFFFFFFA0];
	vm11 =	vlt.u32 v13, $0x20;
	v13 =	vshll.u32 v13, $0xB;
	v14 =	vsub.s32 v14, v0  }
0x233: {  	v20 =	vld [tilespmem:s8+$0xFFFFFFB0];
	vm12 =	vlt.u32 v14, $0x20;
	v14 =	vshll.u32 v14, $0xB;
	v15 =	vsub.s32 v15, v0  }
0x234: {  	v16 =	vsub.s32 v16, v0;
	v21 =	vld [tilespmem:s8+$0xFFFFFFC0];
	vm13 =	vlt.u32 v15, $0x20;
	v15 =	vshll.u32 v15, $0xB  }
0x235: {  	vm14 =	vlt.u32 v16, $0x20;
	v16 =	vshll.u32 v16, $0xB;
	v22 =	vld [tilespmem:s8+$0xFFFFFFD0]  }
0x236: {  	v16 =	vadd.s32 v17, v16;
	v3 =	vadd.s32 v18, v3;
	v17 =	vld [tilespmem:s8+$0xFFFFFFE0]  }
0x237: {  	v4 =	vadd.s32 v19, v4;
	v18 =	vld [tilespmem:s8+$0xFFFFFFF0]  }
0x238: {  	v6 =	vadd.s32 v20, v6;
	v19 =	vld [tilespmem:s8+$0x0]  }
0x239: {  	v7 =	vadd.s32 v21, v7;
	v20 =	vld [tilespmem:s8+$0x10]  }
0x23a: {  	v8 =	vadd.s32 v22, v8;
	v21 =	vld [tilespmem:s8+$0x20]  }
0x23b: {  	v2 =	vadd.s32 v17, v2;
	v17 =	vld [tilespmem:s8+$0x30]  }
0x23c: {  	v9 =	vadd.s32 v18, v9;
	v18 =	vld [tilespmem:s8+$0x40]  }
0x23d: {  	v11 =	vadd.s32 v19, v11;
	v19 =	vld [tilespmem:s8+$0x50]  }
0x23e: {  	v12 =	vadd.s32 v20, v12;
	v20 =	vld [tilespmem:s8+$0x60]  }
0x23f: {  	v22 =	vld [tilespmem:s9+$0xFFFFFF80];
	v5 =	vadd.s32 v21, v5  }
0x240: {  	v21 =	vld [tilespmem:s9+$0xFFFFFF90];
	v10 =	vadd.s32 v17, v10  }
0x241: {  	v17 =	vld [tilespmem:s9+$0xFFFFFFA0];
	v13 =	vadd.s32 v18, v13  }
0x242: {  	v18 =	vld [tilespmem:s9+$0xFFFFFFB0];
	v14 =	vadd.s32 v19, v14  }
0x243: {  	v19 =	vld [tilespmem:s9+$0xFFFFFFC0];
	v15 =	vadd.s32 v20, v15  }
0x244: {  	v20 =	vld [tilespmem:s9+$0xFFFFFFD0]  }
0x245: {  	v23 =	vld [tilespmem:s9+$0xFFFFFFE0]  }
0x246: {  	v24 =	vld [tilespmem:s9+$0xFFFFFFF0]  }
0x247: {  	v25 =	vld [tilespmem:s9+$0x0]  }
0x248: {  	v26 =	vld [tilespmem:s9+$0x10]  }
0x249: {  	v27 =	vld [tilespmem:s9+$0x20]  }
0x24a: {  	v28 =	vld [tilespmem:s9+$0x30]  }
0x24b: {  	v29 =	vld [tilespmem:s9+$0x40]  }
0x24c: {  	v30 =	vld [tilespmem:s9+$0x50]  }
0x24d: {  	v31 =	vld [tilespmem:s9+$0x60]  }
0x24e: {  	[tilespmem:v16+s2+$0x0] =	vst.idx.add.f32.msk vm14, v22  }
0x24f: {  	[tilespmem:v3+s2+$0x0] =	vst.idx.add.f32.msk vm0, v21  }
0x250: {  	[tilespmem:v4+s2+$0x0] =	vst.idx.add.f32.msk vm1, v17  }
0x251: {  	[tilespmem:v6+s2+$0x0] =	vst.idx.add.f32.msk vm2, v18  }
0x252: {  	[tilespmem:v7+s2+$0x0] =	vst.idx.add.f32.msk vm3, v19  }
0x253: {  	[tilespmem:v8+s2+$0x0] =	vst.idx.add.f32.msk vm4, v20  }
0x254: {  	[tilespmem:v2+s2+$0x0] =	vst.idx.add.f32.msk vm5, v23  }
0x255: {  	[tilespmem:v9+s2+$0x0] =	vst.idx.add.f32.msk vm6, v24  }
0x256: {  	[tilespmem:v11+s2+$0x0] =	vst.idx.add.f32.msk vm7, v25  }
0x257: {  	[tilespmem:v12+s2+$0x0] =	vst.idx.add.f32.msk vm8, v26  }
.Ltmp3:
0x258: {  	[tilespmem:v5+s2+$0x0] =	vst.idx.add.f32.msk vm9, v27;
	(pc) =	sbr.rel @p0 .LBB2_8-.Ltmp3, $4  }
0x259: {  	[tilespmem:v10+s2+$0x0] =	vst.idx.add.f32.msk vm10, v28  }
0x25a: {  	[tilespmem:v13+s2+$0x0] =	vst.idx.add.f32.msk vm11, v29  }
0x25b: {  	[tilespmem:v14+s2+$0x0] =	vst.idx.add.f32.msk vm12, v30  }
0x25c: {  	s11 =	sadd.s32 $0x100, s11;
	[tilespmem:v15+s2+$0x0] =	vst.idx.add.f32.msk vm13, v31  }
0x25d: {  	[tilespmem:s23], [sflag:$0x2] =	stream.linear.gather [hbm4b:s15+s2], $0x2000, $0x38;
	[tilespmem:$0x1C000] =	vst v63  }
0x25e: {  	_ = 	snop  }
0x25f: {  	[tilespmem:s1], [sflag:$0x2] =	stream.linear.gather [hbm4b:s16+s2], $0x2000, $0x38;
	[tilespmem:$0x1C000] =	vst v63  }
0x260: {  	_ = 	snop  }
0x261: {  	[tilespmem:s4], [sflag:$0x2] =	stream.linear.gather [hbm4b:s29+s2], $0x2000, $0x38;
	[tilespmem:$0x1C000] =	vst v63  }
0x262: {  	_ =	swait.ge [sflag:s5], $0x2000  }
0x263: {  	[sflag:s5] =	ssyncset.done $0x0  }
0x264: {  	[sflag:s5] =	ssyncadd.s32 $0xFFFFE000  }
0x265: {  	_ =	swait.ge [sflag:s5], $0x2000  }
0x266: {  	[sflag:s5] =	ssyncset.done $0x0  }
0x267: {  	[sflag:s5] =	ssyncadd.s32 $0xFFFFE000  }
0x268: {  	_ =	swait.ge [sflag:s5], $0x2000  }
0x269: {  	[sflag:s5] =	ssyncset.done $0x0  }
0x26a: {  	s10 =	simm.s32 $0x10080;
	[sflag:s5] =	ssyncadd.s32 $0xFFFFE000  }
0x26b: {  	v2 =	vld [tilespmem:s10+$0x70]  }
0x26c: {  	s8 =	simm.s32 $0x12080;
	v3 =	vld [tilespmem:s10+$0xFFFFFF90]  }
0x26d: {  	v4 =	vld [tilespmem:s8+$0x70]  }
0x26e: {  	v5 =	vld [tilespmem:s10+$0xFFFFFFA0]  }
0x26f: {  	v6 =	vld [tilespmem:s10+$0xFFFFFFB0]  }
0x270: {  	v7 =	vld [tilespmem:s10+$0xFFFFFFC0]  }
0x271: {  	s9 =	simm.s32 $0x14080;
	v8 =	vld [tilespmem:s10+$0xFFFFFFD0]  }
0x272: {  	v9 =	vld [tilespmem:s9+$0x70]  }
0x273: {  	v41 =	vld [tilespmem:s10+$0xFFFFFFE0]  }
0x274: {  	v10 =	vld [tilespmem:s10+$0xFFFFFFF0]  }
0x275: {  	v11 =	vld [tilespmem:s10+$0x0]  }
0x276: {  	v12 =	vld [tilespmem:s10+$0x10]  }
0x277: {  	v42 =	vld [tilespmem:s10+$0x30]  }
0x278: {  	v13 =	vld [tilespmem:s10+$0x40]  }
0x279: {  	v14 =	vld [tilespmem:s10+$0x50]  }
0x27a: {  	v15 =	vld [tilespmem:s10+$0x60]  }
0x27b: {  	v16 =	vld [tilespmem:s10+$0xFFFFFF80]  }
0x27c: {  	v17 =	vld [tilespmem:s8+$0xFFFFFF80]  }
0x27d: {  	v18 =	vld [tilespmem:s8+$0xFFFFFF90]  }
0x27e: {  	v19 =	vld [tilespmem:s8+$0xFFFFFFA0]  }
0x27f: {  	v20 =	vld [tilespmem:s8+$0xFFFFFFB0]  }
0x280: {  	v21 =	vld [tilespmem:s8+$0xFFFFFFC0]  }
0x281: {  	v22 =	vld [tilespmem:s8+$0xFFFFFFD0]  }
0x282: {  	v23 =	vld [tilespmem:s8+$0xFFFFFFE0]  }
0x283: {  	v24 =	vld [tilespmem:s8+$0xFFFFFFF0]  }
0x284: {  	v25 =	vld [tilespmem:s8+$0x0]  }
0x285: {  	v26 =	vld [tilespmem:s8+$0x10]  }
0x286: {  	v27 =	vld [tilespmem:s8+$0x20]  }
0x287: {  	v28 =	vld [tilespmem:s8+$0x30]  }
0x288: {  	v43 =	vld [tilespmem:s9+$0xFFFFFF80]  }
0x289: {  	v29 =	vld [tilespmem:s8+$0x40]  }
0x28a: {  	v30 =	vld [tilespmem:s8+$0x50]  }
0x28b: {  	v31 =	vld [tilespmem:s8+$0x60]  }
0x28c: {  	v44 =	vld [tilespmem:s9+$0xFFFFFF90]  }
0x28d: {  	v45 =	vld [tilespmem:s9+$0xFFFFFFA0]  }
0x28e: {  	v46 =	vld [tilespmem:s9+$0xFFFFFFB0]  }
0x28f: {  	v47 =	vld [tilespmem:s9+$0xFFFFFFC0]  }
0x290: {  	v48 =	vld [tilespmem:s9+$0xFFFFFFE0];
	v2 =	vsub.s32 v2, v0;
	v16 =	vsub.s32 v16, v0;
	v3 =	vsub.s32 v3, v0  }
0x291: {  	v51 =	vld [tilespmem:s9+$0xFFFFFFF0];
	v5 =	vsub.s32 v5, v0;
	v6 =	vsub.s32 v6, v0;
	v7 =	vsub.s32 v7, v0  }
0x292: {  	v52 =	vld [tilespmem:s9+$0x0];
	v50 =	vsub.s32 v8, v0;
	v10 =	vsub.s32 v10, v0;
	v11 =	vsub.s32 v11, v0  }
0x293: {  	v53 =	vld [tilespmem:s9+$0x10];
	v12 =	vsub.s32 v12, v0;
	vm0 =	vlt.u32 v2, $0x20;
	v2 =	vshll.u32 v2, $0xB  }
0x294: {  	v54 =	vld [tilespmem:s9+$0x20];
	v60 =	vsub.s32 v13, v0;
	v61 =	vsub.s32 v14, v0;
	v2 =	vadd.s32 v4, v2  }
0x295: {  	v55 =	vld [tilespmem:s9+$0x30];
	v63 =	vsub.s32 v15, v0;
	vm1 =	vlt.u32 v3, $0x20;
	v3 =	vshll.u32 v3, $0xB  }
0x296: {  	v56 =	vld [tilespmem:s9+$0x40];
	vm13 =	vlt.u32 v16, $0x20;
	v16 =	vshll.u32 v16, $0xB;
	v3 =	vadd.s32 v18, v3  }
0x297: {  	v57 =	vld [tilespmem:s9+$0x50];
	vm3 =	vlt.u32 v5, $0x20;
	v5 =	vshll.u32 v5, $0xB;
	vm2 =	vlt.u32 v6, $0x20  }
0x298: {  	v58 =	vld [tilespmem:s9+$0x60];
	v6 =	vshll.u32 v6, $0xB;
	vm14 =	vlt.u32 v7, $0x20;
	v5 =	vadd.s32 v19, v5  }
0x299: {  	v49 =	vshll.u32 v7, $0xB;
	v16 =	vadd.s32 v17, v16;
	v4 =	vsub.s32 v41, v0;
	[tilespmem:v2+s2+$0x0] =	vst.idx.add.f32.msk vm0, v9  }
0x29a: {  	v6 =	vadd.s32 v20, v6;
	vm12 =	vlt.u32 v4, $0x20;
	v4 =	vshll.u32 v4, $0xB;
	v2 =	vld [tilespmem:s10+$0x20]  }
0x29b: {  	vm15 =	vlt.u32 v50, $0x20;
	v7 =	vshll.u32 v50, $0xB;
	v4 =	vadd.s32 v23, v4;
	[tilespmem:v3+s2+$0x0] =	vst.idx.add.f32.msk vm1, v44  }
0x29c: {  	vm4 =	vlt.u32 v10, $0x20;
	v10 =	vshll.u32 v10, $0xB;
	v7 =	vadd.s32 v22, v7;
	v3 =	vld [tilespmem:s9+$0xFFFFFFD0]  }
0x29d: {  	vm5 =	vlt.u32 v11, $0x20;
	v11 =	vshll.u32 v11, $0xB;
	[tilespmem:v5+s2+$0x0] =	vst.idx.add.f32.msk vm3, v45;
	v5 =	vadd.s32 v21, v49  }
0x29e: {  	vm6 =	vlt.u32 v12, $0x20;
	v12 =	vshll.u32 v12, $0xB;
	v10 =	vadd.s32 v24, v10;
	[tilespmem:v16+s2+$0x0] =	vst.idx.add.f32.msk vm13, v43  }
0x29f: {  	v62 =	vshll.u32 v61, $0xB;
	v11 =	vadd.s32 v25, v11;
	v9 =	vsub.s32 v42, v0;
	[tilespmem:v6+s2+$0x0] =	vst.idx.add.f32.msk vm2, v46  }
0x2a0: {  	v12 =	vadd.s32 v26, v12;
	vm8 =	vlt.u32 v9, $0x20;
	v59 =	vshll.u32 v9, $0xB;
	[tilespmem:v4+s2+$0x0] =	vst.idx.add.f32.msk vm12, v48  }
0x2a1: {  	vm13 =	vlt.u32 v60, $0x20;
	v6 =	vadd.s32 v28, v59;
	[tilespmem:v7+s2+$0x0] =	vst.idx.add.f32.msk vm15, v3;
	v3 =	vshll.u32 v60, $0xB  }
0x2a2: {  	v4 =	vadd.s32 v30, v62;
	[tilespmem:v5+s2+$0x0] =	vst.idx.add.f32.msk vm14, v47;
	vm14 =	vlt.u32 v61, $0x20;
	v3 =	vadd.s32 v29, v3  }
0x2a3: {  	[tilespmem:v10+s2+$0x0] =	vst.idx.add.f32.msk vm4, v51;
	v2 =	vsub.s32 v2, v0;
	vm15 =	vlt.u32 v63, $0x20;
	v5 =	vshll.u32 v63, $0xB  }
0x2a4: {  	[tilespmem:v11+s2+$0x0] =	vst.idx.add.f32.msk vm5, v52;
	vm7 =	vlt.u32 v2, $0x20;
	v2 =	vshll.u32 v2, $0xB;
	v5 =	vadd.s32 v31, v5  }
0x2a5: {  	[tilespmem:v12+s2+$0x0] =	vst.idx.add.f32.msk vm6, v53;
	v2 =	vadd.s32 v27, v2  }
0x2a6: {  	[tilespmem:v6+s2+$0x0] =	vst.idx.add.f32.msk vm8, v55  }
0x2a7: {  	[tilespmem:v3+s2+$0x0] =	vst.idx.add.f32.msk vm13, v56  }
0x2a8: {  	[tilespmem:v4+s2+$0x0] =	vst.idx.add.f32.msk vm14, v57  }
0x2a9: {  	[tilespmem:v5+s2+$0x0] =	vst.idx.add.f32.msk vm15, v58  }
0x2aa: {  	s11 =	simm.s32 $0x10180;
	s10 =	simm.s32 $0x0;
	[tilespmem:v2+s2+$0x0] =	vst.idx.add.f32.msk vm7, v54  }
.LBB2_10:
0x2ab: {  	v2 =	vld [tilespmem:s11+$0x70];
	s10 =	sadd.s32 $0x10, s10  }
0x2ac: {  	s8 =	sadd.s32 $0x100, s8;
	v3 =	vld [tilespmem:s11+$0xFFFFFF90];
	p0 =	slt.u32 s10, $0x1F0  }
0x2ad: {  	v4 =	vld [tilespmem:s8+$0x70]  }
0x2ae: {  	v5 =	vld [tilespmem:s11+$0xFFFFFFA0]  }
0x2af: {  	v6 =	vld [tilespmem:s11+$0xFFFFFFB0]  }
0x2b0: {  	v7 =	vld [tilespmem:s11+$0xFFFFFFC0];
	v2 =	vsub.s32 v2, v0  }
0x2b1: {  	s9 =	sadd.s32 $0x100, s9;
	v3 =	vsub.s32 v3, v0;
	v8 =	vld [tilespmem:s11+$0xFFFFFFD0];
	vm5 =	vlt.u32 v2, $0x20;
	v2 =	vshll.u32 v2, $0xB  }
0x2b2: {  	vm0 =	vlt.u32 v3, $0x20;
	v3 =	vshll.u32 v3, $0xB;
	v9 =	vld [tilespmem:s9+$0x70];
	v2 =	vadd.s32 v4, v2  }
0x2b3: {  	v4 =	vsub.s32 v5, v0;
	v5 =	vld [tilespmem:s11+$0xFFFFFFE0]  }
0x2b4: {  	vm1 =	vlt.u32 v4, $0x20;
	v4 =	vshll.u32 v4, $0xB;
	v6 =	vsub.s32 v6, v0;
	v10 =	vld [tilespmem:s11+$0xFFFFFFF0]  }
0x2b5: {  	vm2 =	vlt.u32 v6, $0x20;
	v6 =	vshll.u32 v6, $0xB;
	v7 =	vsub.s32 v7, v0;
	v11 =	vld [tilespmem:s11+$0x0]  }
0x2b6: {  	vm3 =	vlt.u32 v7, $0x20;
	v7 =	vshll.u32 v7, $0xB;
	v8 =	vsub.s32 v8, v0;
	v12 =	vld [tilespmem:s11+$0x10]  }
0x2b7: {  	vm4 =	vlt.u32 v8, $0x20;
	v8 =	vshll.u32 v8, $0xB;
	[tilespmem:v2+s2+$0x0] =	vst.idx.add.f32.msk vm5, v9  }
0x2b8: {  	v2 =	vsub.s32 v5, v0;
	v5 =	vld [tilespmem:s11+$0x20]  }
0x2b9: {  	vm5 =	vlt.u32 v2, $0x20;
	v2 =	vshll.u32 v2, $0xB;
	v9 =	vsub.s32 v10, v0;
	v10 =	vld [tilespmem:s11+$0x30]  }
0x2ba: {  	vm6 =	vlt.u32 v9, $0x20;
	v9 =	vshll.u32 v9, $0xB;
	v11 =	vsub.s32 v11, v0;
	v13 =	vld [tilespmem:s11+$0x40]  }
0x2bb: {  	vm7 =	vlt.u32 v11, $0x20;
	v11 =	vshll.u32 v11, $0xB;
	v12 =	vsub.s32 v12, v0;
	v14 =	vld [tilespmem:s11+$0x50]  }
0x2bc: {  	vm8 =	vlt.u32 v12, $0x20;
	v12 =	vshll.u32 v12, $0xB;
	v15 =	vld [tilespmem:s11+$0x60]  }
0x2bd: {  	v16 =	vld [tilespmem:s11+$0xFFFFFF80];
	v5 =	vsub.s32 v5, v0  }
0x2be: {  	v17 =	vld [tilespmem:s8+$0xFFFFFF80];
	vm9 =	vlt.u32 v5, $0x20;
	v5 =	vshll.u32 v5, $0xB;
	v10 =	vsub.s32 v10, v0  }
0x2bf: {  	v18 =	vld [tilespmem:s8+$0xFFFFFF90];
	vm10 =	vlt.u32 v10, $0x20;
	v10 =	vshll.u32 v10, $0xB;
	v13 =	vsub.s32 v13, v0  }
0x2c0: {  	v19 =	vld [tilespmem:s8+$0xFFFFFFA0];
	vm11 =	vlt.u32 v13, $0x20;
	v13 =	vshll.u32 v13, $0xB;
	v14 =	vsub.s32 v14, v0  }
0x2c1: {  	v20 =	vld [tilespmem:s8+$0xFFFFFFB0];
	vm12 =	vlt.u32 v14, $0x20;
	v14 =	vshll.u32 v14, $0xB;
	v15 =	vsub.s32 v15, v0  }
0x2c2: {  	v16 =	vsub.s32 v16, v0;
	v21 =	vld [tilespmem:s8+$0xFFFFFFC0];
	vm13 =	vlt.u32 v15, $0x20;
	v15 =	vshll.u32 v15, $0xB  }
0x2c3: {  	vm14 =	vlt.u32 v16, $0x20;
	v16 =	vshll.u32 v16, $0xB;
	v22 =	vld [tilespmem:s8+$0xFFFFFFD0]  }
0x2c4: {  	v16 =	vadd.s32 v17, v16;
	v3 =	vadd.s32 v18, v3;
	v17 =	vld [tilespmem:s8+$0xFFFFFFE0]  }
0x2c5: {  	v4 =	vadd.s32 v19, v4;
	v18 =	vld [tilespmem:s8+$0xFFFFFFF0]  }
0x2c6: {  	v6 =	vadd.s32 v20, v6;
	v19 =	vld [tilespmem:s8+$0x0]  }
0x2c7: {  	v7 =	vadd.s32 v21, v7;
	v20 =	vld [tilespmem:s8+$0x10]  }
0x2c8: {  	v8 =	vadd.s32 v22, v8;
	v21 =	vld [tilespmem:s8+$0x20]  }
0x2c9: {  	v2 =	vadd.s32 v17, v2;
	v17 =	vld [tilespmem:s8+$0x30]  }
0x2ca: {  	v9 =	vadd.s32 v18, v9;
	v18 =	vld [tilespmem:s8+$0x40]  }
0x2cb: {  	v11 =	vadd.s32 v19, v11;
	v19 =	vld [tilespmem:s8+$0x50]  }
0x2cc: {  	v12 =	vadd.s32 v20, v12;
	v20 =	vld [tilespmem:s8+$0x60]  }
0x2cd: {  	v22 =	vld [tilespmem:s9+$0xFFFFFF80];
	v5 =	vadd.s32 v21, v5  }
0x2ce: {  	v21 =	vld [tilespmem:s9+$0xFFFFFF90];
	v10 =	vadd.s32 v17, v10  }
0x2cf: {  	v17 =	vld [tilespmem:s9+$0xFFFFFFA0];
	v13 =	vadd.s32 v18, v13  }
0x2d0: {  	v18 =	vld [tilespmem:s9+$0xFFFFFFB0];
	v14 =	vadd.s32 v19, v14  }
0x2d1: {  	v19 =	vld [tilespmem:s9+$0xFFFFFFC0];
	v15 =	vadd.s32 v20, v15  }
0x2d2: {  	v20 =	vld [tilespmem:s9+$0xFFFFFFD0]  }
0x2d3: {  	v23 =	vld [tilespmem:s9+$0xFFFFFFE0]  }
0x2d4: {  	v24 =	vld [tilespmem:s9+$0xFFFFFFF0]  }
0x2d5: {  	v25 =	vld [tilespmem:s9+$0x0]  }
0x2d6: {  	v26 =	vld [tilespmem:s9+$0x10]  }
0x2d7: {  	v27 =	vld [tilespmem:s9+$0x20]  }
0x2d8: {  	v28 =	vld [tilespmem:s9+$0x30]  }
0x2d9: {  	v29 =	vld [tilespmem:s9+$0x40]  }
0x2da: {  	v30 =	vld [tilespmem:s9+$0x50]  }
0x2db: {  	v31 =	vld [tilespmem:s9+$0x60]  }
0x2dc: {  	[tilespmem:v16+s2+$0x0] =	vst.idx.add.f32.msk vm14, v22  }
0x2dd: {  	[tilespmem:v3+s2+$0x0] =	vst.idx.add.f32.msk vm0, v21  }
0x2de: {  	[tilespmem:v4+s2+$0x0] =	vst.idx.add.f32.msk vm1, v17  }
0x2df: {  	[tilespmem:v6+s2+$0x0] =	vst.idx.add.f32.msk vm2, v18  }
0x2e0: {  	[tilespmem:v7+s2+$0x0] =	vst.idx.add.f32.msk vm3, v19  }
0x2e1: {  	[tilespmem:v8+s2+$0x0] =	vst.idx.add.f32.msk vm4, v20  }
0x2e2: {  	[tilespmem:v2+s2+$0x0] =	vst.idx.add.f32.msk vm5, v23  }
0x2e3: {  	[tilespmem:v9+s2+$0x0] =	vst.idx.add.f32.msk vm6, v24  }
0x2e4: {  	[tilespmem:v11+s2+$0x0] =	vst.idx.add.f32.msk vm7, v25  }
0x2e5: {  	[tilespmem:v12+s2+$0x0] =	vst.idx.add.f32.msk vm8, v26  }
.Ltmp4:
0x2e6: {  	[tilespmem:v5+s2+$0x0] =	vst.idx.add.f32.msk vm9, v27;
	(pc) =	sbr.rel @p0 .LBB2_10-.Ltmp4, $4  }
0x2e7: {  	[tilespmem:v10+s2+$0x0] =	vst.idx.add.f32.msk vm10, v28  }
0x2e8: {  	[tilespmem:v13+s2+$0x0] =	vst.idx.add.f32.msk vm11, v29  }
0x2e9: {  	[tilespmem:v14+s2+$0x0] =	vst.idx.add.f32.msk vm12, v30  }
0x2ea: {  	s11 =	sadd.s32 $0x100, s11;
	[tilespmem:v15+s2+$0x0] =	vst.idx.add.f32.msk vm13, v31  }
0x2eb: {  	[tilespmem:s3], [sflag:$0x1] =	stream.linear.gather [hbm4b:s17+s2], $0x2000, $0x38;
	[tilespmem:$0x1C000] =	vst v63  }
0x2ec: {  	_ = 	snop  }
0x2ed: {  	[tilespmem:s19], [sflag:$0x1] =	stream.linear.gather [hbm4b:s18+s2], $0x2000, $0x38;
	[tilespmem:$0x1C000] =	vst v63  }
0x2ee: {  	_ = 	snop  }
0x2ef: {  	[tilespmem:s20], [sflag:$0x1] =	stream.linear.gather [hbm4b:s30+s2], $0x2000, $0x38;
	[tilespmem:$0x1C000] =	vst v63  }
0x2f0: {  	_ =	swait.ge [sflag:s6], $0x2000  }
0x2f1: {  	[sflag:s6] =	ssyncset.done $0x0  }
0x2f2: {  	[sflag:s6] =	ssyncadd.s32 $0xFFFFE000  }
0x2f3: {  	_ =	swait.ge [sflag:s6], $0x2000  }
0x2f4: {  	[sflag:s6] =	ssyncset.done $0x0  }
0x2f5: {  	[sflag:s6] =	ssyncadd.s32 $0xFFFFE000  }
0x2f6: {  	_ =	swait.ge [sflag:s6], $0x2000  }
0x2f7: {  	[sflag:s6] =	ssyncset.done $0x0  }
0x2f8: {  	s10 =	simm.s32 $0x16080;
	[sflag:s6] =	ssyncadd.s32 $0xFFFFE000  }
0x2f9: {  	v2 =	vld [tilespmem:s10+$0x70]  }
0x2fa: {  	s8 =	simm.s32 $0x18080;
	v3 =	vld [tilespmem:s10+$0xFFFFFF90]  }
0x2fb: {  	v4 =	vld [tilespmem:s8+$0x70]  }
0x2fc: {  	v5 =	vld [tilespmem:s10+$0xFFFFFFA0]  }
0x2fd: {  	v6 =	vld [tilespmem:s10+$0xFFFFFFB0]  }
0x2fe: {  	v7 =	vld [tilespmem:s10+$0xFFFFFFC0]  }
0x2ff: {  	s9 =	simm.s32 $0x1A080;
	v8 =	vld [tilespmem:s10+$0xFFFFFFD0]  }
0x300: {  	v9 =	vld [tilespmem:s9+$0x70]  }
0x301: {  	v41 =	vld [tilespmem:s10+$0xFFFFFFE0]  }
0x302: {  	v10 =	vld [tilespmem:s10+$0xFFFFFFF0]  }
0x303: {  	v11 =	vld [tilespmem:s10+$0x0]  }
0x304: {  	v12 =	vld [tilespmem:s10+$0x10]  }
0x305: {  	v42 =	vld [tilespmem:s10+$0x30]  }
0x306: {  	v13 =	vld [tilespmem:s10+$0x40]  }
0x307: {  	v14 =	vld [tilespmem:s10+$0x50]  }
0x308: {  	v15 =	vld [tilespmem:s10+$0x60]  }
0x309: {  	v16 =	vld [tilespmem:s10+$0xFFFFFF80]  }
0x30a: {  	v17 =	vld [tilespmem:s8+$0xFFFFFF80]  }
0x30b: {  	v18 =	vld [tilespmem:s8+$0xFFFFFF90]  }
0x30c: {  	v19 =	vld [tilespmem:s8+$0xFFFFFFA0]  }
0x30d: {  	v20 =	vld [tilespmem:s8+$0xFFFFFFB0]  }
0x30e: {  	v21 =	vld [tilespmem:s8+$0xFFFFFFC0]  }
0x30f: {  	v22 =	vld [tilespmem:s8+$0xFFFFFFD0]  }
0x310: {  	v23 =	vld [tilespmem:s8+$0xFFFFFFE0]  }
0x311: {  	v24 =	vld [tilespmem:s8+$0xFFFFFFF0]  }
0x312: {  	v25 =	vld [tilespmem:s8+$0x0]  }
0x313: {  	v26 =	vld [tilespmem:s8+$0x10]  }
0x314: {  	v27 =	vld [tilespmem:s8+$0x20]  }
0x315: {  	v28 =	vld [tilespmem:s8+$0x30]  }
0x316: {  	v43 =	vld [tilespmem:s9+$0xFFFFFF80]  }
0x317: {  	v29 =	vld [tilespmem:s8+$0x40]  }
0x318: {  	v30 =	vld [tilespmem:s8+$0x50]  }
0x319: {  	v31 =	vld [tilespmem:s8+$0x60]  }
0x31a: {  	v44 =	vld [tilespmem:s9+$0xFFFFFF90]  }
0x31b: {  	v45 =	vld [tilespmem:s9+$0xFFFFFFA0]  }
0x31c: {  	v46 =	vld [tilespmem:s9+$0xFFFFFFB0]  }
0x31d: {  	v47 =	vld [tilespmem:s9+$0xFFFFFFC0]  }
0x31e: {  	v48 =	vld [tilespmem:s9+$0xFFFFFFE0];
	v2 =	vsub.s32 v2, v0;
	v16 =	vsub.s32 v16, v0;
	v3 =	vsub.s32 v3, v0  }
0x31f: {  	v51 =	vld [tilespmem:s9+$0xFFFFFFF0];
	v5 =	vsub.s32 v5, v0;
	v6 =	vsub.s32 v6, v0;
	v7 =	vsub.s32 v7, v0  }
0x320: {  	v52 =	vld [tilespmem:s9+$0x0];
	v50 =	vsub.s32 v8, v0;
	v10 =	vsub.s32 v10, v0;
	v11 =	vsub.s32 v11, v0  }
0x321: {  	v53 =	vld [tilespmem:s9+$0x10];
	v12 =	vsub.s32 v12, v0;
	vm0 =	vlt.u32 v2, $0x20;
	v2 =	vshll.u32 v2, $0xB  }
0x322: {  	v54 =	vld [tilespmem:s9+$0x20];
	v60 =	vsub.s32 v13, v0;
	v61 =	vsub.s32 v14, v0;
	v2 =	vadd.s32 v4, v2  }
0x323: {  	v55 =	vld [tilespmem:s9+$0x30];
	v63 =	vsub.s32 v15, v0;
	vm1 =	vlt.u32 v3, $0x20;
	v3 =	vshll.u32 v3, $0xB  }
0x324: {  	v56 =	vld [tilespmem:s9+$0x40];
	vm13 =	vlt.u32 v16, $0x20;
	v16 =	vshll.u32 v16, $0xB;
	v3 =	vadd.s32 v18, v3  }
0x325: {  	v57 =	vld [tilespmem:s9+$0x50];
	vm3 =	vlt.u32 v5, $0x20;
	v5 =	vshll.u32 v5, $0xB;
	vm2 =	vlt.u32 v6, $0x20  }
0x326: {  	v58 =	vld [tilespmem:s9+$0x60];
	v6 =	vshll.u32 v6, $0xB;
	vm14 =	vlt.u32 v7, $0x20;
	v5 =	vadd.s32 v19, v5  }
0x327: {  	v49 =	vshll.u32 v7, $0xB;
	v16 =	vadd.s32 v17, v16;
	v4 =	vsub.s32 v41, v0;
	[tilespmem:v2+s2+$0x0] =	vst.idx.add.f32.msk vm0, v9  }
0x328: {  	v6 =	vadd.s32 v20, v6;
	vm12 =	vlt.u32 v4, $0x20;
	v4 =	vshll.u32 v4, $0xB;
	v2 =	vld [tilespmem:s10+$0x20]  }
0x329: {  	vm15 =	vlt.u32 v50, $0x20;
	v7 =	vshll.u32 v50, $0xB;
	v4 =	vadd.s32 v23, v4;
	[tilespmem:v3+s2+$0x0] =	vst.idx.add.f32.msk vm1, v44  }
0x32a: {  	vm4 =	vlt.u32 v10, $0x20;
	v10 =	vshll.u32 v10, $0xB;
	v7 =	vadd.s32 v22, v7;
	v3 =	vld [tilespmem:s9+$0xFFFFFFD0]  }
0x32b: {  	vm5 =	vlt.u32 v11, $0x20;
	v11 =	vshll.u32 v11, $0xB;
	[tilespmem:v5+s2+$0x0] =	vst.idx.add.f32.msk vm3, v45;
	v5 =	vadd.s32 v21, v49  }
0x32c: {  	vm6 =	vlt.u32 v12, $0x20;
	v12 =	vshll.u32 v12, $0xB;
	v10 =	vadd.s32 v24, v10;
	[tilespmem:v16+s2+$0x0] =	vst.idx.add.f32.msk vm13, v43  }
0x32d: {  	v62 =	vshll.u32 v61, $0xB;
	v11 =	vadd.s32 v25, v11;
	v9 =	vsub.s32 v42, v0;
	[tilespmem:v6+s2+$0x0] =	vst.idx.add.f32.msk vm2, v46  }
0x32e: {  	v12 =	vadd.s32 v26, v12;
	vm8 =	vlt.u32 v9, $0x20;
	v59 =	vshll.u32 v9, $0xB;
	[tilespmem:v4+s2+$0x0] =	vst.idx.add.f32.msk vm12, v48  }
0x32f: {  	vm13 =	vlt.u32 v60, $0x20;
	v6 =	vadd.s32 v28, v59;
	[tilespmem:v7+s2+$0x0] =	vst.idx.add.f32.msk vm15, v3;
	v3 =	vshll.u32 v60, $0xB  }
0x330: {  	v4 =	vadd.s32 v30, v62;
	[tilespmem:v5+s2+$0x0] =	vst.idx.add.f32.msk vm14, v47;
	vm14 =	vlt.u32 v61, $0x20;
	v3 =	vadd.s32 v29, v3  }
0x331: {  	[tilespmem:v10+s2+$0x0] =	vst.idx.add.f32.msk vm4, v51;
	v2 =	vsub.s32 v2, v0;
	vm15 =	vlt.u32 v63, $0x20;
	v5 =	vshll.u32 v63, $0xB  }
0x332: {  	[tilespmem:v11+s2+$0x0] =	vst.idx.add.f32.msk vm5, v52;
	vm7 =	vlt.u32 v2, $0x20;
	v2 =	vshll.u32 v2, $0xB;
	v5 =	vadd.s32 v31, v5  }
0x333: {  	[tilespmem:v12+s2+$0x0] =	vst.idx.add.f32.msk vm6, v53;
	v2 =	vadd.s32 v27, v2  }
0x334: {  	[tilespmem:v6+s2+$0x0] =	vst.idx.add.f32.msk vm8, v55  }
0x335: {  	[tilespmem:v3+s2+$0x0] =	vst.idx.add.f32.msk vm13, v56  }
0x336: {  	[tilespmem:v4+s2+$0x0] =	vst.idx.add.f32.msk vm14, v57  }
0x337: {  	[tilespmem:v5+s2+$0x0] =	vst.idx.add.f32.msk vm15, v58  }
0x338: {  	s11 =	simm.s32 $0x16180;
	s10 =	simm.s32 $0x0;
	[tilespmem:v2+s2+$0x0] =	vst.idx.add.f32.msk vm7, v54  }
.LBB2_12:
0x339: {  	v2 =	vld [tilespmem:s11+$0x70];
	s10 =	sadd.s32 $0x10, s10  }
0x33a: {  	s8 =	sadd.s32 $0x100, s8;
	v3 =	vld [tilespmem:s11+$0xFFFFFF90];
	p0 =	slt.u32 s10, $0x1F0  }
0x33b: {  	v4 =	vld [tilespmem:s8+$0x70]  }
0x33c: {  	v5 =	vld [tilespmem:s11+$0xFFFFFFA0]  }
0x33d: {  	v6 =	vld [tilespmem:s11+$0xFFFFFFB0]  }
0x33e: {  	v7 =	vld [tilespmem:s11+$0xFFFFFFC0];
	v2 =	vsub.s32 v2, v0  }
0x33f: {  	s9 =	sadd.s32 $0x100, s9;
	v3 =	vsub.s32 v3, v0;
	v8 =	vld [tilespmem:s11+$0xFFFFFFD0];
	vm5 =	vlt.u32 v2, $0x20;
	v2 =	vshll.u32 v2, $0xB  }
0x340: {  	vm0 =	vlt.u32 v3, $0x20;
	v3 =	vshll.u32 v3, $0xB;
	v9 =	vld [tilespmem:s9+$0x70];
	v2 =	vadd.s32 v4, v2  }
0x341: {  	v4 =	vsub.s32 v5, v0;
	v5 =	vld [tilespmem:s11+$0xFFFFFFE0]  }
0x342: {  	vm1 =	vlt.u32 v4, $0x20;
	v4 =	vshll.u32 v4, $0xB;
	v6 =	vsub.s32 v6, v0;
	v10 =	vld [tilespmem:s11+$0xFFFFFFF0]  }
0x343: {  	vm2 =	vlt.u32 v6, $0x20;
	v6 =	vshll.u32 v6, $0xB;
	v7 =	vsub.s32 v7, v0;
	v11 =	vld [tilespmem:s11+$0x0]  }
0x344: {  	vm3 =	vlt.u32 v7, $0x20;
	v7 =	vshll.u32 v7, $0xB;
	v8 =	vsub.s32 v8, v0;
	v12 =	vld [tilespmem:s11+$0x10]  }
0x345: {  	vm4 =	vlt.u32 v8, $0x20;
	v8 =	vshll.u32 v8, $0xB;
	[tilespmem:v2+s2+$0x0] =	vst.idx.add.f32.msk vm5, v9  }
0x346: {  	v2 =	vsub.s32 v5, v0;
	v5 =	vld [tilespmem:s11+$0x20]  }
0x347: {  	vm5 =	vlt.u32 v2, $0x20;
	v2 =	vshll.u32 v2, $0xB;
	v9 =	vsub.s32 v10, v0;
	v10 =	vld [tilespmem:s11+$0x30]  }
0x348: {  	vm6 =	vlt.u32 v9, $0x20;
	v9 =	vshll.u32 v9, $0xB;
	v11 =	vsub.s32 v11, v0;
	v13 =	vld [tilespmem:s11+$0x40]  }
0x349: {  	vm7 =	vlt.u32 v11, $0x20;
	v11 =	vshll.u32 v11, $0xB;
	v12 =	vsub.s32 v12, v0;
	v14 =	vld [tilespmem:s11+$0x50]  }
0x34a: {  	vm8 =	vlt.u32 v12, $0x20;
	v12 =	vshll.u32 v12, $0xB;
	v15 =	vld [tilespmem:s11+$0x60]  }
0x34b: {  	v16 =	vld [tilespmem:s11+$0xFFFFFF80];
	v5 =	vsub.s32 v5, v0  }
0x34c: {  	v17 =	vld [tilespmem:s8+$0xFFFFFF80];
	vm9 =	vlt.u32 v5, $0x20;
	v5 =	vshll.u32 v5, $0xB;
	v10 =	vsub.s32 v10, v0  }
0x34d: {  	v18 =	vld [tilespmem:s8+$0xFFFFFF90];
	vm10 =	vlt.u32 v10, $0x20;
	v10 =	vshll.u32 v10, $0xB;
	v13 =	vsub.s32 v13, v0  }
0x34e: {  	v19 =	vld [tilespmem:s8+$0xFFFFFFA0];
	vm11 =	vlt.u32 v13, $0x20;
	v13 =	vshll.u32 v13, $0xB;
	v14 =	vsub.s32 v14, v0  }
0x34f: {  	v20 =	vld [tilespmem:s8+$0xFFFFFFB0];
	vm12 =	vlt.u32 v14, $0x20;
	v14 =	vshll.u32 v14, $0xB;
	v15 =	vsub.s32 v15, v0  }
0x350: {  	v16 =	vsub.s32 v16, v0;
	v21 =	vld [tilespmem:s8+$0xFFFFFFC0];
	vm13 =	vlt.u32 v15, $0x20;
	v15 =	vshll.u32 v15, $0xB  }
0x351: {  	vm14 =	vlt.u32 v16, $0x20;
	v16 =	vshll.u32 v16, $0xB;
	v22 =	vld [tilespmem:s8+$0xFFFFFFD0]  }
0x352: {  	v16 =	vadd.s32 v17, v16;
	v3 =	vadd.s32 v18, v3;
	v17 =	vld [tilespmem:s8+$0xFFFFFFE0]  }
0x353: {  	v4 =	vadd.s32 v19, v4;
	v18 =	vld [tilespmem:s8+$0xFFFFFFF0]  }
0x354: {  	v6 =	vadd.s32 v20, v6;
	v19 =	vld [tilespmem:s8+$0x0]  }
0x355: {  	v7 =	vadd.s32 v21, v7;
	v20 =	vld [tilespmem:s8+$0x10]  }
0x356: {  	v8 =	vadd.s32 v22, v8;
	v21 =	vld [tilespmem:s8+$0x20]  }
0x357: {  	v2 =	vadd.s32 v17, v2;
	v17 =	vld [tilespmem:s8+$0x30]  }
0x358: {  	v9 =	vadd.s32 v18, v9;
	v18 =	vld [tilespmem:s8+$0x40]  }
0x359: {  	v11 =	vadd.s32 v19, v11;
	v19 =	vld [tilespmem:s8+$0x50]  }
0x35a: {  	v12 =	vadd.s32 v20, v12;
	v20 =	vld [tilespmem:s8+$0x60]  }
0x35b: {  	v22 =	vld [tilespmem:s9+$0xFFFFFF80];
	v5 =	vadd.s32 v21, v5  }
0x35c: {  	v21 =	vld [tilespmem:s9+$0xFFFFFF90];
	v10 =	vadd.s32 v17, v10  }
0x35d: {  	v17 =	vld [tilespmem:s9+$0xFFFFFFA0];
	v13 =	vadd.s32 v18, v13  }
0x35e: {  	v18 =	vld [tilespmem:s9+$0xFFFFFFB0];
	v14 =	vadd.s32 v19, v14  }
0x35f: {  	v19 =	vld [tilespmem:s9+$0xFFFFFFC0];
	v15 =	vadd.s32 v20, v15  }
0x360: {  	v20 =	vld [tilespmem:s9+$0xFFFFFFD0]  }
0x361: {  	v23 =	vld [tilespmem:s9+$0xFFFFFFE0]  }
0x362: {  	v24 =	vld [tilespmem:s9+$0xFFFFFFF0]  }
0x363: {  	v25 =	vld [tilespmem:s9+$0x0]  }
0x364: {  	v26 =	vld [tilespmem:s9+$0x10]  }
0x365: {  	v27 =	vld [tilespmem:s9+$0x20]  }
0x366: {  	v28 =	vld [tilespmem:s9+$0x30]  }
0x367: {  	v29 =	vld [tilespmem:s9+$0x40]  }
0x368: {  	v30 =	vld [tilespmem:s9+$0x50]  }
0x369: {  	v31 =	vld [tilespmem:s9+$0x60]  }
0x36a: {  	[tilespmem:v16+s2+$0x0] =	vst.idx.add.f32.msk vm14, v22  }
0x36b: {  	[tilespmem:v3+s2+$0x0] =	vst.idx.add.f32.msk vm0, v21  }
0x36c: {  	[tilespmem:v4+s2+$0x0] =	vst.idx.add.f32.msk vm1, v17  }
0x36d: {  	[tilespmem:v6+s2+$0x0] =	vst.idx.add.f32.msk vm2, v18  }
0x36e: {  	[tilespmem:v7+s2+$0x0] =	vst.idx.add.f32.msk vm3, v19  }
0x36f: {  	[tilespmem:v8+s2+$0x0] =	vst.idx.add.f32.msk vm4, v20  }
0x370: {  	[tilespmem:v2+s2+$0x0] =	vst.idx.add.f32.msk vm5, v23  }
0x371: {  	[tilespmem:v9+s2+$0x0] =	vst.idx.add.f32.msk vm6, v24  }
0x372: {  	[tilespmem:v11+s2+$0x0] =	vst.idx.add.f32.msk vm7, v25  }
0x373: {  	[tilespmem:v12+s2+$0x0] =	vst.idx.add.f32.msk vm8, v26  }
.Ltmp5:
0x374: {  	[tilespmem:v5+s2+$0x0] =	vst.idx.add.f32.msk vm9, v27;
	(pc) =	sbr.rel @p0 .LBB2_12-.Ltmp5, $4  }
0x375: {  	[tilespmem:v10+s2+$0x0] =	vst.idx.add.f32.msk vm10, v28  }
0x376: {  	[tilespmem:v13+s2+$0x0] =	vst.idx.add.f32.msk vm11, v29  }
0x377: {  	[tilespmem:v14+s2+$0x0] =	vst.idx.add.f32.msk vm12, v30  }
0x378: {  	s11 =	sadd.s32 $0x100, s11;
	[tilespmem:v15+s2+$0x0] =	vst.idx.add.f32.msk vm13, v31  }
0x379: {  	[tilespmem:s23], [sflag:$0x2] =	stream.linear.gather [hbm4b:s21+s2], $0x2000, $0x38;
	[tilespmem:$0x1C000] =	vst v63  }
0x37a: {  	_ = 	snop  }
0x37b: {  	[tilespmem:s1], [sflag:$0x2] =	stream.linear.gather [hbm4b:s22+s2], $0x2000, $0x38;
	[tilespmem:$0x1C000] =	vst v63  }
0x37c: {  	_ = 	snop  }
0x37d: {  	[tilespmem:s4], [sflag:$0x2] =	stream.linear.gather [hbm4b:s31+s2], $0x2000, $0x38;
	[tilespmem:$0x1C000] =	vst v63  }
0x37e: {  	_ =	swait.ge [sflag:s5], $0x2000  }
0x37f: {  	[sflag:s5] =	ssyncset.done $0x0  }
0x380: {  	[sflag:s5] =	ssyncadd.s32 $0xFFFFE000  }
0x381: {  	_ =	swait.ge [sflag:s5], $0x2000  }
0x382: {  	[sflag:s5] =	ssyncset.done $0x0  }
0x383: {  	[sflag:s5] =	ssyncadd.s32 $0xFFFFE000  }
0x384: {  	_ =	swait.ge [sflag:s5], $0x2000  }
0x385: {  	[sflag:s5] =	ssyncset.done $0x0  }
0x386: {  	s10 =	simm.s32 $0x10080;
	[sflag:s5] =	ssyncadd.s32 $0xFFFFE000  }
0x387: {  	v2 =	vld [tilespmem:s10+$0x70]  }
0x388: {  	s8 =	simm.s32 $0x12080;
	v3 =	vld [tilespmem:s10+$0xFFFFFF90]  }
0x389: {  	v4 =	vld [tilespmem:s8+$0x70]  }
0x38a: {  	v5 =	vld [tilespmem:s10+$0xFFFFFFA0]  }
0x38b: {  	v6 =	vld [tilespmem:s10+$0xFFFFFFB0]  }
0x38c: {  	v7 =	vld [tilespmem:s10+$0xFFFFFFC0]  }
0x38d: {  	s9 =	simm.s32 $0x14080;
	v8 =	vld [tilespmem:s10+$0xFFFFFFD0]  }
0x38e: {  	v9 =	vld [tilespmem:s9+$0x70]  }
0x38f: {  	v41 =	vld [tilespmem:s10+$0xFFFFFFE0]  }
0x390: {  	v10 =	vld [tilespmem:s10+$0xFFFFFFF0]  }
0x391: {  	v11 =	vld [tilespmem:s10+$0x0]  }
0x392: {  	v12 =	vld [tilespmem:s10+$0x10]  }
0x393: {  	v42 =	vld [tilespmem:s10+$0x30]  }
0x394: {  	v13 =	vld [tilespmem:s10+$0x40]  }
0x395: {  	v14 =	vld [tilespmem:s10+$0x50]  }
0x396: {  	v15 =	vld [tilespmem:s10+$0x60]  }
0x397: {  	v16 =	vld [tilespmem:s10+$0xFFFFFF80]  }
0x398: {  	v17 =	vld [tilespmem:s8+$0xFFFFFF80]  }
0x399: {  	v18 =	vld [tilespmem:s8+$0xFFFFFF90]  }
0x39a: {  	v19 =	vld [tilespmem:s8+$0xFFFFFFA0]  }
0x39b: {  	v20 =	vld [tilespmem:s8+$0xFFFFFFB0]  }
0x39c: {  	v21 =	vld [tilespmem:s8+$0xFFFFFFC0]  }
0x39d: {  	v22 =	vld [tilespmem:s8+$0xFFFFFFD0]  }
0x39e: {  	v23 =	vld [tilespmem:s8+$0xFFFFFFE0]  }
0x39f: {  	v24 =	vld [tilespmem:s8+$0xFFFFFFF0]  }
0x3a0: {  	v25 =	vld [tilespmem:s8+$0x0]  }
0x3a1: {  	v26 =	vld [tilespmem:s8+$0x10]  }
0x3a2: {  	v27 =	vld [tilespmem:s8+$0x20]  }
0x3a3: {  	v28 =	vld [tilespmem:s8+$0x30]  }
0x3a4: {  	v43 =	vld [tilespmem:s9+$0xFFFFFF80]  }
0x3a5: {  	v29 =	vld [tilespmem:s8+$0x40]  }
0x3a6: {  	v30 =	vld [tilespmem:s8+$0x50]  }
0x3a7: {  	v31 =	vld [tilespmem:s8+$0x60]  }
0x3a8: {  	v44 =	vld [tilespmem:s9+$0xFFFFFF90]  }
0x3a9: {  	v45 =	vld [tilespmem:s9+$0xFFFFFFA0]  }
0x3aa: {  	v46 =	vld [tilespmem:s9+$0xFFFFFFB0]  }
0x3ab: {  	v47 =	vld [tilespmem:s9+$0xFFFFFFC0]  }
0x3ac: {  	v48 =	vld [tilespmem:s9+$0xFFFFFFE0];
	v2 =	vsub.s32 v2, v0;
	v16 =	vsub.s32 v16, v0;
	v3 =	vsub.s32 v3, v0  }
0x3ad: {  	v51 =	vld [tilespmem:s9+$0xFFFFFFF0];
	v5 =	vsub.s32 v5, v0;
	v6 =	vsub.s32 v6, v0;
	v7 =	vsub.s32 v7, v0  }
0x3ae: {  	v52 =	vld [tilespmem:s9+$0x0];
	v50 =	vsub.s32 v8, v0;
	v10 =	vsub.s32 v10, v0;
	v11 =	vsub.s32 v11, v0  }
0x3af: {  	v53 =	vld [tilespmem:s9+$0x10];
	v12 =	vsub.s32 v12, v0;
	vm0 =	vlt.u32 v2, $0x20;
	v2 =	vshll.u32 v2, $0xB  }
0x3b0: {  	v54 =	vld [tilespmem:s9+$0x20];
	v60 =	vsub.s32 v13, v0;
	v61 =	vsub.s32 v14, v0;
	v2 =	vadd.s32 v4, v2  }
0x3b1: {  	v55 =	vld [tilespmem:s9+$0x30];
	v63 =	vsub.s32 v15, v0;
	vm1 =	vlt.u32 v3, $0x20;
	v3 =	vshll.u32 v3, $0xB  }
0x3b2: {  	v56 =	vld [tilespmem:s9+$0x40];
	vm13 =	vlt.u32 v16, $0x20;
	v16 =	vshll.u32 v16, $0xB;
	v3 =	vadd.s32 v18, v3  }
0x3b3: {  	v57 =	vld [tilespmem:s9+$0x50];
	vm3 =	vlt.u32 v5, $0x20;
	v5 =	vshll.u32 v5, $0xB;
	vm2 =	vlt.u32 v6, $0x20  }
0x3b4: {  	v58 =	vld [tilespmem:s9+$0x60];
	v6 =	vshll.u32 v6, $0xB;
	vm14 =	vlt.u32 v7, $0x20;
	v5 =	vadd.s32 v19, v5  }
0x3b5: {  	v49 =	vshll.u32 v7, $0xB;
	v16 =	vadd.s32 v17, v16;
	v4 =	vsub.s32 v41, v0;
	[tilespmem:v2+s2+$0x0] =	vst.idx.add.f32.msk vm0, v9  }
0x3b6: {  	v6 =	vadd.s32 v20, v6;
	vm12 =	vlt.u32 v4, $0x20;
	v4 =	vshll.u32 v4, $0xB;
	v2 =	vld [tilespmem:s10+$0x20]  }
0x3b7: {  	vm15 =	vlt.u32 v50, $0x20;
	v7 =	vshll.u32 v50, $0xB;
	v4 =	vadd.s32 v23, v4;
	[tilespmem:v3+s2+$0x0] =	vst.idx.add.f32.msk vm1, v44  }
0x3b8: {  	vm4 =	vlt.u32 v10, $0x20;
	v10 =	vshll.u32 v10, $0xB;
	v7 =	vadd.s32 v22, v7;
	v3 =	vld [tilespmem:s9+$0xFFFFFFD0]  }
0x3b9: {  	vm5 =	vlt.u32 v11, $0x20;
	v11 =	vshll.u32 v11, $0xB;
	[tilespmem:v5+s2+$0x0] =	vst.idx.add.f32.msk vm3, v45;
	v5 =	vadd.s32 v21, v49  }
0x3ba: {  	vm6 =	vlt.u32 v12, $0x20;
	v12 =	vshll.u32 v12, $0xB;
	v10 =	vadd.s32 v24, v10;
	[tilespmem:v16+s2+$0x0] =	vst.idx.add.f32.msk vm13, v43  }
0x3bb: {  	v62 =	vshll.u32 v61, $0xB;
	v11 =	vadd.s32 v25, v11;
	v9 =	vsub.s32 v42, v0;
	[tilespmem:v6+s2+$0x0] =	vst.idx.add.f32.msk vm2, v46  }
0x3bc: {  	v12 =	vadd.s32 v26, v12;
	vm8 =	vlt.u32 v9, $0x20;
	v59 =	vshll.u32 v9, $0xB;
	[tilespmem:v4+s2+$0x0] =	vst.idx.add.f32.msk vm12, v48  }
0x3bd: {  	vm13 =	vlt.u32 v60, $0x20;
	v6 =	vadd.s32 v28, v59;
	[tilespmem:v7+s2+$0x0] =	vst.idx.add.f32.msk vm15, v3;
	v3 =	vshll.u32 v60, $0xB  }
0x3be: {  	v4 =	vadd.s32 v30, v62;
	[tilespmem:v5+s2+$0x0] =	vst.idx.add.f32.msk vm14, v47;
	vm14 =	vlt.u32 v61, $0x20;
	v3 =	vadd.s32 v29, v3  }
0x3bf: {  	[tilespmem:v10+s2+$0x0] =	vst.idx.add.f32.msk vm4, v51;
	v2 =	vsub.s32 v2, v0;
	vm15 =	vlt.u32 v63, $0x20;
	v5 =	vshll.u32 v63, $0xB  }
0x3c0: {  	[tilespmem:v11+s2+$0x0] =	vst.idx.add.f32.msk vm5, v52;
	vm7 =	vlt.u32 v2, $0x20;
	v2 =	vshll.u32 v2, $0xB;
	v5 =	vadd.s32 v31, v5  }
0x3c1: {  	[tilespmem:v12+s2+$0x0] =	vst.idx.add.f32.msk vm6, v53;
	v2 =	vadd.s32 v27, v2  }
0x3c2: {  	[tilespmem:v6+s2+$0x0] =	vst.idx.add.f32.msk vm8, v55  }
0x3c3: {  	[tilespmem:v3+s2+$0x0] =	vst.idx.add.f32.msk vm13, v56  }
0x3c4: {  	[tilespmem:v4+s2+$0x0] =	vst.idx.add.f32.msk vm14, v57  }
0x3c5: {  	[tilespmem:v5+s2+$0x0] =	vst.idx.add.f32.msk vm15, v58  }
0x3c6: {  	s11 =	simm.s32 $0x10180;
	s10 =	simm.s32 $0x0;
	[tilespmem:v2+s2+$0x0] =	vst.idx.add.f32.msk vm7, v54  }
.LBB2_14:
0x3c7: {  	v2 =	vld [tilespmem:s11+$0x70];
	s10 =	sadd.s32 $0x10, s10  }
0x3c8: {  	s8 =	sadd.s32 $0x100, s8;
	v3 =	vld [tilespmem:s11+$0xFFFFFF90];
	p0 =	slt.u32 s10, $0x1F0  }
0x3c9: {  	v4 =	vld [tilespmem:s8+$0x70]  }
0x3ca: {  	v5 =	vld [tilespmem:s11+$0xFFFFFFA0]  }
0x3cb: {  	v6 =	vld [tilespmem:s11+$0xFFFFFFB0]  }
0x3cc: {  	v7 =	vld [tilespmem:s11+$0xFFFFFFC0];
	v2 =	vsub.s32 v2, v0  }
0x3cd: {  	s9 =	sadd.s32 $0x100, s9;
	v3 =	vsub.s32 v3, v0;
	v8 =	vld [tilespmem:s11+$0xFFFFFFD0];
	vm5 =	vlt.u32 v2, $0x20;
	v2 =	vshll.u32 v2, $0xB  }
0x3ce: {  	vm0 =	vlt.u32 v3, $0x20;
	v3 =	vshll.u32 v3, $0xB;
	v9 =	vld [tilespmem:s9+$0x70];
	v2 =	vadd.s32 v4, v2  }
0x3cf: {  	v4 =	vsub.s32 v5, v0;
	v5 =	vld [tilespmem:s11+$0xFFFFFFE0]  }
0x3d0: {  	vm1 =	vlt.u32 v4, $0x20;
	v4 =	vshll.u32 v4, $0xB;
	v6 =	vsub.s32 v6, v0;
	v10 =	vld [tilespmem:s11+$0xFFFFFFF0]  }
0x3d1: {  	vm2 =	vlt.u32 v6, $0x20;
	v6 =	vshll.u32 v6, $0xB;
	v7 =	vsub.s32 v7, v0;
	v11 =	vld [tilespmem:s11+$0x0]  }
0x3d2: {  	vm3 =	vlt.u32 v7, $0x20;
	v7 =	vshll.u32 v7, $0xB;
	v8 =	vsub.s32 v8, v0;
	v12 =	vld [tilespmem:s11+$0x10]  }
0x3d3: {  	vm4 =	vlt.u32 v8, $0x20;
	v8 =	vshll.u32 v8, $0xB;
	[tilespmem:v2+s2+$0x0] =	vst.idx.add.f32.msk vm5, v9  }
0x3d4: {  	v2 =	vsub.s32 v5, v0;
	v5 =	vld [tilespmem:s11+$0x20]  }
0x3d5: {  	vm5 =	vlt.u32 v2, $0x20;
	v2 =	vshll.u32 v2, $0xB;
	v9 =	vsub.s32 v10, v0;
	v10 =	vld [tilespmem:s11+$0x30]  }
0x3d6: {  	vm6 =	vlt.u32 v9, $0x20;
	v9 =	vshll.u32 v9, $0xB;
	v11 =	vsub.s32 v11, v0;
	v13 =	vld [tilespmem:s11+$0x40]  }
0x3d7: {  	vm7 =	vlt.u32 v11, $0x20;
	v11 =	vshll.u32 v11, $0xB;
	v12 =	vsub.s32 v12, v0;
	v14 =	vld [tilespmem:s11+$0x50]  }
0x3d8: {  	vm8 =	vlt.u32 v12, $0x20;
	v12 =	vshll.u32 v12, $0xB;
	v15 =	vld [tilespmem:s11+$0x60]  }
0x3d9: {  	v16 =	vld [tilespmem:s11+$0xFFFFFF80];
	v5 =	vsub.s32 v5, v0  }
0x3da: {  	v17 =	vld [tilespmem:s8+$0xFFFFFF80];
	vm9 =	vlt.u32 v5, $0x20;
	v5 =	vshll.u32 v5, $0xB;
	v10 =	vsub.s32 v10, v0  }
0x3db: {  	v18 =	vld [tilespmem:s8+$0xFFFFFF90];
	vm10 =	vlt.u32 v10, $0x20;
	v10 =	vshll.u32 v10, $0xB;
	v13 =	vsub.s32 v13, v0  }
0x3dc: {  	v19 =	vld [tilespmem:s8+$0xFFFFFFA0];
	vm11 =	vlt.u32 v13, $0x20;
	v13 =	vshll.u32 v13, $0xB;
	v14 =	vsub.s32 v14, v0  }
0x3dd: {  	v20 =	vld [tilespmem:s8+$0xFFFFFFB0];
	vm12 =	vlt.u32 v14, $0x20;
	v14 =	vshll.u32 v14, $0xB;
	v15 =	vsub.s32 v15, v0  }
0x3de: {  	v16 =	vsub.s32 v16, v0;
	v21 =	vld [tilespmem:s8+$0xFFFFFFC0];
	vm13 =	vlt.u32 v15, $0x20;
	v15 =	vshll.u32 v15, $0xB  }
0x3df: {  	vm14 =	vlt.u32 v16, $0x20;
	v16 =	vshll.u32 v16, $0xB;
	v22 =	vld [tilespmem:s8+$0xFFFFFFD0]  }
0x3e0: {  	v16 =	vadd.s32 v17, v16;
	v3 =	vadd.s32 v18, v3;
	v17 =	vld [tilespmem:s8+$0xFFFFFFE0]  }
0x3e1: {  	v4 =	vadd.s32 v19, v4;
	v18 =	vld [tilespmem:s8+$0xFFFFFFF0]  }
0x3e2: {  	v6 =	vadd.s32 v20, v6;
	v19 =	vld [tilespmem:s8+$0x0]  }
0x3e3: {  	v7 =	vadd.s32 v21, v7;
	v20 =	vld [tilespmem:s8+$0x10]  }
0x3e4: {  	v8 =	vadd.s32 v22, v8;
	v21 =	vld [tilespmem:s8+$0x20]  }
0x3e5: {  	v2 =	vadd.s32 v17, v2;
	v17 =	vld [tilespmem:s8+$0x30]  }
0x3e6: {  	v9 =	vadd.s32 v18, v9;
	v18 =	vld [tilespmem:s8+$0x40]  }
0x3e7: {  	v11 =	vadd.s32 v19, v11;
	v19 =	vld [tilespmem:s8+$0x50]  }
0x3e8: {  	v12 =	vadd.s32 v20, v12;
	v20 =	vld [tilespmem:s8+$0x60]  }
0x3e9: {  	v22 =	vld [tilespmem:s9+$0xFFFFFF80];
	v5 =	vadd.s32 v21, v5  }
0x3ea: {  	v21 =	vld [tilespmem:s9+$0xFFFFFF90];
	v10 =	vadd.s32 v17, v10  }
0x3eb: {  	v17 =	vld [tilespmem:s9+$0xFFFFFFA0];
	v13 =	vadd.s32 v18, v13  }
0x3ec: {  	v18 =	vld [tilespmem:s9+$0xFFFFFFB0];
	v14 =	vadd.s32 v19, v14  }
0x3ed: {  	v19 =	vld [tilespmem:s9+$0xFFFFFFC0];
	v15 =	vadd.s32 v20, v15  }
0x3ee: {  	v20 =	vld [tilespmem:s9+$0xFFFFFFD0]  }
0x3ef: {  	v23 =	vld [tilespmem:s9+$0xFFFFFFE0]  }
0x3f0: {  	v24 =	vld [tilespmem:s9+$0xFFFFFFF0]  }
0x3f1: {  	v25 =	vld [tilespmem:s9+$0x0]  }
0x3f2: {  	v26 =	vld [tilespmem:s9+$0x10]  }
0x3f3: {  	v27 =	vld [tilespmem:s9+$0x20]  }
0x3f4: {  	v28 =	vld [tilespmem:s9+$0x30]  }
0x3f5: {  	v29 =	vld [tilespmem:s9+$0x40]  }
0x3f6: {  	v30 =	vld [tilespmem:s9+$0x50]  }
0x3f7: {  	v31 =	vld [tilespmem:s9+$0x60]  }
0x3f8: {  	[tilespmem:v16+s2+$0x0] =	vst.idx.add.f32.msk vm14, v22  }
0x3f9: {  	[tilespmem:v3+s2+$0x0] =	vst.idx.add.f32.msk vm0, v21  }
0x3fa: {  	[tilespmem:v4+s2+$0x0] =	vst.idx.add.f32.msk vm1, v17  }
0x3fb: {  	[tilespmem:v6+s2+$0x0] =	vst.idx.add.f32.msk vm2, v18  }
0x3fc: {  	[tilespmem:v7+s2+$0x0] =	vst.idx.add.f32.msk vm3, v19  }
0x3fd: {  	[tilespmem:v8+s2+$0x0] =	vst.idx.add.f32.msk vm4, v20  }
0x3fe: {  	[tilespmem:v2+s2+$0x0] =	vst.idx.add.f32.msk vm5, v23  }
0x3ff: {  	[tilespmem:v9+s2+$0x0] =	vst.idx.add.f32.msk vm6, v24  }
0x400: {  	[tilespmem:v11+s2+$0x0] =	vst.idx.add.f32.msk vm7, v25  }
0x401: {  	[tilespmem:v12+s2+$0x0] =	vst.idx.add.f32.msk vm8, v26  }
.Ltmp6:
0x402: {  	[tilespmem:v5+s2+$0x0] =	vst.idx.add.f32.msk vm9, v27;
	(pc) =	sbr.rel @p0 .LBB2_14-.Ltmp6, $4  }
0x403: {  	[tilespmem:v10+s2+$0x0] =	vst.idx.add.f32.msk vm10, v28  }
0x404: {  	[tilespmem:v13+s2+$0x0] =	vst.idx.add.f32.msk vm11, v29  }
0x405: {  	[tilespmem:v14+s2+$0x0] =	vst.idx.add.f32.msk vm12, v30  }
0x406: {  	s11 =	sadd.s32 $0x100, s11;
	[tilespmem:v15+s2+$0x0] =	vst.idx.add.f32.msk vm13, v31  }
0x407: {  	_ =	swait.ge [sflag:s6], $0x2000  }
0x408: {  	[sflag:s6] =	ssyncset.done $0x0  }
0x409: {  	[sflag:s6] =	ssyncadd.s32 $0xFFFFE000  }
0x40a: {  	_ =	swait.ge [sflag:s6], $0x2000  }
0x40b: {  	[sflag:s6] =	ssyncset.done $0x0  }
0x40c: {  	[sflag:s6] =	ssyncadd.s32 $0xFFFFE000  }
0x40d: {  	_ =	swait.ge [sflag:s6], $0x2000  }
0x40e: {  	[sflag:s6] =	ssyncset.done $0x0  }
0x40f: {  	s10 =	simm.s32 $0x16080;
	[sflag:s6] =	ssyncadd.s32 $0xFFFFE000  }
0x410: {  	v2 =	vld [tilespmem:s10+$0x70]  }
0x411: {  	s8 =	simm.s32 $0x18080;
	v3 =	vld [tilespmem:s10+$0xFFFFFF90]  }
0x412: {  	v4 =	vld [tilespmem:s8+$0x70]  }
0x413: {  	v5 =	vld [tilespmem:s10+$0xFFFFFFA0]  }
0x414: {  	v6 =	vld [tilespmem:s10+$0xFFFFFFB0]  }
0x415: {  	v7 =	vld [tilespmem:s10+$0xFFFFFFC0]  }
0x416: {  	s9 =	simm.s32 $0x1A080;
	v8 =	vld [tilespmem:s10+$0xFFFFFFD0]  }
0x417: {  	v9 =	vld [tilespmem:s9+$0x70]  }
0x418: {  	v41 =	vld [tilespmem:s10+$0xFFFFFFE0]  }
0x419: {  	v10 =	vld [tilespmem:s10+$0xFFFFFFF0]  }
0x41a: {  	v11 =	vld [tilespmem:s10+$0x0]  }
0x41b: {  	v12 =	vld [tilespmem:s10+$0x10]  }
0x41c: {  	v42 =	vld [tilespmem:s10+$0x30]  }
0x41d: {  	v13 =	vld [tilespmem:s10+$0x40]  }
0x41e: {  	v14 =	vld [tilespmem:s10+$0x50]  }
0x41f: {  	v15 =	vld [tilespmem:s10+$0x60]  }
0x420: {  	v16 =	vld [tilespmem:s10+$0xFFFFFF80]  }
0x421: {  	v17 =	vld [tilespmem:s8+$0xFFFFFF80]  }
0x422: {  	v18 =	vld [tilespmem:s8+$0xFFFFFF90]  }
0x423: {  	v19 =	vld [tilespmem:s8+$0xFFFFFFA0]  }
0x424: {  	v20 =	vld [tilespmem:s8+$0xFFFFFFB0]  }
0x425: {  	v21 =	vld [tilespmem:s8+$0xFFFFFFC0]  }
0x426: {  	v22 =	vld [tilespmem:s8+$0xFFFFFFD0]  }
0x427: {  	v23 =	vld [tilespmem:s8+$0xFFFFFFE0]  }
0x428: {  	v24 =	vld [tilespmem:s8+$0xFFFFFFF0]  }
0x429: {  	v25 =	vld [tilespmem:s8+$0x0]  }
0x42a: {  	v26 =	vld [tilespmem:s8+$0x10]  }
0x42b: {  	v27 =	vld [tilespmem:s8+$0x20]  }
0x42c: {  	v28 =	vld [tilespmem:s8+$0x30]  }
0x42d: {  	v43 =	vld [tilespmem:s9+$0xFFFFFF80]  }
0x42e: {  	v29 =	vld [tilespmem:s8+$0x40]  }
0x42f: {  	v30 =	vld [tilespmem:s8+$0x50]  }
0x430: {  	v31 =	vld [tilespmem:s8+$0x60]  }
0x431: {  	v44 =	vld [tilespmem:s9+$0xFFFFFF90]  }
0x432: {  	v45 =	vld [tilespmem:s9+$0xFFFFFFA0]  }
0x433: {  	v46 =	vld [tilespmem:s9+$0xFFFFFFB0]  }
0x434: {  	v47 =	vld [tilespmem:s9+$0xFFFFFFC0]  }
0x435: {  	v48 =	vld [tilespmem:s9+$0xFFFFFFE0];
	v2 =	vsub.s32 v2, v0;
	v16 =	vsub.s32 v16, v0;
	v3 =	vsub.s32 v3, v0  }
0x436: {  	v51 =	vld [tilespmem:s9+$0xFFFFFFF0];
	v5 =	vsub.s32 v5, v0;
	v6 =	vsub.s32 v6, v0;
	v7 =	vsub.s32 v7, v0  }
0x437: {  	v52 =	vld [tilespmem:s9+$0x0];
	v50 =	vsub.s32 v8, v0;
	v10 =	vsub.s32 v10, v0;
	v11 =	vsub.s32 v11, v0  }
0x438: {  	v53 =	vld [tilespmem:s9+$0x10];
	v12 =	vsub.s32 v12, v0;
	vm0 =	vlt.u32 v2, $0x20;
	v2 =	vshll.u32 v2, $0xB  }
0x439: {  	v54 =	vld [tilespmem:s9+$0x20];
	v60 =	vsub.s32 v13, v0;
	v61 =	vsub.s32 v14, v0;
	v2 =	vadd.s32 v4, v2  }
0x43a: {  	v55 =	vld [tilespmem:s9+$0x30];
	v63 =	vsub.s32 v15, v0;
	vm1 =	vlt.u32 v3, $0x20;
	v3 =	vshll.u32 v3, $0xB  }
0x43b: {  	v56 =	vld [tilespmem:s9+$0x40];
	vm13 =	vlt.u32 v16, $0x20;
	v16 =	vshll.u32 v16, $0xB;
	v3 =	vadd.s32 v18, v3  }
0x43c: {  	v57 =	vld [tilespmem:s9+$0x50];
	vm3 =	vlt.u32 v5, $0x20;
	v5 =	vshll.u32 v5, $0xB;
	vm2 =	vlt.u32 v6, $0x20  }
0x43d: {  	v58 =	vld [tilespmem:s9+$0x60];
	v6 =	vshll.u32 v6, $0xB;
	vm14 =	vlt.u32 v7, $0x20;
	v5 =	vadd.s32 v19, v5  }
0x43e: {  	v49 =	vshll.u32 v7, $0xB;
	v16 =	vadd.s32 v17, v16;
	v4 =	vsub.s32 v41, v0;
	[tilespmem:v2+s2+$0x0] =	vst.idx.add.f32.msk vm0, v9  }
0x43f: {  	v6 =	vadd.s32 v20, v6;
	vm12 =	vlt.u32 v4, $0x20;
	v4 =	vshll.u32 v4, $0xB;
	v2 =	vld [tilespmem:s10+$0x20]  }
0x440: {  	vm15 =	vlt.u32 v50, $0x20;
	v7 =	vshll.u32 v50, $0xB;
	v4 =	vadd.s32 v23, v4;
	[tilespmem:v3+s2+$0x0] =	vst.idx.add.f32.msk vm1, v44  }
0x441: {  	vm4 =	vlt.u32 v10, $0x20;
	v10 =	vshll.u32 v10, $0xB;
	v7 =	vadd.s32 v22, v7;
	v3 =	vld [tilespmem:s9+$0xFFFFFFD0]  }
0x442: {  	vm5 =	vlt.u32 v11, $0x20;
	v11 =	vshll.u32 v11, $0xB;
	[tilespmem:v5+s2+$0x0] =	vst.idx.add.f32.msk vm3, v45;
	v5 =	vadd.s32 v21, v49  }
0x443: {  	vm6 =	vlt.u32 v12, $0x20;
	v12 =	vshll.u32 v12, $0xB;
	v10 =	vadd.s32 v24, v10;
	[tilespmem:v16+s2+$0x0] =	vst.idx.add.f32.msk vm13, v43  }
0x444: {  	v62 =	vshll.u32 v61, $0xB;
	v11 =	vadd.s32 v25, v11;
	v9 =	vsub.s32 v42, v0;
	[tilespmem:v6+s2+$0x0] =	vst.idx.add.f32.msk vm2, v46  }
0x445: {  	v12 =	vadd.s32 v26, v12;
	vm8 =	vlt.u32 v9, $0x20;
	v59 =	vshll.u32 v9, $0xB;
	[tilespmem:v4+s2+$0x0] =	vst.idx.add.f32.msk vm12, v48  }
0x446: {  	vm13 =	vlt.u32 v60, $0x20;
	v6 =	vadd.s32 v28, v59;
	[tilespmem:v7+s2+$0x0] =	vst.idx.add.f32.msk vm15, v3;
	v3 =	vshll.u32 v60, $0xB  }
0x447: {  	v4 =	vadd.s32 v30, v62;
	[tilespmem:v5+s2+$0x0] =	vst.idx.add.f32.msk vm14, v47;
	vm14 =	vlt.u32 v61, $0x20;
	v3 =	vadd.s32 v29, v3  }
0x448: {  	[tilespmem:v10+s2+$0x0] =	vst.idx.add.f32.msk vm4, v51;
	v2 =	vsub.s32 v2, v0;
	vm15 =	vlt.u32 v63, $0x20;
	v5 =	vshll.u32 v63, $0xB  }
0x449: {  	[tilespmem:v11+s2+$0x0] =	vst.idx.add.f32.msk vm5, v52;
	vm7 =	vlt.u32 v2, $0x20;
	v2 =	vshll.u32 v2, $0xB;
	v5 =	vadd.s32 v31, v5  }
0x44a: {  	[tilespmem:v12+s2+$0x0] =	vst.idx.add.f32.msk vm6, v53;
	v2 =	vadd.s32 v27, v2  }
0x44b: {  	[tilespmem:v6+s2+$0x0] =	vst.idx.add.f32.msk vm8, v55  }
0x44c: {  	[tilespmem:v3+s2+$0x0] =	vst.idx.add.f32.msk vm13, v56  }
0x44d: {  	[tilespmem:v4+s2+$0x0] =	vst.idx.add.f32.msk vm14, v57  }
0x44e: {  	[tilespmem:v5+s2+$0x0] =	vst.idx.add.f32.msk vm15, v58  }
0x44f: {  	s11 =	simm.s32 $0x16180;
	s10 =	simm.s32 $0x0;
	[tilespmem:v2+s2+$0x0] =	vst.idx.add.f32.msk vm7, v54  }
.LBB2_16:
0x450: {  	v2 =	vld [tilespmem:s11+$0x70];
	s10 =	sadd.s32 $0x10, s10  }
0x451: {  	s8 =	sadd.s32 $0x100, s8;
	v3 =	vld [tilespmem:s11+$0xFFFFFF90];
	p0 =	slt.u32 s10, $0x1F0  }
0x452: {  	v4 =	vld [tilespmem:s8+$0x70]  }
0x453: {  	v5 =	vld [tilespmem:s11+$0xFFFFFFA0]  }
0x454: {  	v6 =	vld [tilespmem:s11+$0xFFFFFFB0]  }
0x455: {  	v7 =	vld [tilespmem:s11+$0xFFFFFFC0];
	v2 =	vsub.s32 v2, v0  }
0x456: {  	s9 =	sadd.s32 $0x100, s9;
	v3 =	vsub.s32 v3, v0;
	v8 =	vld [tilespmem:s11+$0xFFFFFFD0];
	vm5 =	vlt.u32 v2, $0x20;
	v2 =	vshll.u32 v2, $0xB  }
0x457: {  	vm0 =	vlt.u32 v3, $0x20;
	v3 =	vshll.u32 v3, $0xB;
	v9 =	vld [tilespmem:s9+$0x70];
	v2 =	vadd.s32 v4, v2  }
0x458: {  	v4 =	vsub.s32 v5, v0;
	v5 =	vld [tilespmem:s11+$0xFFFFFFE0]  }
0x459: {  	vm1 =	vlt.u32 v4, $0x20;
	v4 =	vshll.u32 v4, $0xB;
	v6 =	vsub.s32 v6, v0;
	v10 =	vld [tilespmem:s11+$0xFFFFFFF0]  }
0x45a: {  	vm2 =	vlt.u32 v6, $0x20;
	v6 =	vshll.u32 v6, $0xB;
	v7 =	vsub.s32 v7, v0;
	v11 =	vld [tilespmem:s11+$0x0]  }
0x45b: {  	vm3 =	vlt.u32 v7, $0x20;
	v7 =	vshll.u32 v7, $0xB;
	v8 =	vsub.s32 v8, v0;
	v12 =	vld [tilespmem:s11+$0x10]  }
0x45c: {  	vm4 =	vlt.u32 v8, $0x20;
	v8 =	vshll.u32 v8, $0xB;
	[tilespmem:v2+s2+$0x0] =	vst.idx.add.f32.msk vm5, v9  }
0x45d: {  	v2 =	vsub.s32 v5, v0;
	v5 =	vld [tilespmem:s11+$0x20]  }
0x45e: {  	vm5 =	vlt.u32 v2, $0x20;
	v2 =	vshll.u32 v2, $0xB;
	v9 =	vsub.s32 v10, v0;
	v10 =	vld [tilespmem:s11+$0x30]  }
0x45f: {  	vm6 =	vlt.u32 v9, $0x20;
	v9 =	vshll.u32 v9, $0xB;
	v11 =	vsub.s32 v11, v0;
	v13 =	vld [tilespmem:s11+$0x40]  }
0x460: {  	vm7 =	vlt.u32 v11, $0x20;
	v11 =	vshll.u32 v11, $0xB;
	v12 =	vsub.s32 v12, v0;
	v14 =	vld [tilespmem:s11+$0x50]  }
0x461: {  	vm8 =	vlt.u32 v12, $0x20;
	v12 =	vshll.u32 v12, $0xB;
	v15 =	vld [tilespmem:s11+$0x60]  }
0x462: {  	v16 =	vld [tilespmem:s11+$0xFFFFFF80];
	v5 =	vsub.s32 v5, v0  }
0x463: {  	v17 =	vld [tilespmem:s8+$0xFFFFFF80];
	vm9 =	vlt.u32 v5, $0x20;
	v5 =	vshll.u32 v5, $0xB;
	v10 =	vsub.s32 v10, v0  }
0x464: {  	v18 =	vld [tilespmem:s8+$0xFFFFFF90];
	vm10 =	vlt.u32 v10, $0x20;
	v10 =	vshll.u32 v10, $0xB;
	v13 =	vsub.s32 v13, v0  }
0x465: {  	v19 =	vld [tilespmem:s8+$0xFFFFFFA0];
	vm11 =	vlt.u32 v13, $0x20;
	v13 =	vshll.u32 v13, $0xB;
	v14 =	vsub.s32 v14, v0  }
0x466: {  	v20 =	vld [tilespmem:s8+$0xFFFFFFB0];
	vm12 =	vlt.u32 v14, $0x20;
	v14 =	vshll.u32 v14, $0xB;
	v15 =	vsub.s32 v15, v0  }
0x467: {  	v16 =	vsub.s32 v16, v0;
	v21 =	vld [tilespmem:s8+$0xFFFFFFC0];
	vm13 =	vlt.u32 v15, $0x20;
	v15 =	vshll.u32 v15, $0xB  }
0x468: {  	vm14 =	vlt.u32 v16, $0x20;
	v16 =	vshll.u32 v16, $0xB;
	v22 =	vld [tilespmem:s8+$0xFFFFFFD0]  }
0x469: {  	v16 =	vadd.s32 v17, v16;
	v3 =	vadd.s32 v18, v3;
	v17 =	vld [tilespmem:s8+$0xFFFFFFE0]  }
0x46a: {  	v4 =	vadd.s32 v19, v4;
	v18 =	vld [tilespmem:s8+$0xFFFFFFF0]  }
0x46b: {  	v6 =	vadd.s32 v20, v6;
	v19 =	vld [tilespmem:s8+$0x0]  }
0x46c: {  	v7 =	vadd.s32 v21, v7;
	v20 =	vld [tilespmem:s8+$0x10]  }
0x46d: {  	v8 =	vadd.s32 v22, v8;
	v21 =	vld [tilespmem:s8+$0x20]  }
0x46e: {  	v2 =	vadd.s32 v17, v2;
	v17 =	vld [tilespmem:s8+$0x30]  }
0x46f: {  	v9 =	vadd.s32 v18, v9;
	v18 =	vld [tilespmem:s8+$0x40]  }
0x470: {  	v11 =	vadd.s32 v19, v11;
	v19 =	vld [tilespmem:s8+$0x50]  }
0x471: {  	v12 =	vadd.s32 v20, v12;
	v20 =	vld [tilespmem:s8+$0x60]  }
0x472: {  	v22 =	vld [tilespmem:s9+$0xFFFFFF80];
	v5 =	vadd.s32 v21, v5  }
0x473: {  	v21 =	vld [tilespmem:s9+$0xFFFFFF90];
	v10 =	vadd.s32 v17, v10  }
0x474: {  	v17 =	vld [tilespmem:s9+$0xFFFFFFA0];
	v13 =	vadd.s32 v18, v13  }
0x475: {  	v18 =	vld [tilespmem:s9+$0xFFFFFFB0];
	v14 =	vadd.s32 v19, v14  }
0x476: {  	v19 =	vld [tilespmem:s9+$0xFFFFFFC0];
	v15 =	vadd.s32 v20, v15  }
0x477: {  	v20 =	vld [tilespmem:s9+$0xFFFFFFD0]  }
0x478: {  	v23 =	vld [tilespmem:s9+$0xFFFFFFE0]  }
0x479: {  	v24 =	vld [tilespmem:s9+$0xFFFFFFF0]  }
0x47a: {  	v25 =	vld [tilespmem:s9+$0x0]  }
0x47b: {  	v26 =	vld [tilespmem:s9+$0x10]  }
0x47c: {  	v27 =	vld [tilespmem:s9+$0x20]  }
0x47d: {  	v28 =	vld [tilespmem:s9+$0x30]  }
0x47e: {  	v29 =	vld [tilespmem:s9+$0x40]  }
0x47f: {  	v30 =	vld [tilespmem:s9+$0x50]  }
0x480: {  	v31 =	vld [tilespmem:s9+$0x60]  }
0x481: {  	[tilespmem:v16+s2+$0x0] =	vst.idx.add.f32.msk vm14, v22  }
0x482: {  	[tilespmem:v3+s2+$0x0] =	vst.idx.add.f32.msk vm0, v21  }
0x483: {  	[tilespmem:v4+s2+$0x0] =	vst.idx.add.f32.msk vm1, v17  }
0x484: {  	[tilespmem:v6+s2+$0x0] =	vst.idx.add.f32.msk vm2, v18  }
0x485: {  	[tilespmem:v7+s2+$0x0] =	vst.idx.add.f32.msk vm3, v19  }
0x486: {  	[tilespmem:v8+s2+$0x0] =	vst.idx.add.f32.msk vm4, v20  }
0x487: {  	[tilespmem:v2+s2+$0x0] =	vst.idx.add.f32.msk vm5, v23  }
0x488: {  	[tilespmem:v9+s2+$0x0] =	vst.idx.add.f32.msk vm6, v24  }
0x489: {  	[tilespmem:v11+s2+$0x0] =	vst.idx.add.f32.msk vm7, v25  }
0x48a: {  	[tilespmem:v12+s2+$0x0] =	vst.idx.add.f32.msk vm8, v26  }
.Ltmp7:
0x48b: {  	[tilespmem:v5+s2+$0x0] =	vst.idx.add.f32.msk vm9, v27;
	(pc) =	sbr.rel @p0 .LBB2_16-.Ltmp7, $4  }
0x48c: {  	[tilespmem:v10+s2+$0x0] =	vst.idx.add.f32.msk vm10, v28  }
0x48d: {  	[tilespmem:v13+s2+$0x0] =	vst.idx.add.f32.msk vm11, v29  }
0x48e: {  	[tilespmem:v14+s2+$0x0] =	vst.idx.add.f32.msk vm12, v30  }
0x48f: {  	s11 =	sadd.s32 $0x100, s11;
	[tilespmem:v15+s2+$0x0] =	vst.idx.add.f32.msk vm13, v31  }
0x490: {  	s8 =	rddreg [dreg:$0xb]  }
0x491: {  	[hbm4b:s8+s2] =	stream.linear.scatter [tilespmem:s2], [sflag:$0x3], $0x10000, $0x38;
	[tilespmem:$0x1C000] =	vst v63  }
0x492: {  	_ =	swait.ge [sflag:s0], $0x10000  }
0x493: {  	[sflag:s0] =	ssyncset.done $0x0  }
0x494: {  	s9 =	rddreg [dreg:$0x5];
	[sflag:s0] =	ssyncadd.s32 $0xFFFF0000  }
0x495: {  	[tilespmem:s2], [sflag:$0x3] =	stream.linear.gather [hbm4b:s9+s2], $0x10000, $0x38;
	[tilespmem:$0x1C000] =	vst v63  }
0x496: {  	_ =	swait.ge [sflag:s0], $0x10000  }
0x497: {  	[sflag:s0] =	ssyncset.done $0x0  }
0x498: {  	s10 =	rddreg [dreg:$0x3];
	[sflag:s0] =	ssyncadd.s32 $0xFFFF0000  }
0x499: {  	[tilespmem:s3], [sflag:$0x1] =	stream.linear.gather [hbm4b:s10+s2], $0x2000, $0x38;
	[tilespmem:$0x1C000] =	vst v63  }
0x49a: {  	s11 =	rddreg [dreg:$0x4]  }
0x49b: {  	[tilespmem:s19], [sflag:$0x1] =	stream.linear.gather [hbm4b:s11+s2], $0x2000, $0x38;
	[tilespmem:$0x1C000] =	vst v63  }
0x49c: {  	s9 =	rddreg [dreg:$0x1]  }
0x49d: {  	[tilespmem:s20], [sflag:$0x1] =	stream.linear.gather [hbm4b:s9+s2], $0x2000, $0x38;
	[tilespmem:$0x1C000] =	vst v63  }
0x49e: {  	s10 =	rddreg [dreg:$0x6]  }
0x49f: {  	[tilespmem:s23], [sflag:$0x2] =	stream.linear.gather [hbm4b:s10+s2], $0x2000, $0x38;
	[tilespmem:$0x1C000] =	vst v63  }
0x4a0: {  	s11 =	rddreg [dreg:$0x7]  }
0x4a1: {  	[tilespmem:s1], [sflag:$0x2] =	stream.linear.gather [hbm4b:s11+s2], $0x2000, $0x38;
	[tilespmem:$0x1C000] =	vst v63  }
0x4a2: {  	_ = 	snop  }
0x4a3: {  	[tilespmem:s4], [sflag:$0x2] =	stream.linear.gather [hbm4b:s24+s2], $0x2000, $0x38;
	[tilespmem:$0x1C000] =	vst v63  }
0x4a4: {  	_ =	swait.ge [sflag:s5], $0x2000  }
0x4a5: {  	[sflag:s5] =	ssyncset.done $0x0  }
0x4a6: {  	[sflag:s5] =	ssyncadd.s32 $0xFFFFE000  }
0x4a7: {  	_ =	swait.ge [sflag:s5], $0x2000  }
0x4a8: {  	[sflag:s5] =	ssyncset.done $0x0  }
0x4a9: {  	[sflag:s5] =	ssyncadd.s32 $0xFFFFE000  }
0x4aa: {  	_ =	swait.ge [sflag:s5], $0x2000  }
0x4ab: {  	[sflag:s5] =	ssyncset.done $0x0  }
0x4ac: {  	s10 =	simm.s32 $0x10080;
	[sflag:s5] =	ssyncadd.s32 $0xFFFFE000  }
0x4ad: {  	v2 =	vld [tilespmem:s10+$0x70]  }
0x4ae: {  	s8 =	simm.s32 $0x12080;
	v3 =	vld [tilespmem:s10+$0xFFFFFF90]  }
0x4af: {  	v4 =	vld [tilespmem:s8+$0x70]  }
0x4b0: {  	v5 =	vld [tilespmem:s10+$0xFFFFFFA0]  }
0x4b1: {  	v6 =	vld [tilespmem:s10+$0xFFFFFFB0]  }
0x4b2: {  	v7 =	vld [tilespmem:s10+$0xFFFFFFC0]  }
0x4b3: {  	s9 =	simm.s32 $0x14080;
	v8 =	vld [tilespmem:s10+$0xFFFFFFD0]  }
0x4b4: {  	v9 =	vld [tilespmem:s9+$0x70]  }
0x4b5: {  	v41 =	vld [tilespmem:s10+$0xFFFFFFE0]  }
0x4b6: {  	v10 =	vld [tilespmem:s10+$0xFFFFFFF0]  }
0x4b7: {  	v11 =	vld [tilespmem:s10+$0x0]  }
0x4b8: {  	v12 =	vld [tilespmem:s10+$0x10]  }
0x4b9: {  	v42 =	vld [tilespmem:s10+$0x30]  }
0x4ba: {  	v13 =	vld [tilespmem:s10+$0x40]  }
0x4bb: {  	v14 =	vld [tilespmem:s10+$0x50]  }
0x4bc: {  	v15 =	vld [tilespmem:s10+$0x60]  }
0x4bd: {  	v16 =	vld [tilespmem:s10+$0xFFFFFF80]  }
0x4be: {  	v17 =	vld [tilespmem:s8+$0xFFFFFF80]  }
0x4bf: {  	v18 =	vld [tilespmem:s8+$0xFFFFFF90]  }
0x4c0: {  	v19 =	vld [tilespmem:s8+$0xFFFFFFA0]  }
0x4c1: {  	v20 =	vld [tilespmem:s8+$0xFFFFFFB0]  }
0x4c2: {  	v21 =	vld [tilespmem:s8+$0xFFFFFFC0]  }
0x4c3: {  	v22 =	vld [tilespmem:s8+$0xFFFFFFD0]  }
0x4c4: {  	v23 =	vld [tilespmem:s8+$0xFFFFFFE0]  }
0x4c5: {  	v24 =	vld [tilespmem:s8+$0xFFFFFFF0]  }
0x4c6: {  	v25 =	vld [tilespmem:s8+$0x0]  }
0x4c7: {  	v26 =	vld [tilespmem:s8+$0x10]  }
0x4c8: {  	v27 =	vld [tilespmem:s8+$0x20]  }
0x4c9: {  	v28 =	vld [tilespmem:s8+$0x30]  }
0x4ca: {  	v43 =	vld [tilespmem:s9+$0xFFFFFF80]  }
0x4cb: {  	v29 =	vld [tilespmem:s8+$0x40]  }
0x4cc: {  	v30 =	vld [tilespmem:s8+$0x50]  }
0x4cd: {  	v31 =	vld [tilespmem:s8+$0x60]  }
0x4ce: {  	v44 =	vld [tilespmem:s9+$0xFFFFFF90]  }
0x4cf: {  	v45 =	vld [tilespmem:s9+$0xFFFFFFA0]  }
0x4d0: {  	v46 =	vld [tilespmem:s9+$0xFFFFFFB0]  }
0x4d1: {  	v47 =	vld [tilespmem:s9+$0xFFFFFFC0]  }
0x4d2: {  	v48 =	vld [tilespmem:s9+$0xFFFFFFE0];
	v2 =	vsub.s32 v2, v1;
	v16 =	vsub.s32 v16, v1;
	v3 =	vsub.s32 v3, v1  }
0x4d3: {  	v51 =	vld [tilespmem:s9+$0xFFFFFFF0];
	v5 =	vsub.s32 v5, v1;
	v6 =	vsub.s32 v6, v1;
	v7 =	vsub.s32 v7, v1  }
0x4d4: {  	v52 =	vld [tilespmem:s9+$0x0];
	v50 =	vsub.s32 v8, v1;
	v10 =	vsub.s32 v10, v1;
	v11 =	vsub.s32 v11, v1  }
0x4d5: {  	v53 =	vld [tilespmem:s9+$0x10];
	v12 =	vsub.s32 v12, v1;
	vm0 =	vlt.u32 v2, $0x20;
	v2 =	vshll.u32 v2, $0xB  }
0x4d6: {  	v54 =	vld [tilespmem:s9+$0x20];
	v60 =	vsub.s32 v13, v1;
	v61 =	vsub.s32 v14, v1;
	v2 =	vadd.s32 v4, v2  }
0x4d7: {  	v55 =	vld [tilespmem:s9+$0x30];
	v63 =	vsub.s32 v15, v1;
	vm1 =	vlt.u32 v3, $0x20;
	v3 =	vshll.u32 v3, $0xB  }
0x4d8: {  	v56 =	vld [tilespmem:s9+$0x40];
	vm13 =	vlt.u32 v16, $0x20;
	v16 =	vshll.u32 v16, $0xB;
	v3 =	vadd.s32 v18, v3  }
0x4d9: {  	v57 =	vld [tilespmem:s9+$0x50];
	vm3 =	vlt.u32 v5, $0x20;
	v5 =	vshll.u32 v5, $0xB;
	vm2 =	vlt.u32 v6, $0x20  }
0x4da: {  	v58 =	vld [tilespmem:s9+$0x60];
	v6 =	vshll.u32 v6, $0xB;
	vm14 =	vlt.u32 v7, $0x20;
	v5 =	vadd.s32 v19, v5  }
0x4db: {  	v49 =	vshll.u32 v7, $0xB;
	v16 =	vadd.s32 v17, v16;
	v4 =	vsub.s32 v41, v1;
	[tilespmem:v2+s2+$0x0] =	vst.idx.add.f32.msk vm0, v9  }
0x4dc: {  	v6 =	vadd.s32 v20, v6;
	vm12 =	vlt.u32 v4, $0x20;
	v4 =	vshll.u32 v4, $0xB;
	v2 =	vld [tilespmem:s10+$0x20]  }
0x4dd: {  	vm15 =	vlt.u32 v50, $0x20;
	v7 =	vshll.u32 v50, $0xB;
	v4 =	vadd.s32 v23, v4;
	[tilespmem:v3+s2+$0x0] =	vst.idx.add.f32.msk vm1, v44  }
0x4de: {  	vm4 =	vlt.u32 v10, $0x20;
	v10 =	vshll.u32 v10, $0xB;
	v7 =	vadd.s32 v22, v7;
	v3 =	vld [tilespmem:s9+$0xFFFFFFD0]  }
0x4df: {  	vm5 =	vlt.u32 v11, $0x20;
	v11 =	vshll.u32 v11, $0xB;
	[tilespmem:v5+s2+$0x0] =	vst.idx.add.f32.msk vm3, v45;
	v5 =	vadd.s32 v21, v49  }
0x4e0: {  	vm6 =	vlt.u32 v12, $0x20;
	v12 =	vshll.u32 v12, $0xB;
	v10 =	vadd.s32 v24, v10;
	[tilespmem:v16+s2+$0x0] =	vst.idx.add.f32.msk vm13, v43  }
0x4e1: {  	v62 =	vshll.u32 v61, $0xB;
	v11 =	vadd.s32 v25, v11;
	v9 =	vsub.s32 v42, v1;
	[tilespmem:v6+s2+$0x0] =	vst.idx.add.f32.msk vm2, v46  }
0x4e2: {  	v12 =	vadd.s32 v26, v12;
	vm8 =	vlt.u32 v9, $0x20;
	v59 =	vshll.u32 v9, $0xB;
	[tilespmem:v4+s2+$0x0] =	vst.idx.add.f32.msk vm12, v48  }
0x4e3: {  	vm13 =	vlt.u32 v60, $0x20;
	v6 =	vadd.s32 v28, v59;
	[tilespmem:v7+s2+$0x0] =	vst.idx.add.f32.msk vm15, v3;
	v3 =	vshll.u32 v60, $0xB  }
0x4e4: {  	v4 =	vadd.s32 v30, v62;
	[tilespmem:v5+s2+$0x0] =	vst.idx.add.f32.msk vm14, v47;
	vm14 =	vlt.u32 v61, $0x20;
	v3 =	vadd.s32 v29, v3  }
0x4e5: {  	[tilespmem:v10+s2+$0x0] =	vst.idx.add.f32.msk vm4, v51;
	v2 =	vsub.s32 v2, v1;
	vm15 =	vlt.u32 v63, $0x20;
	v5 =	vshll.u32 v63, $0xB  }
0x4e6: {  	[tilespmem:v11+s2+$0x0] =	vst.idx.add.f32.msk vm5, v52;
	vm7 =	vlt.u32 v2, $0x20;
	v2 =	vshll.u32 v2, $0xB;
	v5 =	vadd.s32 v31, v5  }
0x4e7: {  	[tilespmem:v12+s2+$0x0] =	vst.idx.add.f32.msk vm6, v53;
	v2 =	vadd.s32 v27, v2  }
0x4e8: {  	[tilespmem:v6+s2+$0x0] =	vst.idx.add.f32.msk vm8, v55  }
0x4e9: {  	[tilespmem:v3+s2+$0x0] =	vst.idx.add.f32.msk vm13, v56  }
0x4ea: {  	[tilespmem:v4+s2+$0x0] =	vst.idx.add.f32.msk vm14, v57  }
0x4eb: {  	[tilespmem:v5+s2+$0x0] =	vst.idx.add.f32.msk vm15, v58  }
0x4ec: {  	s11 =	simm.s32 $0x10180;
	s10 =	simm.s32 $0x0;
	[tilespmem:v2+s2+$0x0] =	vst.idx.add.f32.msk vm7, v54  }
.LBB2_18:
0x4ed: {  	v2 =	vld [tilespmem:s11+$0x70];
	s10 =	sadd.s32 $0x10, s10  }
0x4ee: {  	s8 =	sadd.s32 $0x100, s8;
	v3 =	vld [tilespmem:s11+$0xFFFFFF90];
	p0 =	slt.u32 s10, $0x1F0  }
0x4ef: {  	v4 =	vld [tilespmem:s8+$0x70]  }
0x4f0: {  	v5 =	vld [tilespmem:s11+$0xFFFFFFA0]  }
0x4f1: {  	v6 =	vld [tilespmem:s11+$0xFFFFFFB0]  }
0x4f2: {  	v7 =	vld [tilespmem:s11+$0xFFFFFFC0];
	v2 =	vsub.s32 v2, v1  }
0x4f3: {  	s9 =	sadd.s32 $0x100, s9;
	v3 =	vsub.s32 v3, v1;
	v8 =	vld [tilespmem:s11+$0xFFFFFFD0];
	vm5 =	vlt.u32 v2, $0x20;
	v2 =	vshll.u32 v2, $0xB  }
0x4f4: {  	vm0 =	vlt.u32 v3, $0x20;
	v3 =	vshll.u32 v3, $0xB;
	v9 =	vld [tilespmem:s9+$0x70];
	v2 =	vadd.s32 v4, v2  }
0x4f5: {  	v4 =	vsub.s32 v5, v1;
	v5 =	vld [tilespmem:s11+$0xFFFFFFE0]  }
0x4f6: {  	vm1 =	vlt.u32 v4, $0x20;
	v4 =	vshll.u32 v4, $0xB;
	v6 =	vsub.s32 v6, v1;
	v10 =	vld [tilespmem:s11+$0xFFFFFFF0]  }
0x4f7: {  	vm2 =	vlt.u32 v6, $0x20;
	v6 =	vshll.u32 v6, $0xB;
	v7 =	vsub.s32 v7, v1;
	v11 =	vld [tilespmem:s11+$0x0]  }
0x4f8: {  	vm3 =	vlt.u32 v7, $0x20;
	v7 =	vshll.u32 v7, $0xB;
	v8 =	vsub.s32 v8, v1;
	v12 =	vld [tilespmem:s11+$0x10]  }
0x4f9: {  	vm4 =	vlt.u32 v8, $0x20;
	v8 =	vshll.u32 v8, $0xB;
	[tilespmem:v2+s2+$0x0] =	vst.idx.add.f32.msk vm5, v9  }
0x4fa: {  	v2 =	vsub.s32 v5, v1;
	v5 =	vld [tilespmem:s11+$0x20]  }
0x4fb: {  	vm5 =	vlt.u32 v2, $0x20;
	v2 =	vshll.u32 v2, $0xB;
	v9 =	vsub.s32 v10, v1;
	v10 =	vld [tilespmem:s11+$0x30]  }
0x4fc: {  	vm6 =	vlt.u32 v9, $0x20;
	v9 =	vshll.u32 v9, $0xB;
	v11 =	vsub.s32 v11, v1;
	v13 =	vld [tilespmem:s11+$0x40]  }
0x4fd: {  	vm7 =	vlt.u32 v11, $0x20;
	v11 =	vshll.u32 v11, $0xB;
	v12 =	vsub.s32 v12, v1;
	v14 =	vld [tilespmem:s11+$0x50]  }
0x4fe: {  	vm8 =	vlt.u32 v12, $0x20;
	v12 =	vshll.u32 v12, $0xB;
	v15 =	vld [tilespmem:s11+$0x60]  }
0x4ff: {  	v16 =	vld [tilespmem:s11+$0xFFFFFF80];
	v5 =	vsub.s32 v5, v1  }
0x500: {  	v17 =	vld [tilespmem:s8+$0xFFFFFF80];
	vm9 =	vlt.u32 v5, $0x20;
	v5 =	vshll.u32 v5, $0xB;
	v10 =	vsub.s32 v10, v1  }
0x501: {  	v18 =	vld [tilespmem:s8+$0xFFFFFF90];
	vm10 =	vlt.u32 v10, $0x20;
	v10 =	vshll.u32 v10, $0xB;
	v13 =	vsub.s32 v13, v1  }
0x502: {  	v19 =	vld [tilespmem:s8+$0xFFFFFFA0];
	vm11 =	vlt.u32 v13, $0x20;
	v13 =	vshll.u32 v13, $0xB;
	v14 =	vsub.s32 v14, v1  }
0x503: {  	v20 =	vld [tilespmem:s8+$0xFFFFFFB0];
	vm12 =	vlt.u32 v14, $0x20;
	v14 =	vshll.u32 v14, $0xB;
	v15 =	vsub.s32 v15, v1  }
0x504: {  	v16 =	vsub.s32 v16, v1;
	v21 =	vld [tilespmem:s8+$0xFFFFFFC0];
	vm13 =	vlt.u32 v15, $0x20;
	v15 =	vshll.u32 v15, $0xB  }
0x505: {  	vm14 =	vlt.u32 v16, $0x20;
	v16 =	vshll.u32 v16, $0xB;
	v22 =	vld [tilespmem:s8+$0xFFFFFFD0]  }
0x506: {  	v16 =	vadd.s32 v17, v16;
	v3 =	vadd.s32 v18, v3;
	v17 =	vld [tilespmem:s8+$0xFFFFFFE0]  }
0x507: {  	v4 =	vadd.s32 v19, v4;
	v18 =	vld [tilespmem:s8+$0xFFFFFFF0]  }
0x508: {  	v6 =	vadd.s32 v20, v6;
	v19 =	vld [tilespmem:s8+$0x0]  }
0x509: {  	v7 =	vadd.s32 v21, v7;
	v20 =	vld [tilespmem:s8+$0x10]  }
0x50a: {  	v8 =	vadd.s32 v22, v8;
	v21 =	vld [tilespmem:s8+$0x20]  }
0x50b: {  	v2 =	vadd.s32 v17, v2;
	v17 =	vld [tilespmem:s8+$0x30]  }
0x50c: {  	v9 =	vadd.s32 v18, v9;
	v18 =	vld [tilespmem:s8+$0x40]  }
0x50d: {  	v11 =	vadd.s32 v19, v11;
	v19 =	vld [tilespmem:s8+$0x50]  }
0x50e: {  	v12 =	vadd.s32 v20, v12;
	v20 =	vld [tilespmem:s8+$0x60]  }
0x50f: {  	v22 =	vld [tilespmem:s9+$0xFFFFFF80];
	v5 =	vadd.s32 v21, v5  }
0x510: {  	v21 =	vld [tilespmem:s9+$0xFFFFFF90];
	v10 =	vadd.s32 v17, v10  }
0x511: {  	v17 =	vld [tilespmem:s9+$0xFFFFFFA0];
	v13 =	vadd.s32 v18, v13  }
0x512: {  	v18 =	vld [tilespmem:s9+$0xFFFFFFB0];
	v14 =	vadd.s32 v19, v14  }
0x513: {  	v19 =	vld [tilespmem:s9+$0xFFFFFFC0];
	v15 =	vadd.s32 v20, v15  }
0x514: {  	v20 =	vld [tilespmem:s9+$0xFFFFFFD0]  }
0x515: {  	v23 =	vld [tilespmem:s9+$0xFFFFFFE0]  }
0x516: {  	v24 =	vld [tilespmem:s9+$0xFFFFFFF0]  }
0x517: {  	v25 =	vld [tilespmem:s9+$0x0]  }
0x518: {  	v26 =	vld [tilespmem:s9+$0x10]  }
0x519: {  	v27 =	vld [tilespmem:s9+$0x20]  }
0x51a: {  	v28 =	vld [tilespmem:s9+$0x30]  }
0x51b: {  	v29 =	vld [tilespmem:s9+$0x40]  }
0x51c: {  	v30 =	vld [tilespmem:s9+$0x50]  }
0x51d: {  	v31 =	vld [tilespmem:s9+$0x60]  }
0x51e: {  	[tilespmem:v16+s2+$0x0] =	vst.idx.add.f32.msk vm14, v22  }
0x51f: {  	[tilespmem:v3+s2+$0x0] =	vst.idx.add.f32.msk vm0, v21  }
0x520: {  	[tilespmem:v4+s2+$0x0] =	vst.idx.add.f32.msk vm1, v17  }
0x521: {  	[tilespmem:v6+s2+$0x0] =	vst.idx.add.f32.msk vm2, v18  }
0x522: {  	[tilespmem:v7+s2+$0x0] =	vst.idx.add.f32.msk vm3, v19  }
0x523: {  	[tilespmem:v8+s2+$0x0] =	vst.idx.add.f32.msk vm4, v20  }
0x524: {  	[tilespmem:v2+s2+$0x0] =	vst.idx.add.f32.msk vm5, v23  }
0x525: {  	[tilespmem:v9+s2+$0x0] =	vst.idx.add.f32.msk vm6, v24  }
0x526: {  	[tilespmem:v11+s2+$0x0] =	vst.idx.add.f32.msk vm7, v25  }
0x527: {  	[tilespmem:v12+s2+$0x0] =	vst.idx.add.f32.msk vm8, v26  }
.Ltmp8:
0x528: {  	[tilespmem:v5+s2+$0x0] =	vst.idx.add.f32.msk vm9, v27;
	(pc) =	sbr.rel @p0 .LBB2_18-.Ltmp8, $4  }
0x529: {  	[tilespmem:v10+s2+$0x0] =	vst.idx.add.f32.msk vm10, v28  }
0x52a: {  	[tilespmem:v13+s2+$0x0] =	vst.idx.add.f32.msk vm11, v29  }
0x52b: {  	[tilespmem:v14+s2+$0x0] =	vst.idx.add.f32.msk vm12, v30  }
0x52c: {  	s11 =	sadd.s32 $0x100, s11;
	[tilespmem:v15+s2+$0x0] =	vst.idx.add.f32.msk vm13, v31  }
0x52d: {  	s8 =	rddreg [dreg:$0x8]  }
0x52e: {  	[tilespmem:s3], [sflag:$0x1] =	stream.linear.gather [hbm4b:s8+s2], $0x2000, $0x38;
	[tilespmem:$0x1C000] =	vst v63  }
0x52f: {  	s11 =	rddreg [dreg:$0x9]  }
0x530: {  	[tilespmem:s19], [sflag:$0x1] =	stream.linear.gather [hbm4b:s11+s2], $0x2000, $0x38;
	[tilespmem:$0x1C000] =	vst v63  }
0x531: {  	_ = 	snop  }
0x532: {  	[tilespmem:s20], [sflag:$0x1] =	stream.linear.gather [hbm4b:s25+s2], $0x2000, $0x38;
	[tilespmem:$0x1C000] =	vst v63  }
0x533: {  	_ =	swait.ge [sflag:s6], $0x2000  }
0x534: {  	[sflag:s6] =	ssyncset.done $0x0  }
0x535: {  	[sflag:s6] =	ssyncadd.s32 $0xFFFFE000  }
0x536: {  	_ =	swait.ge [sflag:s6], $0x2000  }
0x537: {  	[sflag:s6] =	ssyncset.done $0x0  }
0x538: {  	[sflag:s6] =	ssyncadd.s32 $0xFFFFE000  }
0x539: {  	_ =	swait.ge [sflag:s6], $0x2000  }
0x53a: {  	[sflag:s6] =	ssyncset.done $0x0  }
0x53b: {  	s10 =	simm.s32 $0x16080;
	[sflag:s6] =	ssyncadd.s32 $0xFFFFE000  }
0x53c: {  	v2 =	vld [tilespmem:s10+$0x70]  }
0x53d: {  	s8 =	simm.s32 $0x18080;
	v3 =	vld [tilespmem:s10+$0xFFFFFF90]  }
0x53e: {  	v4 =	vld [tilespmem:s8+$0x70]  }
0x53f: {  	v5 =	vld [tilespmem:s10+$0xFFFFFFA0]  }
0x540: {  	v6 =	vld [tilespmem:s10+$0xFFFFFFB0]  }
0x541: {  	v7 =	vld [tilespmem:s10+$0xFFFFFFC0]  }
0x542: {  	s9 =	simm.s32 $0x1A080;
	v8 =	vld [tilespmem:s10+$0xFFFFFFD0]  }
0x543: {  	v9 =	vld [tilespmem:s9+$0x70]  }
0x544: {  	v41 =	vld [tilespmem:s10+$0xFFFFFFE0]  }
0x545: {  	v10 =	vld [tilespmem:s10+$0xFFFFFFF0]  }
0x546: {  	v11 =	vld [tilespmem:s10+$0x0]  }
0x547: {  	v12 =	vld [tilespmem:s10+$0x10]  }
0x548: {  	v42 =	vld [tilespmem:s10+$0x30]  }
0x549: {  	v13 =	vld [tilespmem:s10+$0x40]  }
0x54a: {  	v14 =	vld [tilespmem:s10+$0x50]  }
0x54b: {  	v15 =	vld [tilespmem:s10+$0x60]  }
0x54c: {  	v16 =	vld [tilespmem:s10+$0xFFFFFF80]  }
0x54d: {  	v17 =	vld [tilespmem:s8+$0xFFFFFF80]  }
0x54e: {  	v18 =	vld [tilespmem:s8+$0xFFFFFF90]  }
0x54f: {  	v19 =	vld [tilespmem:s8+$0xFFFFFFA0]  }
0x550: {  	v20 =	vld [tilespmem:s8+$0xFFFFFFB0]  }
0x551: {  	v21 =	vld [tilespmem:s8+$0xFFFFFFC0]  }
0x552: {  	v22 =	vld [tilespmem:s8+$0xFFFFFFD0]  }
0x553: {  	v23 =	vld [tilespmem:s8+$0xFFFFFFE0]  }
0x554: {  	v24 =	vld [tilespmem:s8+$0xFFFFFFF0]  }
0x555: {  	v25 =	vld [tilespmem:s8+$0x0]  }
0x556: {  	v26 =	vld [tilespmem:s8+$0x10]  }
0x557: {  	v27 =	vld [tilespmem:s8+$0x20]  }
0x558: {  	v28 =	vld [tilespmem:s8+$0x30]  }
0x559: {  	v43 =	vld [tilespmem:s9+$0xFFFFFF80]  }
0x55a: {  	v29 =	vld [tilespmem:s8+$0x40]  }
0x55b: {  	v30 =	vld [tilespmem:s8+$0x50]  }
0x55c: {  	v31 =	vld [tilespmem:s8+$0x60]  }
0x55d: {  	v44 =	vld [tilespmem:s9+$0xFFFFFF90]  }
0x55e: {  	v45 =	vld [tilespmem:s9+$0xFFFFFFA0]  }
0x55f: {  	v46 =	vld [tilespmem:s9+$0xFFFFFFB0]  }
0x560: {  	v47 =	vld [tilespmem:s9+$0xFFFFFFC0]  }
0x561: {  	v48 =	vld [tilespmem:s9+$0xFFFFFFE0];
	v2 =	vsub.s32 v2, v1;
	v16 =	vsub.s32 v16, v1;
	v3 =	vsub.s32 v3, v1  }
0x562: {  	v51 =	vld [tilespmem:s9+$0xFFFFFFF0];
	v5 =	vsub.s32 v5, v1;
	v6 =	vsub.s32 v6, v1;
	v7 =	vsub.s32 v7, v1  }
0x563: {  	v52 =	vld [tilespmem:s9+$0x0];
	v50 =	vsub.s32 v8, v1;
	v10 =	vsub.s32 v10, v1;
	v11 =	vsub.s32 v11, v1  }
0x564: {  	v53 =	vld [tilespmem:s9+$0x10];
	v12 =	vsub.s32 v12, v1;
	vm0 =	vlt.u32 v2, $0x20;
	v2 =	vshll.u32 v2, $0xB  }
0x565: {  	v54 =	vld [tilespmem:s9+$0x20];
	v60 =	vsub.s32 v13, v1;
	v61 =	vsub.s32 v14, v1;
	v2 =	vadd.s32 v4, v2  }
0x566: {  	v55 =	vld [tilespmem:s9+$0x30];
	v63 =	vsub.s32 v15, v1;
	vm1 =	vlt.u32 v3, $0x20;
	v3 =	vshll.u32 v3, $0xB  }
0x567: {  	v56 =	vld [tilespmem:s9+$0x40];
	vm13 =	vlt.u32 v16, $0x20;
	v16 =	vshll.u32 v16, $0xB;
	v3 =	vadd.s32 v18, v3  }
0x568: {  	v57 =	vld [tilespmem:s9+$0x50];
	vm3 =	vlt.u32 v5, $0x20;
	v5 =	vshll.u32 v5, $0xB;
	vm2 =	vlt.u32 v6, $0x20  }
0x569: {  	v58 =	vld [tilespmem:s9+$0x60];
	v6 =	vshll.u32 v6, $0xB;
	vm14 =	vlt.u32 v7, $0x20;
	v5 =	vadd.s32 v19, v5  }
0x56a: {  	v49 =	vshll.u32 v7, $0xB;
	v16 =	vadd.s32 v17, v16;
	v4 =	vsub.s32 v41, v1;
	[tilespmem:v2+s2+$0x0] =	vst.idx.add.f32.msk vm0, v9  }
0x56b: {  	v6 =	vadd.s32 v20, v6;
	vm12 =	vlt.u32 v4, $0x20;
	v4 =	vshll.u32 v4, $0xB;
	v2 =	vld [tilespmem:s10+$0x20]  }
0x56c: {  	vm15 =	vlt.u32 v50, $0x20;
	v7 =	vshll.u32 v50, $0xB;
	v4 =	vadd.s32 v23, v4;
	[tilespmem:v3+s2+$0x0] =	vst.idx.add.f32.msk vm1, v44  }
0x56d: {  	vm4 =	vlt.u32 v10, $0x20;
	v10 =	vshll.u32 v10, $0xB;
	v7 =	vadd.s32 v22, v7;
	v3 =	vld [tilespmem:s9+$0xFFFFFFD0]  }
0x56e: {  	vm5 =	vlt.u32 v11, $0x20;
	v11 =	vshll.u32 v11, $0xB;
	[tilespmem:v5+s2+$0x0] =	vst.idx.add.f32.msk vm3, v45;
	v5 =	vadd.s32 v21, v49  }
0x56f: {  	vm6 =	vlt.u32 v12, $0x20;
	v12 =	vshll.u32 v12, $0xB;
	v10 =	vadd.s32 v24, v10;
	[tilespmem:v16+s2+$0x0] =	vst.idx.add.f32.msk vm13, v43  }
0x570: {  	v62 =	vshll.u32 v61, $0xB;
	v11 =	vadd.s32 v25, v11;
	v9 =	vsub.s32 v42, v1;
	[tilespmem:v6+s2+$0x0] =	vst.idx.add.f32.msk vm2, v46  }
0x571: {  	v12 =	vadd.s32 v26, v12;
	vm8 =	vlt.u32 v9, $0x20;
	v59 =	vshll.u32 v9, $0xB;
	[tilespmem:v4+s2+$0x0] =	vst.idx.add.f32.msk vm12, v48  }
0x572: {  	vm13 =	vlt.u32 v60, $0x20;
	v6 =	vadd.s32 v28, v59;
	[tilespmem:v7+s2+$0x0] =	vst.idx.add.f32.msk vm15, v3;
	v3 =	vshll.u32 v60, $0xB  }
0x573: {  	v4 =	vadd.s32 v30, v62;
	[tilespmem:v5+s2+$0x0] =	vst.idx.add.f32.msk vm14, v47;
	vm14 =	vlt.u32 v61, $0x20;
	v3 =	vadd.s32 v29, v3  }
0x574: {  	[tilespmem:v10+s2+$0x0] =	vst.idx.add.f32.msk vm4, v51;
	v2 =	vsub.s32 v2, v1;
	vm15 =	vlt.u32 v63, $0x20;
	v5 =	vshll.u32 v63, $0xB  }
0x575: {  	[tilespmem:v11+s2+$0x0] =	vst.idx.add.f32.msk vm5, v52;
	vm7 =	vlt.u32 v2, $0x20;
	v2 =	vshll.u32 v2, $0xB;
	v5 =	vadd.s32 v31, v5  }
0x576: {  	[tilespmem:v12+s2+$0x0] =	vst.idx.add.f32.msk vm6, v53;
	v2 =	vadd.s32 v27, v2  }
0x577: {  	[tilespmem:v6+s2+$0x0] =	vst.idx.add.f32.msk vm8, v55  }
0x578: {  	[tilespmem:v3+s2+$0x0] =	vst.idx.add.f32.msk vm13, v56  }
0x579: {  	[tilespmem:v4+s2+$0x0] =	vst.idx.add.f32.msk vm14, v57  }
0x57a: {  	[tilespmem:v5+s2+$0x0] =	vst.idx.add.f32.msk vm15, v58  }
0x57b: {  	s11 =	simm.s32 $0x16180;
	s10 =	simm.s32 $0x0;
	[tilespmem:v2+s2+$0x0] =	vst.idx.add.f32.msk vm7, v54  }
.LBB2_20:
0x57c: {  	v2 =	vld [tilespmem:s11+$0x70];
	s10 =	sadd.s32 $0x10, s10  }
0x57d: {  	s8 =	sadd.s32 $0x100, s8;
	v3 =	vld [tilespmem:s11+$0xFFFFFF90];
	p0 =	slt.u32 s10, $0x1F0  }
0x57e: {  	v4 =	vld [tilespmem:s8+$0x70]  }
0x57f: {  	v5 =	vld [tilespmem:s11+$0xFFFFFFA0]  }
0x580: {  	v6 =	vld [tilespmem:s11+$0xFFFFFFB0]  }
0x581: {  	v7 =	vld [tilespmem:s11+$0xFFFFFFC0];
	v2 =	vsub.s32 v2, v1  }
0x582: {  	s9 =	sadd.s32 $0x100, s9;
	v3 =	vsub.s32 v3, v1;
	v8 =	vld [tilespmem:s11+$0xFFFFFFD0];
	vm5 =	vlt.u32 v2, $0x20;
	v2 =	vshll.u32 v2, $0xB  }
0x583: {  	vm0 =	vlt.u32 v3, $0x20;
	v3 =	vshll.u32 v3, $0xB;
	v9 =	vld [tilespmem:s9+$0x70];
	v2 =	vadd.s32 v4, v2  }
0x584: {  	v4 =	vsub.s32 v5, v1;
	v5 =	vld [tilespmem:s11+$0xFFFFFFE0]  }
0x585: {  	vm1 =	vlt.u32 v4, $0x20;
	v4 =	vshll.u32 v4, $0xB;
	v6 =	vsub.s32 v6, v1;
	v10 =	vld [tilespmem:s11+$0xFFFFFFF0]  }
0x586: {  	vm2 =	vlt.u32 v6, $0x20;
	v6 =	vshll.u32 v6, $0xB;
	v7 =	vsub.s32 v7, v1;
	v11 =	vld [tilespmem:s11+$0x0]  }
0x587: {  	vm3 =	vlt.u32 v7, $0x20;
	v7 =	vshll.u32 v7, $0xB;
	v8 =	vsub.s32 v8, v1;
	v12 =	vld [tilespmem:s11+$0x10]  }
0x588: {  	vm4 =	vlt.u32 v8, $0x20;
	v8 =	vshll.u32 v8, $0xB;
	[tilespmem:v2+s2+$0x0] =	vst.idx.add.f32.msk vm5, v9  }
0x589: {  	v2 =	vsub.s32 v5, v1;
	v5 =	vld [tilespmem:s11+$0x20]  }
0x58a: {  	vm5 =	vlt.u32 v2, $0x20;
	v2 =	vshll.u32 v2, $0xB;
	v9 =	vsub.s32 v10, v1;
	v10 =	vld [tilespmem:s11+$0x30]  }
0x58b: {  	vm6 =	vlt.u32 v9, $0x20;
	v9 =	vshll.u32 v9, $0xB;
	v11 =	vsub.s32 v11, v1;
	v13 =	vld [tilespmem:s11+$0x40]  }
0x58c: {  	vm7 =	vlt.u32 v11, $0x20;
	v11 =	vshll.u32 v11, $0xB;
	v12 =	vsub.s32 v12, v1;
	v14 =	vld [tilespmem:s11+$0x50]  }
0x58d: {  	vm8 =	vlt.u32 v12, $0x20;
	v12 =	vshll.u32 v12, $0xB;
	v15 =	vld [tilespmem:s11+$0x60]  }
0x58e: {  	v16 =	vld [tilespmem:s11+$0xFFFFFF80];
	v5 =	vsub.s32 v5, v1  }
0x58f: {  	v17 =	vld [tilespmem:s8+$0xFFFFFF80];
	vm9 =	vlt.u32 v5, $0x20;
	v5 =	vshll.u32 v5, $0xB;
	v10 =	vsub.s32 v10, v1  }
0x590: {  	v18 =	vld [tilespmem:s8+$0xFFFFFF90];
	vm10 =	vlt.u32 v10, $0x20;
	v10 =	vshll.u32 v10, $0xB;
	v13 =	vsub.s32 v13, v1  }
0x591: {  	v19 =	vld [tilespmem:s8+$0xFFFFFFA0];
	vm11 =	vlt.u32 v13, $0x20;
	v13 =	vshll.u32 v13, $0xB;
	v14 =	vsub.s32 v14, v1  }
0x592: {  	v20 =	vld [tilespmem:s8+$0xFFFFFFB0];
	vm12 =	vlt.u32 v14, $0x20;
	v14 =	vshll.u32 v14, $0xB;
	v15 =	vsub.s32 v15, v1  }
0x593: {  	v16 =	vsub.s32 v16, v1;
	v21 =	vld [tilespmem:s8+$0xFFFFFFC0];
	vm13 =	vlt.u32 v15, $0x20;
	v15 =	vshll.u32 v15, $0xB  }
0x594: {  	vm14 =	vlt.u32 v16, $0x20;
	v16 =	vshll.u32 v16, $0xB;
	v22 =	vld [tilespmem:s8+$0xFFFFFFD0]  }
0x595: {  	v16 =	vadd.s32 v17, v16;
	v3 =	vadd.s32 v18, v3;
	v17 =	vld [tilespmem:s8+$0xFFFFFFE0]  }
0x596: {  	v4 =	vadd.s32 v19, v4;
	v18 =	vld [tilespmem:s8+$0xFFFFFFF0]  }
0x597: {  	v6 =	vadd.s32 v20, v6;
	v19 =	vld [tilespmem:s8+$0x0]  }
0x598: {  	v7 =	vadd.s32 v21, v7;
	v20 =	vld [tilespmem:s8+$0x10]  }
0x599: {  	v8 =	vadd.s32 v22, v8;
	v21 =	vld [tilespmem:s8+$0x20]  }
0x59a: {  	v2 =	vadd.s32 v17, v2;
	v17 =	vld [tilespmem:s8+$0x30]  }
0x59b: {  	v9 =	vadd.s32 v18, v9;
	v18 =	vld [tilespmem:s8+$0x40]  }
0x59c: {  	v11 =	vadd.s32 v19, v11;
	v19 =	vld [tilespmem:s8+$0x50]  }
0x59d: {  	v12 =	vadd.s32 v20, v12;
	v20 =	vld [tilespmem:s8+$0x60]  }
0x59e: {  	v22 =	vld [tilespmem:s9+$0xFFFFFF80];
	v5 =	vadd.s32 v21, v5  }
0x59f: {  	v21 =	vld [tilespmem:s9+$0xFFFFFF90];
	v10 =	vadd.s32 v17, v10  }
0x5a0: {  	v17 =	vld [tilespmem:s9+$0xFFFFFFA0];
	v13 =	vadd.s32 v18, v13  }
0x5a1: {  	v18 =	vld [tilespmem:s9+$0xFFFFFFB0];
	v14 =	vadd.s32 v19, v14  }
0x5a2: {  	v19 =	vld [tilespmem:s9+$0xFFFFFFC0];
	v15 =	vadd.s32 v20, v15  }
0x5a3: {  	v20 =	vld [tilespmem:s9+$0xFFFFFFD0]  }
0x5a4: {  	v23 =	vld [tilespmem:s9+$0xFFFFFFE0]  }
0x5a5: {  	v24 =	vld [tilespmem:s9+$0xFFFFFFF0]  }
0x5a6: {  	v25 =	vld [tilespmem:s9+$0x0]  }
0x5a7: {  	v26 =	vld [tilespmem:s9+$0x10]  }
0x5a8: {  	v27 =	vld [tilespmem:s9+$0x20]  }
0x5a9: {  	v28 =	vld [tilespmem:s9+$0x30]  }
0x5aa: {  	v29 =	vld [tilespmem:s9+$0x40]  }
0x5ab: {  	v30 =	vld [tilespmem:s9+$0x50]  }
0x5ac: {  	v31 =	vld [tilespmem:s9+$0x60]  }
0x5ad: {  	[tilespmem:v16+s2+$0x0] =	vst.idx.add.f32.msk vm14, v22  }
0x5ae: {  	[tilespmem:v3+s2+$0x0] =	vst.idx.add.f32.msk vm0, v21  }
0x5af: {  	[tilespmem:v4+s2+$0x0] =	vst.idx.add.f32.msk vm1, v17  }
0x5b0: {  	[tilespmem:v6+s2+$0x0] =	vst.idx.add.f32.msk vm2, v18  }
0x5b1: {  	[tilespmem:v7+s2+$0x0] =	vst.idx.add.f32.msk vm3, v19  }
0x5b2: {  	[tilespmem:v8+s2+$0x0] =	vst.idx.add.f32.msk vm4, v20  }
0x5b3: {  	[tilespmem:v2+s2+$0x0] =	vst.idx.add.f32.msk vm5, v23  }
0x5b4: {  	[tilespmem:v9+s2+$0x0] =	vst.idx.add.f32.msk vm6, v24  }
0x5b5: {  	[tilespmem:v11+s2+$0x0] =	vst.idx.add.f32.msk vm7, v25  }
0x5b6: {  	[tilespmem:v12+s2+$0x0] =	vst.idx.add.f32.msk vm8, v26  }
.Ltmp9:
0x5b7: {  	[tilespmem:v5+s2+$0x0] =	vst.idx.add.f32.msk vm9, v27;
	(pc) =	sbr.rel @p0 .LBB2_20-.Ltmp9, $4  }
0x5b8: {  	[tilespmem:v10+s2+$0x0] =	vst.idx.add.f32.msk vm10, v28  }
0x5b9: {  	[tilespmem:v13+s2+$0x0] =	vst.idx.add.f32.msk vm11, v29  }
0x5ba: {  	[tilespmem:v14+s2+$0x0] =	vst.idx.add.f32.msk vm12, v30  }
0x5bb: {  	s11 =	sadd.s32 $0x100, s11;
	[tilespmem:v15+s2+$0x0] =	vst.idx.add.f32.msk vm13, v31  }
0x5bc: {  	s8 =	rddreg [dreg:$0xa]  }
0x5bd: {  	[tilespmem:s23], [sflag:$0x2] =	stream.linear.gather [hbm4b:s8+s2], $0x2000, $0x38;
	[tilespmem:$0x1C000] =	vst v63  }
0x5be: {  	_ = 	snop  }
0x5bf: {  	[tilespmem:s1], [sflag:$0x2] =	stream.linear.gather [hbm4b:s12+s2], $0x2000, $0x38;
	[tilespmem:$0x1C000] =	vst v63  }
0x5c0: {  	_ = 	snop  }
0x5c1: {  	[tilespmem:s4], [sflag:$0x2] =	stream.linear.gather [hbm4b:s26+s2], $0x2000, $0x38;
	[tilespmem:$0x1C000] =	vst v63  }
0x5c2: {  	_ =	swait.ge [sflag:s5], $0x2000  }
0x5c3: {  	[sflag:s5] =	ssyncset.done $0x0  }
0x5c4: {  	[sflag:s5] =	ssyncadd.s32 $0xFFFFE000  }
0x5c5: {  	_ =	swait.ge [sflag:s5], $0x2000  }
0x5c6: {  	[sflag:s5] =	ssyncset.done $0x0  }
0x5c7: {  	[sflag:s5] =	ssyncadd.s32 $0xFFFFE000  }
0x5c8: {  	_ =	swait.ge [sflag:s5], $0x2000  }
0x5c9: {  	[sflag:s5] =	ssyncset.done $0x0  }
0x5ca: {  	s10 =	simm.s32 $0x10080;
	[sflag:s5] =	ssyncadd.s32 $0xFFFFE000  }
0x5cb: {  	v2 =	vld [tilespmem:s10+$0x70]  }
0x5cc: {  	s8 =	simm.s32 $0x12080;
	v3 =	vld [tilespmem:s10+$0xFFFFFF90]  }
0x5cd: {  	v4 =	vld [tilespmem:s8+$0x70]  }
0x5ce: {  	v5 =	vld [tilespmem:s10+$0xFFFFFFA0]  }
0x5cf: {  	v6 =	vld [tilespmem:s10+$0xFFFFFFB0]  }
0x5d0: {  	v7 =	vld [tilespmem:s10+$0xFFFFFFC0]  }
0x5d1: {  	s9 =	simm.s32 $0x14080;
	v8 =	vld [tilespmem:s10+$0xFFFFFFD0]  }
0x5d2: {  	v9 =	vld [tilespmem:s9+$0x70]  }
0x5d3: {  	v41 =	vld [tilespmem:s10+$0xFFFFFFE0]  }
0x5d4: {  	v10 =	vld [tilespmem:s10+$0xFFFFFFF0]  }
0x5d5: {  	v11 =	vld [tilespmem:s10+$0x0]  }
0x5d6: {  	v12 =	vld [tilespmem:s10+$0x10]  }
0x5d7: {  	v42 =	vld [tilespmem:s10+$0x30]  }
0x5d8: {  	v13 =	vld [tilespmem:s10+$0x40]  }
0x5d9: {  	v14 =	vld [tilespmem:s10+$0x50]  }
0x5da: {  	v15 =	vld [tilespmem:s10+$0x60]  }
0x5db: {  	v16 =	vld [tilespmem:s10+$0xFFFFFF80]  }
0x5dc: {  	v17 =	vld [tilespmem:s8+$0xFFFFFF80]  }
0x5dd: {  	v18 =	vld [tilespmem:s8+$0xFFFFFF90]  }
0x5de: {  	v19 =	vld [tilespmem:s8+$0xFFFFFFA0]  }
0x5df: {  	v20 =	vld [tilespmem:s8+$0xFFFFFFB0]  }
0x5e0: {  	v21 =	vld [tilespmem:s8+$0xFFFFFFC0]  }
0x5e1: {  	v22 =	vld [tilespmem:s8+$0xFFFFFFD0]  }
0x5e2: {  	v23 =	vld [tilespmem:s8+$0xFFFFFFE0]  }
0x5e3: {  	v24 =	vld [tilespmem:s8+$0xFFFFFFF0]  }
0x5e4: {  	v25 =	vld [tilespmem:s8+$0x0]  }
0x5e5: {  	v26 =	vld [tilespmem:s8+$0x10]  }
0x5e6: {  	v27 =	vld [tilespmem:s8+$0x20]  }
0x5e7: {  	v28 =	vld [tilespmem:s8+$0x30]  }
0x5e8: {  	v43 =	vld [tilespmem:s9+$0xFFFFFF80]  }
0x5e9: {  	v29 =	vld [tilespmem:s8+$0x40]  }
0x5ea: {  	v30 =	vld [tilespmem:s8+$0x50]  }
0x5eb: {  	v31 =	vld [tilespmem:s8+$0x60]  }
0x5ec: {  	v44 =	vld [tilespmem:s9+$0xFFFFFF90]  }
0x5ed: {  	v45 =	vld [tilespmem:s9+$0xFFFFFFA0]  }
0x5ee: {  	v46 =	vld [tilespmem:s9+$0xFFFFFFB0]  }
0x5ef: {  	v47 =	vld [tilespmem:s9+$0xFFFFFFC0]  }
0x5f0: {  	v48 =	vld [tilespmem:s9+$0xFFFFFFE0];
	v2 =	vsub.s32 v2, v1;
	v16 =	vsub.s32 v16, v1;
	v3 =	vsub.s32 v3, v1  }
0x5f1: {  	v51 =	vld [tilespmem:s9+$0xFFFFFFF0];
	v5 =	vsub.s32 v5, v1;
	v6 =	vsub.s32 v6, v1;
	v7 =	vsub.s32 v7, v1  }
0x5f2: {  	v52 =	vld [tilespmem:s9+$0x0];
	v50 =	vsub.s32 v8, v1;
	v10 =	vsub.s32 v10, v1;
	v11 =	vsub.s32 v11, v1  }
0x5f3: {  	v53 =	vld [tilespmem:s9+$0x10];
	v12 =	vsub.s32 v12, v1;
	vm0 =	vlt.u32 v2, $0x20;
	v2 =	vshll.u32 v2, $0xB  }
0x5f4: {  	v54 =	vld [tilespmem:s9+$0x20];
	v60 =	vsub.s32 v13, v1;
	v61 =	vsub.s32 v14, v1;
	v2 =	vadd.s32 v4, v2  }
0x5f5: {  	v55 =	vld [tilespmem:s9+$0x30];
	v63 =	vsub.s32 v15, v1;
	vm1 =	vlt.u32 v3, $0x20;
	v3 =	vshll.u32 v3, $0xB  }
0x5f6: {  	v56 =	vld [tilespmem:s9+$0x40];
	vm13 =	vlt.u32 v16, $0x20;
	v16 =	vshll.u32 v16, $0xB;
	v3 =	vadd.s32 v18, v3  }
0x5f7: {  	v57 =	vld [tilespmem:s9+$0x50];
	vm3 =	vlt.u32 v5, $0x20;
	v5 =	vshll.u32 v5, $0xB;
	vm2 =	vlt.u32 v6, $0x20  }
0x5f8: {  	v58 =	vld [tilespmem:s9+$0x60];
	v6 =	vshll.u32 v6, $0xB;
	vm14 =	vlt.u32 v7, $0x20;
	v5 =	vadd.s32 v19, v5  }
0x5f9: {  	v49 =	vshll.u32 v7, $0xB;
	v16 =	vadd.s32 v17, v16;
	v4 =	vsub.s32 v41, v1;
	[tilespmem:v2+s2+$0x0] =	vst.idx.add.f32.msk vm0, v9  }
0x5fa: {  	v6 =	vadd.s32 v20, v6;
	vm12 =	vlt.u32 v4, $0x20;
	v4 =	vshll.u32 v4, $0xB;
	v2 =	vld [tilespmem:s10+$0x20]  }
0x5fb: {  	vm15 =	vlt.u32 v50, $0x20;
	v7 =	vshll.u32 v50, $0xB;
	v4 =	vadd.s32 v23, v4;
	[tilespmem:v3+s2+$0x0] =	vst.idx.add.f32.msk vm1, v44  }
0x5fc: {  	vm4 =	vlt.u32 v10, $0x20;
	v10 =	vshll.u32 v10, $0xB;
	v7 =	vadd.s32 v22, v7;
	v3 =	vld [tilespmem:s9+$0xFFFFFFD0]  }
0x5fd: {  	vm5 =	vlt.u32 v11, $0x20;
	v11 =	vshll.u32 v11, $0xB;
	[tilespmem:v5+s2+$0x0] =	vst.idx.add.f32.msk vm3, v45;
	v5 =	vadd.s32 v21, v49  }
0x5fe: {  	vm6 =	vlt.u32 v12, $0x20;
	v12 =	vshll.u32 v12, $0xB;
	v10 =	vadd.s32 v24, v10;
	[tilespmem:v16+s2+$0x0] =	vst.idx.add.f32.msk vm13, v43  }
0x5ff: {  	v62 =	vshll.u32 v61, $0xB;
	v11 =	vadd.s32 v25, v11;
	v9 =	vsub.s32 v42, v1;
	[tilespmem:v6+s2+$0x0] =	vst.idx.add.f32.msk vm2, v46  }
0x600: {  	v12 =	vadd.s32 v26, v12;
	vm8 =	vlt.u32 v9, $0x20;
	v59 =	vshll.u32 v9, $0xB;
	[tilespmem:v4+s2+$0x0] =	vst.idx.add.f32.msk vm12, v48  }
0x601: {  	vm13 =	vlt.u32 v60, $0x20;
	v6 =	vadd.s32 v28, v59;
	[tilespmem:v7+s2+$0x0] =	vst.idx.add.f32.msk vm15, v3;
	v3 =	vshll.u32 v60, $0xB  }
0x602: {  	v4 =	vadd.s32 v30, v62;
	[tilespmem:v5+s2+$0x0] =	vst.idx.add.f32.msk vm14, v47;
	vm14 =	vlt.u32 v61, $0x20;
	v3 =	vadd.s32 v29, v3  }
0x603: {  	[tilespmem:v10+s2+$0x0] =	vst.idx.add.f32.msk vm4, v51;
	v2 =	vsub.s32 v2, v1;
	vm15 =	vlt.u32 v63, $0x20;
	v5 =	vshll.u32 v63, $0xB  }
0x604: {  	[tilespmem:v11+s2+$0x0] =	vst.idx.add.f32.msk vm5, v52;
	vm7 =	vlt.u32 v2, $0x20;
	v2 =	vshll.u32 v2, $0xB;
	v5 =	vadd.s32 v31, v5  }
0x605: {  	[tilespmem:v12+s2+$0x0] =	vst.idx.add.f32.msk vm6, v53;
	v2 =	vadd.s32 v27, v2  }
0x606: {  	[tilespmem:v6+s2+$0x0] =	vst.idx.add.f32.msk vm8, v55  }
0x607: {  	[tilespmem:v3+s2+$0x0] =	vst.idx.add.f32.msk vm13, v56  }
0x608: {  	[tilespmem:v4+s2+$0x0] =	vst.idx.add.f32.msk vm14, v57  }
0x609: {  	[tilespmem:v5+s2+$0x0] =	vst.idx.add.f32.msk vm15, v58  }
0x60a: {  	s11 =	simm.s32 $0x10180;
	s10 =	simm.s32 $0x0;
	[tilespmem:v2+s2+$0x0] =	vst.idx.add.f32.msk vm7, v54  }
.LBB2_22:
0x60b: {  	v2 =	vld [tilespmem:s11+$0x70];
	s10 =	sadd.s32 $0x10, s10  }
0x60c: {  	s8 =	sadd.s32 $0x100, s8;
	v3 =	vld [tilespmem:s11+$0xFFFFFF90];
	p0 =	slt.u32 s10, $0x1F0  }
0x60d: {  	v4 =	vld [tilespmem:s8+$0x70]  }
0x60e: {  	v5 =	vld [tilespmem:s11+$0xFFFFFFA0]  }
0x60f: {  	v6 =	vld [tilespmem:s11+$0xFFFFFFB0]  }
0x610: {  	v7 =	vld [tilespmem:s11+$0xFFFFFFC0];
	v2 =	vsub.s32 v2, v1  }
0x611: {  	s9 =	sadd.s32 $0x100, s9;
	v3 =	vsub.s32 v3, v1;
	v8 =	vld [tilespmem:s11+$0xFFFFFFD0];
	vm5 =	vlt.u32 v2, $0x20;
	v2 =	vshll.u32 v2, $0xB  }
0x612: {  	vm0 =	vlt.u32 v3, $0x20;
	v3 =	vshll.u32 v3, $0xB;
	v9 =	vld [tilespmem:s9+$0x70];
	v2 =	vadd.s32 v4, v2  }
0x613: {  	v4 =	vsub.s32 v5, v1;
	v5 =	vld [tilespmem:s11+$0xFFFFFFE0]  }
0x614: {  	vm1 =	vlt.u32 v4, $0x20;
	v4 =	vshll.u32 v4, $0xB;
	v6 =	vsub.s32 v6, v1;
	v10 =	vld [tilespmem:s11+$0xFFFFFFF0]  }
0x615: {  	vm2 =	vlt.u32 v6, $0x20;
	v6 =	vshll.u32 v6, $0xB;
	v7 =	vsub.s32 v7, v1;
	v11 =	vld [tilespmem:s11+$0x0]  }
0x616: {  	vm3 =	vlt.u32 v7, $0x20;
	v7 =	vshll.u32 v7, $0xB;
	v8 =	vsub.s32 v8, v1;
	v12 =	vld [tilespmem:s11+$0x10]  }
0x617: {  	vm4 =	vlt.u32 v8, $0x20;
	v8 =	vshll.u32 v8, $0xB;
	[tilespmem:v2+s2+$0x0] =	vst.idx.add.f32.msk vm5, v9  }
0x618: {  	v2 =	vsub.s32 v5, v1;
	v5 =	vld [tilespmem:s11+$0x20]  }
0x619: {  	vm5 =	vlt.u32 v2, $0x20;
	v2 =	vshll.u32 v2, $0xB;
	v9 =	vsub.s32 v10, v1;
	v10 =	vld [tilespmem:s11+$0x30]  }
0x61a: {  	vm6 =	vlt.u32 v9, $0x20;
	v9 =	vshll.u32 v9, $0xB;
	v11 =	vsub.s32 v11, v1;
	v13 =	vld [tilespmem:s11+$0x40]  }
0x61b: {  	vm7 =	vlt.u32 v11, $0x20;
	v11 =	vshll.u32 v11, $0xB;
	v12 =	vsub.s32 v12, v1;
	v14 =	vld [tilespmem:s11+$0x50]  }
0x61c: {  	vm8 =	vlt.u32 v12, $0x20;
	v12 =	vshll.u32 v12, $0xB;
	v15 =	vld [tilespmem:s11+$0x60]  }
0x61d: {  	v16 =	vld [tilespmem:s11+$0xFFFFFF80];
	v5 =	vsub.s32 v5, v1  }
0x61e: {  	v17 =	vld [tilespmem:s8+$0xFFFFFF80];
	vm9 =	vlt.u32 v5, $0x20;
	v5 =	vshll.u32 v5, $0xB;
	v10 =	vsub.s32 v10, v1  }
0x61f: {  	v18 =	vld [tilespmem:s8+$0xFFFFFF90];
	vm10 =	vlt.u32 v10, $0x20;
	v10 =	vshll.u32 v10, $0xB;
	v13 =	vsub.s32 v13, v1  }
0x620: {  	v19 =	vld [tilespmem:s8+$0xFFFFFFA0];
	vm11 =	vlt.u32 v13, $0x20;
	v13 =	vshll.u32 v13, $0xB;
	v14 =	vsub.s32 v14, v1  }
0x621: {  	v20 =	vld [tilespmem:s8+$0xFFFFFFB0];
	vm12 =	vlt.u32 v14, $0x20;
	v14 =	vshll.u32 v14, $0xB;
	v15 =	vsub.s32 v15, v1  }
0x622: {  	v16 =	vsub.s32 v16, v1;
	v21 =	vld [tilespmem:s8+$0xFFFFFFC0];
	vm13 =	vlt.u32 v15, $0x20;
	v15 =	vshll.u32 v15, $0xB  }
0x623: {  	vm14 =	vlt.u32 v16, $0x20;
	v16 =	vshll.u32 v16, $0xB;
	v22 =	vld [tilespmem:s8+$0xFFFFFFD0]  }
0x624: {  	v16 =	vadd.s32 v17, v16;
	v3 =	vadd.s32 v18, v3;
	v17 =	vld [tilespmem:s8+$0xFFFFFFE0]  }
0x625: {  	v4 =	vadd.s32 v19, v4;
	v18 =	vld [tilespmem:s8+$0xFFFFFFF0]  }
0x626: {  	v6 =	vadd.s32 v20, v6;
	v19 =	vld [tilespmem:s8+$0x0]  }
0x627: {  	v7 =	vadd.s32 v21, v7;
	v20 =	vld [tilespmem:s8+$0x10]  }
0x628: {  	v8 =	vadd.s32 v22, v8;
	v21 =	vld [tilespmem:s8+$0x20]  }
0x629: {  	v2 =	vadd.s32 v17, v2;
	v17 =	vld [tilespmem:s8+$0x30]  }
0x62a: {  	v9 =	vadd.s32 v18, v9;
	v18 =	vld [tilespmem:s8+$0x40]  }
0x62b: {  	v11 =	vadd.s32 v19, v11;
	v19 =	vld [tilespmem:s8+$0x50]  }
0x62c: {  	v12 =	vadd.s32 v20, v12;
	v20 =	vld [tilespmem:s8+$0x60]  }
0x62d: {  	v22 =	vld [tilespmem:s9+$0xFFFFFF80];
	v5 =	vadd.s32 v21, v5  }
0x62e: {  	v21 =	vld [tilespmem:s9+$0xFFFFFF90];
	v10 =	vadd.s32 v17, v10  }
0x62f: {  	v17 =	vld [tilespmem:s9+$0xFFFFFFA0];
	v13 =	vadd.s32 v18, v13  }
0x630: {  	v18 =	vld [tilespmem:s9+$0xFFFFFFB0];
	v14 =	vadd.s32 v19, v14  }
0x631: {  	v19 =	vld [tilespmem:s9+$0xFFFFFFC0];
	v15 =	vadd.s32 v20, v15  }
0x632: {  	v20 =	vld [tilespmem:s9+$0xFFFFFFD0]  }
0x633: {  	v23 =	vld [tilespmem:s9+$0xFFFFFFE0]  }
0x634: {  	v24 =	vld [tilespmem:s9+$0xFFFFFFF0]  }
0x635: {  	v25 =	vld [tilespmem:s9+$0x0]  }
0x636: {  	v26 =	vld [tilespmem:s9+$0x10]  }
0x637: {  	v27 =	vld [tilespmem:s9+$0x20]  }
0x638: {  	v28 =	vld [tilespmem:s9+$0x30]  }
0x639: {  	v29 =	vld [tilespmem:s9+$0x40]  }
0x63a: {  	v30 =	vld [tilespmem:s9+$0x50]  }
0x63b: {  	v31 =	vld [tilespmem:s9+$0x60]  }
0x63c: {  	[tilespmem:v16+s2+$0x0] =	vst.idx.add.f32.msk vm14, v22  }
0x63d: {  	[tilespmem:v3+s2+$0x0] =	vst.idx.add.f32.msk vm0, v21  }
0x63e: {  	[tilespmem:v4+s2+$0x0] =	vst.idx.add.f32.msk vm1, v17  }
0x63f: {  	[tilespmem:v6+s2+$0x0] =	vst.idx.add.f32.msk vm2, v18  }
0x640: {  	[tilespmem:v7+s2+$0x0] =	vst.idx.add.f32.msk vm3, v19  }
0x641: {  	[tilespmem:v8+s2+$0x0] =	vst.idx.add.f32.msk vm4, v20  }
0x642: {  	[tilespmem:v2+s2+$0x0] =	vst.idx.add.f32.msk vm5, v23  }
0x643: {  	[tilespmem:v9+s2+$0x0] =	vst.idx.add.f32.msk vm6, v24  }
0x644: {  	[tilespmem:v11+s2+$0x0] =	vst.idx.add.f32.msk vm7, v25  }
0x645: {  	[tilespmem:v12+s2+$0x0] =	vst.idx.add.f32.msk vm8, v26  }
.Ltmp10:
0x646: {  	[tilespmem:v5+s2+$0x0] =	vst.idx.add.f32.msk vm9, v27;
	(pc) =	sbr.rel @p0 .LBB2_22-.Ltmp10, $4  }
0x647: {  	[tilespmem:v10+s2+$0x0] =	vst.idx.add.f32.msk vm10, v28  }
0x648: {  	[tilespmem:v13+s2+$0x0] =	vst.idx.add.f32.msk vm11, v29  }
0x649: {  	[tilespmem:v14+s2+$0x0] =	vst.idx.add.f32.msk vm12, v30  }
0x64a: {  	s11 =	sadd.s32 $0x100, s11;
	[tilespmem:v15+s2+$0x0] =	vst.idx.add.f32.msk vm13, v31  }
0x64b: {  	[tilespmem:s3], [sflag:$0x1] =	stream.linear.gather [hbm4b:s13+s2], $0x2000, $0x38;
	[tilespmem:$0x1C000] =	vst v63  }
0x64c: {  	_ = 	snop  }
0x64d: {  	[tilespmem:s19], [sflag:$0x1] =	stream.linear.gather [hbm4b:s14+s2], $0x2000, $0x38;
	[tilespmem:$0x1C000] =	vst v63  }
0x64e: {  	_ = 	snop  }
0x64f: {  	[tilespmem:s20], [sflag:$0x1] =	stream.linear.gather [hbm4b:s28+s2], $0x2000, $0x38;
	[tilespmem:$0x1C000] =	vst v63  }
0x650: {  	_ =	swait.ge [sflag:s6], $0x2000  }
0x651: {  	[sflag:s6] =	ssyncset.done $0x0  }
0x652: {  	[sflag:s6] =	ssyncadd.s32 $0xFFFFE000  }
0x653: {  	_ =	swait.ge [sflag:s6], $0x2000  }
0x654: {  	[sflag:s6] =	ssyncset.done $0x0  }
0x655: {  	[sflag:s6] =	ssyncadd.s32 $0xFFFFE000  }
0x656: {  	_ =	swait.ge [sflag:s6], $0x2000  }
0x657: {  	[sflag:s6] =	ssyncset.done $0x0  }
0x658: {  	s10 =	simm.s32 $0x16080;
	[sflag:s6] =	ssyncadd.s32 $0xFFFFE000  }
0x659: {  	v2 =	vld [tilespmem:s10+$0x70]  }
0x65a: {  	s8 =	simm.s32 $0x18080;
	v3 =	vld [tilespmem:s10+$0xFFFFFF90]  }
0x65b: {  	v4 =	vld [tilespmem:s8+$0x70]  }
0x65c: {  	v5 =	vld [tilespmem:s10+$0xFFFFFFA0]  }
0x65d: {  	v6 =	vld [tilespmem:s10+$0xFFFFFFB0]  }
0x65e: {  	v7 =	vld [tilespmem:s10+$0xFFFFFFC0]  }
0x65f: {  	s9 =	simm.s32 $0x1A080;
	v8 =	vld [tilespmem:s10+$0xFFFFFFD0]  }
0x660: {  	v9 =	vld [tilespmem:s9+$0x70]  }
0x661: {  	v41 =	vld [tilespmem:s10+$0xFFFFFFE0]  }
0x662: {  	v10 =	vld [tilespmem:s10+$0xFFFFFFF0]  }
0x663: {  	v11 =	vld [tilespmem:s10+$0x0]  }
0x664: {  	v12 =	vld [tilespmem:s10+$0x10]  }
0x665: {  	v42 =	vld [tilespmem:s10+$0x30]  }
0x666: {  	v13 =	vld [tilespmem:s10+$0x40]  }
0x667: {  	v14 =	vld [tilespmem:s10+$0x50]  }
0x668: {  	v15 =	vld [tilespmem:s10+$0x60]  }
0x669: {  	v16 =	vld [tilespmem:s10+$0xFFFFFF80]  }
0x66a: {  	v17 =	vld [tilespmem:s8+$0xFFFFFF80]  }
0x66b: {  	v18 =	vld [tilespmem:s8+$0xFFFFFF90]  }
0x66c: {  	v19 =	vld [tilespmem:s8+$0xFFFFFFA0]  }
0x66d: {  	v20 =	vld [tilespmem:s8+$0xFFFFFFB0]  }
0x66e: {  	v21 =	vld [tilespmem:s8+$0xFFFFFFC0]  }
0x66f: {  	v22 =	vld [tilespmem:s8+$0xFFFFFFD0]  }
0x670: {  	v23 =	vld [tilespmem:s8+$0xFFFFFFE0]  }
0x671: {  	v24 =	vld [tilespmem:s8+$0xFFFFFFF0]  }
0x672: {  	v25 =	vld [tilespmem:s8+$0x0]  }
0x673: {  	v26 =	vld [tilespmem:s8+$0x10]  }
0x674: {  	v27 =	vld [tilespmem:s8+$0x20]  }
0x675: {  	v28 =	vld [tilespmem:s8+$0x30]  }
0x676: {  	v43 =	vld [tilespmem:s9+$0xFFFFFF80]  }
0x677: {  	v29 =	vld [tilespmem:s8+$0x40]  }
0x678: {  	v30 =	vld [tilespmem:s8+$0x50]  }
0x679: {  	v31 =	vld [tilespmem:s8+$0x60]  }
0x67a: {  	v44 =	vld [tilespmem:s9+$0xFFFFFF90]  }
0x67b: {  	v45 =	vld [tilespmem:s9+$0xFFFFFFA0]  }
0x67c: {  	v46 =	vld [tilespmem:s9+$0xFFFFFFB0]  }
0x67d: {  	v47 =	vld [tilespmem:s9+$0xFFFFFFC0]  }
0x67e: {  	v48 =	vld [tilespmem:s9+$0xFFFFFFE0];
	v2 =	vsub.s32 v2, v1;
	v16 =	vsub.s32 v16, v1;
	v3 =	vsub.s32 v3, v1  }
0x67f: {  	v51 =	vld [tilespmem:s9+$0xFFFFFFF0];
	v5 =	vsub.s32 v5, v1;
	v6 =	vsub.s32 v6, v1;
	v7 =	vsub.s32 v7, v1  }
0x680: {  	v52 =	vld [tilespmem:s9+$0x0];
	v50 =	vsub.s32 v8, v1;
	v10 =	vsub.s32 v10, v1;
	v11 =	vsub.s32 v11, v1  }
0x681: {  	v53 =	vld [tilespmem:s9+$0x10];
	v12 =	vsub.s32 v12, v1;
	vm0 =	vlt.u32 v2, $0x20;
	v2 =	vshll.u32 v2, $0xB  }
0x682: {  	v54 =	vld [tilespmem:s9+$0x20];
	v60 =	vsub.s32 v13, v1;
	v61 =	vsub.s32 v14, v1;
	v2 =	vadd.s32 v4, v2  }
0x683: {  	v55 =	vld [tilespmem:s9+$0x30];
	v63 =	vsub.s32 v15, v1;
	vm1 =	vlt.u32 v3, $0x20;
	v3 =	vshll.u32 v3, $0xB  }
0x684: {  	v56 =	vld [tilespmem:s9+$0x40];
	vm13 =	vlt.u32 v16, $0x20;
	v16 =	vshll.u32 v16, $0xB;
	v3 =	vadd.s32 v18, v3  }
0x685: {  	v57 =	vld [tilespmem:s9+$0x50];
	vm3 =	vlt.u32 v5, $0x20;
	v5 =	vshll.u32 v5, $0xB;
	vm2 =	vlt.u32 v6, $0x20  }
0x686: {  	v58 =	vld [tilespmem:s9+$0x60];
	v6 =	vshll.u32 v6, $0xB;
	vm14 =	vlt.u32 v7, $0x20;
	v5 =	vadd.s32 v19, v5  }
0x687: {  	v49 =	vshll.u32 v7, $0xB;
	v16 =	vadd.s32 v17, v16;
	v4 =	vsub.s32 v41, v1;
	[tilespmem:v2+s2+$0x0] =	vst.idx.add.f32.msk vm0, v9  }
0x688: {  	v6 =	vadd.s32 v20, v6;
	vm12 =	vlt.u32 v4, $0x20;
	v4 =	vshll.u32 v4, $0xB;
	v2 =	vld [tilespmem:s10+$0x20]  }
0x689: {  	vm15 =	vlt.u32 v50, $0x20;
	v7 =	vshll.u32 v50, $0xB;
	v4 =	vadd.s32 v23, v4;
	[tilespmem:v3+s2+$0x0] =	vst.idx.add.f32.msk vm1, v44  }
0x68a: {  	vm4 =	vlt.u32 v10, $0x20;
	v10 =	vshll.u32 v10, $0xB;
	v7 =	vadd.s32 v22, v7;
	v3 =	vld [tilespmem:s9+$0xFFFFFFD0]  }
0x68b: {  	vm5 =	vlt.u32 v11, $0x20;
	v11 =	vshll.u32 v11, $0xB;
	[tilespmem:v5+s2+$0x0] =	vst.idx.add.f32.msk vm3, v45;
	v5 =	vadd.s32 v21, v49  }
0x68c: {  	vm6 =	vlt.u32 v12, $0x20;
	v12 =	vshll.u32 v12, $0xB;
	v10 =	vadd.s32 v24, v10;
	[tilespmem:v16+s2+$0x0] =	vst.idx.add.f32.msk vm13, v43  }
0x68d: {  	v62 =	vshll.u32 v61, $0xB;
	v11 =	vadd.s32 v25, v11;
	v9 =	vsub.s32 v42, v1;
	[tilespmem:v6+s2+$0x0] =	vst.idx.add.f32.msk vm2, v46  }
0x68e: {  	v12 =	vadd.s32 v26, v12;
	vm8 =	vlt.u32 v9, $0x20;
	v59 =	vshll.u32 v9, $0xB;
	[tilespmem:v4+s2+$0x0] =	vst.idx.add.f32.msk vm12, v48  }
0x68f: {  	vm13 =	vlt.u32 v60, $0x20;
	v6 =	vadd.s32 v28, v59;
	[tilespmem:v7+s2+$0x0] =	vst.idx.add.f32.msk vm15, v3;
	v3 =	vshll.u32 v60, $0xB  }
0x690: {  	v4 =	vadd.s32 v30, v62;
	[tilespmem:v5+s2+$0x0] =	vst.idx.add.f32.msk vm14, v47;
	vm14 =	vlt.u32 v61, $0x20;
	v3 =	vadd.s32 v29, v3  }
0x691: {  	[tilespmem:v10+s2+$0x0] =	vst.idx.add.f32.msk vm4, v51;
	v2 =	vsub.s32 v2, v1;
	vm15 =	vlt.u32 v63, $0x20;
	v5 =	vshll.u32 v63, $0xB  }
0x692: {  	[tilespmem:v11+s2+$0x0] =	vst.idx.add.f32.msk vm5, v52;
	vm7 =	vlt.u32 v2, $0x20;
	v2 =	vshll.u32 v2, $0xB;
	v5 =	vadd.s32 v31, v5  }
0x693: {  	[tilespmem:v12+s2+$0x0] =	vst.idx.add.f32.msk vm6, v53;
	v2 =	vadd.s32 v27, v2  }
0x694: {  	[tilespmem:v6+s2+$0x0] =	vst.idx.add.f32.msk vm8, v55  }
0x695: {  	[tilespmem:v3+s2+$0x0] =	vst.idx.add.f32.msk vm13, v56  }
0x696: {  	[tilespmem:v4+s2+$0x0] =	vst.idx.add.f32.msk vm14, v57  }
0x697: {  	[tilespmem:v5+s2+$0x0] =	vst.idx.add.f32.msk vm15, v58  }
0x698: {  	s11 =	simm.s32 $0x16180;
	s10 =	simm.s32 $0x0;
	[tilespmem:v2+s2+$0x0] =	vst.idx.add.f32.msk vm7, v54  }
.LBB2_24:
0x699: {  	v2 =	vld [tilespmem:s11+$0x70];
	s10 =	sadd.s32 $0x10, s10  }
0x69a: {  	s8 =	sadd.s32 $0x100, s8;
	v3 =	vld [tilespmem:s11+$0xFFFFFF90];
	p0 =	slt.u32 s10, $0x1F0  }
0x69b: {  	v4 =	vld [tilespmem:s8+$0x70]  }
0x69c: {  	v5 =	vld [tilespmem:s11+$0xFFFFFFA0]  }
0x69d: {  	v6 =	vld [tilespmem:s11+$0xFFFFFFB0]  }
0x69e: {  	v7 =	vld [tilespmem:s11+$0xFFFFFFC0];
	v2 =	vsub.s32 v2, v1  }
0x69f: {  	s9 =	sadd.s32 $0x100, s9;
	v3 =	vsub.s32 v3, v1;
	v8 =	vld [tilespmem:s11+$0xFFFFFFD0];
	vm5 =	vlt.u32 v2, $0x20;
	v2 =	vshll.u32 v2, $0xB  }
0x6a0: {  	vm0 =	vlt.u32 v3, $0x20;
	v3 =	vshll.u32 v3, $0xB;
	v9 =	vld [tilespmem:s9+$0x70];
	v2 =	vadd.s32 v4, v2  }
0x6a1: {  	v4 =	vsub.s32 v5, v1;
	v5 =	vld [tilespmem:s11+$0xFFFFFFE0]  }
0x6a2: {  	vm1 =	vlt.u32 v4, $0x20;
	v4 =	vshll.u32 v4, $0xB;
	v6 =	vsub.s32 v6, v1;
	v10 =	vld [tilespmem:s11+$0xFFFFFFF0]  }
0x6a3: {  	vm2 =	vlt.u32 v6, $0x20;
	v6 =	vshll.u32 v6, $0xB;
	v7 =	vsub.s32 v7, v1;
	v11 =	vld [tilespmem:s11+$0x0]  }
0x6a4: {  	vm3 =	vlt.u32 v7, $0x20;
	v7 =	vshll.u32 v7, $0xB;
	v8 =	vsub.s32 v8, v1;
	v12 =	vld [tilespmem:s11+$0x10]  }
0x6a5: {  	vm4 =	vlt.u32 v8, $0x20;
	v8 =	vshll.u32 v8, $0xB;
	[tilespmem:v2+s2+$0x0] =	vst.idx.add.f32.msk vm5, v9  }
0x6a6: {  	v2 =	vsub.s32 v5, v1;
	v5 =	vld [tilespmem:s11+$0x20]  }
0x6a7: {  	vm5 =	vlt.u32 v2, $0x20;
	v2 =	vshll.u32 v2, $0xB;
	v9 =	vsub.s32 v10, v1;
	v10 =	vld [tilespmem:s11+$0x30]  }
0x6a8: {  	vm6 =	vlt.u32 v9, $0x20;
	v9 =	vshll.u32 v9, $0xB;
	v11 =	vsub.s32 v11, v1;
	v13 =	vld [tilespmem:s11+$0x40]  }
0x6a9: {  	vm7 =	vlt.u32 v11, $0x20;
	v11 =	vshll.u32 v11, $0xB;
	v12 =	vsub.s32 v12, v1;
	v14 =	vld [tilespmem:s11+$0x50]  }
0x6aa: {  	vm8 =	vlt.u32 v12, $0x20;
	v12 =	vshll.u32 v12, $0xB;
	v15 =	vld [tilespmem:s11+$0x60]  }
0x6ab: {  	v16 =	vld [tilespmem:s11+$0xFFFFFF80];
	v5 =	vsub.s32 v5, v1  }
0x6ac: {  	v17 =	vld [tilespmem:s8+$0xFFFFFF80];
	vm9 =	vlt.u32 v5, $0x20;
	v5 =	vshll.u32 v5, $0xB;
	v10 =	vsub.s32 v10, v1  }
0x6ad: {  	v18 =	vld [tilespmem:s8+$0xFFFFFF90];
	vm10 =	vlt.u32 v10, $0x20;
	v10 =	vshll.u32 v10, $0xB;
	v13 =	vsub.s32 v13, v1  }
0x6ae: {  	v19 =	vld [tilespmem:s8+$0xFFFFFFA0];
	vm11 =	vlt.u32 v13, $0x20;
	v13 =	vshll.u32 v13, $0xB;
	v14 =	vsub.s32 v14, v1  }
0x6af: {  	v20 =	vld [tilespmem:s8+$0xFFFFFFB0];
	vm12 =	vlt.u32 v14, $0x20;
	v14 =	vshll.u32 v14, $0xB;
	v15 =	vsub.s32 v15, v1  }
0x6b0: {  	v16 =	vsub.s32 v16, v1;
	v21 =	vld [tilespmem:s8+$0xFFFFFFC0];
	vm13 =	vlt.u32 v15, $0x20;
	v15 =	vshll.u32 v15, $0xB  }
0x6b1: {  	vm14 =	vlt.u32 v16, $0x20;
	v16 =	vshll.u32 v16, $0xB;
	v22 =	vld [tilespmem:s8+$0xFFFFFFD0]  }
0x6b2: {  	v16 =	vadd.s32 v17, v16;
	v3 =	vadd.s32 v18, v3;
	v17 =	vld [tilespmem:s8+$0xFFFFFFE0]  }
0x6b3: {  	v4 =	vadd.s32 v19, v4;
	v18 =	vld [tilespmem:s8+$0xFFFFFFF0]  }
0x6b4: {  	v6 =	vadd.s32 v20, v6;
	v19 =	vld [tilespmem:s8+$0x0]  }
0x6b5: {  	v7 =	vadd.s32 v21, v7;
	v20 =	vld [tilespmem:s8+$0x10]  }
0x6b6: {  	v8 =	vadd.s32 v22, v8;
	v21 =	vld [tilespmem:s8+$0x20]  }
0x6b7: {  	v2 =	vadd.s32 v17, v2;
	v17 =	vld [tilespmem:s8+$0x30]  }
0x6b8: {  	v9 =	vadd.s32 v18, v9;
	v18 =	vld [tilespmem:s8+$0x40]  }
0x6b9: {  	v11 =	vadd.s32 v19, v11;
	v19 =	vld [tilespmem:s8+$0x50]  }
0x6ba: {  	v12 =	vadd.s32 v20, v12;
	v20 =	vld [tilespmem:s8+$0x60]  }
0x6bb: {  	v22 =	vld [tilespmem:s9+$0xFFFFFF80];
	v5 =	vadd.s32 v21, v5  }
0x6bc: {  	v21 =	vld [tilespmem:s9+$0xFFFFFF90];
	v10 =	vadd.s32 v17, v10  }
0x6bd: {  	v17 =	vld [tilespmem:s9+$0xFFFFFFA0];
	v13 =	vadd.s32 v18, v13  }
0x6be: {  	v18 =	vld [tilespmem:s9+$0xFFFFFFB0];
	v14 =	vadd.s32 v19, v14  }
0x6bf: {  	v19 =	vld [tilespmem:s9+$0xFFFFFFC0];
	v15 =	vadd.s32 v20, v15  }
0x6c0: {  	v20 =	vld [tilespmem:s9+$0xFFFFFFD0]  }
0x6c1: {  	v23 =	vld [tilespmem:s9+$0xFFFFFFE0]  }
0x6c2: {  	v24 =	vld [tilespmem:s9+$0xFFFFFFF0]  }
0x6c3: {  	v25 =	vld [tilespmem:s9+$0x0]  }
0x6c4: {  	v26 =	vld [tilespmem:s9+$0x10]  }
0x6c5: {  	v27 =	vld [tilespmem:s9+$0x20]  }
0x6c6: {  	v28 =	vld [tilespmem:s9+$0x30]  }
0x6c7: {  	v29 =	vld [tilespmem:s9+$0x40]  }
0x6c8: {  	v30 =	vld [tilespmem:s9+$0x50]  }
0x6c9: {  	v31 =	vld [tilespmem:s9+$0x60]  }
0x6ca: {  	[tilespmem:v16+s2+$0x0] =	vst.idx.add.f32.msk vm14, v22  }
0x6cb: {  	[tilespmem:v3+s2+$0x0] =	vst.idx.add.f32.msk vm0, v21  }
0x6cc: {  	[tilespmem:v4+s2+$0x0] =	vst.idx.add.f32.msk vm1, v17  }
0x6cd: {  	[tilespmem:v6+s2+$0x0] =	vst.idx.add.f32.msk vm2, v18  }
0x6ce: {  	[tilespmem:v7+s2+$0x0] =	vst.idx.add.f32.msk vm3, v19  }
0x6cf: {  	[tilespmem:v8+s2+$0x0] =	vst.idx.add.f32.msk vm4, v20  }
0x6d0: {  	[tilespmem:v2+s2+$0x0] =	vst.idx.add.f32.msk vm5, v23  }
0x6d1: {  	[tilespmem:v9+s2+$0x0] =	vst.idx.add.f32.msk vm6, v24  }
0x6d2: {  	[tilespmem:v11+s2+$0x0] =	vst.idx.add.f32.msk vm7, v25  }
0x6d3: {  	[tilespmem:v12+s2+$0x0] =	vst.idx.add.f32.msk vm8, v26  }
.Ltmp11:
0x6d4: {  	[tilespmem:v5+s2+$0x0] =	vst.idx.add.f32.msk vm9, v27;
	(pc) =	sbr.rel @p0 .LBB2_24-.Ltmp11, $4  }
0x6d5: {  	[tilespmem:v10+s2+$0x0] =	vst.idx.add.f32.msk vm10, v28  }
0x6d6: {  	[tilespmem:v13+s2+$0x0] =	vst.idx.add.f32.msk vm11, v29  }
0x6d7: {  	[tilespmem:v14+s2+$0x0] =	vst.idx.add.f32.msk vm12, v30  }
0x6d8: {  	s11 =	sadd.s32 $0x100, s11;
	[tilespmem:v15+s2+$0x0] =	vst.idx.add.f32.msk vm13, v31  }
0x6d9: {  	[tilespmem:s23], [sflag:$0x2] =	stream.linear.gather [hbm4b:s15+s2], $0x2000, $0x38;
	[tilespmem:$0x1C000] =	vst v63  }
0x6da: {  	_ = 	snop  }
0x6db: {  	[tilespmem:s1], [sflag:$0x2] =	stream.linear.gather [hbm4b:s16+s2], $0x2000, $0x38;
	[tilespmem:$0x1C000] =	vst v63  }
0x6dc: {  	_ = 	snop  }
0x6dd: {  	[tilespmem:s4], [sflag:$0x2] =	stream.linear.gather [hbm4b:s29+s2], $0x2000, $0x38;
	[tilespmem:$0x1C000] =	vst v63  }
0x6de: {  	_ =	swait.ge [sflag:s5], $0x2000  }
0x6df: {  	[sflag:s5] =	ssyncset.done $0x0  }
0x6e0: {  	[sflag:s5] =	ssyncadd.s32 $0xFFFFE000  }
0x6e1: {  	_ =	swait.ge [sflag:s5], $0x2000  }
0x6e2: {  	[sflag:s5] =	ssyncset.done $0x0  }
0x6e3: {  	[sflag:s5] =	ssyncadd.s32 $0xFFFFE000  }
0x6e4: {  	_ =	swait.ge [sflag:s5], $0x2000  }
0x6e5: {  	[sflag:s5] =	ssyncset.done $0x0  }
0x6e6: {  	s10 =	simm.s32 $0x10080;
	[sflag:s5] =	ssyncadd.s32 $0xFFFFE000  }
0x6e7: {  	v2 =	vld [tilespmem:s10+$0x70]  }
0x6e8: {  	s8 =	simm.s32 $0x12080;
	v3 =	vld [tilespmem:s10+$0xFFFFFF90]  }
0x6e9: {  	v4 =	vld [tilespmem:s8+$0x70]  }
0x6ea: {  	v5 =	vld [tilespmem:s10+$0xFFFFFFA0]  }
0x6eb: {  	v6 =	vld [tilespmem:s10+$0xFFFFFFB0]  }
0x6ec: {  	v7 =	vld [tilespmem:s10+$0xFFFFFFC0]  }
0x6ed: {  	s9 =	simm.s32 $0x14080;
	v8 =	vld [tilespmem:s10+$0xFFFFFFD0]  }
0x6ee: {  	v9 =	vld [tilespmem:s9+$0x70]  }
0x6ef: {  	v41 =	vld [tilespmem:s10+$0xFFFFFFE0]  }
0x6f0: {  	v10 =	vld [tilespmem:s10+$0xFFFFFFF0]  }
0x6f1: {  	v11 =	vld [tilespmem:s10+$0x0]  }
0x6f2: {  	v12 =	vld [tilespmem:s10+$0x10]  }
0x6f3: {  	v42 =	vld [tilespmem:s10+$0x30]  }
0x6f4: {  	v13 =	vld [tilespmem:s10+$0x40]  }
0x6f5: {  	v14 =	vld [tilespmem:s10+$0x50]  }
0x6f6: {  	v15 =	vld [tilespmem:s10+$0x60]  }
0x6f7: {  	v16 =	vld [tilespmem:s10+$0xFFFFFF80]  }
0x6f8: {  	v17 =	vld [tilespmem:s8+$0xFFFFFF80]  }
0x6f9: {  	v18 =	vld [tilespmem:s8+$0xFFFFFF90]  }
0x6fa: {  	v19 =	vld [tilespmem:s8+$0xFFFFFFA0]  }
0x6fb: {  	v20 =	vld [tilespmem:s8+$0xFFFFFFB0]  }
0x6fc: {  	v21 =	vld [tilespmem:s8+$0xFFFFFFC0]  }
0x6fd: {  	v22 =	vld [tilespmem:s8+$0xFFFFFFD0]  }
0x6fe: {  	v23 =	vld [tilespmem:s8+$0xFFFFFFE0]  }
0x6ff: {  	v24 =	vld [tilespmem:s8+$0xFFFFFFF0]  }
0x700: {  	v25 =	vld [tilespmem:s8+$0x0]  }
0x701: {  	v26 =	vld [tilespmem:s8+$0x10]  }
0x702: {  	v27 =	vld [tilespmem:s8+$0x20]  }
0x703: {  	v28 =	vld [tilespmem:s8+$0x30]  }
0x704: {  	v43 =	vld [tilespmem:s9+$0xFFFFFF80]  }
0x705: {  	v29 =	vld [tilespmem:s8+$0x40]  }
0x706: {  	v30 =	vld [tilespmem:s8+$0x50]  }
0x707: {  	v31 =	vld [tilespmem:s8+$0x60]  }
0x708: {  	v44 =	vld [tilespmem:s9+$0xFFFFFF90]  }
0x709: {  	v45 =	vld [tilespmem:s9+$0xFFFFFFA0]  }
0x70a: {  	v46 =	vld [tilespmem:s9+$0xFFFFFFB0]  }
0x70b: {  	v47 =	vld [tilespmem:s9+$0xFFFFFFC0]  }
0x70c: {  	v48 =	vld [tilespmem:s9+$0xFFFFFFE0];
	v2 =	vsub.s32 v2, v1;
	v16 =	vsub.s32 v16, v1;
	v3 =	vsub.s32 v3, v1  }
0x70d: {  	v51 =	vld [tilespmem:s9+$0xFFFFFFF0];
	v5 =	vsub.s32 v5, v1;
	v6 =	vsub.s32 v6, v1;
	v7 =	vsub.s32 v7, v1  }
0x70e: {  	v52 =	vld [tilespmem:s9+$0x0];
	v50 =	vsub.s32 v8, v1;
	v10 =	vsub.s32 v10, v1;
	v11 =	vsub.s32 v11, v1  }
0x70f: {  	v53 =	vld [tilespmem:s9+$0x10];
	v12 =	vsub.s32 v12, v1;
	vm0 =	vlt.u32 v2, $0x20;
	v2 =	vshll.u32 v2, $0xB  }
0x710: {  	v54 =	vld [tilespmem:s9+$0x20];
	v60 =	vsub.s32 v13, v1;
	v61 =	vsub.s32 v14, v1;
	v2 =	vadd.s32 v4, v2  }
0x711: {  	v55 =	vld [tilespmem:s9+$0x30];
	v63 =	vsub.s32 v15, v1;
	vm1 =	vlt.u32 v3, $0x20;
	v3 =	vshll.u32 v3, $0xB  }
0x712: {  	v56 =	vld [tilespmem:s9+$0x40];
	vm13 =	vlt.u32 v16, $0x20;
	v16 =	vshll.u32 v16, $0xB;
	v3 =	vadd.s32 v18, v3  }
0x713: {  	v57 =	vld [tilespmem:s9+$0x50];
	vm3 =	vlt.u32 v5, $0x20;
	v5 =	vshll.u32 v5, $0xB;
	vm2 =	vlt.u32 v6, $0x20  }
0x714: {  	v58 =	vld [tilespmem:s9+$0x60];
	v6 =	vshll.u32 v6, $0xB;
	vm14 =	vlt.u32 v7, $0x20;
	v5 =	vadd.s32 v19, v5  }
0x715: {  	v49 =	vshll.u32 v7, $0xB;
	v16 =	vadd.s32 v17, v16;
	v4 =	vsub.s32 v41, v1;
	[tilespmem:v2+s2+$0x0] =	vst.idx.add.f32.msk vm0, v9  }
0x716: {  	v6 =	vadd.s32 v20, v6;
	vm12 =	vlt.u32 v4, $0x20;
	v4 =	vshll.u32 v4, $0xB;
	v2 =	vld [tilespmem:s10+$0x20]  }
0x717: {  	vm15 =	vlt.u32 v50, $0x20;
	v7 =	vshll.u32 v50, $0xB;
	v4 =	vadd.s32 v23, v4;
	[tilespmem:v3+s2+$0x0] =	vst.idx.add.f32.msk vm1, v44  }
0x718: {  	vm4 =	vlt.u32 v10, $0x20;
	v10 =	vshll.u32 v10, $0xB;
	v7 =	vadd.s32 v22, v7;
	v3 =	vld [tilespmem:s9+$0xFFFFFFD0]  }
0x719: {  	vm5 =	vlt.u32 v11, $0x20;
	v11 =	vshll.u32 v11, $0xB;
	[tilespmem:v5+s2+$0x0] =	vst.idx.add.f32.msk vm3, v45;
	v5 =	vadd.s32 v21, v49  }
0x71a: {  	vm6 =	vlt.u32 v12, $0x20;
	v12 =	vshll.u32 v12, $0xB;
	v10 =	vadd.s32 v24, v10;
	[tilespmem:v16+s2+$0x0] =	vst.idx.add.f32.msk vm13, v43  }
0x71b: {  	v62 =	vshll.u32 v61, $0xB;
	v11 =	vadd.s32 v25, v11;
	v9 =	vsub.s32 v42, v1;
	[tilespmem:v6+s2+$0x0] =	vst.idx.add.f32.msk vm2, v46  }
0x71c: {  	v12 =	vadd.s32 v26, v12;
	vm8 =	vlt.u32 v9, $0x20;
	v59 =	vshll.u32 v9, $0xB;
	[tilespmem:v4+s2+$0x0] =	vst.idx.add.f32.msk vm12, v48  }
0x71d: {  	vm13 =	vlt.u32 v60, $0x20;
	v6 =	vadd.s32 v28, v59;
	[tilespmem:v7+s2+$0x0] =	vst.idx.add.f32.msk vm15, v3;
	v3 =	vshll.u32 v60, $0xB  }
0x71e: {  	v4 =	vadd.s32 v30, v62;
	[tilespmem:v5+s2+$0x0] =	vst.idx.add.f32.msk vm14, v47;
	vm14 =	vlt.u32 v61, $0x20;
	v3 =	vadd.s32 v29, v3  }
0x71f: {  	[tilespmem:v10+s2+$0x0] =	vst.idx.add.f32.msk vm4, v51;
	v2 =	vsub.s32 v2, v1;
	vm15 =	vlt.u32 v63, $0x20;
	v5 =	vshll.u32 v63, $0xB  }
0x720: {  	[tilespmem:v11+s2+$0x0] =	vst.idx.add.f32.msk vm5, v52;
	vm7 =	vlt.u32 v2, $0x20;
	v2 =	vshll.u32 v2, $0xB;
	v5 =	vadd.s32 v31, v5  }
0x721: {  	[tilespmem:v12+s2+$0x0] =	vst.idx.add.f32.msk vm6, v53;
	v2 =	vadd.s32 v27, v2  }
0x722: {  	[tilespmem:v6+s2+$0x0] =	vst.idx.add.f32.msk vm8, v55  }
0x723: {  	[tilespmem:v3+s2+$0x0] =	vst.idx.add.f32.msk vm13, v56  }
0x724: {  	[tilespmem:v4+s2+$0x0] =	vst.idx.add.f32.msk vm14, v57  }
0x725: {  	[tilespmem:v5+s2+$0x0] =	vst.idx.add.f32.msk vm15, v58  }
0x726: {  	s11 =	simm.s32 $0x10180;
	s10 =	simm.s32 $0x0;
	[tilespmem:v2+s2+$0x0] =	vst.idx.add.f32.msk vm7, v54  }
.LBB2_26:
0x727: {  	v2 =	vld [tilespmem:s11+$0x70];
	s10 =	sadd.s32 $0x10, s10  }
0x728: {  	s8 =	sadd.s32 $0x100, s8;
	v3 =	vld [tilespmem:s11+$0xFFFFFF90];
	p0 =	slt.u32 s10, $0x1F0  }
0x729: {  	v4 =	vld [tilespmem:s8+$0x70]  }
0x72a: {  	v5 =	vld [tilespmem:s11+$0xFFFFFFA0]  }
0x72b: {  	v6 =	vld [tilespmem:s11+$0xFFFFFFB0]  }
0x72c: {  	v7 =	vld [tilespmem:s11+$0xFFFFFFC0];
	v2 =	vsub.s32 v2, v1  }
0x72d: {  	s9 =	sadd.s32 $0x100, s9;
	v3 =	vsub.s32 v3, v1;
	v8 =	vld [tilespmem:s11+$0xFFFFFFD0];
	vm5 =	vlt.u32 v2, $0x20;
	v2 =	vshll.u32 v2, $0xB  }
0x72e: {  	vm0 =	vlt.u32 v3, $0x20;
	v3 =	vshll.u32 v3, $0xB;
	v9 =	vld [tilespmem:s9+$0x70];
	v2 =	vadd.s32 v4, v2  }
0x72f: {  	v4 =	vsub.s32 v5, v1;
	v5 =	vld [tilespmem:s11+$0xFFFFFFE0]  }
0x730: {  	vm1 =	vlt.u32 v4, $0x20;
	v4 =	vshll.u32 v4, $0xB;
	v6 =	vsub.s32 v6, v1;
	v10 =	vld [tilespmem:s11+$0xFFFFFFF0]  }
0x731: {  	vm2 =	vlt.u32 v6, $0x20;
	v6 =	vshll.u32 v6, $0xB;
	v7 =	vsub.s32 v7, v1;
	v11 =	vld [tilespmem:s11+$0x0]  }
0x732: {  	vm3 =	vlt.u32 v7, $0x20;
	v7 =	vshll.u32 v7, $0xB;
	v8 =	vsub.s32 v8, v1;
	v12 =	vld [tilespmem:s11+$0x10]  }
0x733: {  	vm4 =	vlt.u32 v8, $0x20;
	v8 =	vshll.u32 v8, $0xB;
	[tilespmem:v2+s2+$0x0] =	vst.idx.add.f32.msk vm5, v9  }
0x734: {  	v2 =	vsub.s32 v5, v1;
	v5 =	vld [tilespmem:s11+$0x20]  }
0x735: {  	vm5 =	vlt.u32 v2, $0x20;
	v2 =	vshll.u32 v2, $0xB;
	v9 =	vsub.s32 v10, v1;
	v10 =	vld [tilespmem:s11+$0x30]  }
0x736: {  	vm6 =	vlt.u32 v9, $0x20;
	v9 =	vshll.u32 v9, $0xB;
	v11 =	vsub.s32 v11, v1;
	v13 =	vld [tilespmem:s11+$0x40]  }
0x737: {  	vm7 =	vlt.u32 v11, $0x20;
	v11 =	vshll.u32 v11, $0xB;
	v12 =	vsub.s32 v12, v1;
	v14 =	vld [tilespmem:s11+$0x50]  }
0x738: {  	vm8 =	vlt.u32 v12, $0x20;
	v12 =	vshll.u32 v12, $0xB;
	v15 =	vld [tilespmem:s11+$0x60]  }
0x739: {  	v16 =	vld [tilespmem:s11+$0xFFFFFF80];
	v5 =	vsub.s32 v5, v1  }
0x73a: {  	v17 =	vld [tilespmem:s8+$0xFFFFFF80];
	vm9 =	vlt.u32 v5, $0x20;
	v5 =	vshll.u32 v5, $0xB;
	v10 =	vsub.s32 v10, v1  }
0x73b: {  	v18 =	vld [tilespmem:s8+$0xFFFFFF90];
	vm10 =	vlt.u32 v10, $0x20;
	v10 =	vshll.u32 v10, $0xB;
	v13 =	vsub.s32 v13, v1  }
0x73c: {  	v19 =	vld [tilespmem:s8+$0xFFFFFFA0];
	vm11 =	vlt.u32 v13, $0x20;
	v13 =	vshll.u32 v13, $0xB;
	v14 =	vsub.s32 v14, v1  }
0x73d: {  	v20 =	vld [tilespmem:s8+$0xFFFFFFB0];
	vm12 =	vlt.u32 v14, $0x20;
	v14 =	vshll.u32 v14, $0xB;
	v15 =	vsub.s32 v15, v1  }
0x73e: {  	v16 =	vsub.s32 v16, v1;
	v21 =	vld [tilespmem:s8+$0xFFFFFFC0];
	vm13 =	vlt.u32 v15, $0x20;
	v15 =	vshll.u32 v15, $0xB  }
0x73f: {  	vm14 =	vlt.u32 v16, $0x20;
	v16 =	vshll.u32 v16, $0xB;
	v22 =	vld [tilespmem:s8+$0xFFFFFFD0]  }
0x740: {  	v16 =	vadd.s32 v17, v16;
	v3 =	vadd.s32 v18, v3;
	v17 =	vld [tilespmem:s8+$0xFFFFFFE0]  }
0x741: {  	v4 =	vadd.s32 v19, v4;
	v18 =	vld [tilespmem:s8+$0xFFFFFFF0]  }
0x742: {  	v6 =	vadd.s32 v20, v6;
	v19 =	vld [tilespmem:s8+$0x0]  }
0x743: {  	v7 =	vadd.s32 v21, v7;
	v20 =	vld [tilespmem:s8+$0x10]  }
0x744: {  	v8 =	vadd.s32 v22, v8;
	v21 =	vld [tilespmem:s8+$0x20]  }
0x745: {  	v2 =	vadd.s32 v17, v2;
	v17 =	vld [tilespmem:s8+$0x30]  }
0x746: {  	v9 =	vadd.s32 v18, v9;
	v18 =	vld [tilespmem:s8+$0x40]  }
0x747: {  	v11 =	vadd.s32 v19, v11;
	v19 =	vld [tilespmem:s8+$0x50]  }
0x748: {  	v12 =	vadd.s32 v20, v12;
	v20 =	vld [tilespmem:s8+$0x60]  }
0x749: {  	v22 =	vld [tilespmem:s9+$0xFFFFFF80];
	v5 =	vadd.s32 v21, v5  }
0x74a: {  	v21 =	vld [tilespmem:s9+$0xFFFFFF90];
	v10 =	vadd.s32 v17, v10  }
0x74b: {  	v17 =	vld [tilespmem:s9+$0xFFFFFFA0];
	v13 =	vadd.s32 v18, v13  }
0x74c: {  	v18 =	vld [tilespmem:s9+$0xFFFFFFB0];
	v14 =	vadd.s32 v19, v14  }
0x74d: {  	v19 =	vld [tilespmem:s9+$0xFFFFFFC0];
	v15 =	vadd.s32 v20, v15  }
0x74e: {  	v20 =	vld [tilespmem:s9+$0xFFFFFFD0]  }
0x74f: {  	v23 =	vld [tilespmem:s9+$0xFFFFFFE0]  }
0x750: {  	v24 =	vld [tilespmem:s9+$0xFFFFFFF0]  }
0x751: {  	v25 =	vld [tilespmem:s9+$0x0]  }
0x752: {  	v26 =	vld [tilespmem:s9+$0x10]  }
0x753: {  	v27 =	vld [tilespmem:s9+$0x20]  }
0x754: {  	v28 =	vld [tilespmem:s9+$0x30]  }
0x755: {  	v29 =	vld [tilespmem:s9+$0x40]  }
0x756: {  	v30 =	vld [tilespmem:s9+$0x50]  }
0x757: {  	v31 =	vld [tilespmem:s9+$0x60]  }
0x758: {  	[tilespmem:v16+s2+$0x0] =	vst.idx.add.f32.msk vm14, v22  }
0x759: {  	[tilespmem:v3+s2+$0x0] =	vst.idx.add.f32.msk vm0, v21  }
0x75a: {  	[tilespmem:v4+s2+$0x0] =	vst.idx.add.f32.msk vm1, v17  }
0x75b: {  	[tilespmem:v6+s2+$0x0] =	vst.idx.add.f32.msk vm2, v18  }
0x75c: {  	[tilespmem:v7+s2+$0x0] =	vst.idx.add.f32.msk vm3, v19  }
0x75d: {  	[tilespmem:v8+s2+$0x0] =	vst.idx.add.f32.msk vm4, v20  }
0x75e: {  	[tilespmem:v2+s2+$0x0] =	vst.idx.add.f32.msk vm5, v23  }
0x75f: {  	[tilespmem:v9+s2+$0x0] =	vst.idx.add.f32.msk vm6, v24  }
0x760: {  	[tilespmem:v11+s2+$0x0] =	vst.idx.add.f32.msk vm7, v25  }
0x761: {  	[tilespmem:v12+s2+$0x0] =	vst.idx.add.f32.msk vm8, v26  }
.Ltmp12:
0x762: {  	[tilespmem:v5+s2+$0x0] =	vst.idx.add.f32.msk vm9, v27;
	(pc) =	sbr.rel @p0 .LBB2_26-.Ltmp12, $4  }
0x763: {  	[tilespmem:v10+s2+$0x0] =	vst.idx.add.f32.msk vm10, v28  }
0x764: {  	[tilespmem:v13+s2+$0x0] =	vst.idx.add.f32.msk vm11, v29  }
0x765: {  	[tilespmem:v14+s2+$0x0] =	vst.idx.add.f32.msk vm12, v30  }
0x766: {  	s11 =	sadd.s32 $0x100, s11;
	[tilespmem:v15+s2+$0x0] =	vst.idx.add.f32.msk vm13, v31  }
0x767: {  	[tilespmem:s3], [sflag:$0x1] =	stream.linear.gather [hbm4b:s17+s2], $0x2000, $0x38;
	[tilespmem:$0x1C000] =	vst v63  }
0x768: {  	_ = 	snop  }
0x769: {  	[tilespmem:s19], [sflag:$0x1] =	stream.linear.gather [hbm4b:s18+s2], $0x2000, $0x38;
	[tilespmem:$0x1C000] =	vst v63  }
0x76a: {  	_ = 	snop  }
0x76b: {  	[tilespmem:s20], [sflag:$0x1] =	stream.linear.gather [hbm4b:s30+s2], $0x2000, $0x38;
	[tilespmem:$0x1C000] =	vst v63  }
0x76c: {  	_ =	swait.ge [sflag:s6], $0x2000  }
0x76d: {  	[sflag:s6] =	ssyncset.done $0x0  }
0x76e: {  	[sflag:s6] =	ssyncadd.s32 $0xFFFFE000  }
0x76f: {  	_ =	swait.ge [sflag:s6], $0x2000  }
0x770: {  	[sflag:s6] =	ssyncset.done $0x0  }
0x771: {  	[sflag:s6] =	ssyncadd.s32 $0xFFFFE000  }
0x772: {  	_ =	swait.ge [sflag:s6], $0x2000  }
0x773: {  	[sflag:s6] =	ssyncset.done $0x0  }
0x774: {  	s10 =	simm.s32 $0x16080;
	[sflag:s6] =	ssyncadd.s32 $0xFFFFE000  }
0x775: {  	v2 =	vld [tilespmem:s10+$0x70]  }
0x776: {  	s8 =	simm.s32 $0x18080;
	v3 =	vld [tilespmem:s10+$0xFFFFFF90]  }
0x777: {  	v4 =	vld [tilespmem:s8+$0x70]  }
0x778: {  	v5 =	vld [tilespmem:s10+$0xFFFFFFA0]  }
0x779: {  	v6 =	vld [tilespmem:s10+$0xFFFFFFB0]  }
0x77a: {  	v7 =	vld [tilespmem:s10+$0xFFFFFFC0]  }
0x77b: {  	s9 =	simm.s32 $0x1A080;
	v8 =	vld [tilespmem:s10+$0xFFFFFFD0]  }
0x77c: {  	v9 =	vld [tilespmem:s9+$0x70]  }
0x77d: {  	v41 =	vld [tilespmem:s10+$0xFFFFFFE0]  }
0x77e: {  	v10 =	vld [tilespmem:s10+$0xFFFFFFF0]  }
0x77f: {  	v11 =	vld [tilespmem:s10+$0x0]  }
0x780: {  	v12 =	vld [tilespmem:s10+$0x10]  }
0x781: {  	v42 =	vld [tilespmem:s10+$0x30]  }
0x782: {  	v13 =	vld [tilespmem:s10+$0x40]  }
0x783: {  	v14 =	vld [tilespmem:s10+$0x50]  }
0x784: {  	v15 =	vld [tilespmem:s10+$0x60]  }
0x785: {  	v16 =	vld [tilespmem:s10+$0xFFFFFF80]  }
0x786: {  	v17 =	vld [tilespmem:s8+$0xFFFFFF80]  }
0x787: {  	v18 =	vld [tilespmem:s8+$0xFFFFFF90]  }
0x788: {  	v19 =	vld [tilespmem:s8+$0xFFFFFFA0]  }
0x789: {  	v20 =	vld [tilespmem:s8+$0xFFFFFFB0]  }
0x78a: {  	v21 =	vld [tilespmem:s8+$0xFFFFFFC0]  }
0x78b: {  	v22 =	vld [tilespmem:s8+$0xFFFFFFD0]  }
0x78c: {  	v23 =	vld [tilespmem:s8+$0xFFFFFFE0]  }
0x78d: {  	v24 =	vld [tilespmem:s8+$0xFFFFFFF0]  }
0x78e: {  	v25 =	vld [tilespmem:s8+$0x0]  }
0x78f: {  	v26 =	vld [tilespmem:s8+$0x10]  }
0x790: {  	v27 =	vld [tilespmem:s8+$0x20]  }
0x791: {  	v28 =	vld [tilespmem:s8+$0x30]  }
0x792: {  	v43 =	vld [tilespmem:s9+$0xFFFFFF80]  }
0x793: {  	v29 =	vld [tilespmem:s8+$0x40]  }
0x794: {  	v30 =	vld [tilespmem:s8+$0x50]  }
0x795: {  	v31 =	vld [tilespmem:s8+$0x60]  }
0x796: {  	v44 =	vld [tilespmem:s9+$0xFFFFFF90]  }
0x797: {  	v45 =	vld [tilespmem:s9+$0xFFFFFFA0]  }
0x798: {  	v46 =	vld [tilespmem:s9+$0xFFFFFFB0]  }
0x799: {  	v47 =	vld [tilespmem:s9+$0xFFFFFFC0]  }
0x79a: {  	v48 =	vld [tilespmem:s9+$0xFFFFFFE0];
	v2 =	vsub.s32 v2, v1;
	v16 =	vsub.s32 v16, v1;
	v3 =	vsub.s32 v3, v1  }
0x79b: {  	v51 =	vld [tilespmem:s9+$0xFFFFFFF0];
	v5 =	vsub.s32 v5, v1;
	v6 =	vsub.s32 v6, v1;
	v7 =	vsub.s32 v7, v1  }
0x79c: {  	v52 =	vld [tilespmem:s9+$0x0];
	v50 =	vsub.s32 v8, v1;
	v10 =	vsub.s32 v10, v1;
	v11 =	vsub.s32 v11, v1  }
0x79d: {  	v53 =	vld [tilespmem:s9+$0x10];
	v12 =	vsub.s32 v12, v1;
	vm0 =	vlt.u32 v2, $0x20;
	v2 =	vshll.u32 v2, $0xB  }
0x79e: {  	v54 =	vld [tilespmem:s9+$0x20];
	v60 =	vsub.s32 v13, v1;
	v61 =	vsub.s32 v14, v1;
	v2 =	vadd.s32 v4, v2  }
0x79f: {  	v55 =	vld [tilespmem:s9+$0x30];
	v63 =	vsub.s32 v15, v1;
	vm1 =	vlt.u32 v3, $0x20;
	v3 =	vshll.u32 v3, $0xB  }
0x7a0: {  	v56 =	vld [tilespmem:s9+$0x40];
	vm13 =	vlt.u32 v16, $0x20;
	v16 =	vshll.u32 v16, $0xB;
	v3 =	vadd.s32 v18, v3  }
0x7a1: {  	v57 =	vld [tilespmem:s9+$0x50];
	vm3 =	vlt.u32 v5, $0x20;
	v5 =	vshll.u32 v5, $0xB;
	vm2 =	vlt.u32 v6, $0x20  }
0x7a2: {  	v58 =	vld [tilespmem:s9+$0x60];
	v6 =	vshll.u32 v6, $0xB;
	vm14 =	vlt.u32 v7, $0x20;
	v5 =	vadd.s32 v19, v5  }
0x7a3: {  	v49 =	vshll.u32 v7, $0xB;
	v16 =	vadd.s32 v17, v16;
	v4 =	vsub.s32 v41, v1;
	[tilespmem:v2+s2+$0x0] =	vst.idx.add.f32.msk vm0, v9  }
0x7a4: {  	v6 =	vadd.s32 v20, v6;
	vm12 =	vlt.u32 v4, $0x20;
	v4 =	vshll.u32 v4, $0xB;
	v2 =	vld [tilespmem:s10+$0x20]  }
0x7a5: {  	vm15 =	vlt.u32 v50, $0x20;
	v7 =	vshll.u32 v50, $0xB;
	v4 =	vadd.s32 v23, v4;
	[tilespmem:v3+s2+$0x0] =	vst.idx.add.f32.msk vm1, v44  }
0x7a6: {  	vm4 =	vlt.u32 v10, $0x20;
	v10 =	vshll.u32 v10, $0xB;
	v7 =	vadd.s32 v22, v7;
	v3 =	vld [tilespmem:s9+$0xFFFFFFD0]  }
0x7a7: {  	vm5 =	vlt.u32 v11, $0x20;
	v11 =	vshll.u32 v11, $0xB;
	[tilespmem:v5+s2+$0x0] =	vst.idx.add.f32.msk vm3, v45;
	v5 =	vadd.s32 v21, v49  }
0x7a8: {  	vm6 =	vlt.u32 v12, $0x20;
	v12 =	vshll.u32 v12, $0xB;
	v10 =	vadd.s32 v24, v10;
	[tilespmem:v16+s2+$0x0] =	vst.idx.add.f32.msk vm13, v43  }
0x7a9: {  	v62 =	vshll.u32 v61, $0xB;
	v11 =	vadd.s32 v25, v11;
	v9 =	vsub.s32 v42, v1;
	[tilespmem:v6+s2+$0x0] =	vst.idx.add.f32.msk vm2, v46  }
0x7aa: {  	v12 =	vadd.s32 v26, v12;
	vm8 =	vlt.u32 v9, $0x20;
	v59 =	vshll.u32 v9, $0xB;
	[tilespmem:v4+s2+$0x0] =	vst.idx.add.f32.msk vm12, v48  }
0x7ab: {  	vm13 =	vlt.u32 v60, $0x20;
	v6 =	vadd.s32 v28, v59;
	[tilespmem:v7+s2+$0x0] =	vst.idx.add.f32.msk vm15, v3;
	v3 =	vshll.u32 v60, $0xB  }
0x7ac: {  	v4 =	vadd.s32 v30, v62;
	[tilespmem:v5+s2+$0x0] =	vst.idx.add.f32.msk vm14, v47;
	vm14 =	vlt.u32 v61, $0x20;
	v3 =	vadd.s32 v29, v3  }
0x7ad: {  	[tilespmem:v10+s2+$0x0] =	vst.idx.add.f32.msk vm4, v51;
	v2 =	vsub.s32 v2, v1;
	vm15 =	vlt.u32 v63, $0x20;
	v5 =	vshll.u32 v63, $0xB  }
0x7ae: {  	[tilespmem:v11+s2+$0x0] =	vst.idx.add.f32.msk vm5, v52;
	vm7 =	vlt.u32 v2, $0x20;
	v2 =	vshll.u32 v2, $0xB;
	v5 =	vadd.s32 v31, v5  }
0x7af: {  	[tilespmem:v12+s2+$0x0] =	vst.idx.add.f32.msk vm6, v53;
	v2 =	vadd.s32 v27, v2  }
0x7b0: {  	[tilespmem:v6+s2+$0x0] =	vst.idx.add.f32.msk vm8, v55  }
0x7b1: {  	[tilespmem:v3+s2+$0x0] =	vst.idx.add.f32.msk vm13, v56  }
0x7b2: {  	[tilespmem:v4+s2+$0x0] =	vst.idx.add.f32.msk vm14, v57  }
0x7b3: {  	[tilespmem:v5+s2+$0x0] =	vst.idx.add.f32.msk vm15, v58  }
0x7b4: {  	s11 =	simm.s32 $0x16180;
	s10 =	simm.s32 $0x0;
	[tilespmem:v2+s2+$0x0] =	vst.idx.add.f32.msk vm7, v54  }
.LBB2_28:
0x7b5: {  	v2 =	vld [tilespmem:s11+$0x70];
	s10 =	sadd.s32 $0x10, s10  }
0x7b6: {  	s8 =	sadd.s32 $0x100, s8;
	v3 =	vld [tilespmem:s11+$0xFFFFFF90];
	p0 =	slt.u32 s10, $0x1F0  }
0x7b7: {  	v4 =	vld [tilespmem:s8+$0x70]  }
0x7b8: {  	v5 =	vld [tilespmem:s11+$0xFFFFFFA0]  }
0x7b9: {  	v6 =	vld [tilespmem:s11+$0xFFFFFFB0]  }
0x7ba: {  	v7 =	vld [tilespmem:s11+$0xFFFFFFC0];
	v2 =	vsub.s32 v2, v1  }
0x7bb: {  	s9 =	sadd.s32 $0x100, s9;
	v3 =	vsub.s32 v3, v1;
	v8 =	vld [tilespmem:s11+$0xFFFFFFD0];
	vm5 =	vlt.u32 v2, $0x20;
	v2 =	vshll.u32 v2, $0xB  }
0x7bc: {  	vm0 =	vlt.u32 v3, $0x20;
	v3 =	vshll.u32 v3, $0xB;
	v9 =	vld [tilespmem:s9+$0x70];
	v2 =	vadd.s32 v4, v2  }
0x7bd: {  	v4 =	vsub.s32 v5, v1;
	v5 =	vld [tilespmem:s11+$0xFFFFFFE0]  }
0x7be: {  	vm1 =	vlt.u32 v4, $0x20;
	v4 =	vshll.u32 v4, $0xB;
	v6 =	vsub.s32 v6, v1;
	v10 =	vld [tilespmem:s11+$0xFFFFFFF0]  }
0x7bf: {  	vm2 =	vlt.u32 v6, $0x20;
	v6 =	vshll.u32 v6, $0xB;
	v7 =	vsub.s32 v7, v1;
	v11 =	vld [tilespmem:s11+$0x0]  }
0x7c0: {  	vm3 =	vlt.u32 v7, $0x20;
	v7 =	vshll.u32 v7, $0xB;
	v8 =	vsub.s32 v8, v1;
	v12 =	vld [tilespmem:s11+$0x10]  }
0x7c1: {  	vm4 =	vlt.u32 v8, $0x20;
	v8 =	vshll.u32 v8, $0xB;
	[tilespmem:v2+s2+$0x0] =	vst.idx.add.f32.msk vm5, v9  }
0x7c2: {  	v2 =	vsub.s32 v5, v1;
	v5 =	vld [tilespmem:s11+$0x20]  }
0x7c3: {  	vm5 =	vlt.u32 v2, $0x20;
	v2 =	vshll.u32 v2, $0xB;
	v9 =	vsub.s32 v10, v1;
	v10 =	vld [tilespmem:s11+$0x30]  }
0x7c4: {  	vm6 =	vlt.u32 v9, $0x20;
	v9 =	vshll.u32 v9, $0xB;
	v11 =	vsub.s32 v11, v1;
	v13 =	vld [tilespmem:s11+$0x40]  }
0x7c5: {  	vm7 =	vlt.u32 v11, $0x20;
	v11 =	vshll.u32 v11, $0xB;
	v12 =	vsub.s32 v12, v1;
	v14 =	vld [tilespmem:s11+$0x50]  }
0x7c6: {  	vm8 =	vlt.u32 v12, $0x20;
	v12 =	vshll.u32 v12, $0xB;
	v15 =	vld [tilespmem:s11+$0x60]  }
0x7c7: {  	v16 =	vld [tilespmem:s11+$0xFFFFFF80];
	v5 =	vsub.s32 v5, v1  }
0x7c8: {  	v17 =	vld [tilespmem:s8+$0xFFFFFF80];
	vm9 =	vlt.u32 v5, $0x20;
	v5 =	vshll.u32 v5, $0xB;
	v10 =	vsub.s32 v10, v1  }
0x7c9: {  	v18 =	vld [tilespmem:s8+$0xFFFFFF90];
	vm10 =	vlt.u32 v10, $0x20;
	v10 =	vshll.u32 v10, $0xB;
	v13 =	vsub.s32 v13, v1  }
0x7ca: {  	v19 =	vld [tilespmem:s8+$0xFFFFFFA0];
	vm11 =	vlt.u32 v13, $0x20;
	v13 =	vshll.u32 v13, $0xB;
	v14 =	vsub.s32 v14, v1  }
0x7cb: {  	v20 =	vld [tilespmem:s8+$0xFFFFFFB0];
	vm12 =	vlt.u32 v14, $0x20;
	v14 =	vshll.u32 v14, $0xB;
	v15 =	vsub.s32 v15, v1  }
0x7cc: {  	v16 =	vsub.s32 v16, v1;
	v21 =	vld [tilespmem:s8+$0xFFFFFFC0];
	vm13 =	vlt.u32 v15, $0x20;
	v15 =	vshll.u32 v15, $0xB  }
0x7cd: {  	vm14 =	vlt.u32 v16, $0x20;
	v16 =	vshll.u32 v16, $0xB;
	v22 =	vld [tilespmem:s8+$0xFFFFFFD0]  }
0x7ce: {  	v16 =	vadd.s32 v17, v16;
	v3 =	vadd.s32 v18, v3;
	v17 =	vld [tilespmem:s8+$0xFFFFFFE0]  }
0x7cf: {  	v4 =	vadd.s32 v19, v4;
	v18 =	vld [tilespmem:s8+$0xFFFFFFF0]  }
0x7d0: {  	v6 =	vadd.s32 v20, v6;
	v19 =	vld [tilespmem:s8+$0x0]  }
0x7d1: {  	v7 =	vadd.s32 v21, v7;
	v20 =	vld [tilespmem:s8+$0x10]  }
0x7d2: {  	v8 =	vadd.s32 v22, v8;
	v21 =	vld [tilespmem:s8+$0x20]  }
0x7d3: {  	v2 =	vadd.s32 v17, v2;
	v17 =	vld [tilespmem:s8+$0x30]  }
0x7d4: {  	v9 =	vadd.s32 v18, v9;
	v18 =	vld [tilespmem:s8+$0x40]  }
0x7d5: {  	v11 =	vadd.s32 v19, v11;
	v19 =	vld [tilespmem:s8+$0x50]  }
0x7d6: {  	v12 =	vadd.s32 v20, v12;
	v20 =	vld [tilespmem:s8+$0x60]  }
0x7d7: {  	v22 =	vld [tilespmem:s9+$0xFFFFFF80];
	v5 =	vadd.s32 v21, v5  }
0x7d8: {  	v21 =	vld [tilespmem:s9+$0xFFFFFF90];
	v10 =	vadd.s32 v17, v10  }
0x7d9: {  	v17 =	vld [tilespmem:s9+$0xFFFFFFA0];
	v13 =	vadd.s32 v18, v13  }
0x7da: {  	v18 =	vld [tilespmem:s9+$0xFFFFFFB0];
	v14 =	vadd.s32 v19, v14  }
0x7db: {  	v19 =	vld [tilespmem:s9+$0xFFFFFFC0];
	v15 =	vadd.s32 v20, v15  }
0x7dc: {  	v20 =	vld [tilespmem:s9+$0xFFFFFFD0]  }
0x7dd: {  	v23 =	vld [tilespmem:s9+$0xFFFFFFE0]  }
0x7de: {  	v24 =	vld [tilespmem:s9+$0xFFFFFFF0]  }
0x7df: {  	v25 =	vld [tilespmem:s9+$0x0]  }
0x7e0: {  	v26 =	vld [tilespmem:s9+$0x10]  }
0x7e1: {  	v27 =	vld [tilespmem:s9+$0x20]  }
0x7e2: {  	v28 =	vld [tilespmem:s9+$0x30]  }
0x7e3: {  	v29 =	vld [tilespmem:s9+$0x40]  }
0x7e4: {  	v30 =	vld [tilespmem:s9+$0x50]  }
0x7e5: {  	v31 =	vld [tilespmem:s9+$0x60]  }
0x7e6: {  	[tilespmem:v16+s2+$0x0] =	vst.idx.add.f32.msk vm14, v22  }
0x7e7: {  	[tilespmem:v3+s2+$0x0] =	vst.idx.add.f32.msk vm0, v21  }
0x7e8: {  	[tilespmem:v4+s2+$0x0] =	vst.idx.add.f32.msk vm1, v17  }
0x7e9: {  	[tilespmem:v6+s2+$0x0] =	vst.idx.add.f32.msk vm2, v18  }
0x7ea: {  	[tilespmem:v7+s2+$0x0] =	vst.idx.add.f32.msk vm3, v19  }
0x7eb: {  	[tilespmem:v8+s2+$0x0] =	vst.idx.add.f32.msk vm4, v20  }
0x7ec: {  	[tilespmem:v2+s2+$0x0] =	vst.idx.add.f32.msk vm5, v23  }
0x7ed: {  	[tilespmem:v9+s2+$0x0] =	vst.idx.add.f32.msk vm6, v24  }
0x7ee: {  	[tilespmem:v11+s2+$0x0] =	vst.idx.add.f32.msk vm7, v25  }
0x7ef: {  	[tilespmem:v12+s2+$0x0] =	vst.idx.add.f32.msk vm8, v26  }
.Ltmp13:
0x7f0: {  	[tilespmem:v5+s2+$0x0] =	vst.idx.add.f32.msk vm9, v27;
	(pc) =	sbr.rel @p0 .LBB2_28-.Ltmp13, $4  }
0x7f1: {  	[tilespmem:v10+s2+$0x0] =	vst.idx.add.f32.msk vm10, v28  }
0x7f2: {  	[tilespmem:v13+s2+$0x0] =	vst.idx.add.f32.msk vm11, v29  }
0x7f3: {  	[tilespmem:v14+s2+$0x0] =	vst.idx.add.f32.msk vm12, v30  }
0x7f4: {  	s11 =	sadd.s32 $0x100, s11;
	[tilespmem:v15+s2+$0x0] =	vst.idx.add.f32.msk vm13, v31  }
0x7f5: {  	[tilespmem:s23], [sflag:$0x2] =	stream.linear.gather [hbm4b:s21+s2], $0x2000, $0x38;
	[tilespmem:$0x1C000] =	vst v63  }
0x7f6: {  	_ = 	snop  }
0x7f7: {  	[tilespmem:s1], [sflag:$0x2] =	stream.linear.gather [hbm4b:s22+s2], $0x2000, $0x38;
	[tilespmem:$0x1C000] =	vst v63  }
0x7f8: {  	_ = 	snop  }
0x7f9: {  	[tilespmem:s4], [sflag:$0x2] =	stream.linear.gather [hbm4b:s31+s2], $0x2000, $0x38;
	[tilespmem:$0x1C000] =	vst v63  }
0x7fa: {  	_ =	swait.ge [sflag:s5], $0x2000  }
0x7fb: {  	[sflag:s5] =	ssyncset.done $0x0  }
0x7fc: {  	[sflag:s5] =	ssyncadd.s32 $0xFFFFE000  }
0x7fd: {  	_ =	swait.ge [sflag:s5], $0x2000  }
0x7fe: {  	[sflag:s5] =	ssyncset.done $0x0  }
0x7ff: {  	[sflag:s5] =	ssyncadd.s32 $0xFFFFE000  }
0x800: {  	_ =	swait.ge [sflag:s5], $0x2000  }
0x801: {  	[sflag:s5] =	ssyncset.done $0x0  }
0x802: {  	s10 =	simm.s32 $0x10080;
	[sflag:s5] =	ssyncadd.s32 $0xFFFFE000  }
0x803: {  	v2 =	vld [tilespmem:s10+$0x70]  }
0x804: {  	s8 =	simm.s32 $0x12080;
	v3 =	vld [tilespmem:s10+$0xFFFFFF90]  }
0x805: {  	v4 =	vld [tilespmem:s8+$0x70]  }
0x806: {  	v5 =	vld [tilespmem:s10+$0xFFFFFFA0]  }
0x807: {  	v6 =	vld [tilespmem:s10+$0xFFFFFFB0]  }
0x808: {  	v7 =	vld [tilespmem:s10+$0xFFFFFFC0]  }
0x809: {  	s9 =	simm.s32 $0x14080;
	v8 =	vld [tilespmem:s10+$0xFFFFFFD0]  }
0x80a: {  	v9 =	vld [tilespmem:s9+$0x70]  }
0x80b: {  	v41 =	vld [tilespmem:s10+$0xFFFFFFE0]  }
0x80c: {  	v10 =	vld [tilespmem:s10+$0xFFFFFFF0]  }
0x80d: {  	v11 =	vld [tilespmem:s10+$0x0]  }
0x80e: {  	v12 =	vld [tilespmem:s10+$0x10]  }
0x80f: {  	v42 =	vld [tilespmem:s10+$0x30]  }
0x810: {  	v13 =	vld [tilespmem:s10+$0x40]  }
0x811: {  	v14 =	vld [tilespmem:s10+$0x50]  }
0x812: {  	v15 =	vld [tilespmem:s10+$0x60]  }
0x813: {  	v16 =	vld [tilespmem:s10+$0xFFFFFF80]  }
0x814: {  	v17 =	vld [tilespmem:s8+$0xFFFFFF80]  }
0x815: {  	v18 =	vld [tilespmem:s8+$0xFFFFFF90]  }
0x816: {  	v19 =	vld [tilespmem:s8+$0xFFFFFFA0]  }
0x817: {  	v20 =	vld [tilespmem:s8+$0xFFFFFFB0]  }
0x818: {  	v21 =	vld [tilespmem:s8+$0xFFFFFFC0]  }
0x819: {  	v22 =	vld [tilespmem:s8+$0xFFFFFFD0]  }
0x81a: {  	v23 =	vld [tilespmem:s8+$0xFFFFFFE0]  }
0x81b: {  	v24 =	vld [tilespmem:s8+$0xFFFFFFF0]  }
0x81c: {  	v25 =	vld [tilespmem:s8+$0x0]  }
0x81d: {  	v26 =	vld [tilespmem:s8+$0x10]  }
0x81e: {  	v27 =	vld [tilespmem:s8+$0x20]  }
0x81f: {  	v28 =	vld [tilespmem:s8+$0x30]  }
0x820: {  	v43 =	vld [tilespmem:s9+$0xFFFFFF80]  }
0x821: {  	v29 =	vld [tilespmem:s8+$0x40]  }
0x822: {  	v30 =	vld [tilespmem:s8+$0x50]  }
0x823: {  	v31 =	vld [tilespmem:s8+$0x60]  }
0x824: {  	v44 =	vld [tilespmem:s9+$0xFFFFFF90]  }
0x825: {  	v45 =	vld [tilespmem:s9+$0xFFFFFFA0]  }
0x826: {  	v46 =	vld [tilespmem:s9+$0xFFFFFFB0]  }
0x827: {  	v47 =	vld [tilespmem:s9+$0xFFFFFFC0]  }
0x828: {  	v48 =	vld [tilespmem:s9+$0xFFFFFFE0];
	v2 =	vsub.s32 v2, v1;
	v16 =	vsub.s32 v16, v1;
	v3 =	vsub.s32 v3, v1  }
0x829: {  	v51 =	vld [tilespmem:s9+$0xFFFFFFF0];
	v5 =	vsub.s32 v5, v1;
	v6 =	vsub.s32 v6, v1;
	v7 =	vsub.s32 v7, v1  }
0x82a: {  	v52 =	vld [tilespmem:s9+$0x0];
	v50 =	vsub.s32 v8, v1;
	v10 =	vsub.s32 v10, v1;
	v11 =	vsub.s32 v11, v1  }
0x82b: {  	v53 =	vld [tilespmem:s9+$0x10];
	v12 =	vsub.s32 v12, v1;
	vm0 =	vlt.u32 v2, $0x20;
	v2 =	vshll.u32 v2, $0xB  }
0x82c: {  	v54 =	vld [tilespmem:s9+$0x20];
	v60 =	vsub.s32 v13, v1;
	v61 =	vsub.s32 v14, v1;
	v2 =	vadd.s32 v4, v2  }
0x82d: {  	v55 =	vld [tilespmem:s9+$0x30];
	v63 =	vsub.s32 v15, v1;
	vm1 =	vlt.u32 v3, $0x20;
	v3 =	vshll.u32 v3, $0xB  }
0x82e: {  	v56 =	vld [tilespmem:s9+$0x40];
	vm13 =	vlt.u32 v16, $0x20;
	v16 =	vshll.u32 v16, $0xB;
	v3 =	vadd.s32 v18, v3  }
0x82f: {  	v57 =	vld [tilespmem:s9+$0x50];
	vm3 =	vlt.u32 v5, $0x20;
	v5 =	vshll.u32 v5, $0xB;
	vm2 =	vlt.u32 v6, $0x20  }
0x830: {  	v58 =	vld [tilespmem:s9+$0x60];
	v6 =	vshll.u32 v6, $0xB;
	vm14 =	vlt.u32 v7, $0x20;
	v5 =	vadd.s32 v19, v5  }
0x831: {  	v49 =	vshll.u32 v7, $0xB;
	v16 =	vadd.s32 v17, v16;
	v4 =	vsub.s32 v41, v1;
	[tilespmem:v2+s2+$0x0] =	vst.idx.add.f32.msk vm0, v9  }
0x832: {  	v6 =	vadd.s32 v20, v6;
	vm12 =	vlt.u32 v4, $0x20;
	v4 =	vshll.u32 v4, $0xB;
	v2 =	vld [tilespmem:s10+$0x20]  }
0x833: {  	vm15 =	vlt.u32 v50, $0x20;
	v7 =	vshll.u32 v50, $0xB;
	v4 =	vadd.s32 v23, v4;
	[tilespmem:v3+s2+$0x0] =	vst.idx.add.f32.msk vm1, v44  }
0x834: {  	vm4 =	vlt.u32 v10, $0x20;
	v10 =	vshll.u32 v10, $0xB;
	v7 =	vadd.s32 v22, v7;
	v3 =	vld [tilespmem:s9+$0xFFFFFFD0]  }
0x835: {  	vm5 =	vlt.u32 v11, $0x20;
	v11 =	vshll.u32 v11, $0xB;
	[tilespmem:v5+s2+$0x0] =	vst.idx.add.f32.msk vm3, v45;
	v5 =	vadd.s32 v21, v49  }
0x836: {  	vm6 =	vlt.u32 v12, $0x20;
	v12 =	vshll.u32 v12, $0xB;
	v10 =	vadd.s32 v24, v10;
	[tilespmem:v16+s2+$0x0] =	vst.idx.add.f32.msk vm13, v43  }
0x837: {  	v62 =	vshll.u32 v61, $0xB;
	v11 =	vadd.s32 v25, v11;
	v9 =	vsub.s32 v42, v1;
	[tilespmem:v6+s2+$0x0] =	vst.idx.add.f32.msk vm2, v46  }
0x838: {  	v12 =	vadd.s32 v26, v12;
	vm8 =	vlt.u32 v9, $0x20;
	v59 =	vshll.u32 v9, $0xB;
	[tilespmem:v4+s2+$0x0] =	vst.idx.add.f32.msk vm12, v48  }
0x839: {  	vm13 =	vlt.u32 v60, $0x20;
	v6 =	vadd.s32 v28, v59;
	[tilespmem:v7+s2+$0x0] =	vst.idx.add.f32.msk vm15, v3;
	v3 =	vshll.u32 v60, $0xB  }
0x83a: {  	v4 =	vadd.s32 v30, v62;
	[tilespmem:v5+s2+$0x0] =	vst.idx.add.f32.msk vm14, v47;
	vm14 =	vlt.u32 v61, $0x20;
	v3 =	vadd.s32 v29, v3  }
0x83b: {  	[tilespmem:v10+s2+$0x0] =	vst.idx.add.f32.msk vm4, v51;
	v2 =	vsub.s32 v2, v1;
	vm15 =	vlt.u32 v63, $0x20;
	v5 =	vshll.u32 v63, $0xB  }
0x83c: {  	[tilespmem:v11+s2+$0x0] =	vst.idx.add.f32.msk vm5, v52;
	vm7 =	vlt.u32 v2, $0x20;
	v2 =	vshll.u32 v2, $0xB;
	v5 =	vadd.s32 v31, v5  }
0x83d: {  	[tilespmem:v12+s2+$0x0] =	vst.idx.add.f32.msk vm6, v53;
	v2 =	vadd.s32 v27, v2  }
0x83e: {  	[tilespmem:v6+s2+$0x0] =	vst.idx.add.f32.msk vm8, v55  }
0x83f: {  	[tilespmem:v3+s2+$0x0] =	vst.idx.add.f32.msk vm13, v56  }
0x840: {  	[tilespmem:v4+s2+$0x0] =	vst.idx.add.f32.msk vm14, v57  }
0x841: {  	[tilespmem:v5+s2+$0x0] =	vst.idx.add.f32.msk vm15, v58  }
0x842: {  	s11 =	simm.s32 $0x10180;
	s10 =	simm.s32 $0x0;
	[tilespmem:v2+s2+$0x0] =	vst.idx.add.f32.msk vm7, v54  }
.LBB2_30:
0x843: {  	v2 =	vld [tilespmem:s11+$0x70];
	s10 =	sadd.s32 $0x10, s10  }
0x844: {  	s8 =	sadd.s32 $0x100, s8;
	v3 =	vld [tilespmem:s11+$0xFFFFFF90];
	p0 =	slt.u32 s10, $0x1F0  }
0x845: {  	v4 =	vld [tilespmem:s8+$0x70]  }
0x846: {  	v5 =	vld [tilespmem:s11+$0xFFFFFFA0]  }
0x847: {  	v6 =	vld [tilespmem:s11+$0xFFFFFFB0]  }
0x848: {  	v7 =	vld [tilespmem:s11+$0xFFFFFFC0];
	v2 =	vsub.s32 v2, v1  }
0x849: {  	s9 =	sadd.s32 $0x100, s9;
	v3 =	vsub.s32 v3, v1;
	v8 =	vld [tilespmem:s11+$0xFFFFFFD0];
	vm5 =	vlt.u32 v2, $0x20;
	v2 =	vshll.u32 v2, $0xB  }
0x84a: {  	vm0 =	vlt.u32 v3, $0x20;
	v3 =	vshll.u32 v3, $0xB;
	v9 =	vld [tilespmem:s9+$0x70];
	v2 =	vadd.s32 v4, v2  }
0x84b: {  	v4 =	vsub.s32 v5, v1;
	v5 =	vld [tilespmem:s11+$0xFFFFFFE0]  }
0x84c: {  	vm1 =	vlt.u32 v4, $0x20;
	v4 =	vshll.u32 v4, $0xB;
	v6 =	vsub.s32 v6, v1;
	v10 =	vld [tilespmem:s11+$0xFFFFFFF0]  }
0x84d: {  	vm2 =	vlt.u32 v6, $0x20;
	v6 =	vshll.u32 v6, $0xB;
	v7 =	vsub.s32 v7, v1;
	v11 =	vld [tilespmem:s11+$0x0]  }
0x84e: {  	vm3 =	vlt.u32 v7, $0x20;
	v7 =	vshll.u32 v7, $0xB;
	v8 =	vsub.s32 v8, v1;
	v12 =	vld [tilespmem:s11+$0x10]  }
0x84f: {  	vm4 =	vlt.u32 v8, $0x20;
	v8 =	vshll.u32 v8, $0xB;
	[tilespmem:v2+s2+$0x0] =	vst.idx.add.f32.msk vm5, v9  }
0x850: {  	v2 =	vsub.s32 v5, v1;
	v5 =	vld [tilespmem:s11+$0x20]  }
0x851: {  	vm5 =	vlt.u32 v2, $0x20;
	v2 =	vshll.u32 v2, $0xB;
	v9 =	vsub.s32 v10, v1;
	v10 =	vld [tilespmem:s11+$0x30]  }
0x852: {  	vm6 =	vlt.u32 v9, $0x20;
	v9 =	vshll.u32 v9, $0xB;
	v11 =	vsub.s32 v11, v1;
	v13 =	vld [tilespmem:s11+$0x40]  }
0x853: {  	vm7 =	vlt.u32 v11, $0x20;
	v11 =	vshll.u32 v11, $0xB;
	v12 =	vsub.s32 v12, v1;
	v14 =	vld [tilespmem:s11+$0x50]  }
0x854: {  	vm8 =	vlt.u32 v12, $0x20;
	v12 =	vshll.u32 v12, $0xB;
	v15 =	vld [tilespmem:s11+$0x60]  }
0x855: {  	v16 =	vld [tilespmem:s11+$0xFFFFFF80];
	v5 =	vsub.s32 v5, v1  }
0x856: {  	v17 =	vld [tilespmem:s8+$0xFFFFFF80];
	vm9 =	vlt.u32 v5, $0x20;
	v5 =	vshll.u32 v5, $0xB;
	v10 =	vsub.s32 v10, v1  }
0x857: {  	v18 =	vld [tilespmem:s8+$0xFFFFFF90];
	vm10 =	vlt.u32 v10, $0x20;
	v10 =	vshll.u32 v10, $0xB;
	v13 =	vsub.s32 v13, v1  }
0x858: {  	v19 =	vld [tilespmem:s8+$0xFFFFFFA0];
	vm11 =	vlt.u32 v13, $0x20;
	v13 =	vshll.u32 v13, $0xB;
	v14 =	vsub.s32 v14, v1  }
0x859: {  	v20 =	vld [tilespmem:s8+$0xFFFFFFB0];
	vm12 =	vlt.u32 v14, $0x20;
	v14 =	vshll.u32 v14, $0xB;
	v15 =	vsub.s32 v15, v1  }
0x85a: {  	v16 =	vsub.s32 v16, v1;
	v21 =	vld [tilespmem:s8+$0xFFFFFFC0];
	vm13 =	vlt.u32 v15, $0x20;
	v15 =	vshll.u32 v15, $0xB  }
0x85b: {  	vm14 =	vlt.u32 v16, $0x20;
	v16 =	vshll.u32 v16, $0xB;
	v22 =	vld [tilespmem:s8+$0xFFFFFFD0]  }
0x85c: {  	v16 =	vadd.s32 v17, v16;
	v3 =	vadd.s32 v18, v3;
	v17 =	vld [tilespmem:s8+$0xFFFFFFE0]  }
0x85d: {  	v4 =	vadd.s32 v19, v4;
	v18 =	vld [tilespmem:s8+$0xFFFFFFF0]  }
0x85e: {  	v6 =	vadd.s32 v20, v6;
	v19 =	vld [tilespmem:s8+$0x0]  }
0x85f: {  	v7 =	vadd.s32 v21, v7;
	v20 =	vld [tilespmem:s8+$0x10]  }
0x860: {  	v8 =	vadd.s32 v22, v8;
	v21 =	vld [tilespmem:s8+$0x20]  }
0x861: {  	v2 =	vadd.s32 v17, v2;
	v17 =	vld [tilespmem:s8+$0x30]  }
0x862: {  	v9 =	vadd.s32 v18, v9;
	v18 =	vld [tilespmem:s8+$0x40]  }
0x863: {  	v11 =	vadd.s32 v19, v11;
	v19 =	vld [tilespmem:s8+$0x50]  }
0x864: {  	v12 =	vadd.s32 v20, v12;
	v20 =	vld [tilespmem:s8+$0x60]  }
0x865: {  	v22 =	vld [tilespmem:s9+$0xFFFFFF80];
	v5 =	vadd.s32 v21, v5  }
0x866: {  	v21 =	vld [tilespmem:s9+$0xFFFFFF90];
	v10 =	vadd.s32 v17, v10  }
0x867: {  	v17 =	vld [tilespmem:s9+$0xFFFFFFA0];
	v13 =	vadd.s32 v18, v13  }
0x868: {  	v18 =	vld [tilespmem:s9+$0xFFFFFFB0];
	v14 =	vadd.s32 v19, v14  }
0x869: {  	v19 =	vld [tilespmem:s9+$0xFFFFFFC0];
	v15 =	vadd.s32 v20, v15  }
0x86a: {  	v20 =	vld [tilespmem:s9+$0xFFFFFFD0]  }
0x86b: {  	v23 =	vld [tilespmem:s9+$0xFFFFFFE0]  }
0x86c: {  	v24 =	vld [tilespmem:s9+$0xFFFFFFF0]  }
0x86d: {  	v25 =	vld [tilespmem:s9+$0x0]  }
0x86e: {  	v26 =	vld [tilespmem:s9+$0x10]  }
0x86f: {  	v27 =	vld [tilespmem:s9+$0x20]  }
0x870: {  	v28 =	vld [tilespmem:s9+$0x30]  }
0x871: {  	v29 =	vld [tilespmem:s9+$0x40]  }
0x872: {  	v30 =	vld [tilespmem:s9+$0x50]  }
0x873: {  	v31 =	vld [tilespmem:s9+$0x60]  }
0x874: {  	[tilespmem:v16+s2+$0x0] =	vst.idx.add.f32.msk vm14, v22  }
0x875: {  	[tilespmem:v3+s2+$0x0] =	vst.idx.add.f32.msk vm0, v21  }
0x876: {  	[tilespmem:v4+s2+$0x0] =	vst.idx.add.f32.msk vm1, v17  }
0x877: {  	[tilespmem:v6+s2+$0x0] =	vst.idx.add.f32.msk vm2, v18  }
0x878: {  	[tilespmem:v7+s2+$0x0] =	vst.idx.add.f32.msk vm3, v19  }
0x879: {  	[tilespmem:v8+s2+$0x0] =	vst.idx.add.f32.msk vm4, v20  }
0x87a: {  	[tilespmem:v2+s2+$0x0] =	vst.idx.add.f32.msk vm5, v23  }
0x87b: {  	[tilespmem:v9+s2+$0x0] =	vst.idx.add.f32.msk vm6, v24  }
0x87c: {  	[tilespmem:v11+s2+$0x0] =	vst.idx.add.f32.msk vm7, v25  }
0x87d: {  	[tilespmem:v12+s2+$0x0] =	vst.idx.add.f32.msk vm8, v26  }
.Ltmp14:
0x87e: {  	[tilespmem:v5+s2+$0x0] =	vst.idx.add.f32.msk vm9, v27;
	(pc) =	sbr.rel @p0 .LBB2_30-.Ltmp14, $4  }
0x87f: {  	[tilespmem:v10+s2+$0x0] =	vst.idx.add.f32.msk vm10, v28  }
0x880: {  	[tilespmem:v13+s2+$0x0] =	vst.idx.add.f32.msk vm11, v29  }
0x881: {  	[tilespmem:v14+s2+$0x0] =	vst.idx.add.f32.msk vm12, v30  }
0x882: {  	s11 =	sadd.s32 $0x100, s11;
	[tilespmem:v15+s2+$0x0] =	vst.idx.add.f32.msk vm13, v31  }
0x883: {  	_ =	swait.ge [sflag:s6], $0x2000  }
0x884: {  	[sflag:s6] =	ssyncset.done $0x0  }
0x885: {  	[sflag:s6] =	ssyncadd.s32 $0xFFFFE000  }
0x886: {  	_ =	swait.ge [sflag:s6], $0x2000  }
0x887: {  	[sflag:s6] =	ssyncset.done $0x0  }
0x888: {  	[sflag:s6] =	ssyncadd.s32 $0xFFFFE000  }
0x889: {  	_ =	swait.ge [sflag:s6], $0x2000  }
0x88a: {  	[sflag:s6] =	ssyncset.done $0x0  }
0x88b: {  	s10 =	simm.s32 $0x16080;
	[sflag:s6] =	ssyncadd.s32 $0xFFFFE000  }
0x88c: {  	v2 =	vld [tilespmem:s10+$0x70]  }
0x88d: {  	s8 =	simm.s32 $0x18080;
	v3 =	vld [tilespmem:s10+$0xFFFFFF90]  }
0x88e: {  	v4 =	vld [tilespmem:s8+$0x70]  }
0x88f: {  	v5 =	vld [tilespmem:s10+$0xFFFFFFA0]  }
0x890: {  	v6 =	vld [tilespmem:s10+$0xFFFFFFB0]  }
0x891: {  	v7 =	vld [tilespmem:s10+$0xFFFFFFC0]  }
0x892: {  	s9 =	simm.s32 $0x1A080;
	v8 =	vld [tilespmem:s10+$0xFFFFFFD0]  }
0x893: {  	v9 =	vld [tilespmem:s9+$0x70]  }
0x894: {  	v41 =	vld [tilespmem:s10+$0xFFFFFFE0]  }
0x895: {  	v10 =	vld [tilespmem:s10+$0xFFFFFFF0]  }
0x896: {  	v11 =	vld [tilespmem:s10+$0x0]  }
0x897: {  	v12 =	vld [tilespmem:s10+$0x10]  }
0x898: {  	v42 =	vld [tilespmem:s10+$0x30]  }
0x899: {  	v13 =	vld [tilespmem:s10+$0x40]  }
0x89a: {  	v14 =	vld [tilespmem:s10+$0x50]  }
0x89b: {  	v15 =	vld [tilespmem:s10+$0x60]  }
0x89c: {  	v16 =	vld [tilespmem:s10+$0xFFFFFF80]  }
0x89d: {  	v17 =	vld [tilespmem:s8+$0xFFFFFF80]  }
0x89e: {  	v18 =	vld [tilespmem:s8+$0xFFFFFF90]  }
0x89f: {  	v19 =	vld [tilespmem:s8+$0xFFFFFFA0]  }
0x8a0: {  	v20 =	vld [tilespmem:s8+$0xFFFFFFB0]  }
0x8a1: {  	v21 =	vld [tilespmem:s8+$0xFFFFFFC0]  }
0x8a2: {  	v22 =	vld [tilespmem:s8+$0xFFFFFFD0]  }
0x8a3: {  	v23 =	vld [tilespmem:s8+$0xFFFFFFE0]  }
0x8a4: {  	v24 =	vld [tilespmem:s8+$0xFFFFFFF0]  }
0x8a5: {  	v25 =	vld [tilespmem:s8+$0x0]  }
0x8a6: {  	v26 =	vld [tilespmem:s8+$0x10]  }
0x8a7: {  	v27 =	vld [tilespmem:s8+$0x20]  }
0x8a8: {  	v28 =	vld [tilespmem:s8+$0x30]  }
0x8a9: {  	v43 =	vld [tilespmem:s9+$0xFFFFFF80]  }
0x8aa: {  	v29 =	vld [tilespmem:s8+$0x40]  }
0x8ab: {  	v30 =	vld [tilespmem:s8+$0x50]  }
0x8ac: {  	v31 =	vld [tilespmem:s8+$0x60]  }
0x8ad: {  	v44 =	vld [tilespmem:s9+$0xFFFFFF90]  }
0x8ae: {  	v45 =	vld [tilespmem:s9+$0xFFFFFFA0]  }
0x8af: {  	v46 =	vld [tilespmem:s9+$0xFFFFFFB0]  }
0x8b0: {  	v47 =	vld [tilespmem:s9+$0xFFFFFFC0]  }
0x8b1: {  	v48 =	vld [tilespmem:s9+$0xFFFFFFE0];
	v2 =	vsub.s32 v2, v1;
	v16 =	vsub.s32 v16, v1;
	v3 =	vsub.s32 v3, v1  }
0x8b2: {  	v51 =	vld [tilespmem:s9+$0xFFFFFFF0];
	v5 =	vsub.s32 v5, v1;
	v6 =	vsub.s32 v6, v1;
	v7 =	vsub.s32 v7, v1  }
0x8b3: {  	v52 =	vld [tilespmem:s9+$0x0];
	v50 =	vsub.s32 v8, v1;
	v10 =	vsub.s32 v10, v1;
	v11 =	vsub.s32 v11, v1  }
0x8b4: {  	v53 =	vld [tilespmem:s9+$0x10];
	v12 =	vsub.s32 v12, v1;
	vm0 =	vlt.u32 v2, $0x20;
	v2 =	vshll.u32 v2, $0xB  }
0x8b5: {  	v54 =	vld [tilespmem:s9+$0x20];
	v60 =	vsub.s32 v13, v1;
	v61 =	vsub.s32 v14, v1;
	v2 =	vadd.s32 v4, v2  }
0x8b6: {  	v55 =	vld [tilespmem:s9+$0x30];
	v63 =	vsub.s32 v15, v1;
	vm1 =	vlt.u32 v3, $0x20;
	v3 =	vshll.u32 v3, $0xB  }
0x8b7: {  	v56 =	vld [tilespmem:s9+$0x40];
	vm13 =	vlt.u32 v16, $0x20;
	v16 =	vshll.u32 v16, $0xB;
	v3 =	vadd.s32 v18, v3  }
0x8b8: {  	v57 =	vld [tilespmem:s9+$0x50];
	vm3 =	vlt.u32 v5, $0x20;
	v5 =	vshll.u32 v5, $0xB;
	vm2 =	vlt.u32 v6, $0x20  }
0x8b9: {  	v58 =	vld [tilespmem:s9+$0x60];
	v6 =	vshll.u32 v6, $0xB;
	vm14 =	vlt.u32 v7, $0x20;
	v5 =	vadd.s32 v19, v5  }
0x8ba: {  	v49 =	vshll.u32 v7, $0xB;
	v16 =	vadd.s32 v17, v16;
	v4 =	vsub.s32 v41, v1;
	[tilespmem:v2+s2+$0x0] =	vst.idx.add.f32.msk vm0, v9  }
0x8bb: {  	v6 =	vadd.s32 v20, v6;
	vm12 =	vlt.u32 v4, $0x20;
	v4 =	vshll.u32 v4, $0xB;
	v2 =	vld [tilespmem:s10+$0x20]  }
0x8bc: {  	vm15 =	vlt.u32 v50, $0x20;
	v7 =	vshll.u32 v50, $0xB;
	v4 =	vadd.s32 v23, v4;
	[tilespmem:v3+s2+$0x0] =	vst.idx.add.f32.msk vm1, v44  }
0x8bd: {  	vm4 =	vlt.u32 v10, $0x20;
	v10 =	vshll.u32 v10, $0xB;
	v7 =	vadd.s32 v22, v7;
	v3 =	vld [tilespmem:s9+$0xFFFFFFD0]  }
0x8be: {  	vm5 =	vlt.u32 v11, $0x20;
	v11 =	vshll.u32 v11, $0xB;
	[tilespmem:v5+s2+$0x0] =	vst.idx.add.f32.msk vm3, v45;
	v5 =	vadd.s32 v21, v49  }
0x8bf: {  	vm6 =	vlt.u32 v12, $0x20;
	v12 =	vshll.u32 v12, $0xB;
	v10 =	vadd.s32 v24, v10;
	[tilespmem:v16+s2+$0x0] =	vst.idx.add.f32.msk vm13, v43  }
0x8c0: {  	v62 =	vshll.u32 v61, $0xB;
	v11 =	vadd.s32 v25, v11;
	v9 =	vsub.s32 v42, v1;
	[tilespmem:v6+s2+$0x0] =	vst.idx.add.f32.msk vm2, v46  }
0x8c1: {  	v12 =	vadd.s32 v26, v12;
	vm8 =	vlt.u32 v9, $0x20;
	v59 =	vshll.u32 v9, $0xB;
	[tilespmem:v4+s2+$0x0] =	vst.idx.add.f32.msk vm12, v48  }
0x8c2: {  	vm13 =	vlt.u32 v60, $0x20;
	v6 =	vadd.s32 v28, v59;
	[tilespmem:v7+s2+$0x0] =	vst.idx.add.f32.msk vm15, v3;
	v3 =	vshll.u32 v60, $0xB  }
0x8c3: {  	v4 =	vadd.s32 v30, v62;
	[tilespmem:v5+s2+$0x0] =	vst.idx.add.f32.msk vm14, v47;
	vm14 =	vlt.u32 v61, $0x20;
	v3 =	vadd.s32 v29, v3  }
0x8c4: {  	[tilespmem:v10+s2+$0x0] =	vst.idx.add.f32.msk vm4, v51;
	v2 =	vsub.s32 v2, v1;
	vm15 =	vlt.u32 v63, $0x20;
	v5 =	vshll.u32 v63, $0xB  }
0x8c5: {  	[tilespmem:v11+s2+$0x0] =	vst.idx.add.f32.msk vm5, v52;
	vm7 =	vlt.u32 v2, $0x20;
	v2 =	vshll.u32 v2, $0xB;
	v5 =	vadd.s32 v31, v5  }
0x8c6: {  	[tilespmem:v12+s2+$0x0] =	vst.idx.add.f32.msk vm6, v53;
	v2 =	vadd.s32 v27, v2  }
0x8c7: {  	[tilespmem:v6+s2+$0x0] =	vst.idx.add.f32.msk vm8, v55  }
0x8c8: {  	[tilespmem:v3+s2+$0x0] =	vst.idx.add.f32.msk vm13, v56  }
0x8c9: {  	[tilespmem:v4+s2+$0x0] =	vst.idx.add.f32.msk vm14, v57  }
0x8ca: {  	[tilespmem:v5+s2+$0x0] =	vst.idx.add.f32.msk vm15, v58  }
0x8cb: {  	s11 =	simm.s32 $0x16180;
	s10 =	simm.s32 $0x0;
	[tilespmem:v2+s2+$0x0] =	vst.idx.add.f32.msk vm7, v54  }
.LBB2_32:
0x8cc: {  	v2 =	vld [tilespmem:s11+$0x70];
	s10 =	sadd.s32 $0x10, s10  }
0x8cd: {  	s8 =	sadd.s32 $0x100, s8;
	v3 =	vld [tilespmem:s11+$0xFFFFFF90];
	p0 =	slt.u32 s10, $0x1F0  }
0x8ce: {  	v4 =	vld [tilespmem:s8+$0x70]  }
0x8cf: {  	v5 =	vld [tilespmem:s11+$0xFFFFFFA0]  }
0x8d0: {  	v6 =	vld [tilespmem:s11+$0xFFFFFFB0]  }
0x8d1: {  	v7 =	vld [tilespmem:s11+$0xFFFFFFC0];
	v2 =	vsub.s32 v2, v1  }
0x8d2: {  	s9 =	sadd.s32 $0x100, s9;
	v3 =	vsub.s32 v3, v1;
	v8 =	vld [tilespmem:s11+$0xFFFFFFD0];
	vm5 =	vlt.u32 v2, $0x20;
	v2 =	vshll.u32 v2, $0xB  }
0x8d3: {  	vm0 =	vlt.u32 v3, $0x20;
	v3 =	vshll.u32 v3, $0xB;
	v9 =	vld [tilespmem:s9+$0x70];
	v2 =	vadd.s32 v4, v2  }
0x8d4: {  	v4 =	vsub.s32 v5, v1;
	v5 =	vld [tilespmem:s11+$0xFFFFFFE0]  }
0x8d5: {  	vm1 =	vlt.u32 v4, $0x20;
	v4 =	vshll.u32 v4, $0xB;
	v6 =	vsub.s32 v6, v1;
	v10 =	vld [tilespmem:s11+$0xFFFFFFF0]  }
0x8d6: {  	vm2 =	vlt.u32 v6, $0x20;
	v6 =	vshll.u32 v6, $0xB;
	v7 =	vsub.s32 v7, v1;
	v11 =	vld [tilespmem:s11+$0x0]  }
0x8d7: {  	vm3 =	vlt.u32 v7, $0x20;
	v7 =	vshll.u32 v7, $0xB;
	v8 =	vsub.s32 v8, v1;
	v12 =	vld [tilespmem:s11+$0x10]  }
0x8d8: {  	vm4 =	vlt.u32 v8, $0x20;
	v8 =	vshll.u32 v8, $0xB;
	[tilespmem:v2+s2+$0x0] =	vst.idx.add.f32.msk vm5, v9  }
0x8d9: {  	v2 =	vsub.s32 v5, v1;
	v5 =	vld [tilespmem:s11+$0x20]  }
0x8da: {  	vm5 =	vlt.u32 v2, $0x20;
	v2 =	vshll.u32 v2, $0xB;
	v9 =	vsub.s32 v10, v1;
	v10 =	vld [tilespmem:s11+$0x30]  }
0x8db: {  	vm6 =	vlt.u32 v9, $0x20;
	v9 =	vshll.u32 v9, $0xB;
	v11 =	vsub.s32 v11, v1;
	v13 =	vld [tilespmem:s11+$0x40]  }
0x8dc: {  	vm7 =	vlt.u32 v11, $0x20;
	v11 =	vshll.u32 v11, $0xB;
	v12 =	vsub.s32 v12, v1;
	v14 =	vld [tilespmem:s11+$0x50]  }
0x8dd: {  	vm8 =	vlt.u32 v12, $0x20;
	v12 =	vshll.u32 v12, $0xB;
	v15 =	vld [tilespmem:s11+$0x60]  }
0x8de: {  	v16 =	vld [tilespmem:s11+$0xFFFFFF80];
	v5 =	vsub.s32 v5, v1  }
0x8df: {  	v17 =	vld [tilespmem:s8+$0xFFFFFF80];
	vm9 =	vlt.u32 v5, $0x20;
	v5 =	vshll.u32 v5, $0xB;
	v10 =	vsub.s32 v10, v1  }
0x8e0: {  	v18 =	vld [tilespmem:s8+$0xFFFFFF90];
	vm10 =	vlt.u32 v10, $0x20;
	v10 =	vshll.u32 v10, $0xB;
	v13 =	vsub.s32 v13, v1  }
0x8e1: {  	v19 =	vld [tilespmem:s8+$0xFFFFFFA0];
	vm11 =	vlt.u32 v13, $0x20;
	v13 =	vshll.u32 v13, $0xB;
	v14 =	vsub.s32 v14, v1  }
0x8e2: {  	v20 =	vld [tilespmem:s8+$0xFFFFFFB0];
	vm12 =	vlt.u32 v14, $0x20;
	v14 =	vshll.u32 v14, $0xB;
	v15 =	vsub.s32 v15, v1  }
0x8e3: {  	v16 =	vsub.s32 v16, v1;
	v21 =	vld [tilespmem:s8+$0xFFFFFFC0];
	vm13 =	vlt.u32 v15, $0x20;
	v15 =	vshll.u32 v15, $0xB  }
0x8e4: {  	vm14 =	vlt.u32 v16, $0x20;
	v16 =	vshll.u32 v16, $0xB;
	v22 =	vld [tilespmem:s8+$0xFFFFFFD0]  }
0x8e5: {  	v16 =	vadd.s32 v17, v16;
	v3 =	vadd.s32 v18, v3;
	v17 =	vld [tilespmem:s8+$0xFFFFFFE0]  }
0x8e6: {  	v4 =	vadd.s32 v19, v4;
	v18 =	vld [tilespmem:s8+$0xFFFFFFF0]  }
0x8e7: {  	v6 =	vadd.s32 v20, v6;
	v19 =	vld [tilespmem:s8+$0x0]  }
0x8e8: {  	v7 =	vadd.s32 v21, v7;
	v20 =	vld [tilespmem:s8+$0x10]  }
0x8e9: {  	v8 =	vadd.s32 v22, v8;
	v21 =	vld [tilespmem:s8+$0x20]  }
0x8ea: {  	v2 =	vadd.s32 v17, v2;
	v17 =	vld [tilespmem:s8+$0x30]  }
0x8eb: {  	v9 =	vadd.s32 v18, v9;
	v18 =	vld [tilespmem:s8+$0x40]  }
0x8ec: {  	v11 =	vadd.s32 v19, v11;
	v19 =	vld [tilespmem:s8+$0x50]  }
0x8ed: {  	v12 =	vadd.s32 v20, v12;
	v20 =	vld [tilespmem:s8+$0x60]  }
0x8ee: {  	v22 =	vld [tilespmem:s9+$0xFFFFFF80];
	v5 =	vadd.s32 v21, v5  }
0x8ef: {  	v21 =	vld [tilespmem:s9+$0xFFFFFF90];
	v10 =	vadd.s32 v17, v10  }
0x8f0: {  	v17 =	vld [tilespmem:s9+$0xFFFFFFA0];
	v13 =	vadd.s32 v18, v13  }
0x8f1: {  	v18 =	vld [tilespmem:s9+$0xFFFFFFB0];
	v14 =	vadd.s32 v19, v14  }
0x8f2: {  	v19 =	vld [tilespmem:s9+$0xFFFFFFC0];
	v15 =	vadd.s32 v20, v15  }
0x8f3: {  	v20 =	vld [tilespmem:s9+$0xFFFFFFD0]  }
0x8f4: {  	v23 =	vld [tilespmem:s9+$0xFFFFFFE0]  }
0x8f5: {  	v24 =	vld [tilespmem:s9+$0xFFFFFFF0]  }
0x8f6: {  	v25 =	vld [tilespmem:s9+$0x0]  }
0x8f7: {  	v26 =	vld [tilespmem:s9+$0x10]  }
0x8f8: {  	v27 =	vld [tilespmem:s9+$0x20]  }
0x8f9: {  	v28 =	vld [tilespmem:s9+$0x30]  }
0x8fa: {  	v29 =	vld [tilespmem:s9+$0x40]  }
0x8fb: {  	v30 =	vld [tilespmem:s9+$0x50]  }
0x8fc: {  	v31 =	vld [tilespmem:s9+$0x60]  }
0x8fd: {  	[tilespmem:v16+s2+$0x0] =	vst.idx.add.f32.msk vm14, v22  }
0x8fe: {  	[tilespmem:v3+s2+$0x0] =	vst.idx.add.f32.msk vm0, v21  }
0x8ff: {  	[tilespmem:v4+s2+$0x0] =	vst.idx.add.f32.msk vm1, v17  }
0x900: {  	[tilespmem:v6+s2+$0x0] =	vst.idx.add.f32.msk vm2, v18  }
0x901: {  	[tilespmem:v7+s2+$0x0] =	vst.idx.add.f32.msk vm3, v19  }
0x902: {  	[tilespmem:v8+s2+$0x0] =	vst.idx.add.f32.msk vm4, v20  }
0x903: {  	[tilespmem:v2+s2+$0x0] =	vst.idx.add.f32.msk vm5, v23  }
0x904: {  	[tilespmem:v9+s2+$0x0] =	vst.idx.add.f32.msk vm6, v24  }
0x905: {  	[tilespmem:v11+s2+$0x0] =	vst.idx.add.f32.msk vm7, v25  }
0x906: {  	[tilespmem:v12+s2+$0x0] =	vst.idx.add.f32.msk vm8, v26  }
.Ltmp15:
0x907: {  	[tilespmem:v5+s2+$0x0] =	vst.idx.add.f32.msk vm9, v27;
	(pc) =	sbr.rel @p0 .LBB2_32-.Ltmp15, $4  }
0x908: {  	[tilespmem:v10+s2+$0x0] =	vst.idx.add.f32.msk vm10, v28  }
0x909: {  	[tilespmem:v13+s2+$0x0] =	vst.idx.add.f32.msk vm11, v29  }
0x90a: {  	[tilespmem:v14+s2+$0x0] =	vst.idx.add.f32.msk vm12, v30  }
0x90b: {  	s11 =	sadd.s32 $0x100, s11;
	[tilespmem:v15+s2+$0x0] =	vst.idx.add.f32.msk vm13, v31  }
0x90c: {  	s8 =	rddreg [dreg:$0xc]  }
0x90d: {  	[hbm4b:s8+s2] =	stream.linear.scatter [tilespmem:s2], [sflag:$0x3], $0x10000, $0x38;
	[tilespmem:$0x1C000] =	vst v63  }
0x90e: {  	_ =	swait.ge [sflag:s0], $0x10000  }
0x90f: {  	s7 =	sadd.s32 $0x1, s7;
	s11 =	rddreg [dreg:$0xd]  }
0x910: {  	p0 =	sne.s32 s7, s11  }
.Ltmp16:
0x911: {  	_ = 	snop;
	(pc) =	sbr.rel @p0 .LBB2_1-.Ltmp16, $3  }
0x912: {  	_ =	sdelay $0x1  }
0x913: {  	[sflag:s0] =	ssyncset.done $0x0  }
0x914: {  	[sflag:s0] =	ssyncadd.s32 $0xFFFF0000  }
0x915: {  	_ =	sfence.sel $0x180000  }
0x916: {  	[bflag:$0x0] =	sbarrier.arrive $0xFFFF  }
0x917: {  	_ =	strace $0x90000047  }
0x918: {  	s0 =	stileid.u32;
	[bflag:$0x2] =	sbarrier.arrive $0xFFFF  }
0x919: {  	p0 =	sne.s32 s0, $0x0;
	s0 =	rddreg [dreg:$0x2]  }
0x91a: {  	s0 =	sadd.s32 @!p0 $0x100000, s0  }
0x91b: {  	[sflag:s0] =	ssyncadd.tile.s32 @!p0 $0x1;
	_ =	shalt  }
.Lfunc_end2:
_tile_overlayer_lowered:
.L_overlay_start_2:
0x91c: {  	(tag) =	ssettag $0x2  }
0x91d: {  	s0 =	rddreg [dreg:$0x0];
	s2 =	stileid.u32  }
0x91e: {  	s1 =	rddreg [dreg:$0x1];
	p0 =	sne.s32 s2, $0x0  }
0x91f: {  	s3 =	rddreg [dreg:$0x2];
	[bflag:$0x3] =	sbarrier.arrive $0xFFFF;
	s2 =	simm.s32 @!p0 $0x1C03  }
0x920: {  	[timem:s3], [sflag:s2] =	dma.local @!p0 [hbm:s0], s1  }
0x921: {  	s0 =	simm.s32 @!p0 $0x3  }
0x922: {  	_ =	swait.ge @!p0 [sflag:s0], s1  }
0x923: {  	s1 =	ssub.s32 @!p0 $0x0, s1;
	[sflag:s0] =	ssyncset.done @!p0 $0x0  }
0x924: {  	[sflag:s0] =	ssyncadd.s32 @!p0 s1  }
0x925: {  	[bflag:$0x3] =	sbarrier.arrive $0xFFFF  }
0x926: {  	_ =	shalt  }

</sc_bundles>
